<compile_context>
chip_gen: v7x
topology: tpu7x:2x2x1
jax: 0.10.2.dev20260603
libtpu: 0.0.44.dev20260713+nightly
codegen_flags: <defaults>
</compile_context>

<pallas_src>
import jax
import jax.numpy as jnp
from jax import lax
from jax.experimental import pallas as pl
from jax.experimental.pallas import tpu as pltpu
from jax.experimental.pallas import tpu_sc as plsc

_NC, _NS = 2, 16
_NW = _NC * _NS
_B, _K, _N = 2, 256, 17
_BN = _B * _N
_H = 64
_ROW = 128
_CH = _H * _ROW
_CPC = 32
_BIG = 1e30


def _all_nonzero(vec):
    bits = [vec[j] != 0.0 for j in range(16)]
    while len(bits) > 1:
        bits = [jnp.logical_and(bits[i], bits[i + 1]) for i in range(0, len(bits), 2)]
    return bits[0]


def _round_clamp(v, lo, hi):
    t = jnp.minimum(jnp.maximum(v, lo), hi)
    return (t + 0.5).astype(jnp.int32).astype(jnp.float32)


def _do_channel(ch, hm_v, kp_v, res_v, out_hbm):
    b = ch // _N
    kbase = b * (2 * _K)

    def load_kp(kc):
        ky = kp_v[pl.ds(kbase + kc * 16, 16)]
        kx = kp_v[pl.ds(kbase + _K + kc * 16, 16)]
        return ky, kx

    def dens(i, m):
        for j in range(16):
            off = (i * 4 + j // 4) * _ROW + (j % 4) * 16
            m = jnp.minimum(m, jnp.abs(hm_v[pl.ds(off, 16)]))
        return m

    mabs = lax.fori_loop(0, 16, dens, jnp.full((16,), _BIG, jnp.float32))
    dense_all = _all_nonzero(mabs)

    @pl.when(dense_all)
    def _():
        for kc in range(_K // 16):
            ky, kx = load_kp(kc)
            dy = ky - _round_clamp(ky, 0.0, 63.0)
            dx = kx - _round_clamp(kx, 0.0, 63.0)
            res_v[pl.ds(kc * 16, 16)] = dy * dy + dx * dx

    @pl.when(jnp.logical_not(dense_all))
    def _():
        for kc in range(_K // 16):
            res_v[pl.ds(kc * 16, 16)] = jnp.full((16,), _BIG, jnp.float32)

        def chunk_body(c, carry):
            base = c * (2 * _ROW)
            y0f = (2 * c).astype(jnp.float32)
            cabs = jnp.abs(hm_v[pl.ds(base, 16)])
            for j in range(1, 8):
                off = base + (j // 4) * _ROW + (j % 4) * 16
                cabs = jnp.minimum(cabs, jnp.abs(hm_v[pl.ds(off, 16)]))
            dense_c = _all_nonzero(cabs)

            @pl.when(dense_c)
            def _():
                def fast_kc(kc, cc):
                    ky, kx = load_kp(kc)
                    ty = jnp.minimum(jnp.maximum(ky, y0f), y0f + 1.0)
                    ys = jnp.where(ty >= y0f + 0.5, y0f + 1.0, y0f)
                    dy = ky - ys
                    dx = kx - _round_clamp(kx, 0.0, 63.0)
                    d2 = dy * dy + dx * dx
                    res_v[pl.ds(kc * 16, 16)] = jnp.minimum(
                        res_v[pl.ds(kc * 16, 16)], d2)
                    return cc

                lax.fori_loop(0, _K // 16, fast_kc, 0)

            @pl.when(jnp.logical_not(dense_c))
            def _():
                def slow_kc(kc, cc):
                    ky, kx = load_kp(kc)

                    def grp(gi, acc):
                        off = base + (gi // 4) * _ROW + (gi % 4) * 16
                        hv = hm_v[pl.ds(off, 16)]
                        pen_v = jnp.where(hv != 0.0, 0.0, _BIG)
                        ypg = y0f + (gi // 4).astype(jnp.float32)
                        xpg = ((gi % 4) * 16).astype(jnp.float32)
                        for lane in range(16):
                            dy = ky - ypg
                            dx = kx - (xpg + float(lane))
                            acc = jnp.minimum(acc, dy * dy + dx * dx + pen_v[lane])
                        return acc

                    acc = lax.fori_loop(0, 8, grp, jnp.full((16,), _BIG, jnp.float32))
                    res_v[pl.ds(kc * 16, 16)] = jnp.minimum(
                        res_v[pl.ds(kc * 16, 16)], acc)
                    return cc

                lax.fori_loop(0, _K // 16, slow_kc, 0)

            return carry

        lax.fori_loop(0, _CPC, chunk_body, 0)

    pltpu.sync_copy(res_v, out_hbm.at[ch])


def _sc_body(hm_hbm, kp_hbm, out_hbm, hm_v, hm_v2, kp_v, res_v, sem_kp, sem1, sem2):
    wid = lax.axis_index("s") * _NC + lax.axis_index("c")
    second = wid < _BN - _NW
    h_kp = pltpu.async_copy(kp_hbm, kp_v, sem_kp)
    h1 = pltpu.async_copy(hm_hbm.at[pl.ds(wid * _CH, _CH)], hm_v, sem1)

    @pl.when(second)
    def _():
        pltpu.async_copy(hm_hbm.at[pl.ds((_NW + wid) * _CH, _CH)], hm_v2, sem2)

    h_kp.wait()
    h1.wait()
    _do_channel(wid, hm_v, kp_v, res_v, out_hbm)

    @pl.when(second)
    def _():
        pltpu.make_async_copy(
            hm_hbm.at[pl.ds((_NW + wid) * _CH, _CH)], hm_v2, sem2).wait()
        _do_channel(_NW + wid, hm_v2, kp_v, res_v, out_hbm)


def _loss_body(d2_ref, scores_ref, out_ref):
    d = jnp.sqrt(d2_ref[...])
    s = scores_ref[...]
    pos = d < 1.0
    safe_d = jnp.where(pos, d, 0.0)
    safe_s = jnp.where(pos, s, 1.0)
    pos_loss = jnp.sum(
        jnp.where(pos, 10000.0 / (1.0 + jnp.exp(safe_d)) * jnp.log(safe_s), 0.0))
    safe_ns = jnp.where(pos, 0.5, 1.0 - s)
    neg_loss = jnp.sum(jnp.where(pos, 0.0, jnp.log(safe_ns)))
    neg_count = jnp.sum(jnp.logical_not(pos).astype(jnp.float32))
    loss = -pos_loss
    loss = jnp.where(neg_count > 0, loss - 10000.0 / neg_count * neg_loss, loss)
    out_ref[0, 0] = loss


def kernel(all_scores, gt_heatmap, keypoints_list):
    hm_pad = jnp.pad(gt_heatmap, ((0, 0), (0, 0), (0, 0), (0, _ROW - _H)))
    hm_flat = hm_pad.reshape(_BN * _CH)
    kp_flat = keypoints_list.transpose(0, 2, 1).reshape(_B * 2 * _K)
    scores_t = all_scores.transpose(0, 2, 1).reshape(_BN, _K)
    mesh = plsc.VectorSubcoreMesh(
        core_axis_name="c", subcore_axis_name="s", num_cores=_NC, num_subcores=_NS)
    d2 = pl.kernel(
        _sc_body,
        out_type=jax.ShapeDtypeStruct((_BN, _K), jnp.float32),
        mesh=mesh,
        scratch_types=[
            pltpu.VMEM((_CH,), jnp.float32),
            pltpu.VMEM((_CH,), jnp.float32),
            pltpu.VMEM((_B * 2 * _K,), jnp.float32),
            pltpu.VMEM((_K,), jnp.float32),
            pltpu.SemaphoreType.DMA,
            pltpu.SemaphoreType.DMA,
            pltpu.SemaphoreType.DMA,
        ],
    )(hm_flat, kp_flat)
    out = pl.pallas_call(
        _loss_body,
        out_shape=jax.ShapeDtypeStruct((1, 1), jnp.float32),
        in_specs=[
            pl.BlockSpec(memory_space=pltpu.VMEM),
            pl.BlockSpec(memory_space=pltpu.VMEM),
        ],
        out_specs=pl.BlockSpec(memory_space=pltpu.SMEM),
    )(d2, scores_t)
    return out[0, 0]

# --- scband reference (transcript-rebuilt; emitter-appended) ---
"""Pipeline reference for scband-keypoint-loss-64879775973882 (READ-ONLY COPY).

The authoritative reference and input builder live on the scoring server;
editing this copy changes nothing except your own understanding.
"""

import jax, jax.numpy as jnp
import numpy as np


def setup_inputs(seed: int = 0) -> dict:
    key = jax.random.key(seed)
    k1, k2, k3 = jax.random.split(key, 3)
    all_scores = jax.random.uniform(k1, (2, 256, 17), dtype=jnp.float32)
    gt_heatmap = jax.random.uniform(k2, (2, 17, 64, 64), dtype=jnp.float32)
    keypoints_list = jax.random.normal(k3, (2, 256, 2), dtype=jnp.float32)
    return {"all_scores": all_scores, "gt_heatmap": gt_heatmap, "keypoints_list": keypoints_list}


def _forward(all_scores, gt_heatmap, keypoints_list):
    B, K, N = all_scores.shape
    H, W = gt_heatmap.shape[2], gt_heatmap.shape[3]
    # pixel coordinate grid, matching torch nonzero() output order (row, col)
    ys, xs = jnp.meshgrid(jnp.arange(H, dtype=jnp.float32), jnp.arange(W, dtype=jnp.float32), indexing='ij')
    coords = jnp.stack([ys.reshape(-1), xs.reshape(-1)], axis=-1)  # [HW, 2]
    # distances from every candidate keypoint to every pixel: [B, K, HW]
    diff = keypoints_list[:, :, None, :] - coords[None, None, :, :]
    dist = jnp.sqrt(jnp.sum(diff * diff, axis=-1))
    # ground-truth pixels per (b, n): nonzero entries of the heatmap
    mask = (gt_heatmap != 0).reshape(B, N, H * W)  # [B, N, HW]
    # min distance from keypoint k to the gt pixel set of channel n: [B, K, N]
    masked = jnp.where(mask[:, None, :, :], dist[:, :, None, :], jnp.inf)
    d = jnp.min(masked, axis=-1)
    pos_cond = d < 1.0  # [B, K, N], aligned with all_scores[b, k, n]
    safe_d = jnp.where(pos_cond, d, 0.0)
    safe_s = jnp.where(pos_cond, all_scores, 1.0)
    pos_loss = jnp.sum(jnp.where(pos_cond, 10000.0 / (1.0 + jnp.exp(safe_d)) * jnp.log(safe_s), 0.0))
    safe_ns = jnp.where(pos_cond, 0.5, 1.0 - all_scores)
    neg_loss = jnp.sum(jnp.where(pos_cond, 0.0, jnp.log(safe_ns)))
    neg_count = jnp.sum(jnp.logical_not(pos_cond))
    loss = -pos_loss
    loss = jnp.where(neg_count > 0, loss - 10000.0 / neg_count.astype(jnp.float32) * neg_loss, loss)
    return loss


def reference(all_scores, gt_heatmap, keypoints_list):
    return _forward(all_scores, gt_heatmap, keypoints_list)

if __name__ == "__main__":
    import jax
    _d = setup_inputs()
    print(jax.jit(kernel)(*tuple(_d.values())))

</pallas_src>

<mosaic_0001>
#map = affine_map<(d0, d1) -> (0)>
#map1 = affine_map<(d0, d1) -> (0, 0)>
module attributes {stable_mosaic.version = 14 : i64} {
  func.func @_sc_body(%arg0: i32, %arg1: i32, %arg2: memref<278528xf32, #tpu.memory_space<hbm>>, %arg3: memref<1024xf32, #tpu.memory_space<hbm>>, %arg4: memref<34x256xf32, #tpu.memory_space<hbm>>, %arg5: memref<8192xf32, #tpu.memory_space<vmem>>, %arg6: memref<8192xf32, #tpu.memory_space<vmem>>, %arg7: memref<1024xf32, #tpu.memory_space<vmem>>, %arg8: memref<256xf32, #tpu.memory_space<vmem>>, %arg9: memref<!tpu.dma_semaphore, #tpu.memory_space<semaphore_mem>>, %arg10: memref<!tpu.dma_semaphore, #tpu.memory_space<semaphore_mem>>, %arg11: memref<!tpu.dma_semaphore, #tpu.memory_space<semaphore_mem>>) attributes {dimension_semantics = [#tpu.dimension_semantics<core_parallel>, #tpu.dimension_semantics<subcore_parallel>], iteration_bounds = array<i64: 2, 16>, scalar_prefetch = 0 : i64, scratch_operands = 7 : i64, tpu.core_type = #tpu.core_type<sc_vector_subcore>, window_params = [{transform_indices = #map}, {transform_indices = #map}, {transform_indices = #map1}]} {
    %mul3A = arith.constant 2 : i32
    %mul3A_0 = arith.muli %arg1, %mul3A : i32
    %add3A = arith.addi %mul3A_0, %arg0 : i32
    %lt3A = arith.constant 2 : i32
    %lt3A_1 = arith.cmpi slt, %add3A, %lt3A : i32
    tpu.enqueue_dma source(%arg3 : memref<1024xf32, #tpu.memory_space<hbm>>) target(%arg7 : memref<1024xf32, #tpu.memory_space<vmem>>) target_semaphore(%arg9 : memref<!tpu.dma_semaphore, #tpu.memory_space<semaphore_mem>>)
    %mul3A_2 = arith.constant 8192 : i32
    %mul3A_3 = arith.muli %add3A, %mul3A_2 : i32
    %dma_start3A = tpu.memref_slice %arg2[%mul3A_3] : memref<278528xf32, #tpu.memory_space<hbm>> -> memref<8192xf32, #tpu.memory_space<hbm>>
    %dma_start3A_4 = tpu.memref_slice %arg2[%mul3A_3] : memref<278528xf32, #tpu.memory_space<hbm>> -> memref<8192xf32, #tpu.memory_space<hbm>>
    tpu.enqueue_dma source(%dma_start3A_4 : memref<8192xf32, #tpu.memory_space<hbm>>) target(%arg5 : memref<8192xf32, #tpu.memory_space<vmem>>) target_semaphore(%arg10 : memref<!tpu.dma_semaphore, #tpu.memory_space<semaphore_mem>>)
    %convert_element_type3A = arith.extui %lt3A_1 : i1 to i32
    %cond3A = arith.constant 0 : i32
    %cond3A_5 = arith.cmpi ne, %convert_element_type3A, %cond3A : i32
    scf.if %cond3A_5 {
      %add3A_118 = arith.constant 32 : i32
      %add3A_119 = arith.addi %add3A_118, %add3A : i32
      %mul3A_120 = arith.constant 8192 : i32
      %mul3A_121 = arith.muli %add3A_119, %mul3A_120 : i32
      %dma_start3A_122 = tpu.memref_slice %arg2[%mul3A_121] : memref<278528xf32, #tpu.memory_space<hbm>> -> memref<8192xf32, #tpu.memory_space<hbm>>
      %dma_start3A_123 = tpu.memref_slice %arg2[%mul3A_121] : memref<278528xf32, #tpu.memory_space<hbm>> -> memref<8192xf32, #tpu.memory_space<hbm>>
      tpu.enqueue_dma source(%dma_start3A_123 : memref<8192xf32, #tpu.memory_space<hbm>>) target(%arg6 : memref<8192xf32, #tpu.memory_space<vmem>>) target_semaphore(%arg11 : memref<!tpu.dma_semaphore, #tpu.memory_space<semaphore_mem>>)
    } else {
    }
    tpu.wait_dma2 semaphore(%arg9 : memref<!tpu.dma_semaphore, #tpu.memory_space<semaphore_mem>>) src(%arg3 : memref<1024xf32, #tpu.memory_space<hbm>>) dst(%arg7 : memref<1024xf32, #tpu.memory_space<vmem>>)
    %dma_wait3A = tpu.memref_slice %arg2[%mul3A_3] : memref<278528xf32, #tpu.memory_space<hbm>> -> memref<8192xf32, #tpu.memory_space<hbm>>
    %dma_wait3A_6 = tpu.memref_slice %arg2[%mul3A_3] : memref<278528xf32, #tpu.memory_space<hbm>> -> memref<8192xf32, #tpu.memory_space<hbm>>
    tpu.wait_dma2 semaphore(%arg10 : memref<!tpu.dma_semaphore, #tpu.memory_space<semaphore_mem>>) src(%dma_wait3A_6 : memref<8192xf32, #tpu.memory_space<hbm>>) dst(%arg5 : memref<8192xf32, #tpu.memory_space<vmem>>)
    %jit3A = arith.constant 17 : i32
    %div3A = arith.divsi %add3A, %jit3A : i32
    %sign3A = arith.constant 0 : i32
    %sign3A_7 = arith.cmpi sgt, %add3A, %sign3A : i32
    %sign3A_8 = arith.extui %sign3A_7 : i1 to i32
    %sign3A_9 = arith.constant 0 : i32
    %sign3A_10 = arith.cmpi slt, %add3A, %sign3A_9 : i32
    %sign3A_11 = arith.extui %sign3A_10 : i1 to i32
    %sign3A_12 = arith.subi %sign3A_8, %sign3A_11 : i32
    %sign3A_13 = arith.constant 0 : i32
    %sign3A_14 = arith.cmpi sgt, %jit3A, %sign3A_13 : i32
    %sign3A_15 = arith.extui %sign3A_14 : i1 to i32
    %sign3A_16 = arith.constant 0 : i32
    %sign3A_17 = arith.cmpi slt, %jit3A, %sign3A_16 : i32
    %sign3A_18 = arith.extui %sign3A_17 : i1 to i32
    %sign3A_19 = arith.subi %sign3A_15, %sign3A_18 : i32
    %ne3A = arith.cmpi ne, %sign3A_12, %sign3A_19 : i32
    %rem3A = arith.remsi %add3A, %jit3A : i32
    %ne3A_20 = arith.constant 0 : i32
    %ne3A_21 = arith.cmpi ne, %rem3A, %ne3A_20 : i32
    %and3A = arith.andi %ne3A, %ne3A_21 : i1
    %sub3A = arith.constant 1 : i32
    %sub3A_22 = arith.subi %div3A, %sub3A : i32
    %select_n3A = arith.select %and3A, %sub3A_22, %div3A : i32
    %mul3A_23 = arith.constant 512 : i32
    %mul3A_24 = arith.muli %select_n3A, %mul3A_23 : i32
    %broadcast_in_dim3A = arith.constant 1.000000e+30 : f32
    %broadcast_in_dim3A_25 = vector.broadcast %broadcast_in_dim3A : f32 to vector<16xf32>
    %scan3A = arith.constant 0 : i32
    %scan3A_26 = arith.constant 16 : i32
    %scan3A_27 = arith.addi %scan3A, %scan3A_26 : i32
    %scan3A_28 = arith.constant 1 : i32
    %scan3A_29 = scf.for %scan3A_118 = %scan3A to %scan3A_27 step %scan3A_28 iter_args(%scan3A_119 = %broadcast_in_dim3A_25) -> (vector<16xf32>)  : i32 {
      %mul3A_120 = arith.constant 4 : i32
      %mul3A_121 = arith.muli %scan3A_118, %mul3A_120 : i32
      %add3A_122 = arith.constant 0 : i32
      %add3A_123 = arith.addi %mul3A_121, %add3A_122 : i32
      %mul3A_124 = arith.constant 128 : i32
      %mul3A_125 = arith.muli %add3A_123, %mul3A_124 : i32
      %add3A_126 = arith.constant 0 : i32
      %add3A_127 = arith.addi %mul3A_125, %add3A_126 : i32
      %get3A = arith.index_cast %add3A_127 : i32 to index
      %get3A_128 = tpu.vector_load %arg5[%get3A] {strides = array<i32>} : memref<8192xf32, #tpu.memory_space<vmem>>, vector<16xf32>,
      %get3A_129 = vector.shape_cast %get3A_128 : vector<16xf32> to vector<16xf32>
      %abs3A = math.absf %get3A_129 : vector<16xf32>
      %min3A = arith.minimumf %scan3A_119, %abs3A : vector<16xf32>
      %mul3A_130 = arith.constant 4 : i32
      %mul3A_131 = arith.muli %scan3A_118, %mul3A_130 : i32
      %add3A_132 = arith.constant 0 : i32
      %add3A_133 = arith.addi %mul3A_131, %add3A_132 : i32
      %mul3A_134 = arith.constant 128 : i32
      %mul3A_135 = arith.muli %add3A_133, %mul3A_134 : i32
      %add3A_136 = arith.constant 16 : i32
      %add3A_137 = arith.addi %mul3A_135, %add3A_136 : i32
      %get3A_138 = arith.index_cast %add3A_137 : i32 to index
      %get3A_139 = tpu.vector_load %arg5[%get3A_138] {strides = array<i32>} : memref<8192xf32, #tpu.memory_space<vmem>>, vector<16xf32>,
      %get3A_140 = vector.shape_cast %get3A_139 : vector<16xf32> to vector<16xf32>
      %abs3A_141 = math.absf %get3A_140 : vector<16xf32>
      %min3A_142 = arith.minimumf %min3A, %abs3A_141 : vector<16xf32>
      %mul3A_143 = arith.constant 4 : i32
      %mul3A_144 = arith.muli %scan3A_118, %mul3A_143 : i32
      %add3A_145 = arith.constant 0 : i32
      %add3A_146 = arith.addi %mul3A_144, %add3A_145 : i32
      %mul3A_147 = arith.constant 128 : i32
      %mul3A_148 = arith.muli %add3A_146, %mul3A_147 : i32
      %add3A_149 = arith.constant 32 : i32
      %add3A_150 = arith.addi %mul3A_148, %add3A_149 : i32
      %get3A_151 = arith.index_cast %add3A_150 : i32 to index
      %get3A_152 = tpu.vector_load %arg5[%get3A_151] {strides = array<i32>} : memref<8192xf32, #tpu.memory_space<vmem>>, vector<16xf32>,
      %get3A_153 = vector.shape_cast %get3A_152 : vector<16xf32> to vector<16xf32>
      %abs3A_154 = math.absf %get3A_153 : vector<16xf32>
      %min3A_155 = arith.minimumf %min3A_142, %abs3A_154 : vector<16xf32>
      %mul3A_156 = arith.constant 4 : i32
      %mul3A_157 = arith.muli %scan3A_118, %mul3A_156 : i32
      %add3A_158 = arith.constant 0 : i32
      %add3A_159 = arith.addi %mul3A_157, %add3A_158 : i32
      %mul3A_160 = arith.constant 128 : i32
      %mul3A_161 = arith.muli %add3A_159, %mul3A_160 : i32
      %add3A_162 = arith.constant 48 : i32
      %add3A_163 = arith.addi %mul3A_161, %add3A_162 : i32
      %get3A_164 = arith.index_cast %add3A_163 : i32 to index
      %get3A_165 = tpu.vector_load %arg5[%get3A_164] {strides = array<i32>} : memref<8192xf32, #tpu.memory_space<vmem>>, vector<16xf32>,
      %get3A_166 = vector.shape_cast %get3A_165 : vector<16xf32> to vector<16xf32>
      %abs3A_167 = math.absf %get3A_166 : vector<16xf32>
      %min3A_168 = arith.minimumf %min3A_155, %abs3A_167 : vector<16xf32>
      %mul3A_169 = arith.constant 4 : i32
      %mul3A_170 = arith.muli %scan3A_118, %mul3A_169 : i32
      %add3A_171 = arith.constant 1 : i32
      %add3A_172 = arith.addi %mul3A_170, %add3A_171 : i32
      %mul3A_173 = arith.constant 128 : i32
      %mul3A_174 = arith.muli %add3A_172, %mul3A_173 : i32
      %add3A_175 = arith.constant 0 : i32
      %add3A_176 = arith.addi %mul3A_174, %add3A_175 : i32
      %get3A_177 = arith.index_cast %add3A_176 : i32 to index
      %get3A_178 = tpu.vector_load %arg5[%get3A_177] {strides = array<i32>} : memref<8192xf32, #tpu.memory_space<vmem>>, vector<16xf32>,
      %get3A_179 = vector.shape_cast %get3A_178 : vector<16xf32> to vector<16xf32>
      %abs3A_180 = math.absf %get3A_179 : vector<16xf32>
      %min3A_181 = arith.minimumf %min3A_168, %abs3A_180 : vector<16xf32>
      %mul3A_182 = arith.constant 4 : i32
      %mul3A_183 = arith.muli %scan3A_118, %mul3A_182 : i32
      %add3A_184 = arith.constant 1 : i32
      %add3A_185 = arith.addi %mul3A_183, %add3A_184 : i32
      %mul3A_186 = arith.constant 128 : i32
      %mul3A_187 = arith.muli %add3A_185, %mul3A_186 : i32
      %add3A_188 = arith.constant 16 : i32
      %add3A_189 = arith.addi %mul3A_187, %add3A_188 : i32
      %get3A_190 = arith.index_cast %add3A_189 : i32 to index
      %get3A_191 = tpu.vector_load %arg5[%get3A_190] {strides = array<i32>} : memref<8192xf32, #tpu.memory_space<vmem>>, vector<16xf32>,
      %get3A_192 = vector.shape_cast %get3A_191 : vector<16xf32> to vector<16xf32>
      %abs3A_193 = math.absf %get3A_192 : vector<16xf32>
      %min3A_194 = arith.minimumf %min3A_181, %abs3A_193 : vector<16xf32>
      %mul3A_195 = arith.constant 4 : i32
      %mul3A_196 = arith.muli %scan3A_118, %mul3A_195 : i32
      %add3A_197 = arith.constant 1 : i32
      %add3A_198 = arith.addi %mul3A_196, %add3A_197 : i32
      %mul3A_199 = arith.constant 128 : i32
      %mul3A_200 = arith.muli %add3A_198, %mul3A_199 : i32
      %add3A_201 = arith.constant 32 : i32
      %add3A_202 = arith.addi %mul3A_200, %add3A_201 : i32
      %get3A_203 = arith.index_cast %add3A_202 : i32 to index
      %get3A_204 = tpu.vector_load %arg5[%get3A_203] {strides = array<i32>} : memref<8192xf32, #tpu.memory_space<vmem>>, vector<16xf32>,
      %get3A_205 = vector.shape_cast %get3A_204 : vector<16xf32> to vector<16xf32>
      %abs3A_206 = math.absf %get3A_205 : vector<16xf32>
      %min3A_207 = arith.minimumf %min3A_194, %abs3A_206 : vector<16xf32>
      %mul3A_208 = arith.constant 4 : i32
      %mul3A_209 = arith.muli %scan3A_118, %mul3A_208 : i32
      %add3A_210 = arith.constant 1 : i32
      %add3A_211 = arith.addi %mul3A_209, %add3A_210 : i32
      %mul3A_212 = arith.constant 128 : i32
      %mul3A_213 = arith.muli %add3A_211, %mul3A_212 : i32
      %add3A_214 = arith.constant 48 : i32
      %add3A_215 = arith.addi %mul3A_213, %add3A_214 : i32
      %get3A_216 = arith.index_cast %add3A_215 : i32 to index
      %get3A_217 = tpu.vector_load %arg5[%get3A_216] {strides = array<i32>} : memref<8192xf32, #tpu.memory_space<vmem>>, vector<16xf32>,
      %get3A_218 = vector.shape_cast %get3A_217 : vector<16xf32> to vector<16xf32>
      %abs3A_219 = math.absf %get3A_218 : vector<16xf32>
      %min3A_220 = arith.minimumf %min3A_207, %abs3A_219 : vector<16xf32>
      %mul3A_221 = arith.constant 4 : i32
      %mul3A_222 = arith.muli %scan3A_118, %mul3A_221 : i32
      %add3A_223 = arith.constant 2 : i32
      %add3A_224 = arith.addi %mul3A_222, %add3A_223 : i32
      %mul3A_225 = arith.constant 128 : i32
      %mul3A_226 = arith.muli %add3A_224, %mul3A_225 : i32
      %add3A_227 = arith.constant 0 : i32
      %add3A_228 = arith.addi %mul3A_226, %add3A_227 : i32
      %get3A_229 = arith.index_cast %add3A_228 : i32 to index
      %get3A_230 = tpu.vector_load %arg5[%get3A_229] {strides = array<i32>} : memref<8192xf32, #tpu.memory_space<vmem>>, vector<16xf32>,
      %get3A_231 = vector.shape_cast %get3A_230 : vector<16xf32> to vector<16xf32>
      %abs3A_232 = math.absf %get3A_231 : vector<16xf32>
      %min3A_233 = arith.minimumf %min3A_220, %abs3A_232 : vector<16xf32>
      %mul3A_234 = arith.constant 4 : i32
      %mul3A_235 = arith.muli %scan3A_118, %mul3A_234 : i32
      %add3A_236 = arith.constant 2 : i32
      %add3A_237 = arith.addi %mul3A_235, %add3A_236 : i32
      %mul3A_238 = arith.constant 128 : i32
      %mul3A_239 = arith.muli %add3A_237, %mul3A_238 : i32
      %add3A_240 = arith.constant 16 : i32
      %add3A_241 = arith.addi %mul3A_239, %add3A_240 : i32
      %get3A_242 = arith.index_cast %add3A_241 : i32 to index
      %get3A_243 = tpu.vector_load %arg5[%get3A_242] {strides = array<i32>} : memref<8192xf32, #tpu.memory_space<vmem>>, vector<16xf32>,
      %get3A_244 = vector.shape_cast %get3A_243 : vector<16xf32> to vector<16xf32>
      %abs3A_245 = math.absf %get3A_244 : vector<16xf32>
      %min3A_246 = arith.minimumf %min3A_233, %abs3A_245 : vector<16xf32>
      %mul3A_247 = arith.constant 4 : i32
      %mul3A_248 = arith.muli %scan3A_118, %mul3A_247 : i32
      %add3A_249 = arith.constant 2 : i32
      %add3A_250 = arith.addi %mul3A_248, %add3A_249 : i32
      %mul3A_251 = arith.constant 128 : i32
      %mul3A_252 = arith.muli %add3A_250, %mul3A_251 : i32
      %add3A_253 = arith.constant 32 : i32
      %add3A_254 = arith.addi %mul3A_252, %add3A_253 : i32
      %get3A_255 = arith.index_cast %add3A_254 : i32 to index
      %get3A_256 = tpu.vector_load %arg5[%get3A_255] {strides = array<i32>} : memref<8192xf32, #tpu.memory_space<vmem>>, vector<16xf32>,
      %get3A_257 = vector.shape_cast %get3A_256 : vector<16xf32> to vector<16xf32>
      %abs3A_258 = math.absf %get3A_257 : vector<16xf32>
      %min3A_259 = arith.minimumf %min3A_246, %abs3A_258 : vector<16xf32>
      %mul3A_260 = arith.constant 4 : i32
      %mul3A_261 = arith.muli %scan3A_118, %mul3A_260 : i32
      %add3A_262 = arith.constant 2 : i32
      %add3A_263 = arith.addi %mul3A_261, %add3A_262 : i32
      %mul3A_264 = arith.constant 128 : i32
      %mul3A_265 = arith.muli %add3A_263, %mul3A_264 : i32
      %add3A_266 = arith.constant 48 : i32
      %add3A_267 = arith.addi %mul3A_265, %add3A_266 : i32
      %get3A_268 = arith.index_cast %add3A_267 : i32 to index
      %get3A_269 = tpu.vector_load %arg5[%get3A_268] {strides = array<i32>} : memref<8192xf32, #tpu.memory_space<vmem>>, vector<16xf32>,
      %get3A_270 = vector.shape_cast %get3A_269 : vector<16xf32> to vector<16xf32>
      %abs3A_271 = math.absf %get3A_270 : vector<16xf32>
      %min3A_272 = arith.minimumf %min3A_259, %abs3A_271 : vector<16xf32>
      %mul3A_273 = arith.constant 4 : i32
      %mul3A_274 = arith.muli %scan3A_118, %mul3A_273 : i32
      %add3A_275 = arith.constant 3 : i32
      %add3A_276 = arith.addi %mul3A_274, %add3A_275 : i32
      %mul3A_277 = arith.constant 128 : i32
      %mul3A_278 = arith.muli %add3A_276, %mul3A_277 : i32
      %add3A_279 = arith.constant 0 : i32
      %add3A_280 = arith.addi %mul3A_278, %add3A_279 : i32
      %get3A_281 = arith.index_cast %add3A_280 : i32 to index
      %get3A_282 = tpu.vector_load %arg5[%get3A_281] {strides = array<i32>} : memref<8192xf32, #tpu.memory_space<vmem>>, vector<16xf32>,
      %get3A_283 = vector.shape_cast %get3A_282 : vector<16xf32> to vector<16xf32>
      %abs3A_284 = math.absf %get3A_283 : vector<16xf32>
      %min3A_285 = arith.minimumf %min3A_272, %abs3A_284 : vector<16xf32>
      %mul3A_286 = arith.constant 4 : i32
      %mul3A_287 = arith.muli %scan3A_118, %mul3A_286 : i32
      %add3A_288 = arith.constant 3 : i32
      %add3A_289 = arith.addi %mul3A_287, %add3A_288 : i32
      %mul3A_290 = arith.constant 128 : i32
      %mul3A_291 = arith.muli %add3A_289, %mul3A_290 : i32
      %add3A_292 = arith.constant 16 : i32
      %add3A_293 = arith.addi %mul3A_291, %add3A_292 : i32
      %get3A_294 = arith.index_cast %add3A_293 : i32 to index
      %get3A_295 = tpu.vector_load %arg5[%get3A_294] {strides = array<i32>} : memref<8192xf32, #tpu.memory_space<vmem>>, vector<16xf32>,
      %get3A_296 = vector.shape_cast %get3A_295 : vector<16xf32> to vector<16xf32>
      %abs3A_297 = math.absf %get3A_296 : vector<16xf32>
      %min3A_298 = arith.minimumf %min3A_285, %abs3A_297 : vector<16xf32>
      %mul3A_299 = arith.constant 4 : i32
      %mul3A_300 = arith.muli %scan3A_118, %mul3A_299 : i32
      %add3A_301 = arith.constant 3 : i32
      %add3A_302 = arith.addi %mul3A_300, %add3A_301 : i32
      %mul3A_303 = arith.constant 128 : i32
      %mul3A_304 = arith.muli %add3A_302, %mul3A_303 : i32
      %add3A_305 = arith.constant 32 : i32
      %add3A_306 = arith.addi %mul3A_304, %add3A_305 : i32
      %get3A_307 = arith.index_cast %add3A_306 : i32 to index
      %get3A_308 = tpu.vector_load %arg5[%get3A_307] {strides = array<i32>} : memref<8192xf32, #tpu.memory_space<vmem>>, vector<16xf32>,
      %get3A_309 = vector.shape_cast %get3A_308 : vector<16xf32> to vector<16xf32>
      %abs3A_310 = math.absf %get3A_309 : vector<16xf32>
      %min3A_311 = arith.minimumf %min3A_298, %abs3A_310 : vector<16xf32>
      %mul3A_312 = arith.constant 4 : i32
      %mul3A_313 = arith.muli %scan3A_118, %mul3A_312 : i32
      %add3A_314 = arith.constant 3 : i32
      %add3A_315 = arith.addi %mul3A_313, %add3A_314 : i32
      %mul3A_316 = arith.constant 128 : i32
      %mul3A_317 = arith.muli %add3A_315, %mul3A_316 : i32
      %add3A_318 = arith.constant 48 : i32
      %add3A_319 = arith.addi %mul3A_317, %add3A_318 : i32
      %get3A_320 = arith.index_cast %add3A_319 : i32 to index
      %get3A_321 = tpu.vector_load %arg5[%get3A_320] {strides = array<i32>} : memref<8192xf32, #tpu.memory_space<vmem>>, vector<16xf32>,
      %get3A_322 = vector.shape_cast %get3A_321 : vector<16xf32> to vector<16xf32>
      %abs3A_323 = math.absf %get3A_322 : vector<16xf32>
      %min3A_324 = arith.minimumf %min3A_311, %abs3A_323 : vector<16xf32>
      scf.yield %min3A_324 : vector<16xf32>
    }
    %scan3A_30 = arith.constant 16 : i32
    %slice3A = vector.extract_strided_slice %scan3A_29 {offsets = [0], sizes = [1], strides = [1]} : vector<16xf32> to vector<1xf32>
    %squeeze3A = vector.extract %slice3A[0] : f32 from vector<1xf32>
    %ne3A_31 = arith.constant 0.000000e+00 : f32
    %ne3A_32 = arith.cmpf one, %squeeze3A, %ne3A_31 : f32
    %slice3A_33 = vector.extract_strided_slice %scan3A_29 {offsets = [1], sizes = [1], strides = [1]} : vector<16xf32> to vector<1xf32>
    %squeeze3A_34 = vector.extract %slice3A_33[0] : f32 from vector<1xf32>
    %ne3A_35 = arith.constant 0.000000e+00 : f32
    %ne3A_36 = arith.cmpf one, %squeeze3A_34, %ne3A_35 : f32
    %slice3A_37 = vector.extract_strided_slice %scan3A_29 {offsets = [2], sizes = [1], strides = [1]} : vector<16xf32> to vector<1xf32>
    %squeeze3A_38 = vector.extract %slice3A_37[0] : f32 from vector<1xf32>
    %ne3A_39 = arith.constant 0.000000e+00 : f32
    %ne3A_40 = arith.cmpf one, %squeeze3A_38, %ne3A_39 : f32
    %slice3A_41 = vector.extract_strided_slice %scan3A_29 {offsets = [3], sizes = [1], strides = [1]} : vector<16xf32> to vector<1xf32>
    %squeeze3A_42 = vector.extract %slice3A_41[0] : f32 from vector<1xf32>
    %ne3A_43 = arith.constant 0.000000e+00 : f32
    %ne3A_44 = arith.cmpf one, %squeeze3A_42, %ne3A_43 : f32
    %slice3A_45 = vector.extract_strided_slice %scan3A_29 {offsets = [4], sizes = [1], strides = [1]} : vector<16xf32> to vector<1xf32>
    %squeeze3A_46 = vector.extract %slice3A_45[0] : f32 from vector<1xf32>
    %ne3A_47 = arith.constant 0.000000e+00 : f32
    %ne3A_48 = arith.cmpf one, %squeeze3A_46, %ne3A_47 : f32
    %slice3A_49 = vector.extract_strided_slice %scan3A_29 {offsets = [5], sizes = [1], strides = [1]} : vector<16xf32> to vector<1xf32>
    %squeeze3A_50 = vector.extract %slice3A_49[0] : f32 from vector<1xf32>
    %ne3A_51 = arith.constant 0.000000e+00 : f32
    %ne3A_52 = arith.cmpf one, %squeeze3A_50, %ne3A_51 : f32
    %slice3A_53 = vector.extract_strided_slice %scan3A_29 {offsets = [6], sizes = [1], strides = [1]} : vector<16xf32> to vector<1xf32>
    %squeeze3A_54 = vector.extract %slice3A_53[0] : f32 from vector<1xf32>
    %ne3A_55 = arith.constant 0.000000e+00 : f32
    %ne3A_56 = arith.cmpf one, %squeeze3A_54, %ne3A_55 : f32
    %slice3A_57 = vector.extract_strided_slice %scan3A_29 {offsets = [7], sizes = [1], strides = [1]} : vector<16xf32> to vector<1xf32>
    %squeeze3A_58 = vector.extract %slice3A_57[0] : f32 from vector<1xf32>
    %ne3A_59 = arith.constant 0.000000e+00 : f32
    %ne3A_60 = arith.cmpf one, %squeeze3A_58, %ne3A_59 : f32
    %slice3A_61 = vector.extract_strided_slice %scan3A_29 {offsets = [8], sizes = [1], strides = [1]} : vector<16xf32> to vector<1xf32>
    %squeeze3A_62 = vector.extract %slice3A_61[0] : f32 from vector<1xf32>
    %ne3A_63 = arith.constant 0.000000e+00 : f32
    %ne3A_64 = arith.cmpf one, %squeeze3A_62, %ne3A_63 : f32
    %slice3A_65 = vector.extract_strided_slice %scan3A_29 {offsets = [9], sizes = [1], strides = [1]} : vector<16xf32> to vector<1xf32>
    %squeeze3A_66 = vector.extract %slice3A_65[0] : f32 from vector<1xf32>
    %ne3A_67 = arith.constant 0.000000e+00 : f32
    %ne3A_68 = arith.cmpf one, %squeeze3A_66, %ne3A_67 : f32
    %slice3A_69 = vector.extract_strided_slice %scan3A_29 {offsets = [10], sizes = [1], strides = [1]} : vector<16xf32> to vector<1xf32>
    %squeeze3A_70 = vector.extract %slice3A_69[0] : f32 from vector<1xf32>
    %ne3A_71 = arith.constant 0.000000e+00 : f32
    %ne3A_72 = arith.cmpf one, %squeeze3A_70, %ne3A_71 : f32
    %slice3A_73 = vector.extract_strided_slice %scan3A_29 {offsets = [11], sizes = [1], strides = [1]} : vector<16xf32> to vector<1xf32>
    %squeeze3A_74 = vector.extract %slice3A_73[0] : f32 from vector<1xf32>
    %ne3A_75 = arith.constant 0.000000e+00 : f32
    %ne3A_76 = arith.cmpf one, %squeeze3A_74, %ne3A_75 : f32
    %slice3A_77 = vector.extract_strided_slice %scan3A_29 {offsets = [12], sizes = [1], strides = [1]} : vector<16xf32> to vector<1xf32>
    %squeeze3A_78 = vector.extract %slice3A_77[0] : f32 from vector<1xf32>
    %ne3A_79 = arith.constant 0.000000e+00 : f32
    %ne3A_80 = arith.cmpf one, %squeeze3A_78, %ne3A_79 : f32
    %slice3A_81 = vector.extract_strided_slice %scan3A_29 {offsets = [13], sizes = [1], strides = [1]} : vector<16xf32> to vector<1xf32>
    %squeeze3A_82 = vector.extract %slice3A_81[0] : f32 from vector<1xf32>
    %ne3A_83 = arith.constant 0.000000e+00 : f32
    %ne3A_84 = arith.cmpf one, %squeeze3A_82, %ne3A_83 : f32
    %slice3A_85 = vector.extract_strided_slice %scan3A_29 {offsets = [14], sizes = [1], strides = [1]} : vector<16xf32> to vector<1xf32>
    %squeeze3A_86 = vector.extract %slice3A_85[0] : f32 from vector<1xf32>
    %ne3A_87 = arith.constant 0.000000e+00 : f32
    %ne3A_88 = arith.cmpf one, %squeeze3A_86, %ne3A_87 : f32
    %slice3A_89 = vector.extract_strided_slice %scan3A_29 {offsets = [15], sizes = [1], strides = [1]} : vector<16xf32> to vector<1xf32>
    %squeeze3A_90 = vector.extract %slice3A_89[0] : f32 from vector<1xf32>
    %ne3A_91 = arith.constant 0.000000e+00 : f32
    %ne3A_92 = arith.cmpf one, %squeeze3A_90, %ne3A_91 : f32
    %and3A_93 = arith.andi %ne3A_32, %ne3A_36 : i1
    %and3A_94 = arith.andi %ne3A_40, %ne3A_44 : i1
    %and3A_95 = arith.andi %ne3A_48, %ne3A_52 : i1
    %and3A_96 = arith.andi %ne3A_56, %ne3A_60 : i1
    %and3A_97 = arith.andi %ne3A_64, %ne3A_68 : i1
    %and3A_98 = arith.andi %ne3A_72, %ne3A_76 : i1
    %and3A_99 = arith.andi %ne3A_80, %ne3A_84 : i1
    %and3A_100 = arith.andi %ne3A_88, %ne3A_92 : i1
    %and3A_101 = arith.andi %and3A_93, %and3A_94 : i1
    %and3A_102 = arith.andi %and3A_95, %and3A_96 : i1
    %and3A_103 = arith.andi %and3A_97, %and3A_98 : i1
    %and3A_104 = arith.andi %and3A_99, %and3A_100 : i1
    %and3A_105 = arith.andi %and3A_101, %and3A_102 : i1
    %and3A_106 = arith.andi %and3A_103, %and3A_104 : i1
    %and3A_107 = arith.andi %and3A_105, %and3A_106 : i1
    %convert_element_type3A_108 = arith.extui %and3A_107 : i1 to i32
    %cond3A_109 = arith.constant 0 : i32
    %cond3A_110 = arith.cmpi ne, %convert_element_type3A_108, %cond3A_109 : i32
    scf.if %cond3A_110 {
      %add3A_118 = arith.constant 0 : i32
      %add3A_119 = arith.addi %mul3A_24, %add3A_118 : i32
      %get3A = arith.index_cast %add3A_119 : i32 to index
      %get3A_120 = tpu.vector_load %arg7[%get3A] {strides = array<i32>} : memref<1024xf32, #tpu.memory_space<vmem>>, vector<16xf32>,
      %get3A_121 = vector.shape_cast %get3A_120 : vector<16xf32> to vector<16xf32>
      %add3A_122 = arith.constant 256 : i32
      %add3A_123 = arith.addi %mul3A_24, %add3A_122 : i32
      %add3A_124 = arith.constant 0 : i32
      %add3A_125 = arith.addi %add3A_123, %add3A_124 : i32
      %get3A_126 = arith.index_cast %add3A_125 : i32 to index
      %get3A_127 = tpu.vector_load %arg7[%get3A_126] {strides = array<i32>} : memref<1024xf32, #tpu.memory_space<vmem>>, vector<16xf32>,
      %get3A_128 = vector.shape_cast %get3A_127 : vector<16xf32> to vector<16xf32>
      %max3A = arith.constant 0.000000e+00 : f32
      %max3A_129 = vector.broadcast %max3A : f32 to vector<16xf32>
      %max3A_130 = arith.maximumf %get3A_121, %max3A_129 : vector<16xf32>
      %min3A = arith.constant 6.300000e+01 : f32
      %min3A_131 = vector.broadcast %min3A : f32 to vector<16xf32>
      %min3A_132 = arith.minimumf %max3A_130, %min3A_131 : vector<16xf32>
      %add3A_133 = arith.constant 5.000000e-01 : f32
      %add3A_134 = vector.broadcast %add3A_133 : f32 to vector<16xf32>
      %add3A_135 = arith.addf %min3A_132, %add3A_134 : vector<16xf32>
      %convert_element_type3A_136 = arith.fptosi %add3A_135 : vector<16xf32> to vector<16xi32>
      %convert_element_type3A_137 = arith.sitofp %convert_element_type3A_136 : vector<16xi32> to vector<16xf32>
      %sub3A_138 = arith.subf %get3A_121, %convert_element_type3A_137 : vector<16xf32>
      %max3A_139 = arith.constant 0.000000e+00 : f32
      %max3A_140 = vector.broadcast %max3A_139 : f32 to vector<16xf32>
      %max3A_141 = arith.maximumf %get3A_128, %max3A_140 : vector<16xf32>
      %min3A_142 = arith.constant 6.300000e+01 : f32
      %min3A_143 = vector.broadcast %min3A_142 : f32 to vector<16xf32>
      %min3A_144 = arith.minimumf %max3A_141, %min3A_143 : vector<16xf32>
      %add3A_145 = arith.constant 5.000000e-01 : f32
      %add3A_146 = vector.broadcast %add3A_145 : f32 to vector<16xf32>
      %add3A_147 = arith.addf %min3A_144, %add3A_146 : vector<16xf32>
      %convert_element_type3A_148 = arith.fptosi %add3A_147 : vector<16xf32> to vector<16xi32>
      %convert_element_type3A_149 = arith.sitofp %convert_element_type3A_148 : vector<16xi32> to vector<16xf32>
      %sub3A_150 = arith.subf %get3A_128, %convert_element_type3A_149 : vector<16xf32>
      %mul3A_151 = arith.mulf %sub3A_138, %sub3A_138 : vector<16xf32>
      %mul3A_152 = arith.mulf %sub3A_150, %sub3A_150 : vector<16xf32>
      %add3A_153 = arith.addf %mul3A_151, %mul3A_152 : vector<16xf32>
      %swap3A = arith.constant 0 : index
      %swap3A_154 = tpu.vector_load %arg8[%swap3A] {strides = array<i32>} : memref<256xf32, #tpu.memory_space<vmem>>, vector<16xf32>,
      %swap3A_155 = vector.shape_cast %swap3A_154 : vector<16xf32> to vector<16xf32>
      %swap3A_156 = vector.shape_cast %add3A_153 : vector<16xf32> to vector<16xf32>
      tpu.vector_store %arg8[%swap3A], %swap3A_156 {strides = array<i32>} : memref<256xf32, #tpu.memory_space<vmem>>, vector<16xf32>,
      %add3A_157 = arith.constant 16 : i32
      %add3A_158 = arith.addi %mul3A_24, %add3A_157 : i32
      %get3A_159 = arith.index_cast %add3A_158 : i32 to index
      %get3A_160 = tpu.vector_load %arg7[%get3A_159] {strides = array<i32>} : memref<1024xf32, #tpu.memory_space<vmem>>, vector<16xf32>,
      %get3A_161 = vector.shape_cast %get3A_160 : vector<16xf32> to vector<16xf32>
      %add3A_162 = arith.constant 256 : i32
      %add3A_163 = arith.addi %mul3A_24, %add3A_162 : i32
      %add3A_164 = arith.constant 16 : i32
      %add3A_165 = arith.addi %add3A_163, %add3A_164 : i32
      %get3A_166 = arith.index_cast %add3A_165 : i32 to index
      %get3A_167 = tpu.vector_load %arg7[%get3A_166] {strides = array<i32>} : memref<1024xf32, #tpu.memory_space<vmem>>, vector<16xf32>,
      %get3A_168 = vector.shape_cast %get3A_167 : vector<16xf32> to vector<16xf32>
      %max3A_169 = arith.constant 0.000000e+00 : f32
      %max3A_170 = vector.broadcast %max3A_169 : f32 to vector<16xf32>
      %max3A_171 = arith.maximumf %get3A_161, %max3A_170 : vector<16xf32>
      %min3A_172 = arith.constant 6.300000e+01 : f32
      %min3A_173 = vector.broadcast %min3A_172 : f32 to vector<16xf32>
      %min3A_174 = arith.minimumf %max3A_171, %min3A_173 : vector<16xf32>
      %add3A_175 = arith.constant 5.000000e-01 : f32
      %add3A_176 = vector.broadcast %add3A_175 : f32 to vector<16xf32>
      %add3A_177 = arith.addf %min3A_174, %add3A_176 : vector<16xf32>
      %convert_element_type3A_178 = arith.fptosi %add3A_177 : vector<16xf32> to vector<16xi32>
      %convert_element_type3A_179 = arith.sitofp %convert_element_type3A_178 : vector<16xi32> to vector<16xf32>
      %sub3A_180 = arith.subf %get3A_161, %convert_element_type3A_179 : vector<16xf32>
      %max3A_181 = arith.constant 0.000000e+00 : f32
      %max3A_182 = vector.broadcast %max3A_181 : f32 to vector<16xf32>
      %max3A_183 = arith.maximumf %get3A_168, %max3A_182 : vector<16xf32>
      %min3A_184 = arith.constant 6.300000e+01 : f32
      %min3A_185 = vector.broadcast %min3A_184 : f32 to vector<16xf32>
      %min3A_186 = arith.minimumf %max3A_183, %min3A_185 : vector<16xf32>
      %add3A_187 = arith.constant 5.000000e-01 : f32
      %add3A_188 = vector.broadcast %add3A_187 : f32 to vector<16xf32>
      %add3A_189 = arith.addf %min3A_186, %add3A_188 : vector<16xf32>
      %convert_element_type3A_190 = arith.fptosi %add3A_189 : vector<16xf32> to vector<16xi32>
      %convert_element_type3A_191 = arith.sitofp %convert_element_type3A_190 : vector<16xi32> to vector<16xf32>
      %sub3A_192 = arith.subf %get3A_168, %convert_element_type3A_191 : vector<16xf32>
      %mul3A_193 = arith.mulf %sub3A_180, %sub3A_180 : vector<16xf32>
      %mul3A_194 = arith.mulf %sub3A_192, %sub3A_192 : vector<16xf32>
      %add3A_195 = arith.addf %mul3A_193, %mul3A_194 : vector<16xf32>
      %swap3A_196 = arith.constant 16 : index
      %swap3A_197 = tpu.vector_load %arg8[%swap3A_196] {strides = array<i32>} : memref<256xf32, #tpu.memory_space<vmem>>, vector<16xf32>,
      %swap3A_198 = vector.shape_cast %swap3A_197 : vector<16xf32> to vector<16xf32>
      %swap3A_199 = vector.shape_cast %add3A_195 : vector<16xf32> to vector<16xf32>
      tpu.vector_store %arg8[%swap3A_196], %swap3A_199 {strides = array<i32>} : memref<256xf32, #tpu.memory_space<vmem>>, vector<16xf32>,
      %add3A_200 = arith.constant 32 : i32
      %add3A_201 = arith.addi %mul3A_24, %add3A_200 : i32
      %get3A_202 = arith.index_cast %add3A_201 : i32 to index
      %get3A_203 = tpu.vector_load %arg7[%get3A_202] {strides = array<i32>} : memref<1024xf32, #tpu.memory_space<vmem>>, vector<16xf32>,
      %get3A_204 = vector.shape_cast %get3A_203 : vector<16xf32> to vector<16xf32>
      %add3A_205 = arith.constant 256 : i32
      %add3A_206 = arith.addi %mul3A_24, %add3A_205 : i32
      %add3A_207 = arith.constant 32 : i32
      %add3A_208 = arith.addi %add3A_206, %add3A_207 : i32
      %get3A_209 = arith.index_cast %add3A_208 : i32 to index
      %get3A_210 = tpu.vector_load %arg7[%get3A_209] {strides = array<i32>} : memref<1024xf32, #tpu.memory_space<vmem>>, vector<16xf32>,
      %get3A_211 = vector.shape_cast %get3A_210 : vector<16xf32> to vector<16xf32>
      %max3A_212 = arith.constant 0.000000e+00 : f32
      %max3A_213 = vector.broadcast %max3A_212 : f32 to vector<16xf32>
      %max3A_214 = arith.maximumf %get3A_204, %max3A_213 : vector<16xf32>
      %min3A_215 = arith.constant 6.300000e+01 : f32
      %min3A_216 = vector.broadcast %min3A_215 : f32 to vector<16xf32>
      %min3A_217 = arith.minimumf %max3A_214, %min3A_216 : vector<16xf32>
      %add3A_218 = arith.constant 5.000000e-01 : f32
      %add3A_219 = vector.broadcast %add3A_218 : f32 to vector<16xf32>
      %add3A_220 = arith.addf %min3A_217, %add3A_219 : vector<16xf32>
      %convert_element_type3A_221 = arith.fptosi %add3A_220 : vector<16xf32> to vector<16xi32>
      %convert_element_type3A_222 = arith.sitofp %convert_element_type3A_221 : vector<16xi32> to vector<16xf32>
      %sub3A_223 = arith.subf %get3A_204, %convert_element_type3A_222 : vector<16xf32>
      %max3A_224 = arith.constant 0.000000e+00 : f32
      %max3A_225 = vector.broadcast %max3A_224 : f32 to vector<16xf32>
      %max3A_226 = arith.maximumf %get3A_211, %max3A_225 : vector<16xf32>
      %min3A_227 = arith.constant 6.300000e+01 : f32
      %min3A_228 = vector.broadcast %min3A_227 : f32 to vector<16xf32>
      %min3A_229 = arith.minimumf %max3A_226, %min3A_228 : vector<16xf32>
      %add3A_230 = arith.constant 5.000000e-01 : f32
      %add3A_231 = vector.broadcast %add3A_230 : f32 to vector<16xf32>
      %add3A_232 = arith.addf %min3A_229, %add3A_231 : vector<16xf32>
      %convert_element_type3A_233 = arith.fptosi %add3A_232 : vector<16xf32> to vector<16xi32>
      %convert_element_type3A_234 = arith.sitofp %convert_element_type3A_233 : vector<16xi32> to vector<16xf32>
      %sub3A_235 = arith.subf %get3A_211, %convert_element_type3A_234 : vector<16xf32>
      %mul3A_236 = arith.mulf %sub3A_223, %sub3A_223 : vector<16xf32>
      %mul3A_237 = arith.mulf %sub3A_235, %sub3A_235 : vector<16xf32>
      %add3A_238 = arith.addf %mul3A_236, %mul3A_237 : vector<16xf32>
      %swap3A_239 = arith.constant 32 : index
      %swap3A_240 = tpu.vector_load %arg8[%swap3A_239] {strides = array<i32>} : memref<256xf32, #tpu.memory_space<vmem>>, vector<16xf32>,
      %swap3A_241 = vector.shape_cast %swap3A_240 : vector<16xf32> to vector<16xf32>
      %swap3A_242 = vector.shape_cast %add3A_238 : vector<16xf32> to vector<16xf32>
      tpu.vector_store %arg8[%swap3A_239], %swap3A_242 {strides = array<i32>} : memref<256xf32, #tpu.memory_space<vmem>>, vector<16xf32>,
      %add3A_243 = arith.constant 48 : i32
      %add3A_244 = arith.addi %mul3A_24, %add3A_243 : i32
      %get3A_245 = arith.index_cast %add3A_244 : i32 to index
      %get3A_246 = tpu.vector_load %arg7[%get3A_245] {strides = array<i32>} : memref<1024xf32, #tpu.memory_space<vmem>>, vector<16xf32>,
      %get3A_247 = vector.shape_cast %get3A_246 : vector<16xf32> to vector<16xf32>
      %add3A_248 = arith.constant 256 : i32
      %add3A_249 = arith.addi %mul3A_24, %add3A_248 : i32
      %add3A_250 = arith.constant 48 : i32
      %add3A_251 = arith.addi %add3A_249, %add3A_250 : i32
      %get3A_252 = arith.index_cast %add3A_251 : i32 to index
      %get3A_253 = tpu.vector_load %arg7[%get3A_252] {strides = array<i32>} : memref<1024xf32, #tpu.memory_space<vmem>>, vector<16xf32>,
      %get3A_254 = vector.shape_cast %get3A_253 : vector<16xf32> to vector<16xf32>
      %max3A_255 = arith.constant 0.000000e+00 : f32
      %max3A_256 = vector.broadcast %max3A_255 : f32 to vector<16xf32>
      %max3A_257 = arith.maximumf %get3A_247, %max3A_256 : vector<16xf32>
      %min3A_258 = arith.constant 6.300000e+01 : f32
      %min3A_259 = vector.broadcast %min3A_258 : f32 to vector<16xf32>
      %min3A_260 = arith.minimumf %max3A_257, %min3A_259 : vector<16xf32>
      %add3A_261 = arith.constant 5.000000e-01 : f32
      %add3A_262 = vector.broadcast %add3A_261 : f32 to vector<16xf32>
      %add3A_263 = arith.addf %min3A_260, %add3A_262 : vector<16xf32>
      %convert_element_type3A_264 = arith.fptosi %add3A_263 : vector<16xf32> to vector<16xi32>
      %convert_element_type3A_265 = arith.sitofp %convert_element_type3A_264 : vector<16xi32> to vector<16xf32>
      %sub3A_266 = arith.subf %get3A_247, %convert_element_type3A_265 : vector<16xf32>
      %max3A_267 = arith.constant 0.000000e+00 : f32
      %max3A_268 = vector.broadcast %max3A_267 : f32 to vector<16xf32>
      %max3A_269 = arith.maximumf %get3A_254, %max3A_268 : vector<16xf32>
      %min3A_270 = arith.constant 6.300000e+01 : f32
      %min3A_271 = vector.broadcast %min3A_270 : f32 to vector<16xf32>
      %min3A_272 = arith.minimumf %max3A_269, %min3A_271 : vector<16xf32>
      %add3A_273 = arith.constant 5.000000e-01 : f32
      %add3A_274 = vector.broadcast %add3A_273 : f32 to vector<16xf32>
      %add3A_275 = arith.addf %min3A_272, %add3A_274 : vector<16xf32>
      %convert_element_type3A_276 = arith.fptosi %add3A_275 : vector<16xf32> to vector<16xi32>
      %convert_element_type3A_277 = arith.sitofp %convert_element_type3A_276 : vector<16xi32> to vector<16xf32>
      %sub3A_278 = arith.subf %get3A_254, %convert_element_type3A_277 : vector<16xf32>
      %mul3A_279 = arith.mulf %sub3A_266, %sub3A_266 : vector<16xf32>
      %mul3A_280 = arith.mulf %sub3A_278, %sub3A_278 : vector<16xf32>
      %add3A_281 = arith.addf %mul3A_279, %mul3A_280 : vector<16xf32>
      %swap3A_282 = arith.constant 48 : index
      %swap3A_283 = tpu.vector_load %arg8[%swap3A_282] {strides = array<i32>} : memref<256xf32, #tpu.memory_space<vmem>>, vector<16xf32>,
      %swap3A_284 = vector.shape_cast %swap3A_283 : vector<16xf32> to vector<16xf32>
      %swap3A_285 = vector.shape_cast %add3A_281 : vector<16xf32> to vector<16xf32>
      tpu.vector_store %arg8[%swap3A_282], %swap3A_285 {strides = array<i32>} : memref<256xf32, #tpu.memory_space<vmem>>, vector<16xf32>,
      %add3A_286 = arith.constant 64 : i32
      %add3A_287 = arith.addi %mul3A_24, %add3A_286 : i32
      %get3A_288 = arith.index_cast %add3A_287 : i32 to index
      %get3A_289 = tpu.vector_load %arg7[%get3A_288] {strides = array<i32>} : memref<1024xf32, #tpu.memory_space<vmem>>, vector<16xf32>,
      %get3A_290 = vector.shape_cast %get3A_289 : vector<16xf32> to vector<16xf32>
      %add3A_291 = arith.constant 256 : i32
      %add3A_292 = arith.addi %mul3A_24, %add3A_291 : i32
      %add3A_293 = arith.constant 64 : i32
      %add3A_294 = arith.addi %add3A_292, %add3A_293 : i32
      %get3A_295 = arith.index_cast %add3A_294 : i32 to index
      %get3A_296 = tpu.vector_load %arg7[%get3A_295] {strides = array<i32>} : memref<1024xf32, #tpu.memory_space<vmem>>, vector<16xf32>,
      %get3A_297 = vector.shape_cast %get3A_296 : vector<16xf32> to vector<16xf32>
      %max3A_298 = arith.constant 0.000000e+00 : f32
      %max3A_299 = vector.broadcast %max3A_298 : f32 to vector<16xf32>
      %max3A_300 = arith.maximumf %get3A_290, %max3A_299 : vector<16xf32>
      %min3A_301 = arith.constant 6.300000e+01 : f32
      %min3A_302 = vector.broadcast %min3A_301 : f32 to vector<16xf32>
      %min3A_303 = arith.minimumf %max3A_300, %min3A_302 : vector<16xf32>
      %add3A_304 = arith.constant 5.000000e-01 : f32
      %add3A_305 = vector.broadcast %add3A_304 : f32 to vector<16xf32>
      %add3A_306 = arith.addf %min3A_303, %add3A_305 : vector<16xf32>
      %convert_element_type3A_307 = arith.fptosi %add3A_306 : vector<16xf32> to vector<16xi32>
      %convert_element_type3A_308 = arith.sitofp %convert_element_type3A_307 : vector<16xi32> to vector<16xf32>
      %sub3A_309 = arith.subf %get3A_290, %convert_element_type3A_308 : vector<16xf32>
      %max3A_310 = arith.constant 0.000000e+00 : f32
      %max3A_311 = vector.broadcast %max3A_310 : f32 to vector<16xf32>
      %max3A_312 = arith.maximumf %get3A_297, %max3A_311 : vector<16xf32>
      %min3A_313 = arith.constant 6.300000e+01 : f32
      %min3A_314 = vector.broadcast %min3A_313 : f32 to vector<16xf32>
      %min3A_315 = arith.minimumf %max3A_312, %min3A_314 : vector<16xf32>
      %add3A_316 = arith.constant 5.000000e-01 : f32
      %add3A_317 = vector.broadcast %add3A_316 : f32 to vector<16xf32>
      %add3A_318 = arith.addf %min3A_315, %add3A_317 : vector<16xf32>
      %convert_element_type3A_319 = arith.fptosi %add3A_318 : vector<16xf32> to vector<16xi32>
      %convert_element_type3A_320 = arith.sitofp %convert_element_type3A_319 : vector<16xi32> to vector<16xf32>
      %sub3A_321 = arith.subf %get3A_297, %convert_element_type3A_320 : vector<16xf32>
      %mul3A_322 = arith.mulf %sub3A_309, %sub3A_309 : vector<16xf32>
      %mul3A_323 = arith.mulf %sub3A_321, %sub3A_321 : vector<16xf32>
      %add3A_324 = arith.addf %mul3A_322, %mul3A_323 : vector<16xf32>
      %swap3A_325 = arith.constant 64 : index
      %swap3A_326 = tpu.vector_load %arg8[%swap3A_325] {strides = array<i32>} : memref<256xf32, #tpu.memory_space<vmem>>, vector<16xf32>,
      %swap3A_327 = vector.shape_cast %swap3A_326 : vector<16xf32> to vector<16xf32>
      %swap3A_328 = vector.shape_cast %add3A_324 : vector<16xf32> to vector<16xf32>
      tpu.vector_store %arg8[%swap3A_325], %swap3A_328 {strides = array<i32>} : memref<256xf32, #tpu.memory_space<vmem>>, vector<16xf32>,
      %add3A_329 = arith.constant 80 : i32
      %add3A_330 = arith.addi %mul3A_24, %add3A_329 : i32
      %get3A_331 = arith.index_cast %add3A_330 : i32 to index
      %get3A_332 = tpu.vector_load %arg7[%get3A_331] {strides = array<i32>} : memref<1024xf32, #tpu.memory_space<vmem>>, vector<16xf32>,
      %get3A_333 = vector.shape_cast %get3A_332 : vector<16xf32> to vector<16xf32>
      %add3A_334 = arith.constant 256 : i32
      %add3A_335 = arith.addi %mul3A_24, %add3A_334 : i32
      %add3A_336 = arith.constant 80 : i32
      %add3A_337 = arith.addi %add3A_335, %add3A_336 : i32
      %get3A_338 = arith.index_cast %add3A_337 : i32 to index
      %get3A_339 = tpu.vector_load %arg7[%get3A_338] {strides = array<i32>} : memref<1024xf32, #tpu.memory_space<vmem>>, vector<16xf32>,
      %get3A_340 = vector.shape_cast %get3A_339 : vector<16xf32> to vector<16xf32>
      %max3A_341 = arith.constant 0.000000e+00 : f32
      %max3A_342 = vector.broadcast %max3A_341 : f32 to vector<16xf32>
      %max3A_343 = arith.maximumf %get3A_333, %max3A_342 : vector<16xf32>
      %min3A_344 = arith.constant 6.300000e+01 : f32
      %min3A_345 = vector.broadcast %min3A_344 : f32 to vector<16xf32>
      %min3A_346 = arith.minimumf %max3A_343, %min3A_345 : vector<16xf32>
      %add3A_347 = arith.constant 5.000000e-01 : f32
      %add3A_348 = vector.broadcast %add3A_347 : f32 to vector<16xf32>
      %add3A_349 = arith.addf %min3A_346, %add3A_348 : vector<16xf32>
      %convert_element_type3A_350 = arith.fptosi %add3A_349 : vector<16xf32> to vector<16xi32>
      %convert_element_type3A_351 = arith.sitofp %convert_element_type3A_350 : vector<16xi32> to vector<16xf32>
      %sub3A_352 = arith.subf %get3A_333, %convert_element_type3A_351 : vector<16xf32>
      %max3A_353 = arith.constant 0.000000e+00 : f32
      %max3A_354 = vector.broadcast %max3A_353 : f32 to vector<16xf32>
      %max3A_355 = arith.maximumf %get3A_340, %max3A_354 : vector<16xf32>
      %min3A_356 = arith.constant 6.300000e+01 : f32
      %min3A_357 = vector.broadcast %min3A_356 : f32 to vector<16xf32>
      %min3A_358 = arith.minimumf %max3A_355, %min3A_357 : vector<16xf32>
      %add3A_359 = arith.constant 5.000000e-01 : f32
      %add3A_360 = vector.broadcast %add3A_359 : f32 to vector<16xf32>
      %add3A_361 = arith.addf %min3A_358, %add3A_360 : vector<16xf32>
      %convert_element_type3A_362 = arith.fptosi %add3A_361 : vector<16xf32> to vector<16xi32>
      %convert_element_type3A_363 = arith.sitofp %convert_element_type3A_362 : vector<16xi32> to vector<16xf32>
      %sub3A_364 = arith.subf %get3A_340, %convert_element_type3A_363 : vector<16xf32>
      %mul3A_365 = arith.mulf %sub3A_352, %sub3A_352 : vector<16xf32>
      %mul3A_366 = arith.mulf %sub3A_364, %sub3A_364 : vector<16xf32>
      %add3A_367 = arith.addf %mul3A_365, %mul3A_366 : vector<16xf32>
      %swap3A_368 = arith.constant 80 : index
      %swap3A_369 = tpu.vector_load %arg8[%swap3A_368] {strides = array<i32>} : memref<256xf32, #tpu.memory_space<vmem>>, vector<16xf32>,
      %swap3A_370 = vector.shape_cast %swap3A_369 : vector<16xf32> to vector<16xf32>
      %swap3A_371 = vector.shape_cast %add3A_367 : vector<16xf32> to vector<16xf32>
      tpu.vector_store %arg8[%swap3A_368], %swap3A_371 {strides = array<i32>} : memref<256xf32, #tpu.memory_space<vmem>>, vector<16xf32>,
      %add3A_372 = arith.constant 96 : i32
      %add3A_373 = arith.addi %mul3A_24, %add3A_372 : i32
      %get3A_374 = arith.index_cast %add3A_373 : i32 to index
      %get3A_375 = tpu.vector_load %arg7[%get3A_374] {strides = array<i32>} : memref<1024xf32, #tpu.memory_space<vmem>>, vector<16xf32>,
      %get3A_376 = vector.shape_cast %get3A_375 : vector<16xf32> to vector<16xf32>
      %add3A_377 = arith.constant 256 : i32
      %add3A_378 = arith.addi %mul3A_24, %add3A_377 : i32
      %add3A_379 = arith.constant 96 : i32
      %add3A_380 = arith.addi %add3A_378, %add3A_379 : i32
      %get3A_381 = arith.index_cast %add3A_380 : i32 to index
      %get3A_382 = tpu.vector_load %arg7[%get3A_381] {strides = array<i32>} : memref<1024xf32, #tpu.memory_space<vmem>>, vector<16xf32>,
      %get3A_383 = vector.shape_cast %get3A_382 : vector<16xf32> to vector<16xf32>
      %max3A_384 = arith.constant 0.000000e+00 : f32
      %max3A_385 = vector.broadcast %max3A_384 : f32 to vector<16xf32>
      %max3A_386 = arith.maximumf %get3A_376, %max3A_385 : vector<16xf32>
      %min3A_387 = arith.constant 6.300000e+01 : f32
      %min3A_388 = vector.broadcast %min3A_387 : f32 to vector<16xf32>
      %min3A_389 = arith.minimumf %max3A_386, %min3A_388 : vector<16xf32>
      %add3A_390 = arith.constant 5.000000e-01 : f32
      %add3A_391 = vector.broadcast %add3A_390 : f32 to vector<16xf32>
      %add3A_392 = arith.addf %min3A_389, %add3A_391 : vector<16xf32>
      %convert_element_type3A_393 = arith.fptosi %add3A_392 : vector<16xf32> to vector<16xi32>
      %convert_element_type3A_394 = arith.sitofp %convert_element_type3A_393 : vector<16xi32> to vector<16xf32>
      %sub3A_395 = arith.subf %get3A_376, %convert_element_type3A_394 : vector<16xf32>
      %max3A_396 = arith.constant 0.000000e+00 : f32
      %max3A_397 = vector.broadcast %max3A_396 : f32 to vector<16xf32>
      %max3A_398 = arith.maximumf %get3A_383, %max3A_397 : vector<16xf32>
      %min3A_399 = arith.constant 6.300000e+01 : f32
      %min3A_400 = vector.broadcast %min3A_399 : f32 to vector<16xf32>
      %min3A_401 = arith.minimumf %max3A_398, %min3A_400 : vector<16xf32>
      %add3A_402 = arith.constant 5.000000e-01 : f32
      %add3A_403 = vector.broadcast %add3A_402 : f32 to vector<16xf32>
      %add3A_404 = arith.addf %min3A_401, %add3A_403 : vector<16xf32>
      %convert_element_type3A_405 = arith.fptosi %add3A_404 : vector<16xf32> to vector<16xi32>
      %convert_element_type3A_406 = arith.sitofp %convert_element_type3A_405 : vector<16xi32> to vector<16xf32>
      %sub3A_407 = arith.subf %get3A_383, %convert_element_type3A_406 : vector<16xf32>
      %mul3A_408 = arith.mulf %sub3A_395, %sub3A_395 : vector<16xf32>
      %mul3A_409 = arith.mulf %sub3A_407, %sub3A_407 : vector<16xf32>
      %add3A_410 = arith.addf %mul3A_408, %mul3A_409 : vector<16xf32>
      %swap3A_411 = arith.constant 96 : index
      %swap3A_412 = tpu.vector_load %arg8[%swap3A_411] {strides = array<i32>} : memref<256xf32, #tpu.memory_space<vmem>>, vector<16xf32>,
      %swap3A_413 = vector.shape_cast %swap3A_412 : vector<16xf32> to vector<16xf32>
      %swap3A_414 = vector.shape_cast %add3A_410 : vector<16xf32> to vector<16xf32>
      tpu.vector_store %arg8[%swap3A_411], %swap3A_414 {strides = array<i32>} : memref<256xf32, #tpu.memory_space<vmem>>, vector<16xf32>,
      %add3A_415 = arith.constant 112 : i32
      %add3A_416 = arith.addi %mul3A_24, %add3A_415 : i32
      %get3A_417 = arith.index_cast %add3A_416 : i32 to index
      %get3A_418 = tpu.vector_load %arg7[%get3A_417] {strides = array<i32>} : memref<1024xf32, #tpu.memory_space<vmem>>, vector<16xf32>,
      %get3A_419 = vector.shape_cast %get3A_418 : vector<16xf32> to vector<16xf32>
      %add3A_420 = arith.constant 256 : i32
      %add3A_421 = arith.addi %mul3A_24, %add3A_420 : i32
      %add3A_422 = arith.constant 112 : i32
      %add3A_423 = arith.addi %add3A_421, %add3A_422 : i32
      %get3A_424 = arith.index_cast %add3A_423 : i32 to index
      %get3A_425 = tpu.vector_load %arg7[%get3A_424] {strides = array<i32>} : memref<1024xf32, #tpu.memory_space<vmem>>, vector<16xf32>,
      %get3A_426 = vector.shape_cast %get3A_425 : vector<16xf32> to vector<16xf32>
      %max3A_427 = arith.constant 0.000000e+00 : f32
      %max3A_428 = vector.broadcast %max3A_427 : f32 to vector<16xf32>
      %max3A_429 = arith.maximumf %get3A_419, %max3A_428 : vector<16xf32>
      %min3A_430 = arith.constant 6.300000e+01 : f32
      %min3A_431 = vector.broadcast %min3A_430 : f32 to vector<16xf32>
      %min3A_432 = arith.minimumf %max3A_429, %min3A_431 : vector<16xf32>
      %add3A_433 = arith.constant 5.000000e-01 : f32
      %add3A_434 = vector.broadcast %add3A_433 : f32 to vector<16xf32>
      %add3A_435 = arith.addf %min3A_432, %add3A_434 : vector<16xf32>
      %convert_element_type3A_436 = arith.fptosi %add3A_435 : vector<16xf32> to vector<16xi32>
      %convert_element_type3A_437 = arith.sitofp %convert_element_type3A_436 : vector<16xi32> to vector<16xf32>
      %sub3A_438 = arith.subf %get3A_419, %convert_element_type3A_437 : vector<16xf32>
      %max3A_439 = arith.constant 0.000000e+00 : f32
      %max3A_440 = vector.broadcast %max3A_439 : f32 to vector<16xf32>
      %max3A_441 = arith.maximumf %get3A_426, %max3A_440 : vector<16xf32>
      %min3A_442 = arith.constant 6.300000e+01 : f32
      %min3A_443 = vector.broadcast %min3A_442 : f32 to vector<16xf32>
      %min3A_444 = arith.minimumf %max3A_441, %min3A_443 : vector<16xf32>
      %add3A_445 = arith.constant 5.000000e-01 : f32
      %add3A_446 = vector.broadcast %add3A_445 : f32 to vector<16xf32>
      %add3A_447 = arith.addf %min3A_444, %add3A_446 : vector<16xf32>
      %convert_element_type3A_448 = arith.fptosi %add3A_447 : vector<16xf32> to vector<16xi32>
      %convert_element_type3A_449 = arith.sitofp %convert_element_type3A_448 : vector<16xi32> to vector<16xf32>
      %sub3A_450 = arith.subf %get3A_426, %convert_element_type3A_449 : vector<16xf32>
      %mul3A_451 = arith.mulf %sub3A_438, %sub3A_438 : vector<16xf32>
      %mul3A_452 = arith.mulf %sub3A_450, %sub3A_450 : vector<16xf32>
      %add3A_453 = arith.addf %mul3A_451, %mul3A_452 : vector<16xf32>
      %swap3A_454 = arith.constant 112 : index
      %swap3A_455 = tpu.vector_load %arg8[%swap3A_454] {strides = array<i32>} : memref<256xf32, #tpu.memory_space<vmem>>, vector<16xf32>,
      %swap3A_456 = vector.shape_cast %swap3A_455 : vector<16xf32> to vector<16xf32>
      %swap3A_457 = vector.shape_cast %add3A_453 : vector<16xf32> to vector<16xf32>
      tpu.vector_store %arg8[%swap3A_454], %swap3A_457 {strides = array<i32>} : memref<256xf32, #tpu.memory_space<vmem>>, vector<16xf32>,
      %add3A_458 = arith.constant 128 : i32
      %add3A_459 = arith.addi %mul3A_24, %add3A_458 : i32
      %get3A_460 = arith.index_cast %add3A_459 : i32 to index
      %get3A_461 = tpu.vector_load %arg7[%get3A_460] {strides = array<i32>} : memref<1024xf32, #tpu.memory_space<vmem>>, vector<16xf32>,
      %get3A_462 = vector.shape_cast %get3A_461 : vector<16xf32> to vector<16xf32>
      %add3A_463 = arith.constant 256 : i32
      %add3A_464 = arith.addi %mul3A_24, %add3A_463 : i32
      %add3A_465 = arith.constant 128 : i32
      %add3A_466 = arith.addi %add3A_464, %add3A_465 : i32
      %get3A_467 = arith.index_cast %add3A_466 : i32 to index
      %get3A_468 = tpu.vector_load %arg7[%get3A_467] {strides = array<i32>} : memref<1024xf32, #tpu.memory_space<vmem>>, vector<16xf32>,
      %get3A_469 = vector.shape_cast %get3A_468 : vector<16xf32> to vector<16xf32>
      %max3A_470 = arith.constant 0.000000e+00 : f32
      %max3A_471 = vector.broadcast %max3A_470 : f32 to vector<16xf32>
      %max3A_472 = arith.maximumf %get3A_462, %max3A_471 : vector<16xf32>
      %min3A_473 = arith.constant 6.300000e+01 : f32
      %min3A_474 = vector.broadcast %min3A_473 : f32 to vector<16xf32>
      %min3A_475 = arith.minimumf %max3A_472, %min3A_474 : vector<16xf32>
      %add3A_476 = arith.constant 5.000000e-01 : f32
      %add3A_477 = vector.broadcast %add3A_476 : f32 to vector<16xf32>
      %add3A_478 = arith.addf %min3A_475, %add3A_477 : vector<16xf32>
      %convert_element_type3A_479 = arith.fptosi %add3A_478 : vector<16xf32> to vector<16xi32>
      %convert_element_type3A_480 = arith.sitofp %convert_element_type3A_479 : vector<16xi32> to vector<16xf32>
      %sub3A_481 = arith.subf %get3A_462, %convert_element_type3A_480 : vector<16xf32>
      %max3A_482 = arith.constant 0.000000e+00 : f32
      %max3A_483 = vector.broadcast %max3A_482 : f32 to vector<16xf32>
      %max3A_484 = arith.maximumf %get3A_469, %max3A_483 : vector<16xf32>
      %min3A_485 = arith.constant 6.300000e+01 : f32
      %min3A_486 = vector.broadcast %min3A_485 : f32 to vector<16xf32>
      %min3A_487 = arith.minimumf %max3A_484, %min3A_486 : vector<16xf32>
      %add3A_488 = arith.constant 5.000000e-01 : f32
      %add3A_489 = vector.broadcast %add3A_488 : f32 to vector<16xf32>
      %add3A_490 = arith.addf %min3A_487, %add3A_489 : vector<16xf32>
      %convert_element_type3A_491 = arith.fptosi %add3A_490 : vector<16xf32> to vector<16xi32>
      %convert_element_type3A_492 = arith.sitofp %convert_element_type3A_491 : vector<16xi32> to vector<16xf32>
      %sub3A_493 = arith.subf %get3A_469, %convert_element_type3A_492 : vector<16xf32>
      %mul3A_494 = arith.mulf %sub3A_481, %sub3A_481 : vector<16xf32>
      %mul3A_495 = arith.mulf %sub3A_493, %sub3A_493 : vector<16xf32>
      %add3A_496 = arith.addf %mul3A_494, %mul3A_495 : vector<16xf32>
      %swap3A_497 = arith.constant 128 : index
      %swap3A_498 = tpu.vector_load %arg8[%swap3A_497] {strides = array<i32>} : memref<256xf32, #tpu.memory_space<vmem>>, vector<16xf32>,
      %swap3A_499 = vector.shape_cast %swap3A_498 : vector<16xf32> to vector<16xf32>
      %swap3A_500 = vector.shape_cast %add3A_496 : vector<16xf32> to vector<16xf32>
      tpu.vector_store %arg8[%swap3A_497], %swap3A_500 {strides = array<i32>} : memref<256xf32, #tpu.memory_space<vmem>>, vector<16xf32>,
      %add3A_501 = arith.constant 144 : i32
      %add3A_502 = arith.addi %mul3A_24, %add3A_501 : i32
      %get3A_503 = arith.index_cast %add3A_502 : i32 to index
      %get3A_504 = tpu.vector_load %arg7[%get3A_503] {strides = array<i32>} : memref<1024xf32, #tpu.memory_space<vmem>>, vector<16xf32>,
      %get3A_505 = vector.shape_cast %get3A_504 : vector<16xf32> to vector<16xf32>
      %add3A_506 = arith.constant 256 : i32
      %add3A_507 = arith.addi %mul3A_24, %add3A_506 : i32
      %add3A_508 = arith.constant 144 : i32
      %add3A_509 = arith.addi %add3A_507, %add3A_508 : i32
      %get3A_510 = arith.index_cast %add3A_509 : i32 to index
      %get3A_511 = tpu.vector_load %arg7[%get3A_510] {strides = array<i32>} : memref<1024xf32, #tpu.memory_space<vmem>>, vector<16xf32>,
      %get3A_512 = vector.shape_cast %get3A_511 : vector<16xf32> to vector<16xf32>
      %max3A_513 = arith.constant 0.000000e+00 : f32
      %max3A_514 = vector.broadcast %max3A_513 : f32 to vector<16xf32>
      %max3A_515 = arith.maximumf %get3A_505, %max3A_514 : vector<16xf32>
      %min3A_516 = arith.constant 6.300000e+01 : f32
      %min3A_517 = vector.broadcast %min3A_516 : f32 to vector<16xf32>
      %min3A_518 = arith.minimumf %max3A_515, %min3A_517 : vector<16xf32>
      %add3A_519 = arith.constant 5.000000e-01 : f32
      %add3A_520 = vector.broadcast %add3A_519 : f32 to vector<16xf32>
      %add3A_521 = arith.addf %min3A_518, %add3A_520 : vector<16xf32>
      %convert_element_type3A_522 = arith.fptosi %add3A_521 : vector<16xf32> to vector<16xi32>
      %convert_element_type3A_523 = arith.sitofp %convert_element_type3A_522 : vector<16xi32> to vector<16xf32>
      %sub3A_524 = arith.subf %get3A_505, %convert_element_type3A_523 : vector<16xf32>
      %max3A_525 = arith.constant 0.000000e+00 : f32
      %max3A_526 = vector.broadcast %max3A_525 : f32 to vector<16xf32>
      %max3A_527 = arith.maximumf %get3A_512, %max3A_526 : vector<16xf32>
      %min3A_528 = arith.constant 6.300000e+01 : f32
      %min3A_529 = vector.broadcast %min3A_528 : f32 to vector<16xf32>
      %min3A_530 = arith.minimumf %max3A_527, %min3A_529 : vector<16xf32>
      %add3A_531 = arith.constant 5.000000e-01 : f32
      %add3A_532 = vector.broadcast %add3A_531 : f32 to vector<16xf32>
      %add3A_533 = arith.addf %min3A_530, %add3A_532 : vector<16xf32>
      %convert_element_type3A_534 = arith.fptosi %add3A_533 : vector<16xf32> to vector<16xi32>
      %convert_element_type3A_535 = arith.sitofp %convert_element_type3A_534 : vector<16xi32> to vector<16xf32>
      %sub3A_536 = arith.subf %get3A_512, %convert_element_type3A_535 : vector<16xf32>
      %mul3A_537 = arith.mulf %sub3A_524, %sub3A_524 : vector<16xf32>
      %mul3A_538 = arith.mulf %sub3A_536, %sub3A_536 : vector<16xf32>
      %add3A_539 = arith.addf %mul3A_537, %mul3A_538 : vector<16xf32>
      %swap3A_540 = arith.constant 144 : index
      %swap3A_541 = tpu.vector_load %arg8[%swap3A_540] {strides = array<i32>} : memref<256xf32, #tpu.memory_space<vmem>>, vector<16xf32>,
      %swap3A_542 = vector.shape_cast %swap3A_541 : vector<16xf32> to vector<16xf32>
      %swap3A_543 = vector.shape_cast %add3A_539 : vector<16xf32> to vector<16xf32>
      tpu.vector_store %arg8[%swap3A_540], %swap3A_543 {strides = array<i32>} : memref<256xf32, #tpu.memory_space<vmem>>, vector<16xf32>,
      %add3A_544 = arith.constant 160 : i32
      %add3A_545 = arith.addi %mul3A_24, %add3A_544 : i32
      %get3A_546 = arith.index_cast %add3A_545 : i32 to index
      %get3A_547 = tpu.vector_load %arg7[%get3A_546] {strides = array<i32>} : memref<1024xf32, #tpu.memory_space<vmem>>, vector<16xf32>,
      %get3A_548 = vector.shape_cast %get3A_547 : vector<16xf32> to vector<16xf32>
      %add3A_549 = arith.constant 256 : i32
      %add3A_550 = arith.addi %mul3A_24, %add3A_549 : i32
      %add3A_551 = arith.constant 160 : i32
      %add3A_552 = arith.addi %add3A_550, %add3A_551 : i32
      %get3A_553 = arith.index_cast %add3A_552 : i32 to index
      %get3A_554 = tpu.vector_load %arg7[%get3A_553] {strides = array<i32>} : memref<1024xf32, #tpu.memory_space<vmem>>, vector<16xf32>,
      %get3A_555 = vector.shape_cast %get3A_554 : vector<16xf32> to vector<16xf32>
      %max3A_556 = arith.constant 0.000000e+00 : f32
      %max3A_557 = vector.broadcast %max3A_556 : f32 to vector<16xf32>
      %max3A_558 = arith.maximumf %get3A_548, %max3A_557 : vector<16xf32>
      %min3A_559 = arith.constant 6.300000e+01 : f32
      %min3A_560 = vector.broadcast %min3A_559 : f32 to vector<16xf32>
      %min3A_561 = arith.minimumf %max3A_558, %min3A_560 : vector<16xf32>
      %add3A_562 = arith.constant 5.000000e-01 : f32
      %add3A_563 = vector.broadcast %add3A_562 : f32 to vector<16xf32>
      %add3A_564 = arith.addf %min3A_561, %add3A_563 : vector<16xf32>
      %convert_element_type3A_565 = arith.fptosi %add3A_564 : vector<16xf32> to vector<16xi32>
      %convert_element_type3A_566 = arith.sitofp %convert_element_type3A_565 : vector<16xi32> to vector<16xf32>
      %sub3A_567 = arith.subf %get3A_548, %convert_element_type3A_566 : vector<16xf32>
      %max3A_568 = arith.constant 0.000000e+00 : f32
      %max3A_569 = vector.broadcast %max3A_568 : f32 to vector<16xf32>
      %max3A_570 = arith.maximumf %get3A_555, %max3A_569 : vector<16xf32>
      %min3A_571 = arith.constant 6.300000e+01 : f32
      %min3A_572 = vector.broadcast %min3A_571 : f32 to vector<16xf32>
      %min3A_573 = arith.minimumf %max3A_570, %min3A_572 : vector<16xf32>
      %add3A_574 = arith.constant 5.000000e-01 : f32
      %add3A_575 = vector.broadcast %add3A_574 : f32 to vector<16xf32>
      %add3A_576 = arith.addf %min3A_573, %add3A_575 : vector<16xf32>
      %convert_element_type3A_577 = arith.fptosi %add3A_576 : vector<16xf32> to vector<16xi32>
      %convert_element_type3A_578 = arith.sitofp %convert_element_type3A_577 : vector<16xi32> to vector<16xf32>
      %sub3A_579 = arith.subf %get3A_555, %convert_element_type3A_578 : vector<16xf32>
      %mul3A_580 = arith.mulf %sub3A_567, %sub3A_567 : vector<16xf32>
      %mul3A_581 = arith.mulf %sub3A_579, %sub3A_579 : vector<16xf32>
      %add3A_582 = arith.addf %mul3A_580, %mul3A_581 : vector<16xf32>
      %swap3A_583 = arith.constant 160 : index
      %swap3A_584 = tpu.vector_load %arg8[%swap3A_583] {strides = array<i32>} : memref<256xf32, #tpu.memory_space<vmem>>, vector<16xf32>,
      %swap3A_585 = vector.shape_cast %swap3A_584 : vector<16xf32> to vector<16xf32>
      %swap3A_586 = vector.shape_cast %add3A_582 : vector<16xf32> to vector<16xf32>
      tpu.vector_store %arg8[%swap3A_583], %swap3A_586 {strides = array<i32>} : memref<256xf32, #tpu.memory_space<vmem>>, vector<16xf32>,
      %add3A_587 = arith.constant 176 : i32
      %add3A_588 = arith.addi %mul3A_24, %add3A_587 : i32
      %get3A_589 = arith.index_cast %add3A_588 : i32 to index
      %get3A_590 = tpu.vector_load %arg7[%get3A_589] {strides = array<i32>} : memref<1024xf32, #tpu.memory_space<vmem>>, vector<16xf32>,
      %get3A_591 = vector.shape_cast %get3A_590 : vector<16xf32> to vector<16xf32>
      %add3A_592 = arith.constant 256 : i32
      %add3A_593 = arith.addi %mul3A_24, %add3A_592 : i32
      %add3A_594 = arith.constant 176 : i32
      %add3A_595 = arith.addi %add3A_593, %add3A_594 : i32
      %get3A_596 = arith.index_cast %add3A_595 : i32 to index
      %get3A_597 = tpu.vector_load %arg7[%get3A_596] {strides = array<i32>} : memref<1024xf32, #tpu.memory_space<vmem>>, vector<16xf32>,
      %get3A_598 = vector.shape_cast %get3A_597 : vector<16xf32> to vector<16xf32>
      %max3A_599 = arith.constant 0.000000e+00 : f32
      %max3A_600 = vector.broadcast %max3A_599 : f32 to vector<16xf32>
      %max3A_601 = arith.maximumf %get3A_591, %max3A_600 : vector<16xf32>
      %min3A_602 = arith.constant 6.300000e+01 : f32
      %min3A_603 = vector.broadcast %min3A_602 : f32 to vector<16xf32>
      %min3A_604 = arith.minimumf %max3A_601, %min3A_603 : vector<16xf32>
      %add3A_605 = arith.constant 5.000000e-01 : f32
      %add3A_606 = vector.broadcast %add3A_605 : f32 to vector<16xf32>
      %add3A_607 = arith.addf %min3A_604, %add3A_606 : vector<16xf32>
      %convert_element_type3A_608 = arith.fptosi %add3A_607 : vector<16xf32> to vector<16xi32>
      %convert_element_type3A_609 = arith.sitofp %convert_element_type3A_608 : vector<16xi32> to vector<16xf32>
      %sub3A_610 = arith.subf %get3A_591, %convert_element_type3A_609 : vector<16xf32>
      %max3A_611 = arith.constant 0.000000e+00 : f32
      %max3A_612 = vector.broadcast %max3A_611 : f32 to vector<16xf32>
      %max3A_613 = arith.maximumf %get3A_598, %max3A_612 : vector<16xf32>
      %min3A_614 = arith.constant 6.300000e+01 : f32
      %min3A_615 = vector.broadcast %min3A_614 : f32 to vector<16xf32>
      %min3A_616 = arith.minimumf %max3A_613, %min3A_615 : vector<16xf32>
      %add3A_617 = arith.constant 5.000000e-01 : f32
      %add3A_618 = vector.broadcast %add3A_617 : f32 to vector<16xf32>
      %add3A_619 = arith.addf %min3A_616, %add3A_618 : vector<16xf32>
      %convert_element_type3A_620 = arith.fptosi %add3A_619 : vector<16xf32> to vector<16xi32>
      %convert_element_type3A_621 = arith.sitofp %convert_element_type3A_620 : vector<16xi32> to vector<16xf32>
      %sub3A_622 = arith.subf %get3A_598, %convert_element_type3A_621 : vector<16xf32>
      %mul3A_623 = arith.mulf %sub3A_610, %sub3A_610 : vector<16xf32>
      %mul3A_624 = arith.mulf %sub3A_622, %sub3A_622 : vector<16xf32>
      %add3A_625 = arith.addf %mul3A_623, %mul3A_624 : vector<16xf32>
      %swap3A_626 = arith.constant 176 : index
      %swap3A_627 = tpu.vector_load %arg8[%swap3A_626] {strides = array<i32>} : memref<256xf32, #tpu.memory_space<vmem>>, vector<16xf32>,
      %swap3A_628 = vector.shape_cast %swap3A_627 : vector<16xf32> to vector<16xf32>
      %swap3A_629 = vector.shape_cast %add3A_625 : vector<16xf32> to vector<16xf32>
      tpu.vector_store %arg8[%swap3A_626], %swap3A_629 {strides = array<i32>} : memref<256xf32, #tpu.memory_space<vmem>>, vector<16xf32>,
      %add3A_630 = arith.constant 192 : i32
      %add3A_631 = arith.addi %mul3A_24, %add3A_630 : i32
      %get3A_632 = arith.index_cast %add3A_631 : i32 to index
      %get3A_633 = tpu.vector_load %arg7[%get3A_632] {strides = array<i32>} : memref<1024xf32, #tpu.memory_space<vmem>>, vector<16xf32>,
      %get3A_634 = vector.shape_cast %get3A_633 : vector<16xf32> to vector<16xf32>
      %add3A_635 = arith.constant 256 : i32
      %add3A_636 = arith.addi %mul3A_24, %add3A_635 : i32
      %add3A_637 = arith.constant 192 : i32
      %add3A_638 = arith.addi %add3A_636, %add3A_637 : i32
      %get3A_639 = arith.index_cast %add3A_638 : i32 to index
      %get3A_640 = tpu.vector_load %arg7[%get3A_639] {strides = array<i32>} : memref<1024xf32, #tpu.memory_space<vmem>>, vector<16xf32>,
      %get3A_641 = vector.shape_cast %get3A_640 : vector<16xf32> to vector<16xf32>
      %max3A_642 = arith.constant 0.000000e+00 : f32
      %max3A_643 = vector.broadcast %max3A_642 : f32 to vector<16xf32>
      %max3A_644 = arith.maximumf %get3A_634, %max3A_643 : vector<16xf32>
      %min3A_645 = arith.constant 6.300000e+01 : f32
      %min3A_646 = vector.broadcast %min3A_645 : f32 to vector<16xf32>
      %min3A_647 = arith.minimumf %max3A_644, %min3A_646 : vector<16xf32>
      %add3A_648 = arith.constant 5.000000e-01 : f32
      %add3A_649 = vector.broadcast %add3A_648 : f32 to vector<16xf32>
      %add3A_650 = arith.addf %min3A_647, %add3A_649 : vector<16xf32>
      %convert_element_type3A_651 = arith.fptosi %add3A_650 : vector<16xf32> to vector<16xi32>
      %convert_element_type3A_652 = arith.sitofp %convert_element_type3A_651 : vector<16xi32> to vector<16xf32>
      %sub3A_653 = arith.subf %get3A_634, %convert_element_type3A_652 : vector<16xf32>
      %max3A_654 = arith.constant 0.000000e+00 : f32
      %max3A_655 = vector.broadcast %max3A_654 : f32 to vector<16xf32>
      %max3A_656 = arith.maximumf %get3A_641, %max3A_655 : vector<16xf32>
      %min3A_657 = arith.constant 6.300000e+01 : f32
      %min3A_658 = vector.broadcast %min3A_657 : f32 to vector<16xf32>
      %min3A_659 = arith.minimumf %max3A_656, %min3A_658 : vector<16xf32>
      %add3A_660 = arith.constant 5.000000e-01 : f32
      %add3A_661 = vector.broadcast %add3A_660 : f32 to vector<16xf32>
      %add3A_662 = arith.addf %min3A_659, %add3A_661 : vector<16xf32>
      %convert_element_type3A_663 = arith.fptosi %add3A_662 : vector<16xf32> to vector<16xi32>
      %convert_element_type3A_664 = arith.sitofp %convert_element_type3A_663 : vector<16xi32> to vector<16xf32>
      %sub3A_665 = arith.subf %get3A_641, %convert_element_type3A_664 : vector<16xf32>
      %mul3A_666 = arith.mulf %sub3A_653, %sub3A_653 : vector<16xf32>
      %mul3A_667 = arith.mulf %sub3A_665, %sub3A_665 : vector<16xf32>
      %add3A_668 = arith.addf %mul3A_666, %mul3A_667 : vector<16xf32>
      %swap3A_669 = arith.constant 192 : index
      %swap3A_670 = tpu.vector_load %arg8[%swap3A_669] {strides = array<i32>} : memref<256xf32, #tpu.memory_space<vmem>>, vector<16xf32>,
      %swap3A_671 = vector.shape_cast %swap3A_670 : vector<16xf32> to vector<16xf32>
      %swap3A_672 = vector.shape_cast %add3A_668 : vector<16xf32> to vector<16xf32>
      tpu.vector_store %arg8[%swap3A_669], %swap3A_672 {strides = array<i32>} : memref<256xf32, #tpu.memory_space<vmem>>, vector<16xf32>,
      %add3A_673 = arith.constant 208 : i32
      %add3A_674 = arith.addi %mul3A_24, %add3A_673 : i32
      %get3A_675 = arith.index_cast %add3A_674 : i32 to index
      %get3A_676 = tpu.vector_load %arg7[%get3A_675] {strides = array<i32>} : memref<1024xf32, #tpu.memory_space<vmem>>, vector<16xf32>,
      %get3A_677 = vector.shape_cast %get3A_676 : vector<16xf32> to vector<16xf32>
      %add3A_678 = arith.constant 256 : i32
      %add3A_679 = arith.addi %mul3A_24, %add3A_678 : i32
      %add3A_680 = arith.constant 208 : i32
      %add3A_681 = arith.addi %add3A_679, %add3A_680 : i32
      %get3A_682 = arith.index_cast %add3A_681 : i32 to index
      %get3A_683 = tpu.vector_load %arg7[%get3A_682] {strides = array<i32>} : memref<1024xf32, #tpu.memory_space<vmem>>, vector<16xf32>,
      %get3A_684 = vector.shape_cast %get3A_683 : vector<16xf32> to vector<16xf32>
      %max3A_685 = arith.constant 0.000000e+00 : f32
      %max3A_686 = vector.broadcast %max3A_685 : f32 to vector<16xf32>
      %max3A_687 = arith.maximumf %get3A_677, %max3A_686 : vector<16xf32>
      %min3A_688 = arith.constant 6.300000e+01 : f32
      %min3A_689 = vector.broadcast %min3A_688 : f32 to vector<16xf32>
      %min3A_690 = arith.minimumf %max3A_687, %min3A_689 : vector<16xf32>
      %add3A_691 = arith.constant 5.000000e-01 : f32
      %add3A_692 = vector.broadcast %add3A_691 : f32 to vector<16xf32>
      %add3A_693 = arith.addf %min3A_690, %add3A_692 : vector<16xf32>
      %convert_element_type3A_694 = arith.fptosi %add3A_693 : vector<16xf32> to vector<16xi32>
      %convert_element_type3A_695 = arith.sitofp %convert_element_type3A_694 : vector<16xi32> to vector<16xf32>
      %sub3A_696 = arith.subf %get3A_677, %convert_element_type3A_695 : vector<16xf32>
      %max3A_697 = arith.constant 0.000000e+00 : f32
      %max3A_698 = vector.broadcast %max3A_697 : f32 to vector<16xf32>
      %max3A_699 = arith.maximumf %get3A_684, %max3A_698 : vector<16xf32>
      %min3A_700 = arith.constant 6.300000e+01 : f32
      %min3A_701 = vector.broadcast %min3A_700 : f32 to vector<16xf32>
      %min3A_702 = arith.minimumf %max3A_699, %min3A_701 : vector<16xf32>
      %add3A_703 = arith.constant 5.000000e-01 : f32
      %add3A_704 = vector.broadcast %add3A_703 : f32 to vector<16xf32>
      %add3A_705 = arith.addf %min3A_702, %add3A_704 : vector<16xf32>
      %convert_element_type3A_706 = arith.fptosi %add3A_705 : vector<16xf32> to vector<16xi32>
      %convert_element_type3A_707 = arith.sitofp %convert_element_type3A_706 : vector<16xi32> to vector<16xf32>
      %sub3A_708 = arith.subf %get3A_684, %convert_element_type3A_707 : vector<16xf32>
      %mul3A_709 = arith.mulf %sub3A_696, %sub3A_696 : vector<16xf32>
      %mul3A_710 = arith.mulf %sub3A_708, %sub3A_708 : vector<16xf32>
      %add3A_711 = arith.addf %mul3A_709, %mul3A_710 : vector<16xf32>
      %swap3A_712 = arith.constant 208 : index
      %swap3A_713 = tpu.vector_load %arg8[%swap3A_712] {strides = array<i32>} : memref<256xf32, #tpu.memory_space<vmem>>, vector<16xf32>,
      %swap3A_714 = vector.shape_cast %swap3A_713 : vector<16xf32> to vector<16xf32>
      %swap3A_715 = vector.shape_cast %add3A_711 : vector<16xf32> to vector<16xf32>
      tpu.vector_store %arg8[%swap3A_712], %swap3A_715 {strides = array<i32>} : memref<256xf32, #tpu.memory_space<vmem>>, vector<16xf32>,
      %add3A_716 = arith.constant 224 : i32
      %add3A_717 = arith.addi %mul3A_24, %add3A_716 : i32
      %get3A_718 = arith.index_cast %add3A_717 : i32 to index
      %get3A_719 = tpu.vector_load %arg7[%get3A_718] {strides = array<i32>} : memref<1024xf32, #tpu.memory_space<vmem>>, vector<16xf32>,
      %get3A_720 = vector.shape_cast %get3A_719 : vector<16xf32> to vector<16xf32>
      %add3A_721 = arith.constant 256 : i32
      %add3A_722 = arith.addi %mul3A_24, %add3A_721 : i32
      %add3A_723 = arith.constant 224 : i32
      %add3A_724 = arith.addi %add3A_722, %add3A_723 : i32
      %get3A_725 = arith.index_cast %add3A_724 : i32 to index
      %get3A_726 = tpu.vector_load %arg7[%get3A_725] {strides = array<i32>} : memref<1024xf32, #tpu.memory_space<vmem>>, vector<16xf32>,
      %get3A_727 = vector.shape_cast %get3A_726 : vector<16xf32> to vector<16xf32>
      %max3A_728 = arith.constant 0.000000e+00 : f32
      %max3A_729 = vector.broadcast %max3A_728 : f32 to vector<16xf32>
      %max3A_730 = arith.maximumf %get3A_720, %max3A_729 : vector<16xf32>
      %min3A_731 = arith.constant 6.300000e+01 : f32
      %min3A_732 = vector.broadcast %min3A_731 : f32 to vector<16xf32>
      %min3A_733 = arith.minimumf %max3A_730, %min3A_732 : vector<16xf32>
      %add3A_734 = arith.constant 5.000000e-01 : f32
      %add3A_735 = vector.broadcast %add3A_734 : f32 to vector<16xf32>
      %add3A_736 = arith.addf %min3A_733, %add3A_735 : vector<16xf32>
      %convert_element_type3A_737 = arith.fptosi %add3A_736 : vector<16xf32> to vector<16xi32>
      %convert_element_type3A_738 = arith.sitofp %convert_element_type3A_737 : vector<16xi32> to vector<16xf32>
      %sub3A_739 = arith.subf %get3A_720, %convert_element_type3A_738 : vector<16xf32>
      %max3A_740 = arith.constant 0.000000e+00 : f32
      %max3A_741 = vector.broadcast %max3A_740 : f32 to vector<16xf32>
      %max3A_742 = arith.maximumf %get3A_727, %max3A_741 : vector<16xf32>
      %min3A_743 = arith.constant 6.300000e+01 : f32
      %min3A_744 = vector.broadcast %min3A_743 : f32 to vector<16xf32>
      %min3A_745 = arith.minimumf %max3A_742, %min3A_744 : vector<16xf32>
      %add3A_746 = arith.constant 5.000000e-01 : f32
      %add3A_747 = vector.broadcast %add3A_746 : f32 to vector<16xf32>
      %add3A_748 = arith.addf %min3A_745, %add3A_747 : vector<16xf32>
      %convert_element_type3A_749 = arith.fptosi %add3A_748 : vector<16xf32> to vector<16xi32>
      %convert_element_type3A_750 = arith.sitofp %convert_element_type3A_749 : vector<16xi32> to vector<16xf32>
      %sub3A_751 = arith.subf %get3A_727, %convert_element_type3A_750 : vector<16xf32>
      %mul3A_752 = arith.mulf %sub3A_739, %sub3A_739 : vector<16xf32>
      %mul3A_753 = arith.mulf %sub3A_751, %sub3A_751 : vector<16xf32>
      %add3A_754 = arith.addf %mul3A_752, %mul3A_753 : vector<16xf32>
      %swap3A_755 = arith.constant 224 : index
      %swap3A_756 = tpu.vector_load %arg8[%swap3A_755] {strides = array<i32>} : memref<256xf32, #tpu.memory_space<vmem>>, vector<16xf32>,
      %swap3A_757 = vector.shape_cast %swap3A_756 : vector<16xf32> to vector<16xf32>
      %swap3A_758 = vector.shape_cast %add3A_754 : vector<16xf32> to vector<16xf32>
      tpu.vector_store %arg8[%swap3A_755], %swap3A_758 {strides = array<i32>} : memref<256xf32, #tpu.memory_space<vmem>>, vector<16xf32>,
      %add3A_759 = arith.constant 240 : i32
      %add3A_760 = arith.addi %mul3A_24, %add3A_759 : i32
      %get3A_761 = arith.index_cast %add3A_760 : i32 to index
      %get3A_762 = tpu.vector_load %arg7[%get3A_761] {strides = array<i32>} : memref<1024xf32, #tpu.memory_space<vmem>>, vector<16xf32>,
      %get3A_763 = vector.shape_cast %get3A_762 : vector<16xf32> to vector<16xf32>
      %add3A_764 = arith.constant 256 : i32
      %add3A_765 = arith.addi %mul3A_24, %add3A_764 : i32
      %add3A_766 = arith.constant 240 : i32
      %add3A_767 = arith.addi %add3A_765, %add3A_766 : i32
      %get3A_768 = arith.index_cast %add3A_767 : i32 to index
      %get3A_769 = tpu.vector_load %arg7[%get3A_768] {strides = array<i32>} : memref<1024xf32, #tpu.memory_space<vmem>>, vector<16xf32>,
      %get3A_770 = vector.shape_cast %get3A_769 : vector<16xf32> to vector<16xf32>
      %max3A_771 = arith.constant 0.000000e+00 : f32
      %max3A_772 = vector.broadcast %max3A_771 : f32 to vector<16xf32>
      %max3A_773 = arith.maximumf %get3A_763, %max3A_772 : vector<16xf32>
      %min3A_774 = arith.constant 6.300000e+01 : f32
      %min3A_775 = vector.broadcast %min3A_774 : f32 to vector<16xf32>
      %min3A_776 = arith.minimumf %max3A_773, %min3A_775 : vector<16xf32>
      %add3A_777 = arith.constant 5.000000e-01 : f32
      %add3A_778 = vector.broadcast %add3A_777 : f32 to vector<16xf32>
      %add3A_779 = arith.addf %min3A_776, %add3A_778 : vector<16xf32>
      %convert_element_type3A_780 = arith.fptosi %add3A_779 : vector<16xf32> to vector<16xi32>
      %convert_element_type3A_781 = arith.sitofp %convert_element_type3A_780 : vector<16xi32> to vector<16xf32>
      %sub3A_782 = arith.subf %get3A_763, %convert_element_type3A_781 : vector<16xf32>
      %max3A_783 = arith.constant 0.000000e+00 : f32
      %max3A_784 = vector.broadcast %max3A_783 : f32 to vector<16xf32>
      %max3A_785 = arith.maximumf %get3A_770, %max3A_784 : vector<16xf32>
      %min3A_786 = arith.constant 6.300000e+01 : f32
      %min3A_787 = vector.broadcast %min3A_786 : f32 to vector<16xf32>
      %min3A_788 = arith.minimumf %max3A_785, %min3A_787 : vector<16xf32>
      %add3A_789 = arith.constant 5.000000e-01 : f32
      %add3A_790 = vector.broadcast %add3A_789 : f32 to vector<16xf32>
      %add3A_791 = arith.addf %min3A_788, %add3A_790 : vector<16xf32>
      %convert_element_type3A_792 = arith.fptosi %add3A_791 : vector<16xf32> to vector<16xi32>
      %convert_element_type3A_793 = arith.sitofp %convert_element_type3A_792 : vector<16xi32> to vector<16xf32>
      %sub3A_794 = arith.subf %get3A_770, %convert_element_type3A_793 : vector<16xf32>
      %mul3A_795 = arith.mulf %sub3A_782, %sub3A_782 : vector<16xf32>
      %mul3A_796 = arith.mulf %sub3A_794, %sub3A_794 : vector<16xf32>
      %add3A_797 = arith.addf %mul3A_795, %mul3A_796 : vector<16xf32>
      %swap3A_798 = arith.constant 240 : index
      %swap3A_799 = tpu.vector_load %arg8[%swap3A_798] {strides = array<i32>} : memref<256xf32, #tpu.memory_space<vmem>>, vector<16xf32>,
      %swap3A_800 = vector.shape_cast %swap3A_799 : vector<16xf32> to vector<16xf32>
      %swap3A_801 = vector.shape_cast %add3A_797 : vector<16xf32> to vector<16xf32>
      tpu.vector_store %arg8[%swap3A_798], %swap3A_801 {strides = array<i32>} : memref<256xf32, #tpu.memory_space<vmem>>, vector<16xf32>,
    } else {
    }
    %not3A = arith.constant true
    %not3A_111 = arith.xori %and3A_107, %not3A : i1
    %convert_element_type3A_112 = arith.extui %not3A_111 : i1 to i32
    %cond3A_113 = arith.constant 0 : i32
    %cond3A_114 = arith.cmpi ne, %convert_element_type3A_112, %cond3A_113 : i32
    scf.if %cond3A_114 {
      %broadcast_in_dim3A_118 = arith.constant 1.000000e+30 : f32
      %broadcast_in_dim3A_119 = vector.broadcast %broadcast_in_dim3A_118 : f32 to vector<16xf32>
      %swap3A = arith.constant 0 : index
      %swap3A_120 = tpu.vector_load %arg8[%swap3A] {strides = array<i32>} : memref<256xf32, #tpu.memory_space<vmem>>, vector<16xf32>,
      %swap3A_121 = vector.shape_cast %swap3A_120 : vector<16xf32> to vector<16xf32>
      %swap3A_122 = vector.shape_cast %broadcast_in_dim3A_119 : vector<16xf32> to vector<16xf32>
      tpu.vector_store %arg8[%swap3A], %swap3A_122 {strides = array<i32>} : memref<256xf32, #tpu.memory_space<vmem>>, vector<16xf32>,
      %broadcast_in_dim3A_123 = arith.constant 1.000000e+30 : f32
      %broadcast_in_dim3A_124 = vector.broadcast %broadcast_in_dim3A_123 : f32 to vector<16xf32>
      %swap3A_125 = arith.constant 16 : index
      %swap3A_126 = tpu.vector_load %arg8[%swap3A_125] {strides = array<i32>} : memref<256xf32, #tpu.memory_space<vmem>>, vector<16xf32>,
      %swap3A_127 = vector.shape_cast %swap3A_126 : vector<16xf32> to vector<16xf32>
      %swap3A_128 = vector.shape_cast %broadcast_in_dim3A_124 : vector<16xf32> to vector<16xf32>
      tpu.vector_store %arg8[%swap3A_125], %swap3A_128 {strides = array<i32>} : memref<256xf32, #tpu.memory_space<vmem>>, vector<16xf32>,
      %broadcast_in_dim3A_129 = arith.constant 1.000000e+30 : f32
      %broadcast_in_dim3A_130 = vector.broadcast %broadcast_in_dim3A_129 : f32 to vector<16xf32>
      %swap3A_131 = arith.constant 32 : index
      %swap3A_132 = tpu.vector_load %arg8[%swap3A_131] {strides = array<i32>} : memref<256xf32, #tpu.memory_space<vmem>>, vector<16xf32>,
      %swap3A_133 = vector.shape_cast %swap3A_132 : vector<16xf32> to vector<16xf32>
      %swap3A_134 = vector.shape_cast %broadcast_in_dim3A_130 : vector<16xf32> to vector<16xf32>
      tpu.vector_store %arg8[%swap3A_131], %swap3A_134 {strides = array<i32>} : memref<256xf32, #tpu.memory_space<vmem>>, vector<16xf32>,
      %broadcast_in_dim3A_135 = arith.constant 1.000000e+30 : f32
      %broadcast_in_dim3A_136 = vector.broadcast %broadcast_in_dim3A_135 : f32 to vector<16xf32>
      %swap3A_137 = arith.constant 48 : index
      %swap3A_138 = tpu.vector_load %arg8[%swap3A_137] {strides = array<i32>} : memref<256xf32, #tpu.memory_space<vmem>>, vector<16xf32>,
      %swap3A_139 = vector.shape_cast %swap3A_138 : vector<16xf32> to vector<16xf32>
      %swap3A_140 = vector.shape_cast %broadcast_in_dim3A_136 : vector<16xf32> to vector<16xf32>
      tpu.vector_store %arg8[%swap3A_137], %swap3A_140 {strides = array<i32>} : memref<256xf32, #tpu.memory_space<vmem>>, vector<16xf32>,
      %broadcast_in_dim3A_141 = arith.constant 1.000000e+30 : f32
      %broadcast_in_dim3A_142 = vector.broadcast %broadcast_in_dim3A_141 : f32 to vector<16xf32>
      %swap3A_143 = arith.constant 64 : index
      %swap3A_144 = tpu.vector_load %arg8[%swap3A_143] {strides = array<i32>} : memref<256xf32, #tpu.memory_space<vmem>>, vector<16xf32>,
      %swap3A_145 = vector.shape_cast %swap3A_144 : vector<16xf32> to vector<16xf32>
      %swap3A_146 = vector.shape_cast %broadcast_in_dim3A_142 : vector<16xf32> to vector<16xf32>
      tpu.vector_store %arg8[%swap3A_143], %swap3A_146 {strides = array<i32>} : memref<256xf32, #tpu.memory_space<vmem>>, vector<16xf32>,
      %broadcast_in_dim3A_147 = arith.constant 1.000000e+30 : f32
      %broadcast_in_dim3A_148 = vector.broadcast %broadcast_in_dim3A_147 : f32 to vector<16xf32>
      %swap3A_149 = arith.constant 80 : index
      %swap3A_150 = tpu.vector_load %arg8[%swap3A_149] {strides = array<i32>} : memref<256xf32, #tpu.memory_space<vmem>>, vector<16xf32>,
      %swap3A_151 = vector.shape_cast %swap3A_150 : vector<16xf32> to vector<16xf32>
      %swap3A_152 = vector.shape_cast %broadcast_in_dim3A_148 : vector<16xf32> to vector<16xf32>
      tpu.vector_store %arg8[%swap3A_149], %swap3A_152 {strides = array<i32>} : memref<256xf32, #tpu.memory_space<vmem>>, vector<16xf32>,
      %broadcast_in_dim3A_153 = arith.constant 1.000000e+30 : f32
      %broadcast_in_dim3A_154 = vector.broadcast %broadcast_in_dim3A_153 : f32 to vector<16xf32>
      %swap3A_155 = arith.constant 96 : index
      %swap3A_156 = tpu.vector_load %arg8[%swap3A_155] {strides = array<i32>} : memref<256xf32, #tpu.memory_space<vmem>>, vector<16xf32>,
      %swap3A_157 = vector.shape_cast %swap3A_156 : vector<16xf32> to vector<16xf32>
      %swap3A_158 = vector.shape_cast %broadcast_in_dim3A_154 : vector<16xf32> to vector<16xf32>
      tpu.vector_store %arg8[%swap3A_155], %swap3A_158 {strides = array<i32>} : memref<256xf32, #tpu.memory_space<vmem>>, vector<16xf32>,
      %broadcast_in_dim3A_159 = arith.constant 1.000000e+30 : f32
      %broadcast_in_dim3A_160 = vector.broadcast %broadcast_in_dim3A_159 : f32 to vector<16xf32>
      %swap3A_161 = arith.constant 112 : index
      %swap3A_162 = tpu.vector_load %arg8[%swap3A_161] {strides = array<i32>} : memref<256xf32, #tpu.memory_space<vmem>>, vector<16xf32>,
      %swap3A_163 = vector.shape_cast %swap3A_162 : vector<16xf32> to vector<16xf32>
      %swap3A_164 = vector.shape_cast %broadcast_in_dim3A_160 : vector<16xf32> to vector<16xf32>
      tpu.vector_store %arg8[%swap3A_161], %swap3A_164 {strides = array<i32>} : memref<256xf32, #tpu.memory_space<vmem>>, vector<16xf32>,
      %broadcast_in_dim3A_165 = arith.constant 1.000000e+30 : f32
      %broadcast_in_dim3A_166 = vector.broadcast %broadcast_in_dim3A_165 : f32 to vector<16xf32>
      %swap3A_167 = arith.constant 128 : index
      %swap3A_168 = tpu.vector_load %arg8[%swap3A_167] {strides = array<i32>} : memref<256xf32, #tpu.memory_space<vmem>>, vector<16xf32>,
      %swap3A_169 = vector.shape_cast %swap3A_168 : vector<16xf32> to vector<16xf32>
      %swap3A_170 = vector.shape_cast %broadcast_in_dim3A_166 : vector<16xf32> to vector<16xf32>
      tpu.vector_store %arg8[%swap3A_167], %swap3A_170 {strides = array<i32>} : memref<256xf32, #tpu.memory_space<vmem>>, vector<16xf32>,
      %broadcast_in_dim3A_171 = arith.constant 1.000000e+30 : f32
      %broadcast_in_dim3A_172 = vector.broadcast %broadcast_in_dim3A_171 : f32 to vector<16xf32>
      %swap3A_173 = arith.constant 144 : index
      %swap3A_174 = tpu.vector_load %arg8[%swap3A_173] {strides = array<i32>} : memref<256xf32, #tpu.memory_space<vmem>>, vector<16xf32>,
      %swap3A_175 = vector.shape_cast %swap3A_174 : vector<16xf32> to vector<16xf32>
      %swap3A_176 = vector.shape_cast %broadcast_in_dim3A_172 : vector<16xf32> to vector<16xf32>
      tpu.vector_store %arg8[%swap3A_173], %swap3A_176 {strides = array<i32>} : memref<256xf32, #tpu.memory_space<vmem>>, vector<16xf32>,
      %broadcast_in_dim3A_177 = arith.constant 1.000000e+30 : f32
      %broadcast_in_dim3A_178 = vector.broadcast %broadcast_in_dim3A_177 : f32 to vector<16xf32>
      %swap3A_179 = arith.constant 160 : index
      %swap3A_180 = tpu.vector_load %arg8[%swap3A_179] {strides = array<i32>} : memref<256xf32, #tpu.memory_space<vmem>>, vector<16xf32>,
      %swap3A_181 = vector.shape_cast %swap3A_180 : vector<16xf32> to vector<16xf32>
      %swap3A_182 = vector.shape_cast %broadcast_in_dim3A_178 : vector<16xf32> to vector<16xf32>
      tpu.vector_store %arg8[%swap3A_179], %swap3A_182 {strides = array<i32>} : memref<256xf32, #tpu.memory_space<vmem>>, vector<16xf32>,
      %broadcast_in_dim3A_183 = arith.constant 1.000000e+30 : f32
      %broadcast_in_dim3A_184 = vector.broadcast %broadcast_in_dim3A_183 : f32 to vector<16xf32>
      %swap3A_185 = arith.constant 176 : index
      %swap3A_186 = tpu.vector_load %arg8[%swap3A_185] {strides = array<i32>} : memref<256xf32, #tpu.memory_space<vmem>>, vector<16xf32>,
      %swap3A_187 = vector.shape_cast %swap3A_186 : vector<16xf32> to vector<16xf32>
      %swap3A_188 = vector.shape_cast %broadcast_in_dim3A_184 : vector<16xf32> to vector<16xf32>
      tpu.vector_store %arg8[%swap3A_185], %swap3A_188 {strides = array<i32>} : memref<256xf32, #tpu.memory_space<vmem>>, vector<16xf32>,
      %broadcast_in_dim3A_189 = arith.constant 1.000000e+30 : f32
      %broadcast_in_dim3A_190 = vector.broadcast %broadcast_in_dim3A_189 : f32 to vector<16xf32>
      %swap3A_191 = arith.constant 192 : index
      %swap3A_192 = tpu.vector_load %arg8[%swap3A_191] {strides = array<i32>} : memref<256xf32, #tpu.memory_space<vmem>>, vector<16xf32>,
      %swap3A_193 = vector.shape_cast %swap3A_192 : vector<16xf32> to vector<16xf32>
      %swap3A_194 = vector.shape_cast %broadcast_in_dim3A_190 : vector<16xf32> to vector<16xf32>
      tpu.vector_store %arg8[%swap3A_191], %swap3A_194 {strides = array<i32>} : memref<256xf32, #tpu.memory_space<vmem>>, vector<16xf32>,
      %broadcast_in_dim3A_195 = arith.constant 1.000000e+30 : f32
      %broadcast_in_dim3A_196 = vector.broadcast %broadcast_in_dim3A_195 : f32 to vector<16xf32>
      %swap3A_197 = arith.constant 208 : index
      %swap3A_198 = tpu.vector_load %arg8[%swap3A_197] {strides = array<i32>} : memref<256xf32, #tpu.memory_space<vmem>>, vector<16xf32>,
      %swap3A_199 = vector.shape_cast %swap3A_198 : vector<16xf32> to vector<16xf32>
      %swap3A_200 = vector.shape_cast %broadcast_in_dim3A_196 : vector<16xf32> to vector<16xf32>
      tpu.vector_store %arg8[%swap3A_197], %swap3A_200 {strides = array<i32>} : memref<256xf32, #tpu.memory_space<vmem>>, vector<16xf32>,
      %broadcast_in_dim3A_201 = arith.constant 1.000000e+30 : f32
      %broadcast_in_dim3A_202 = vector.broadcast %broadcast_in_dim3A_201 : f32 to vector<16xf32>
      %swap3A_203 = arith.constant 224 : index
      %swap3A_204 = tpu.vector_load %arg8[%swap3A_203] {strides = array<i32>} : memref<256xf32, #tpu.memory_space<vmem>>, vector<16xf32>,
      %swap3A_205 = vector.shape_cast %swap3A_204 : vector<16xf32> to vector<16xf32>
      %swap3A_206 = vector.shape_cast %broadcast_in_dim3A_202 : vector<16xf32> to vector<16xf32>
      tpu.vector_store %arg8[%swap3A_203], %swap3A_206 {strides = array<i32>} : memref<256xf32, #tpu.memory_space<vmem>>, vector<16xf32>,
      %broadcast_in_dim3A_207 = arith.constant 1.000000e+30 : f32
      %broadcast_in_dim3A_208 = vector.broadcast %broadcast_in_dim3A_207 : f32 to vector<16xf32>
      %swap3A_209 = arith.constant 240 : index
      %swap3A_210 = tpu.vector_load %arg8[%swap3A_209] {strides = array<i32>} : memref<256xf32, #tpu.memory_space<vmem>>, vector<16xf32>,
      %swap3A_211 = vector.shape_cast %swap3A_210 : vector<16xf32> to vector<16xf32>
      %swap3A_212 = vector.shape_cast %broadcast_in_dim3A_208 : vector<16xf32> to vector<16xf32>
      tpu.vector_store %arg8[%swap3A_209], %swap3A_212 {strides = array<i32>} : memref<256xf32, #tpu.memory_space<vmem>>, vector<16xf32>,
      %scan3A_213 = arith.constant 0 : i32
      %scan3A_214 = arith.constant 0 : i32
      %scan3A_215 = arith.constant 32 : i32
      %scan3A_216 = arith.addi %scan3A_214, %scan3A_215 : i32
      %scan3A_217 = arith.constant 1 : i32
      scf.for %scan3A_219 = %scan3A_214 to %scan3A_216 step %scan3A_217  : i32 {
        %mul3A_220 = arith.constant 256 : i32
        %mul3A_221 = arith.muli %scan3A_219, %mul3A_220 : i32
        %mul3A_222 = arith.constant 2 : i32
        %mul3A_223 = arith.muli %mul3A_222, %scan3A_219 : i32
        %convert_element_type3A_224 = arith.sitofp %mul3A_223 : i32 to f32
        %get3A = arith.index_cast %mul3A_221 : i32 to index
        %get3A_225 = tpu.vector_load %arg5[%get3A] {strides = array<i32>} : memref<8192xf32, #tpu.memory_space<vmem>>, vector<16xf32>,
        %get3A_226 = vector.shape_cast %get3A_225 : vector<16xf32> to vector<16xf32>
        %abs3A = math.absf %get3A_226 : vector<16xf32>
        %add3A_227 = arith.constant 0 : i32
        %add3A_228 = arith.addi %mul3A_221, %add3A_227 : i32
        %add3A_229 = arith.constant 16 : i32
        %add3A_230 = arith.addi %add3A_228, %add3A_229 : i32
        %get3A_231 = arith.index_cast %add3A_230 : i32 to index
        %get3A_232 = tpu.vector_load %arg5[%get3A_231] {strides = array<i32>} : memref<8192xf32, #tpu.memory_space<vmem>>, vector<16xf32>,
        %get3A_233 = vector.shape_cast %get3A_232 : vector<16xf32> to vector<16xf32>
        %abs3A_234 = math.absf %get3A_233 : vector<16xf32>
        %min3A = arith.minimumf %abs3A, %abs3A_234 : vector<16xf32>
        %add3A_235 = arith.constant 0 : i32
        %add3A_236 = arith.addi %mul3A_221, %add3A_235 : i32
        %add3A_237 = arith.constant 32 : i32
        %add3A_238 = arith.addi %add3A_236, %add3A_237 : i32
        %get3A_239 = arith.index_cast %add3A_238 : i32 to index
        %get3A_240 = tpu.vector_load %arg5[%get3A_239] {strides = array<i32>} : memref<8192xf32, #tpu.memory_space<vmem>>, vector<16xf32>,
        %get3A_241 = vector.shape_cast %get3A_240 : vector<16xf32> to vector<16xf32>
        %abs3A_242 = math.absf %get3A_241 : vector<16xf32>
        %min3A_243 = arith.minimumf %min3A, %abs3A_242 : vector<16xf32>
        %add3A_244 = arith.constant 0 : i32
        %add3A_245 = arith.addi %mul3A_221, %add3A_244 : i32
        %add3A_246 = arith.constant 48 : i32
        %add3A_247 = arith.addi %add3A_245, %add3A_246 : i32
        %get3A_248 = arith.index_cast %add3A_247 : i32 to index
        %get3A_249 = tpu.vector_load %arg5[%get3A_248] {strides = array<i32>} : memref<8192xf32, #tpu.memory_space<vmem>>, vector<16xf32>,
        %get3A_250 = vector.shape_cast %get3A_249 : vector<16xf32> to vector<16xf32>
        %abs3A_251 = math.absf %get3A_250 : vector<16xf32>
        %min3A_252 = arith.minimumf %min3A_243, %abs3A_251 : vector<16xf32>
        %add3A_253 = arith.constant 128 : i32
        %add3A_254 = arith.addi %mul3A_221, %add3A_253 : i32
        %add3A_255 = arith.constant 0 : i32
        %add3A_256 = arith.addi %add3A_254, %add3A_255 : i32
        %get3A_257 = arith.index_cast %add3A_256 : i32 to index
        %get3A_258 = tpu.vector_load %arg5[%get3A_257] {strides = array<i32>} : memref<8192xf32, #tpu.memory_space<vmem>>, vector<16xf32>,
        %get3A_259 = vector.shape_cast %get3A_258 : vector<16xf32> to vector<16xf32>
        %abs3A_260 = math.absf %get3A_259 : vector<16xf32>
        %min3A_261 = arith.minimumf %min3A_252, %abs3A_260 : vector<16xf32>
        %add3A_262 = arith.constant 128 : i32
        %add3A_263 = arith.addi %mul3A_221, %add3A_262 : i32
        %add3A_264 = arith.constant 16 : i32
        %add3A_265 = arith.addi %add3A_263, %add3A_264 : i32
        %get3A_266 = arith.index_cast %add3A_265 : i32 to index
        %get3A_267 = tpu.vector_load %arg5[%get3A_266] {strides = array<i32>} : memref<8192xf32, #tpu.memory_space<vmem>>, vector<16xf32>,
        %get3A_268 = vector.shape_cast %get3A_267 : vector<16xf32> to vector<16xf32>
        %abs3A_269 = math.absf %get3A_268 : vector<16xf32>
        %min3A_270 = arith.minimumf %min3A_261, %abs3A_269 : vector<16xf32>
        %add3A_271 = arith.constant 128 : i32
        %add3A_272 = arith.addi %mul3A_221, %add3A_271 : i32
        %add3A_273 = arith.constant 32 : i32
        %add3A_274 = arith.addi %add3A_272, %add3A_273 : i32
        %get3A_275 = arith.index_cast %add3A_274 : i32 to index
        %get3A_276 = tpu.vector_load %arg5[%get3A_275] {strides = array<i32>} : memref<8192xf32, #tpu.memory_space<vmem>>, vector<16xf32>,
        %get3A_277 = vector.shape_cast %get3A_276 : vector<16xf32> to vector<16xf32>
        %abs3A_278 = math.absf %get3A_277 : vector<16xf32>
        %min3A_279 = arith.minimumf %min3A_270, %abs3A_278 : vector<16xf32>
        %add3A_280 = arith.constant 128 : i32
        %add3A_281 = arith.addi %mul3A_221, %add3A_280 : i32
        %add3A_282 = arith.constant 48 : i32
        %add3A_283 = arith.addi %add3A_281, %add3A_282 : i32
        %get3A_284 = arith.index_cast %add3A_283 : i32 to index
        %get3A_285 = tpu.vector_load %arg5[%get3A_284] {strides = array<i32>} : memref<8192xf32, #tpu.memory_space<vmem>>, vector<16xf32>,
        %get3A_286 = vector.shape_cast %get3A_285 : vector<16xf32> to vector<16xf32>
        %abs3A_287 = math.absf %get3A_286 : vector<16xf32>
        %min3A_288 = arith.minimumf %min3A_279, %abs3A_287 : vector<16xf32>
        %slice3A_289 = vector.extract_strided_slice %min3A_288 {offsets = [0], sizes = [1], strides = [1]} : vector<16xf32> to vector<1xf32>
        %squeeze3A_290 = vector.extract %slice3A_289[0] : f32 from vector<1xf32>
        %ne3A_291 = arith.constant 0.000000e+00 : f32
        %ne3A_292 = arith.cmpf one, %squeeze3A_290, %ne3A_291 : f32
        %slice3A_293 = vector.extract_strided_slice %min3A_288 {offsets = [1], sizes = [1], strides = [1]} : vector<16xf32> to vector<1xf32>
        %squeeze3A_294 = vector.extract %slice3A_293[0] : f32 from vector<1xf32>
        %ne3A_295 = arith.constant 0.000000e+00 : f32
        %ne3A_296 = arith.cmpf one, %squeeze3A_294, %ne3A_295 : f32
        %slice3A_297 = vector.extract_strided_slice %min3A_288 {offsets = [2], sizes = [1], strides = [1]} : vector<16xf32> to vector<1xf32>
        %squeeze3A_298 = vector.extract %slice3A_297[0] : f32 from vector<1xf32>
        %ne3A_299 = arith.constant 0.000000e+00 : f32
        %ne3A_300 = arith.cmpf one, %squeeze3A_298, %ne3A_299 : f32
        %slice3A_301 = vector.extract_strided_slice %min3A_288 {offsets = [3], sizes = [1], strides = [1]} : vector<16xf32> to vector<1xf32>
        %squeeze3A_302 = vector.extract %slice3A_301[0] : f32 from vector<1xf32>
        %ne3A_303 = arith.constant 0.000000e+00 : f32
        %ne3A_304 = arith.cmpf one, %squeeze3A_302, %ne3A_303 : f32
        %slice3A_305 = vector.extract_strided_slice %min3A_288 {offsets = [4], sizes = [1], strides = [1]} : vector<16xf32> to vector<1xf32>
        %squeeze3A_306 = vector.extract %slice3A_305[0] : f32 from vector<1xf32>
        %ne3A_307 = arith.constant 0.000000e+00 : f32
        %ne3A_308 = arith.cmpf one, %squeeze3A_306, %ne3A_307 : f32
        %slice3A_309 = vector.extract_strided_slice %min3A_288 {offsets = [5], sizes = [1], strides = [1]} : vector<16xf32> to vector<1xf32>
        %squeeze3A_310 = vector.extract %slice3A_309[0] : f32 from vector<1xf32>
        %ne3A_311 = arith.constant 0.000000e+00 : f32
        %ne3A_312 = arith.cmpf one, %squeeze3A_310, %ne3A_311 : f32
        %slice3A_313 = vector.extract_strided_slice %min3A_288 {offsets = [6], sizes = [1], strides = [1]} : vector<16xf32> to vector<1xf32>
        %squeeze3A_314 = vector.extract %slice3A_313[0] : f32 from vector<1xf32>
        %ne3A_315 = arith.constant 0.000000e+00 : f32
        %ne3A_316 = arith.cmpf one, %squeeze3A_314, %ne3A_315 : f32
        %slice3A_317 = vector.extract_strided_slice %min3A_288 {offsets = [7], sizes = [1], strides = [1]} : vector<16xf32> to vector<1xf32>
        %squeeze3A_318 = vector.extract %slice3A_317[0] : f32 from vector<1xf32>
        %ne3A_319 = arith.constant 0.000000e+00 : f32
        %ne3A_320 = arith.cmpf one, %squeeze3A_318, %ne3A_319 : f32
        %slice3A_321 = vector.extract_strided_slice %min3A_288 {offsets = [8], sizes = [1], strides = [1]} : vector<16xf32> to vector<1xf32>
        %squeeze3A_322 = vector.extract %slice3A_321[0] : f32 from vector<1xf32>
        %ne3A_323 = arith.constant 0.000000e+00 : f32
        %ne3A_324 = arith.cmpf one, %squeeze3A_322, %ne3A_323 : f32
        %slice3A_325 = vector.extract_strided_slice %min3A_288 {offsets = [9], sizes = [1], strides = [1]} : vector<16xf32> to vector<1xf32>
        %squeeze3A_326 = vector.extract %slice3A_325[0] : f32 from vector<1xf32>
        %ne3A_327 = arith.constant 0.000000e+00 : f32
        %ne3A_328 = arith.cmpf one, %squeeze3A_326, %ne3A_327 : f32
        %slice3A_329 = vector.extract_strided_slice %min3A_288 {offsets = [10], sizes = [1], strides = [1]} : vector<16xf32> to vector<1xf32>
        %squeeze3A_330 = vector.extract %slice3A_329[0] : f32 from vector<1xf32>
        %ne3A_331 = arith.constant 0.000000e+00 : f32
        %ne3A_332 = arith.cmpf one, %squeeze3A_330, %ne3A_331 : f32
        %slice3A_333 = vector.extract_strided_slice %min3A_288 {offsets = [11], sizes = [1], strides = [1]} : vector<16xf32> to vector<1xf32>
        %squeeze3A_334 = vector.extract %slice3A_333[0] : f32 from vector<1xf32>
        %ne3A_335 = arith.constant 0.000000e+00 : f32
        %ne3A_336 = arith.cmpf one, %squeeze3A_334, %ne3A_335 : f32
        %slice3A_337 = vector.extract_strided_slice %min3A_288 {offsets = [12], sizes = [1], strides = [1]} : vector<16xf32> to vector<1xf32>
        %squeeze3A_338 = vector.extract %slice3A_337[0] : f32 from vector<1xf32>
        %ne3A_339 = arith.constant 0.000000e+00 : f32
        %ne3A_340 = arith.cmpf one, %squeeze3A_338, %ne3A_339 : f32
        %slice3A_341 = vector.extract_strided_slice %min3A_288 {offsets = [13], sizes = [1], strides = [1]} : vector<16xf32> to vector<1xf32>
        %squeeze3A_342 = vector.extract %slice3A_341[0] : f32 from vector<1xf32>
        %ne3A_343 = arith.constant 0.000000e+00 : f32
        %ne3A_344 = arith.cmpf one, %squeeze3A_342, %ne3A_343 : f32
        %slice3A_345 = vector.extract_strided_slice %min3A_288 {offsets = [14], sizes = [1], strides = [1]} : vector<16xf32> to vector<1xf32>
        %squeeze3A_346 = vector.extract %slice3A_345[0] : f32 from vector<1xf32>
        %ne3A_347 = arith.constant 0.000000e+00 : f32
        %ne3A_348 = arith.cmpf one, %squeeze3A_346, %ne3A_347 : f32
        %slice3A_349 = vector.extract_strided_slice %min3A_288 {offsets = [15], sizes = [1], strides = [1]} : vector<16xf32> to vector<1xf32>
        %squeeze3A_350 = vector.extract %slice3A_349[0] : f32 from vector<1xf32>
        %ne3A_351 = arith.constant 0.000000e+00 : f32
        %ne3A_352 = arith.cmpf one, %squeeze3A_350, %ne3A_351 : f32
        %and3A_353 = arith.andi %ne3A_292, %ne3A_296 : i1
        %and3A_354 = arith.andi %ne3A_300, %ne3A_304 : i1
        %and3A_355 = arith.andi %ne3A_308, %ne3A_312 : i1
        %and3A_356 = arith.andi %ne3A_316, %ne3A_320 : i1
        %and3A_357 = arith.andi %ne3A_324, %ne3A_328 : i1
        %and3A_358 = arith.andi %ne3A_332, %ne3A_336 : i1
        %and3A_359 = arith.andi %ne3A_340, %ne3A_344 : i1
        %and3A_360 = arith.andi %ne3A_348, %ne3A_352 : i1
        %and3A_361 = arith.andi %and3A_353, %and3A_354 : i1
        %and3A_362 = arith.andi %and3A_355, %and3A_356 : i1
        %and3A_363 = arith.andi %and3A_357, %and3A_358 : i1
        %and3A_364 = arith.andi %and3A_359, %and3A_360 : i1
        %and3A_365 = arith.andi %and3A_361, %and3A_362 : i1
        %and3A_366 = arith.andi %and3A_363, %and3A_364 : i1
        %and3A_367 = arith.andi %and3A_365, %and3A_366 : i1
        %convert_element_type3A_368 = arith.extui %and3A_367 : i1 to i32
        %cond3A_369 = arith.constant 0 : i32
        %cond3A_370 = arith.cmpi ne, %convert_element_type3A_368, %cond3A_369 : i32
        scf.if %cond3A_370 {
          %scan3A_376 = arith.constant 0 : i32
          %scan3A_377 = arith.constant 0 : i32
          %scan3A_378 = arith.constant 16 : i32
          %scan3A_379 = arith.addi %scan3A_377, %scan3A_378 : i32
          %scan3A_380 = arith.constant 1 : i32
          scf.for %scan3A_382 = %scan3A_377 to %scan3A_379 step %scan3A_380  : i32 {
            %mul3A_383 = arith.constant 16 : i32
            %mul3A_384 = arith.muli %scan3A_382, %mul3A_383 : i32
            %add3A_385 = arith.addi %mul3A_24, %mul3A_384 : i32
            %get3A_386 = arith.index_cast %add3A_385 : i32 to index
            %get3A_387 = tpu.vector_load %arg7[%get3A_386] {strides = array<i32>} : memref<1024xf32, #tpu.memory_space<vmem>>, vector<16xf32>,
            %get3A_388 = vector.shape_cast %get3A_387 : vector<16xf32> to vector<16xf32>
            %add3A_389 = arith.constant 256 : i32
            %add3A_390 = arith.addi %mul3A_24, %add3A_389 : i32
            %mul3A_391 = arith.constant 16 : i32
            %mul3A_392 = arith.muli %scan3A_382, %mul3A_391 : i32
            %add3A_393 = arith.addi %add3A_390, %mul3A_392 : i32
            %get3A_394 = arith.index_cast %add3A_393 : i32 to index
            %get3A_395 = tpu.vector_load %arg7[%get3A_394] {strides = array<i32>} : memref<1024xf32, #tpu.memory_space<vmem>>, vector<16xf32>,
            %get3A_396 = vector.shape_cast %get3A_395 : vector<16xf32> to vector<16xf32>
            %max3A = vector.broadcast %convert_element_type3A_224 : f32 to vector<16xf32>
            %max3A_397 = arith.maximumf %get3A_388, %max3A : vector<16xf32>
            %add3A_398 = arith.constant 1.000000e+00 : f32
            %add3A_399 = arith.addf %convert_element_type3A_224, %add3A_398 : f32
            %min3A_400 = vector.broadcast %add3A_399 : f32 to vector<16xf32>
            %min3A_401 = arith.minimumf %max3A_397, %min3A_400 : vector<16xf32>
            %add3A_402 = arith.constant 5.000000e-01 : f32
            %add3A_403 = arith.addf %convert_element_type3A_224, %add3A_402 : f32
            %ge3A = vector.broadcast %add3A_403 : f32 to vector<16xf32>
            %ge3A_404 = arith.cmpf oge, %min3A_401, %ge3A : vector<16xf32>
            %add3A_405 = arith.constant 1.000000e+00 : f32
            %add3A_406 = arith.addf %convert_element_type3A_224, %add3A_405 : f32
            %broadcast_in_dim3A_407 = vector.broadcast %add3A_406 : f32 to vector<16xf32>
            %broadcast_in_dim3A_408 = vector.broadcast %convert_element_type3A_224 : f32 to vector<16xf32>
            %select_n3A_409 = arith.select %ge3A_404, %broadcast_in_dim3A_407, %broadcast_in_dim3A_408 : vector<16xi1>, vector<16xf32>
            %sub3A_410 = arith.subf %get3A_388, %select_n3A_409 : vector<16xf32>
            %max3A_411 = arith.constant 0.000000e+00 : f32
            %max3A_412 = vector.broadcast %max3A_411 : f32 to vector<16xf32>
            %max3A_413 = arith.maximumf %get3A_396, %max3A_412 : vector<16xf32>
            %min3A_414 = arith.constant 6.300000e+01 : f32
            %min3A_415 = vector.broadcast %min3A_414 : f32 to vector<16xf32>
            %min3A_416 = arith.minimumf %max3A_413, %min3A_415 : vector<16xf32>
            %add3A_417 = arith.constant 5.000000e-01 : f32
            %add3A_418 = vector.broadcast %add3A_417 : f32 to vector<16xf32>
            %add3A_419 = arith.addf %min3A_416, %add3A_418 : vector<16xf32>
            %convert_element_type3A_420 = arith.fptosi %add3A_419 : vector<16xf32> to vector<16xi32>
            %convert_element_type3A_421 = arith.sitofp %convert_element_type3A_420 : vector<16xi32> to vector<16xf32>
            %sub3A_422 = arith.subf %get3A_396, %convert_element_type3A_421 : vector<16xf32>
            %mul3A_423 = arith.mulf %sub3A_410, %sub3A_410 : vector<16xf32>
            %mul3A_424 = arith.mulf %sub3A_422, %sub3A_422 : vector<16xf32>
            %add3A_425 = arith.addf %mul3A_423, %mul3A_424 : vector<16xf32>
            %mul3A_426 = arith.constant 16 : i32
            %mul3A_427 = arith.muli %scan3A_382, %mul3A_426 : i32
            %get3A_428 = arith.index_cast %mul3A_427 : i32 to index
            %get3A_429 = tpu.vector_load %arg8[%get3A_428] {strides = array<i32>} : memref<256xf32, #tpu.memory_space<vmem>>, vector<16xf32>,
            %get3A_430 = vector.shape_cast %get3A_429 : vector<16xf32> to vector<16xf32>
            %min3A_431 = arith.minimumf %get3A_430, %add3A_425 : vector<16xf32>
            %mul3A_432 = arith.constant 16 : i32
            %mul3A_433 = arith.muli %scan3A_382, %mul3A_432 : i32
            %swap3A_434 = arith.index_cast %mul3A_433 : i32 to index
            %swap3A_435 = tpu.vector_load %arg8[%swap3A_434] {strides = array<i32>} : memref<256xf32, #tpu.memory_space<vmem>>, vector<16xf32>,
            %swap3A_436 = vector.shape_cast %swap3A_435 : vector<16xf32> to vector<16xf32>
            %swap3A_437 = vector.shape_cast %min3A_431 : vector<16xf32> to vector<16xf32>
            tpu.vector_store %arg8[%swap3A_434], %swap3A_437 {strides = array<i32>} : memref<256xf32, #tpu.memory_space<vmem>>, vector<16xf32>,
          }
          %scan3A_381 = arith.constant 16 : i32
        } else {
        }
        %not3A_371 = arith.constant true
        %not3A_372 = arith.xori %and3A_367, %not3A_371 : i1
        %convert_element_type3A_373 = arith.extui %not3A_372 : i1 to i32
        %cond3A_374 = arith.constant 0 : i32
        %cond3A_375 = arith.cmpi ne, %convert_element_type3A_373, %cond3A_374 : i32
        scf.if %cond3A_375 {
          %scan3A_376 = arith.constant 0 : i32
          %scan3A_377 = arith.constant 0 : i32
          %scan3A_378 = arith.constant 16 : i32
          %scan3A_379 = arith.addi %scan3A_377, %scan3A_378 : i32
          %scan3A_380 = arith.constant 1 : i32
          scf.for %scan3A_382 = %scan3A_377 to %scan3A_379 step %scan3A_380  : i32 {
            %mul3A_383 = arith.constant 16 : i32
            %mul3A_384 = arith.muli %scan3A_382, %mul3A_383 : i32
            %add3A_385 = arith.addi %mul3A_24, %mul3A_384 : i32
            %get3A_386 = arith.index_cast %add3A_385 : i32 to index
            %get3A_387 = tpu.vector_load %arg7[%get3A_386] {strides = array<i32>} : memref<1024xf32, #tpu.memory_space<vmem>>, vector<16xf32>,
            %get3A_388 = vector.shape_cast %get3A_387 : vector<16xf32> to vector<16xf32>
            %add3A_389 = arith.constant 256 : i32
            %add3A_390 = arith.addi %mul3A_24, %add3A_389 : i32
            %mul3A_391 = arith.constant 16 : i32
            %mul3A_392 = arith.muli %scan3A_382, %mul3A_391 : i32
            %add3A_393 = arith.addi %add3A_390, %mul3A_392 : i32
            %get3A_394 = arith.index_cast %add3A_393 : i32 to index
            %get3A_395 = tpu.vector_load %arg7[%get3A_394] {strides = array<i32>} : memref<1024xf32, #tpu.memory_space<vmem>>, vector<16xf32>,
            %get3A_396 = vector.shape_cast %get3A_395 : vector<16xf32> to vector<16xf32>
            %broadcast_in_dim3A_397 = arith.constant 1.000000e+30 : f32
            %broadcast_in_dim3A_398 = vector.broadcast %broadcast_in_dim3A_397 : f32 to vector<16xf32>
            %scan3A_399 = arith.constant 0 : i32
            %scan3A_400 = arith.constant 8 : i32
            %scan3A_401 = arith.addi %scan3A_399, %scan3A_400 : i32
            %scan3A_402 = arith.constant 1 : i32
            %scan3A_403 = scf.for %scan3A_417 = %scan3A_399 to %scan3A_401 step %scan3A_402 iter_args(%scan3A_418 = %broadcast_in_dim3A_398) -> (vector<16xf32>)  : i32 {
              %jit3A_419 = arith.constant 4 : i32
              %div3A_420 = arith.divsi %scan3A_417, %jit3A_419 : i32
              %sign3A_421 = arith.constant 0 : i32
              %sign3A_422 = arith.cmpi sgt, %scan3A_417, %sign3A_421 : i32
              %sign3A_423 = arith.extui %sign3A_422 : i1 to i32
              %sign3A_424 = arith.constant 0 : i32
              %sign3A_425 = arith.cmpi slt, %scan3A_417, %sign3A_424 : i32
              %sign3A_426 = arith.extui %sign3A_425 : i1 to i32
              %sign3A_427 = arith.subi %sign3A_423, %sign3A_426 : i32
              %sign3A_428 = arith.constant 0 : i32
              %sign3A_429 = arith.cmpi sgt, %jit3A_419, %sign3A_428 : i32
              %sign3A_430 = arith.extui %sign3A_429 : i1 to i32
              %sign3A_431 = arith.constant 0 : i32
              %sign3A_432 = arith.cmpi slt, %jit3A_419, %sign3A_431 : i32
              %sign3A_433 = arith.extui %sign3A_432 : i1 to i32
              %sign3A_434 = arith.subi %sign3A_430, %sign3A_433 : i32
              %ne3A_435 = arith.cmpi ne, %sign3A_427, %sign3A_434 : i32
              %rem3A_436 = arith.remsi %scan3A_417, %jit3A_419 : i32
              %ne3A_437 = arith.constant 0 : i32
              %ne3A_438 = arith.cmpi ne, %rem3A_436, %ne3A_437 : i32
              %and3A_439 = arith.andi %ne3A_435, %ne3A_438 : i1
              %sub3A_440 = arith.constant 1 : i32
              %sub3A_441 = arith.subi %div3A_420, %sub3A_440 : i32
              %select_n3A_442 = arith.select %and3A_439, %sub3A_441, %div3A_420 : i32
              %mul3A_443 = arith.constant 128 : i32
              %mul3A_444 = arith.muli %select_n3A_442, %mul3A_443 : i32
              %add3A_445 = arith.addi %mul3A_221, %mul3A_444 : i32
              %jit3A_446 = arith.constant 4 : i32
              %eq3A = arith.constant 0 : i32
              %eq3A_447 = arith.cmpi eq, %jit3A_446, %eq3A : i32
              %jit3A_448 = arith.constant 1 : i32
              %select_n3A_449 = arith.select %eq3A_447, %jit3A_448, %jit3A_446 : i32
              %rem3A_450 = arith.remsi %scan3A_417, %select_n3A_449 : i32
              %ne3A_451 = arith.constant 0 : i32
              %ne3A_452 = arith.cmpi ne, %rem3A_450, %ne3A_451 : i32
              %lt3A_453 = arith.constant 0 : i32
              %lt3A_454 = arith.cmpi slt, %rem3A_450, %lt3A_453 : i32
              %lt3A_455 = arith.constant 0 : i32
              %lt3A_456 = arith.cmpi slt, %select_n3A_449, %lt3A_455 : i32
              %ne3A_457 = arith.xori %lt3A_454, %lt3A_456 : i1
              %and3A_458 = arith.andi %ne3A_457, %ne3A_452 : i1
              %add3A_459 = arith.addi %rem3A_450, %select_n3A_449 : i32
              %select_n3A_460 = arith.select %and3A_458, %add3A_459, %rem3A_450 : i32
              %mul3A_461 = arith.constant 16 : i32
              %mul3A_462 = arith.muli %select_n3A_460, %mul3A_461 : i32
              %add3A_463 = arith.addi %add3A_445, %mul3A_462 : i32
              %get3A_464 = arith.index_cast %add3A_463 : i32 to index
              %get3A_465 = tpu.vector_load %arg5[%get3A_464] {strides = array<i32>} : memref<8192xf32, #tpu.memory_space<vmem>>, vector<16xf32>,
              %get3A_466 = vector.shape_cast %get3A_465 : vector<16xf32> to vector<16xf32>
              %ne3A_467 = arith.constant 0.000000e+00 : f32
              %ne3A_468 = vector.broadcast %ne3A_467 : f32 to vector<16xf32>
              %ne3A_469 = arith.cmpf one, %get3A_466, %ne3A_468 : vector<16xf32>
              %jit3A_470 = arith.constant 0.000000e+00 : f32
              %jit3A_471 = arith.constant 1.000000e+30 : f32
              %broadcast_in_dim3A_472 = vector.broadcast %jit3A_470 : f32 to vector<16xf32>
              %broadcast_in_dim3A_473 = vector.broadcast %jit3A_471 : f32 to vector<16xf32>
              %select_n3A_474 = arith.select %ne3A_469, %broadcast_in_dim3A_472, %broadcast_in_dim3A_473 : vector<16xi1>, vector<16xf32>
              %jit3A_475 = arith.constant 4 : i32
              %div3A_476 = arith.divsi %scan3A_417, %jit3A_475 : i32
              %sign3A_477 = arith.constant 0 : i32
              %sign3A_478 = arith.cmpi sgt, %scan3A_417, %sign3A_477 : i32
              %sign3A_479 = arith.extui %sign3A_478 : i1 to i32
              %sign3A_480 = arith.constant 0 : i32
              %sign3A_481 = arith.cmpi slt, %scan3A_417, %sign3A_480 : i32
              %sign3A_482 = arith.extui %sign3A_481 : i1 to i32
              %sign3A_483 = arith.subi %sign3A_479, %sign3A_482 : i32
              %sign3A_484 = arith.constant 0 : i32
              %sign3A_485 = arith.cmpi sgt, %jit3A_475, %sign3A_484 : i32
              %sign3A_486 = arith.extui %sign3A_485 : i1 to i32
              %sign3A_487 = arith.constant 0 : i32
              %sign3A_488 = arith.cmpi slt, %jit3A_475, %sign3A_487 : i32
              %sign3A_489 = arith.extui %sign3A_488 : i1 to i32
              %sign3A_490 = arith.subi %sign3A_486, %sign3A_489 : i32
              %ne3A_491 = arith.cmpi ne, %sign3A_483, %sign3A_490 : i32
              %rem3A_492 = arith.remsi %scan3A_417, %jit3A_475 : i32
              %ne3A_493 = arith.constant 0 : i32
              %ne3A_494 = arith.cmpi ne, %rem3A_492, %ne3A_493 : i32
              %and3A_495 = arith.andi %ne3A_491, %ne3A_494 : i1
              %sub3A_496 = arith.constant 1 : i32
              %sub3A_497 = arith.subi %div3A_476, %sub3A_496 : i32
              %select_n3A_498 = arith.select %and3A_495, %sub3A_497, %div3A_476 : i32
              %convert_element_type3A_499 = arith.sitofp %select_n3A_498 : i32 to f32
              %add3A_500 = arith.addf %convert_element_type3A_224, %convert_element_type3A_499 : f32
              %jit3A_501 = arith.constant 4 : i32
              %eq3A_502 = arith.constant 0 : i32
              %eq3A_503 = arith.cmpi eq, %jit3A_501, %eq3A_502 : i32
              %jit3A_504 = arith.constant 1 : i32
              %select_n3A_505 = arith.select %eq3A_503, %jit3A_504, %jit3A_501 : i32
              %rem3A_506 = arith.remsi %scan3A_417, %select_n3A_505 : i32
              %ne3A_507 = arith.constant 0 : i32
              %ne3A_508 = arith.cmpi ne, %rem3A_506, %ne3A_507 : i32
              %lt3A_509 = arith.constant 0 : i32
              %lt3A_510 = arith.cmpi slt, %rem3A_506, %lt3A_509 : i32
              %lt3A_511 = arith.constant 0 : i32
              %lt3A_512 = arith.cmpi slt, %select_n3A_505, %lt3A_511 : i32
              %ne3A_513 = arith.xori %lt3A_510, %lt3A_512 : i1
              %and3A_514 = arith.andi %ne3A_513, %ne3A_508 : i1
              %add3A_515 = arith.addi %rem3A_506, %select_n3A_505 : i32
              %select_n3A_516 = arith.select %and3A_514, %add3A_515, %rem3A_506 : i32
              %mul3A_517 = arith.constant 16 : i32
              %mul3A_518 = arith.muli %select_n3A_516, %mul3A_517 : i32
              %convert_element_type3A_519 = arith.sitofp %mul3A_518 : i32 to f32
              %sub3A_520 = vector.broadcast %add3A_500 : f32 to vector<16xf32>
              %sub3A_521 = arith.subf %get3A_388, %sub3A_520 : vector<16xf32>
              %add3A_522 = arith.constant 0.000000e+00 : f32
              %add3A_523 = arith.addf %convert_element_type3A_519, %add3A_522 : f32
              %sub3A_524 = vector.broadcast %add3A_523 : f32 to vector<16xf32>
              %sub3A_525 = arith.subf %get3A_396, %sub3A_524 : vector<16xf32>
              %mul3A_526 = arith.mulf %sub3A_521, %sub3A_521 : vector<16xf32>
              %mul3A_527 = arith.mulf %sub3A_525, %sub3A_525 : vector<16xf32>
              %add3A_528 = arith.addf %mul3A_526, %mul3A_527 : vector<16xf32>
              %slice3A_529 = vector.extract_strided_slice %select_n3A_474 {offsets = [0], sizes = [1], strides = [1]} : vector<16xf32> to vector<1xf32>
              %squeeze3A_530 = vector.extract %slice3A_529[0] : f32 from vector<1xf32>
              %add3A_531 = vector.broadcast %squeeze3A_530 : f32 to vector<16xf32>
              %add3A_532 = arith.addf %add3A_528, %add3A_531 : vector<16xf32>
              %min3A_533 = arith.minimumf %scan3A_418, %add3A_532 : vector<16xf32>
              %sub3A_534 = vector.broadcast %add3A_500 : f32 to vector<16xf32>
              %sub3A_535 = arith.subf %get3A_388, %sub3A_534 : vector<16xf32>
              %add3A_536 = arith.constant 1.000000e+00 : f32
              %add3A_537 = arith.addf %convert_element_type3A_519, %add3A_536 : f32
              %sub3A_538 = vector.broadcast %add3A_537 : f32 to vector<16xf32>
              %sub3A_539 = arith.subf %get3A_396, %sub3A_538 : vector<16xf32>
              %mul3A_540 = arith.mulf %sub3A_535, %sub3A_535 : vector<16xf32>
              %mul3A_541 = arith.mulf %sub3A_539, %sub3A_539 : vector<16xf32>
              %add3A_542 = arith.addf %mul3A_540, %mul3A_541 : vector<16xf32>
              %slice3A_543 = vector.extract_strided_slice %select_n3A_474 {offsets = [1], sizes = [1], strides = [1]} : vector<16xf32> to vector<1xf32>
              %squeeze3A_544 = vector.extract %slice3A_543[0] : f32 from vector<1xf32>
              %add3A_545 = vector.broadcast %squeeze3A_544 : f32 to vector<16xf32>
              %add3A_546 = arith.addf %add3A_542, %add3A_545 : vector<16xf32>
              %min3A_547 = arith.minimumf %min3A_533, %add3A_546 : vector<16xf32>
              %sub3A_548 = vector.broadcast %add3A_500 : f32 to vector<16xf32>
              %sub3A_549 = arith.subf %get3A_388, %sub3A_548 : vector<16xf32>
              %add3A_550 = arith.constant 2.000000e+00 : f32
              %add3A_551 = arith.addf %convert_element_type3A_519, %add3A_550 : f32
              %sub3A_552 = vector.broadcast %add3A_551 : f32 to vector<16xf32>
              %sub3A_553 = arith.subf %get3A_396, %sub3A_552 : vector<16xf32>
              %mul3A_554 = arith.mulf %sub3A_549, %sub3A_549 : vector<16xf32>
              %mul3A_555 = arith.mulf %sub3A_553, %sub3A_553 : vector<16xf32>
              %add3A_556 = arith.addf %mul3A_554, %mul3A_555 : vector<16xf32>
              %slice3A_557 = vector.extract_strided_slice %select_n3A_474 {offsets = [2], sizes = [1], strides = [1]} : vector<16xf32> to vector<1xf32>
              %squeeze3A_558 = vector.extract %slice3A_557[0] : f32 from vector<1xf32>
              %add3A_559 = vector.broadcast %squeeze3A_558 : f32 to vector<16xf32>
              %add3A_560 = arith.addf %add3A_556, %add3A_559 : vector<16xf32>
              %min3A_561 = arith.minimumf %min3A_547, %add3A_560 : vector<16xf32>
              %sub3A_562 = vector.broadcast %add3A_500 : f32 to vector<16xf32>
              %sub3A_563 = arith.subf %get3A_388, %sub3A_562 : vector<16xf32>
              %add3A_564 = arith.constant 3.000000e+00 : f32
              %add3A_565 = arith.addf %convert_element_type3A_519, %add3A_564 : f32
              %sub3A_566 = vector.broadcast %add3A_565 : f32 to vector<16xf32>
              %sub3A_567 = arith.subf %get3A_396, %sub3A_566 : vector<16xf32>
              %mul3A_568 = arith.mulf %sub3A_563, %sub3A_563 : vector<16xf32>
              %mul3A_569 = arith.mulf %sub3A_567, %sub3A_567 : vector<16xf32>
              %add3A_570 = arith.addf %mul3A_568, %mul3A_569 : vector<16xf32>
              %slice3A_571 = vector.extract_strided_slice %select_n3A_474 {offsets = [3], sizes = [1], strides = [1]} : vector<16xf32> to vector<1xf32>
              %squeeze3A_572 = vector.extract %slice3A_571[0] : f32 from vector<1xf32>
              %add3A_573 = vector.broadcast %squeeze3A_572 : f32 to vector<16xf32>
              %add3A_574 = arith.addf %add3A_570, %add3A_573 : vector<16xf32>
              %min3A_575 = arith.minimumf %min3A_561, %add3A_574 : vector<16xf32>
              %sub3A_576 = vector.broadcast %add3A_500 : f32 to vector<16xf32>
              %sub3A_577 = arith.subf %get3A_388, %sub3A_576 : vector<16xf32>
              %add3A_578 = arith.constant 4.000000e+00 : f32
              %add3A_579 = arith.addf %convert_element_type3A_519, %add3A_578 : f32
              %sub3A_580 = vector.broadcast %add3A_579 : f32 to vector<16xf32>
              %sub3A_581 = arith.subf %get3A_396, %sub3A_580 : vector<16xf32>
              %mul3A_582 = arith.mulf %sub3A_577, %sub3A_577 : vector<16xf32>
              %mul3A_583 = arith.mulf %sub3A_581, %sub3A_581 : vector<16xf32>
              %add3A_584 = arith.addf %mul3A_582, %mul3A_583 : vector<16xf32>
              %slice3A_585 = vector.extract_strided_slice %select_n3A_474 {offsets = [4], sizes = [1], strides = [1]} : vector<16xf32> to vector<1xf32>
              %squeeze3A_586 = vector.extract %slice3A_585[0] : f32 from vector<1xf32>
              %add3A_587 = vector.broadcast %squeeze3A_586 : f32 to vector<16xf32>
              %add3A_588 = arith.addf %add3A_584, %add3A_587 : vector<16xf32>
              %min3A_589 = arith.minimumf %min3A_575, %add3A_588 : vector<16xf32>
              %sub3A_590 = vector.broadcast %add3A_500 : f32 to vector<16xf32>
              %sub3A_591 = arith.subf %get3A_388, %sub3A_590 : vector<16xf32>
              %add3A_592 = arith.constant 5.000000e+00 : f32
              %add3A_593 = arith.addf %convert_element_type3A_519, %add3A_592 : f32
              %sub3A_594 = vector.broadcast %add3A_593 : f32 to vector<16xf32>
              %sub3A_595 = arith.subf %get3A_396, %sub3A_594 : vector<16xf32>
              %mul3A_596 = arith.mulf %sub3A_591, %sub3A_591 : vector<16xf32>
              %mul3A_597 = arith.mulf %sub3A_595, %sub3A_595 : vector<16xf32>
              %add3A_598 = arith.addf %mul3A_596, %mul3A_597 : vector<16xf32>
              %slice3A_599 = vector.extract_strided_slice %select_n3A_474 {offsets = [5], sizes = [1], strides = [1]} : vector<16xf32> to vector<1xf32>
              %squeeze3A_600 = vector.extract %slice3A_599[0] : f32 from vector<1xf32>
              %add3A_601 = vector.broadcast %squeeze3A_600 : f32 to vector<16xf32>
              %add3A_602 = arith.addf %add3A_598, %add3A_601 : vector<16xf32>
              %min3A_603 = arith.minimumf %min3A_589, %add3A_602 : vector<16xf32>
              %sub3A_604 = vector.broadcast %add3A_500 : f32 to vector<16xf32>
              %sub3A_605 = arith.subf %get3A_388, %sub3A_604 : vector<16xf32>
              %add3A_606 = arith.constant 6.000000e+00 : f32
              %add3A_607 = arith.addf %convert_element_type3A_519, %add3A_606 : f32
              %sub3A_608 = vector.broadcast %add3A_607 : f32 to vector<16xf32>
              %sub3A_609 = arith.subf %get3A_396, %sub3A_608 : vector<16xf32>
              %mul3A_610 = arith.mulf %sub3A_605, %sub3A_605 : vector<16xf32>
              %mul3A_611 = arith.mulf %sub3A_609, %sub3A_609 : vector<16xf32>
              %add3A_612 = arith.addf %mul3A_610, %mul3A_611 : vector<16xf32>
              %slice3A_613 = vector.extract_strided_slice %select_n3A_474 {offsets = [6], sizes = [1], strides = [1]} : vector<16xf32> to vector<1xf32>
              %squeeze3A_614 = vector.extract %slice3A_613[0] : f32 from vector<1xf32>
              %add3A_615 = vector.broadcast %squeeze3A_614 : f32 to vector<16xf32>
              %add3A_616 = arith.addf %add3A_612, %add3A_615 : vector<16xf32>
              %min3A_617 = arith.minimumf %min3A_603, %add3A_616 : vector<16xf32>
              %sub3A_618 = vector.broadcast %add3A_500 : f32 to vector<16xf32>
              %sub3A_619 = arith.subf %get3A_388, %sub3A_618 : vector<16xf32>
              %add3A_620 = arith.constant 7.000000e+00 : f32
              %add3A_621 = arith.addf %convert_element_type3A_519, %add3A_620 : f32
              %sub3A_622 = vector.broadcast %add3A_621 : f32 to vector<16xf32>
              %sub3A_623 = arith.subf %get3A_396, %sub3A_622 : vector<16xf32>
              %mul3A_624 = arith.mulf %sub3A_619, %sub3A_619 : vector<16xf32>
              %mul3A_625 = arith.mulf %sub3A_623, %sub3A_623 : vector<16xf32>
              %add3A_626 = arith.addf %mul3A_624, %mul3A_625 : vector<16xf32>
              %slice3A_627 = vector.extract_strided_slice %select_n3A_474 {offsets = [7], sizes = [1], strides = [1]} : vector<16xf32> to vector<1xf32>
              %squeeze3A_628 = vector.extract %slice3A_627[0] : f32 from vector<1xf32>
              %add3A_629 = vector.broadcast %squeeze3A_628 : f32 to vector<16xf32>
              %add3A_630 = arith.addf %add3A_626, %add3A_629 : vector<16xf32>
              %min3A_631 = arith.minimumf %min3A_617, %add3A_630 : vector<16xf32>
              %sub3A_632 = vector.broadcast %add3A_500 : f32 to vector<16xf32>
              %sub3A_633 = arith.subf %get3A_388, %sub3A_632 : vector<16xf32>
              %add3A_634 = arith.constant 8.000000e+00 : f32
              %add3A_635 = arith.addf %convert_element_type3A_519, %add3A_634 : f32
              %sub3A_636 = vector.broadcast %add3A_635 : f32 to vector<16xf32>
              %sub3A_637 = arith.subf %get3A_396, %sub3A_636 : vector<16xf32>
              %mul3A_638 = arith.mulf %sub3A_633, %sub3A_633 : vector<16xf32>
              %mul3A_639 = arith.mulf %sub3A_637, %sub3A_637 : vector<16xf32>
              %add3A_640 = arith.addf %mul3A_638, %mul3A_639 : vector<16xf32>
              %slice3A_641 = vector.extract_strided_slice %select_n3A_474 {offsets = [8], sizes = [1], strides = [1]} : vector<16xf32> to vector<1xf32>
              %squeeze3A_642 = vector.extract %slice3A_641[0] : f32 from vector<1xf32>
              %add3A_643 = vector.broadcast %squeeze3A_642 : f32 to vector<16xf32>
              %add3A_644 = arith.addf %add3A_640, %add3A_643 : vector<16xf32>
              %min3A_645 = arith.minimumf %min3A_631, %add3A_644 : vector<16xf32>
              %sub3A_646 = vector.broadcast %add3A_500 : f32 to vector<16xf32>
              %sub3A_647 = arith.subf %get3A_388, %sub3A_646 : vector<16xf32>
              %add3A_648 = arith.constant 9.000000e+00 : f32
              %add3A_649 = arith.addf %convert_element_type3A_519, %add3A_648 : f32
              %sub3A_650 = vector.broadcast %add3A_649 : f32 to vector<16xf32>
              %sub3A_651 = arith.subf %get3A_396, %sub3A_650 : vector<16xf32>
              %mul3A_652 = arith.mulf %sub3A_647, %sub3A_647 : vector<16xf32>
              %mul3A_653 = arith.mulf %sub3A_651, %sub3A_651 : vector<16xf32>
              %add3A_654 = arith.addf %mul3A_652, %mul3A_653 : vector<16xf32>
              %slice3A_655 = vector.extract_strided_slice %select_n3A_474 {offsets = [9], sizes = [1], strides = [1]} : vector<16xf32> to vector<1xf32>
              %squeeze3A_656 = vector.extract %slice3A_655[0] : f32 from vector<1xf32>
              %add3A_657 = vector.broadcast %squeeze3A_656 : f32 to vector<16xf32>
              %add3A_658 = arith.addf %add3A_654, %add3A_657 : vector<16xf32>
              %min3A_659 = arith.minimumf %min3A_645, %add3A_658 : vector<16xf32>
              %sub3A_660 = vector.broadcast %add3A_500 : f32 to vector<16xf32>
              %sub3A_661 = arith.subf %get3A_388, %sub3A_660 : vector<16xf32>
              %add3A_662 = arith.constant 1.000000e+01 : f32
              %add3A_663 = arith.addf %convert_element_type3A_519, %add3A_662 : f32
              %sub3A_664 = vector.broadcast %add3A_663 : f32 to vector<16xf32>
              %sub3A_665 = arith.subf %get3A_396, %sub3A_664 : vector<16xf32>
              %mul3A_666 = arith.mulf %sub3A_661, %sub3A_661 : vector<16xf32>
              %mul3A_667 = arith.mulf %sub3A_665, %sub3A_665 : vector<16xf32>
              %add3A_668 = arith.addf %mul3A_666, %mul3A_667 : vector<16xf32>
              %slice3A_669 = vector.extract_strided_slice %select_n3A_474 {offsets = [10], sizes = [1], strides = [1]} : vector<16xf32> to vector<1xf32>
              %squeeze3A_670 = vector.extract %slice3A_669[0] : f32 from vector<1xf32>
              %add3A_671 = vector.broadcast %squeeze3A_670 : f32 to vector<16xf32>
              %add3A_672 = arith.addf %add3A_668, %add3A_671 : vector<16xf32>
              %min3A_673 = arith.minimumf %min3A_659, %add3A_672 : vector<16xf32>
              %sub3A_674 = vector.broadcast %add3A_500 : f32 to vector<16xf32>
              %sub3A_675 = arith.subf %get3A_388, %sub3A_674 : vector<16xf32>
              %add3A_676 = arith.constant 1.100000e+01 : f32
              %add3A_677 = arith.addf %convert_element_type3A_519, %add3A_676 : f32
              %sub3A_678 = vector.broadcast %add3A_677 : f32 to vector<16xf32>
              %sub3A_679 = arith.subf %get3A_396, %sub3A_678 : vector<16xf32>
              %mul3A_680 = arith.mulf %sub3A_675, %sub3A_675 : vector<16xf32>
              %mul3A_681 = arith.mulf %sub3A_679, %sub3A_679 : vector<16xf32>
              %add3A_682 = arith.addf %mul3A_680, %mul3A_681 : vector<16xf32>
              %slice3A_683 = vector.extract_strided_slice %select_n3A_474 {offsets = [11], sizes = [1], strides = [1]} : vector<16xf32> to vector<1xf32>
              %squeeze3A_684 = vector.extract %slice3A_683[0] : f32 from vector<1xf32>
              %add3A_685 = vector.broadcast %squeeze3A_684 : f32 to vector<16xf32>
              %add3A_686 = arith.addf %add3A_682, %add3A_685 : vector<16xf32>
              %min3A_687 = arith.minimumf %min3A_673, %add3A_686 : vector<16xf32>
              %sub3A_688 = vector.broadcast %add3A_500 : f32 to vector<16xf32>
              %sub3A_689 = arith.subf %get3A_388, %sub3A_688 : vector<16xf32>
              %add3A_690 = arith.constant 1.200000e+01 : f32
              %add3A_691 = arith.addf %convert_element_type3A_519, %add3A_690 : f32
              %sub3A_692 = vector.broadcast %add3A_691 : f32 to vector<16xf32>
              %sub3A_693 = arith.subf %get3A_396, %sub3A_692 : vector<16xf32>
              %mul3A_694 = arith.mulf %sub3A_689, %sub3A_689 : vector<16xf32>
              %mul3A_695 = arith.mulf %sub3A_693, %sub3A_693 : vector<16xf32>
              %add3A_696 = arith.addf %mul3A_694, %mul3A_695 : vector<16xf32>
              %slice3A_697 = vector.extract_strided_slice %select_n3A_474 {offsets = [12], sizes = [1], strides = [1]} : vector<16xf32> to vector<1xf32>
              %squeeze3A_698 = vector.extract %slice3A_697[0] : f32 from vector<1xf32>
              %add3A_699 = vector.broadcast %squeeze3A_698 : f32 to vector<16xf32>
              %add3A_700 = arith.addf %add3A_696, %add3A_699 : vector<16xf32>
              %min3A_701 = arith.minimumf %min3A_687, %add3A_700 : vector<16xf32>
              %sub3A_702 = vector.broadcast %add3A_500 : f32 to vector<16xf32>
              %sub3A_703 = arith.subf %get3A_388, %sub3A_702 : vector<16xf32>
              %add3A_704 = arith.constant 1.300000e+01 : f32
              %add3A_705 = arith.addf %convert_element_type3A_519, %add3A_704 : f32
              %sub3A_706 = vector.broadcast %add3A_705 : f32 to vector<16xf32>
              %sub3A_707 = arith.subf %get3A_396, %sub3A_706 : vector<16xf32>
              %mul3A_708 = arith.mulf %sub3A_703, %sub3A_703 : vector<16xf32>
              %mul3A_709 = arith.mulf %sub3A_707, %sub3A_707 : vector<16xf32>
              %add3A_710 = arith.addf %mul3A_708, %mul3A_709 : vector<16xf32>
              %slice3A_711 = vector.extract_strided_slice %select_n3A_474 {offsets = [13], sizes = [1], strides = [1]} : vector<16xf32> to vector<1xf32>
              %squeeze3A_712 = vector.extract %slice3A_711[0] : f32 from vector<1xf32>
              %add3A_713 = vector.broadcast %squeeze3A_712 : f32 to vector<16xf32>
              %add3A_714 = arith.addf %add3A_710, %add3A_713 : vector<16xf32>
              %min3A_715 = arith.minimumf %min3A_701, %add3A_714 : vector<16xf32>
              %sub3A_716 = vector.broadcast %add3A_500 : f32 to vector<16xf32>
              %sub3A_717 = arith.subf %get3A_388, %sub3A_716 : vector<16xf32>
              %add3A_718 = arith.constant 1.400000e+01 : f32
              %add3A_719 = arith.addf %convert_element_type3A_519, %add3A_718 : f32
              %sub3A_720 = vector.broadcast %add3A_719 : f32 to vector<16xf32>
              %sub3A_721 = arith.subf %get3A_396, %sub3A_720 : vector<16xf32>
              %mul3A_722 = arith.mulf %sub3A_717, %sub3A_717 : vector<16xf32>
              %mul3A_723 = arith.mulf %sub3A_721, %sub3A_721 : vector<16xf32>
              %add3A_724 = arith.addf %mul3A_722, %mul3A_723 : vector<16xf32>
              %slice3A_725 = vector.extract_strided_slice %select_n3A_474 {offsets = [14], sizes = [1], strides = [1]} : vector<16xf32> to vector<1xf32>
              %squeeze3A_726 = vector.extract %slice3A_725[0] : f32 from vector<1xf32>
              %add3A_727 = vector.broadcast %squeeze3A_726 : f32 to vector<16xf32>
              %add3A_728 = arith.addf %add3A_724, %add3A_727 : vector<16xf32>
              %min3A_729 = arith.minimumf %min3A_715, %add3A_728 : vector<16xf32>
              %sub3A_730 = vector.broadcast %add3A_500 : f32 to vector<16xf32>
              %sub3A_731 = arith.subf %get3A_388, %sub3A_730 : vector<16xf32>
              %add3A_732 = arith.constant 1.500000e+01 : f32
              %add3A_733 = arith.addf %convert_element_type3A_519, %add3A_732 : f32
              %sub3A_734 = vector.broadcast %add3A_733 : f32 to vector<16xf32>
              %sub3A_735 = arith.subf %get3A_396, %sub3A_734 : vector<16xf32>
              %mul3A_736 = arith.mulf %sub3A_731, %sub3A_731 : vector<16xf32>
              %mul3A_737 = arith.mulf %sub3A_735, %sub3A_735 : vector<16xf32>
              %add3A_738 = arith.addf %mul3A_736, %mul3A_737 : vector<16xf32>
              %slice3A_739 = vector.extract_strided_slice %select_n3A_474 {offsets = [15], sizes = [1], strides = [1]} : vector<16xf32> to vector<1xf32>
              %squeeze3A_740 = vector.extract %slice3A_739[0] : f32 from vector<1xf32>
              %add3A_741 = vector.broadcast %squeeze3A_740 : f32 to vector<16xf32>
              %add3A_742 = arith.addf %add3A_738, %add3A_741 : vector<16xf32>
              %min3A_743 = arith.minimumf %min3A_729, %add3A_742 : vector<16xf32>
              scf.yield %min3A_743 : vector<16xf32>
            }
            %scan3A_404 = arith.constant 8 : i32
            %mul3A_405 = arith.constant 16 : i32
            %mul3A_406 = arith.muli %scan3A_382, %mul3A_405 : i32
            %get3A_407 = arith.index_cast %mul3A_406 : i32 to index
            %get3A_408 = tpu.vector_load %arg8[%get3A_407] {strides = array<i32>} : memref<256xf32, #tpu.memory_space<vmem>>, vector<16xf32>,
            %get3A_409 = vector.shape_cast %get3A_408 : vector<16xf32> to vector<16xf32>
            %min3A_410 = arith.minimumf %get3A_409, %scan3A_403 : vector<16xf32>
            %mul3A_411 = arith.constant 16 : i32
            %mul3A_412 = arith.muli %scan3A_382, %mul3A_411 : i32
            %swap3A_413 = arith.index_cast %mul3A_412 : i32 to index
            %swap3A_414 = tpu.vector_load %arg8[%swap3A_413] {strides = array<i32>} : memref<256xf32, #tpu.memory_space<vmem>>, vector<16xf32>,
            %swap3A_415 = vector.shape_cast %swap3A_414 : vector<16xf32> to vector<16xf32>
            %swap3A_416 = vector.shape_cast %min3A_410 : vector<16xf32> to vector<16xf32>
            tpu.vector_store %arg8[%swap3A_413], %swap3A_416 {strides = array<i32>} : memref<256xf32, #tpu.memory_space<vmem>>, vector<16xf32>,
          }
          %scan3A_381 = arith.constant 16 : i32
        } else {
        }
      }
      %scan3A_218 = arith.constant 32 : i32
    } else {
    }
    "tpu.region"() ({
      %run_scoped3A = tpu.sem_alloc : memref<!tpu.dma_semaphore, #tpu.memory_space<semaphore_mem>>
      %dma_start3A_118 = arith.constant 0 : i32
      %dma_start3A_119 = tpu.memref_slice %arg4[%add3A, %dma_start3A_118] : memref<34x256xf32, #tpu.memory_space<hbm>> -> memref<1x256xf32, #tpu.memory_space<hbm>>
      %dma_start3A_120 = tpu.memref_squeeze %dma_start3A_119 : memref<1x256xf32, #tpu.memory_space<hbm>> -> memref<256xf32, #tpu.memory_space<hbm>>
      %dma_start3A_121 = arith.constant 0 : i32
      %dma_start3A_122 = tpu.memref_slice %arg4[%add3A, %dma_start3A_121] : memref<34x256xf32, #tpu.memory_space<hbm>> -> memref<1x256xf32, #tpu.memory_space<hbm>>
      %dma_start3A_123 = tpu.memref_squeeze %dma_start3A_122 : memref<1x256xf32, #tpu.memory_space<hbm>> -> memref<256xf32, #tpu.memory_space<hbm>>
      tpu.enqueue_dma source(%arg8 : memref<256xf32, #tpu.memory_space<vmem>>) target(%dma_start3A_123 : memref<256xf32, #tpu.memory_space<hbm>>) target_semaphore(%run_scoped3A : memref<!tpu.dma_semaphore, #tpu.memory_space<semaphore_mem>>)
      %dma_wait3A_124 = arith.constant 0 : i32
      %dma_wait3A_125 = tpu.memref_slice %arg4[%add3A, %dma_wait3A_124] : memref<34x256xf32, #tpu.memory_space<hbm>> -> memref<1x256xf32, #tpu.memory_space<hbm>>
      %dma_wait3A_126 = tpu.memref_squeeze %dma_wait3A_125 : memref<1x256xf32, #tpu.memory_space<hbm>> -> memref<256xf32, #tpu.memory_space<hbm>>
      %dma_wait3A_127 = arith.constant 0 : i32
      %dma_wait3A_128 = tpu.memref_slice %arg4[%add3A, %dma_wait3A_127] : memref<34x256xf32, #tpu.memory_space<hbm>> -> memref<1x256xf32, #tpu.memory_space<hbm>>
      %dma_wait3A_129 = tpu.memref_squeeze %dma_wait3A_128 : memref<1x256xf32, #tpu.memory_space<hbm>> -> memref<256xf32, #tpu.memory_space<hbm>>
      tpu.wait_dma2 semaphore(%run_scoped3A : memref<!tpu.dma_semaphore, #tpu.memory_space<semaphore_mem>>) src(%arg8 : memref<256xf32, #tpu.memory_space<vmem>>) dst(%dma_wait3A_129 : memref<256xf32, #tpu.memory_space<hbm>>)
      tpu.yield
    }) : () -> ()
    %convert_element_type3A_115 = arith.extui %lt3A_1 : i1 to i32
    %cond3A_116 = arith.constant 0 : i32
    %cond3A_117 = arith.cmpi ne, %convert_element_type3A_115, %cond3A_116 : i32
    scf.if %cond3A_117 {
      %add3A_118 = arith.constant 32 : i32
      %add3A_119 = arith.addi %add3A_118, %add3A : i32
      %mul3A_120 = arith.constant 8192 : i32
      %mul3A_121 = arith.muli %add3A_119, %mul3A_120 : i32
      %dma_wait3A_122 = tpu.memref_slice %arg2[%mul3A_121] : memref<278528xf32, #tpu.memory_space<hbm>> -> memref<8192xf32, #tpu.memory_space<hbm>>
      %dma_wait3A_123 = tpu.memref_slice %arg2[%mul3A_121] : memref<278528xf32, #tpu.memory_space<hbm>> -> memref<8192xf32, #tpu.memory_space<hbm>>
      tpu.wait_dma2 semaphore(%arg11 : memref<!tpu.dma_semaphore, #tpu.memory_space<semaphore_mem>>) src(%dma_wait3A_123 : memref<8192xf32, #tpu.memory_space<hbm>>) dst(%arg6 : memref<8192xf32, #tpu.memory_space<vmem>>)
      %add3A_124 = arith.constant 32 : i32
      %add3A_125 = arith.addi %add3A_124, %add3A : i32
      %jit3A_126 = arith.constant 17 : i32
      %div3A_127 = arith.divsi %add3A_125, %jit3A_126 : i32
      %sign3A_128 = arith.constant 0 : i32
      %sign3A_129 = arith.cmpi sgt, %add3A_125, %sign3A_128 : i32
      %sign3A_130 = arith.extui %sign3A_129 : i1 to i32
      %sign3A_131 = arith.constant 0 : i32
      %sign3A_132 = arith.cmpi slt, %add3A_125, %sign3A_131 : i32
      %sign3A_133 = arith.extui %sign3A_132 : i1 to i32
      %sign3A_134 = arith.subi %sign3A_130, %sign3A_133 : i32
      %sign3A_135 = arith.constant 0 : i32
      %sign3A_136 = arith.cmpi sgt, %jit3A_126, %sign3A_135 : i32
      %sign3A_137 = arith.extui %sign3A_136 : i1 to i32
      %sign3A_138 = arith.constant 0 : i32
      %sign3A_139 = arith.cmpi slt, %jit3A_126, %sign3A_138 : i32
      %sign3A_140 = arith.extui %sign3A_139 : i1 to i32
      %sign3A_141 = arith.subi %sign3A_137, %sign3A_140 : i32
      %ne3A_142 = arith.cmpi ne, %sign3A_134, %sign3A_141 : i32
      %rem3A_143 = arith.remsi %add3A_125, %jit3A_126 : i32
      %ne3A_144 = arith.constant 0 : i32
      %ne3A_145 = arith.cmpi ne, %rem3A_143, %ne3A_144 : i32
      %and3A_146 = arith.andi %ne3A_142, %ne3A_145 : i1
      %sub3A_147 = arith.constant 1 : i32
      %sub3A_148 = arith.subi %div3A_127, %sub3A_147 : i32
      %select_n3A_149 = arith.select %and3A_146, %sub3A_148, %div3A_127 : i32
      %mul3A_150 = arith.constant 512 : i32
      %mul3A_151 = arith.muli %select_n3A_149, %mul3A_150 : i32
      %broadcast_in_dim3A_152 = arith.constant 1.000000e+30 : f32
      %broadcast_in_dim3A_153 = vector.broadcast %broadcast_in_dim3A_152 : f32 to vector<16xf32>
      %scan3A_154 = arith.constant 0 : i32
      %scan3A_155 = arith.constant 16 : i32
      %scan3A_156 = arith.addi %scan3A_154, %scan3A_155 : i32
      %scan3A_157 = arith.constant 1 : i32
      %scan3A_158 = scf.for %scan3A_247 = %scan3A_154 to %scan3A_156 step %scan3A_157 iter_args(%scan3A_248 = %broadcast_in_dim3A_153) -> (vector<16xf32>)  : i32 {
        %mul3A_249 = arith.constant 4 : i32
        %mul3A_250 = arith.muli %scan3A_247, %mul3A_249 : i32
        %add3A_251 = arith.constant 0 : i32
        %add3A_252 = arith.addi %mul3A_250, %add3A_251 : i32
        %mul3A_253 = arith.constant 128 : i32
        %mul3A_254 = arith.muli %add3A_252, %mul3A_253 : i32
        %add3A_255 = arith.constant 0 : i32
        %add3A_256 = arith.addi %mul3A_254, %add3A_255 : i32
        %get3A = arith.index_cast %add3A_256 : i32 to index
        %get3A_257 = tpu.vector_load %arg6[%get3A] {strides = array<i32>} : memref<8192xf32, #tpu.memory_space<vmem>>, vector<16xf32>,
        %get3A_258 = vector.shape_cast %get3A_257 : vector<16xf32> to vector<16xf32>
        %abs3A = math.absf %get3A_258 : vector<16xf32>
        %min3A = arith.minimumf %scan3A_248, %abs3A : vector<16xf32>
        %mul3A_259 = arith.constant 4 : i32
        %mul3A_260 = arith.muli %scan3A_247, %mul3A_259 : i32
        %add3A_261 = arith.constant 0 : i32
        %add3A_262 = arith.addi %mul3A_260, %add3A_261 : i32
        %mul3A_263 = arith.constant 128 : i32
        %mul3A_264 = arith.muli %add3A_262, %mul3A_263 : i32
        %add3A_265 = arith.constant 16 : i32
        %add3A_266 = arith.addi %mul3A_264, %add3A_265 : i32
        %get3A_267 = arith.index_cast %add3A_266 : i32 to index
        %get3A_268 = tpu.vector_load %arg6[%get3A_267] {strides = array<i32>} : memref<8192xf32, #tpu.memory_space<vmem>>, vector<16xf32>,
        %get3A_269 = vector.shape_cast %get3A_268 : vector<16xf32> to vector<16xf32>
        %abs3A_270 = math.absf %get3A_269 : vector<16xf32>
        %min3A_271 = arith.minimumf %min3A, %abs3A_270 : vector<16xf32>
        %mul3A_272 = arith.constant 4 : i32
        %mul3A_273 = arith.muli %scan3A_247, %mul3A_272 : i32
        %add3A_274 = arith.constant 0 : i32
        %add3A_275 = arith.addi %mul3A_273, %add3A_274 : i32
        %mul3A_276 = arith.constant 128 : i32
        %mul3A_277 = arith.muli %add3A_275, %mul3A_276 : i32
        %add3A_278 = arith.constant 32 : i32
        %add3A_279 = arith.addi %mul3A_277, %add3A_278 : i32
        %get3A_280 = arith.index_cast %add3A_279 : i32 to index
        %get3A_281 = tpu.vector_load %arg6[%get3A_280] {strides = array<i32>} : memref<8192xf32, #tpu.memory_space<vmem>>, vector<16xf32>,
        %get3A_282 = vector.shape_cast %get3A_281 : vector<16xf32> to vector<16xf32>
        %abs3A_283 = math.absf %get3A_282 : vector<16xf32>
        %min3A_284 = arith.minimumf %min3A_271, %abs3A_283 : vector<16xf32>
        %mul3A_285 = arith.constant 4 : i32
        %mul3A_286 = arith.muli %scan3A_247, %mul3A_285 : i32
        %add3A_287 = arith.constant 0 : i32
        %add3A_288 = arith.addi %mul3A_286, %add3A_287 : i32
        %mul3A_289 = arith.constant 128 : i32
        %mul3A_290 = arith.muli %add3A_288, %mul3A_289 : i32
        %add3A_291 = arith.constant 48 : i32
        %add3A_292 = arith.addi %mul3A_290, %add3A_291 : i32
        %get3A_293 = arith.index_cast %add3A_292 : i32 to index
        %get3A_294 = tpu.vector_load %arg6[%get3A_293] {strides = array<i32>} : memref<8192xf32, #tpu.memory_space<vmem>>, vector<16xf32>,
        %get3A_295 = vector.shape_cast %get3A_294 : vector<16xf32> to vector<16xf32>
        %abs3A_296 = math.absf %get3A_295 : vector<16xf32>
        %min3A_297 = arith.minimumf %min3A_284, %abs3A_296 : vector<16xf32>
        %mul3A_298 = arith.constant 4 : i32
        %mul3A_299 = arith.muli %scan3A_247, %mul3A_298 : i32
        %add3A_300 = arith.constant 1 : i32
        %add3A_301 = arith.addi %mul3A_299, %add3A_300 : i32
        %mul3A_302 = arith.constant 128 : i32
        %mul3A_303 = arith.muli %add3A_301, %mul3A_302 : i32
        %add3A_304 = arith.constant 0 : i32
        %add3A_305 = arith.addi %mul3A_303, %add3A_304 : i32
        %get3A_306 = arith.index_cast %add3A_305 : i32 to index
        %get3A_307 = tpu.vector_load %arg6[%get3A_306] {strides = array<i32>} : memref<8192xf32, #tpu.memory_space<vmem>>, vector<16xf32>,
        %get3A_308 = vector.shape_cast %get3A_307 : vector<16xf32> to vector<16xf32>
        %abs3A_309 = math.absf %get3A_308 : vector<16xf32>
        %min3A_310 = arith.minimumf %min3A_297, %abs3A_309 : vector<16xf32>
        %mul3A_311 = arith.constant 4 : i32
        %mul3A_312 = arith.muli %scan3A_247, %mul3A_311 : i32
        %add3A_313 = arith.constant 1 : i32
        %add3A_314 = arith.addi %mul3A_312, %add3A_313 : i32
        %mul3A_315 = arith.constant 128 : i32
        %mul3A_316 = arith.muli %add3A_314, %mul3A_315 : i32
        %add3A_317 = arith.constant 16 : i32
        %add3A_318 = arith.addi %mul3A_316, %add3A_317 : i32
        %get3A_319 = arith.index_cast %add3A_318 : i32 to index
        %get3A_320 = tpu.vector_load %arg6[%get3A_319] {strides = array<i32>} : memref<8192xf32, #tpu.memory_space<vmem>>, vector<16xf32>,
        %get3A_321 = vector.shape_cast %get3A_320 : vector<16xf32> to vector<16xf32>
        %abs3A_322 = math.absf %get3A_321 : vector<16xf32>
        %min3A_323 = arith.minimumf %min3A_310, %abs3A_322 : vector<16xf32>
        %mul3A_324 = arith.constant 4 : i32
        %mul3A_325 = arith.muli %scan3A_247, %mul3A_324 : i32
        %add3A_326 = arith.constant 1 : i32
        %add3A_327 = arith.addi %mul3A_325, %add3A_326 : i32
        %mul3A_328 = arith.constant 128 : i32
        %mul3A_329 = arith.muli %add3A_327, %mul3A_328 : i32
        %add3A_330 = arith.constant 32 : i32
        %add3A_331 = arith.addi %mul3A_329, %add3A_330 : i32
        %get3A_332 = arith.index_cast %add3A_331 : i32 to index
        %get3A_333 = tpu.vector_load %arg6[%get3A_332] {strides = array<i32>} : memref<8192xf32, #tpu.memory_space<vmem>>, vector<16xf32>,
        %get3A_334 = vector.shape_cast %get3A_333 : vector<16xf32> to vector<16xf32>
        %abs3A_335 = math.absf %get3A_334 : vector<16xf32>
        %min3A_336 = arith.minimumf %min3A_323, %abs3A_335 : vector<16xf32>
        %mul3A_337 = arith.constant 4 : i32
        %mul3A_338 = arith.muli %scan3A_247, %mul3A_337 : i32
        %add3A_339 = arith.constant 1 : i32
        %add3A_340 = arith.addi %mul3A_338, %add3A_339 : i32
        %mul3A_341 = arith.constant 128 : i32
        %mul3A_342 = arith.muli %add3A_340, %mul3A_341 : i32
        %add3A_343 = arith.constant 48 : i32
        %add3A_344 = arith.addi %mul3A_342, %add3A_343 : i32
        %get3A_345 = arith.index_cast %add3A_344 : i32 to index
        %get3A_346 = tpu.vector_load %arg6[%get3A_345] {strides = array<i32>} : memref<8192xf32, #tpu.memory_space<vmem>>, vector<16xf32>,
        %get3A_347 = vector.shape_cast %get3A_346 : vector<16xf32> to vector<16xf32>
        %abs3A_348 = math.absf %get3A_347 : vector<16xf32>
        %min3A_349 = arith.minimumf %min3A_336, %abs3A_348 : vector<16xf32>
        %mul3A_350 = arith.constant 4 : i32
        %mul3A_351 = arith.muli %scan3A_247, %mul3A_350 : i32
        %add3A_352 = arith.constant 2 : i32
        %add3A_353 = arith.addi %mul3A_351, %add3A_352 : i32
        %mul3A_354 = arith.constant 128 : i32
        %mul3A_355 = arith.muli %add3A_353, %mul3A_354 : i32
        %add3A_356 = arith.constant 0 : i32
        %add3A_357 = arith.addi %mul3A_355, %add3A_356 : i32
        %get3A_358 = arith.index_cast %add3A_357 : i32 to index
        %get3A_359 = tpu.vector_load %arg6[%get3A_358] {strides = array<i32>} : memref<8192xf32, #tpu.memory_space<vmem>>, vector<16xf32>,
        %get3A_360 = vector.shape_cast %get3A_359 : vector<16xf32> to vector<16xf32>
        %abs3A_361 = math.absf %get3A_360 : vector<16xf32>
        %min3A_362 = arith.minimumf %min3A_349, %abs3A_361 : vector<16xf32>
        %mul3A_363 = arith.constant 4 : i32
        %mul3A_364 = arith.muli %scan3A_247, %mul3A_363 : i32
        %add3A_365 = arith.constant 2 : i32
        %add3A_366 = arith.addi %mul3A_364, %add3A_365 : i32
        %mul3A_367 = arith.constant 128 : i32
        %mul3A_368 = arith.muli %add3A_366, %mul3A_367 : i32
        %add3A_369 = arith.constant 16 : i32
        %add3A_370 = arith.addi %mul3A_368, %add3A_369 : i32
        %get3A_371 = arith.index_cast %add3A_370 : i32 to index
        %get3A_372 = tpu.vector_load %arg6[%get3A_371] {strides = array<i32>} : memref<8192xf32, #tpu.memory_space<vmem>>, vector<16xf32>,
        %get3A_373 = vector.shape_cast %get3A_372 : vector<16xf32> to vector<16xf32>
        %abs3A_374 = math.absf %get3A_373 : vector<16xf32>
        %min3A_375 = arith.minimumf %min3A_362, %abs3A_374 : vector<16xf32>
        %mul3A_376 = arith.constant 4 : i32
        %mul3A_377 = arith.muli %scan3A_247, %mul3A_376 : i32
        %add3A_378 = arith.constant 2 : i32
        %add3A_379 = arith.addi %mul3A_377, %add3A_378 : i32
        %mul3A_380 = arith.constant 128 : i32
        %mul3A_381 = arith.muli %add3A_379, %mul3A_380 : i32
        %add3A_382 = arith.constant 32 : i32
        %add3A_383 = arith.addi %mul3A_381, %add3A_382 : i32
        %get3A_384 = arith.index_cast %add3A_383 : i32 to index
        %get3A_385 = tpu.vector_load %arg6[%get3A_384] {strides = array<i32>} : memref<8192xf32, #tpu.memory_space<vmem>>, vector<16xf32>,
        %get3A_386 = vector.shape_cast %get3A_385 : vector<16xf32> to vector<16xf32>
        %abs3A_387 = math.absf %get3A_386 : vector<16xf32>
        %min3A_388 = arith.minimumf %min3A_375, %abs3A_387 : vector<16xf32>
        %mul3A_389 = arith.constant 4 : i32
        %mul3A_390 = arith.muli %scan3A_247, %mul3A_389 : i32
        %add3A_391 = arith.constant 2 : i32
        %add3A_392 = arith.addi %mul3A_390, %add3A_391 : i32
        %mul3A_393 = arith.constant 128 : i32
        %mul3A_394 = arith.muli %add3A_392, %mul3A_393 : i32
        %add3A_395 = arith.constant 48 : i32
        %add3A_396 = arith.addi %mul3A_394, %add3A_395 : i32
        %get3A_397 = arith.index_cast %add3A_396 : i32 to index
        %get3A_398 = tpu.vector_load %arg6[%get3A_397] {strides = array<i32>} : memref<8192xf32, #tpu.memory_space<vmem>>, vector<16xf32>,
        %get3A_399 = vector.shape_cast %get3A_398 : vector<16xf32> to vector<16xf32>
        %abs3A_400 = math.absf %get3A_399 : vector<16xf32>
        %min3A_401 = arith.minimumf %min3A_388, %abs3A_400 : vector<16xf32>
        %mul3A_402 = arith.constant 4 : i32
        %mul3A_403 = arith.muli %scan3A_247, %mul3A_402 : i32
        %add3A_404 = arith.constant 3 : i32
        %add3A_405 = arith.addi %mul3A_403, %add3A_404 : i32
        %mul3A_406 = arith.constant 128 : i32
        %mul3A_407 = arith.muli %add3A_405, %mul3A_406 : i32
        %add3A_408 = arith.constant 0 : i32
        %add3A_409 = arith.addi %mul3A_407, %add3A_408 : i32
        %get3A_410 = arith.index_cast %add3A_409 : i32 to index
        %get3A_411 = tpu.vector_load %arg6[%get3A_410] {strides = array<i32>} : memref<8192xf32, #tpu.memory_space<vmem>>, vector<16xf32>,
        %get3A_412 = vector.shape_cast %get3A_411 : vector<16xf32> to vector<16xf32>
        %abs3A_413 = math.absf %get3A_412 : vector<16xf32>
        %min3A_414 = arith.minimumf %min3A_401, %abs3A_413 : vector<16xf32>
        %mul3A_415 = arith.constant 4 : i32
        %mul3A_416 = arith.muli %scan3A_247, %mul3A_415 : i32
        %add3A_417 = arith.constant 3 : i32
        %add3A_418 = arith.addi %mul3A_416, %add3A_417 : i32
        %mul3A_419 = arith.constant 128 : i32
        %mul3A_420 = arith.muli %add3A_418, %mul3A_419 : i32
        %add3A_421 = arith.constant 16 : i32
        %add3A_422 = arith.addi %mul3A_420, %add3A_421 : i32
        %get3A_423 = arith.index_cast %add3A_422 : i32 to index
        %get3A_424 = tpu.vector_load %arg6[%get3A_423] {strides = array<i32>} : memref<8192xf32, #tpu.memory_space<vmem>>, vector<16xf32>,
        %get3A_425 = vector.shape_cast %get3A_424 : vector<16xf32> to vector<16xf32>
        %abs3A_426 = math.absf %get3A_425 : vector<16xf32>
        %min3A_427 = arith.minimumf %min3A_414, %abs3A_426 : vector<16xf32>
        %mul3A_428 = arith.constant 4 : i32
        %mul3A_429 = arith.muli %scan3A_247, %mul3A_428 : i32
        %add3A_430 = arith.constant 3 : i32
        %add3A_431 = arith.addi %mul3A_429, %add3A_430 : i32
        %mul3A_432 = arith.constant 128 : i32
        %mul3A_433 = arith.muli %add3A_431, %mul3A_432 : i32
        %add3A_434 = arith.constant 32 : i32
        %add3A_435 = arith.addi %mul3A_433, %add3A_434 : i32
        %get3A_436 = arith.index_cast %add3A_435 : i32 to index
        %get3A_437 = tpu.vector_load %arg6[%get3A_436] {strides = array<i32>} : memref<8192xf32, #tpu.memory_space<vmem>>, vector<16xf32>,
        %get3A_438 = vector.shape_cast %get3A_437 : vector<16xf32> to vector<16xf32>
        %abs3A_439 = math.absf %get3A_438 : vector<16xf32>
        %min3A_440 = arith.minimumf %min3A_427, %abs3A_439 : vector<16xf32>
        %mul3A_441 = arith.constant 4 : i32
        %mul3A_442 = arith.muli %scan3A_247, %mul3A_441 : i32
        %add3A_443 = arith.constant 3 : i32
        %add3A_444 = arith.addi %mul3A_442, %add3A_443 : i32
        %mul3A_445 = arith.constant 128 : i32
        %mul3A_446 = arith.muli %add3A_444, %mul3A_445 : i32
        %add3A_447 = arith.constant 48 : i32
        %add3A_448 = arith.addi %mul3A_446, %add3A_447 : i32
        %get3A_449 = arith.index_cast %add3A_448 : i32 to index
        %get3A_450 = tpu.vector_load %arg6[%get3A_449] {strides = array<i32>} : memref<8192xf32, #tpu.memory_space<vmem>>, vector<16xf32>,
        %get3A_451 = vector.shape_cast %get3A_450 : vector<16xf32> to vector<16xf32>
        %abs3A_452 = math.absf %get3A_451 : vector<16xf32>
        %min3A_453 = arith.minimumf %min3A_440, %abs3A_452 : vector<16xf32>
        scf.yield %min3A_453 : vector<16xf32>
      }
      %scan3A_159 = arith.constant 16 : i32
      %slice3A_160 = vector.extract_strided_slice %scan3A_158 {offsets = [0], sizes = [1], strides = [1]} : vector<16xf32> to vector<1xf32>
      %squeeze3A_161 = vector.extract %slice3A_160[0] : f32 from vector<1xf32>
      %ne3A_162 = arith.constant 0.000000e+00 : f32
      %ne3A_163 = arith.cmpf one, %squeeze3A_161, %ne3A_162 : f32
      %slice3A_164 = vector.extract_strided_slice %scan3A_158 {offsets = [1], sizes = [1], strides = [1]} : vector<16xf32> to vector<1xf32>
      %squeeze3A_165 = vector.extract %slice3A_164[0] : f32 from vector<1xf32>
      %ne3A_166 = arith.constant 0.000000e+00 : f32
      %ne3A_167 = arith.cmpf one, %squeeze3A_165, %ne3A_166 : f32
      %slice3A_168 = vector.extract_strided_slice %scan3A_158 {offsets = [2], sizes = [1], strides = [1]} : vector<16xf32> to vector<1xf32>
      %squeeze3A_169 = vector.extract %slice3A_168[0] : f32 from vector<1xf32>
      %ne3A_170 = arith.constant 0.000000e+00 : f32
      %ne3A_171 = arith.cmpf one, %squeeze3A_169, %ne3A_170 : f32
      %slice3A_172 = vector.extract_strided_slice %scan3A_158 {offsets = [3], sizes = [1], strides = [1]} : vector<16xf32> to vector<1xf32>
      %squeeze3A_173 = vector.extract %slice3A_172[0] : f32 from vector<1xf32>
      %ne3A_174 = arith.constant 0.000000e+00 : f32
      %ne3A_175 = arith.cmpf one, %squeeze3A_173, %ne3A_174 : f32
      %slice3A_176 = vector.extract_strided_slice %scan3A_158 {offsets = [4], sizes = [1], strides = [1]} : vector<16xf32> to vector<1xf32>
      %squeeze3A_177 = vector.extract %slice3A_176[0] : f32 from vector<1xf32>
      %ne3A_178 = arith.constant 0.000000e+00 : f32
      %ne3A_179 = arith.cmpf one, %squeeze3A_177, %ne3A_178 : f32
      %slice3A_180 = vector.extract_strided_slice %scan3A_158 {offsets = [5], sizes = [1], strides = [1]} : vector<16xf32> to vector<1xf32>
      %squeeze3A_181 = vector.extract %slice3A_180[0] : f32 from vector<1xf32>
      %ne3A_182 = arith.constant 0.000000e+00 : f32
      %ne3A_183 = arith.cmpf one, %squeeze3A_181, %ne3A_182 : f32
      %slice3A_184 = vector.extract_strided_slice %scan3A_158 {offsets = [6], sizes = [1], strides = [1]} : vector<16xf32> to vector<1xf32>
      %squeeze3A_185 = vector.extract %slice3A_184[0] : f32 from vector<1xf32>
      %ne3A_186 = arith.constant 0.000000e+00 : f32
      %ne3A_187 = arith.cmpf one, %squeeze3A_185, %ne3A_186 : f32
      %slice3A_188 = vector.extract_strided_slice %scan3A_158 {offsets = [7], sizes = [1], strides = [1]} : vector<16xf32> to vector<1xf32>
      %squeeze3A_189 = vector.extract %slice3A_188[0] : f32 from vector<1xf32>
      %ne3A_190 = arith.constant 0.000000e+00 : f32
      %ne3A_191 = arith.cmpf one, %squeeze3A_189, %ne3A_190 : f32
      %slice3A_192 = vector.extract_strided_slice %scan3A_158 {offsets = [8], sizes = [1], strides = [1]} : vector<16xf32> to vector<1xf32>
      %squeeze3A_193 = vector.extract %slice3A_192[0] : f32 from vector<1xf32>
      %ne3A_194 = arith.constant 0.000000e+00 : f32
      %ne3A_195 = arith.cmpf one, %squeeze3A_193, %ne3A_194 : f32
      %slice3A_196 = vector.extract_strided_slice %scan3A_158 {offsets = [9], sizes = [1], strides = [1]} : vector<16xf32> to vector<1xf32>
      %squeeze3A_197 = vector.extract %slice3A_196[0] : f32 from vector<1xf32>
      %ne3A_198 = arith.constant 0.000000e+00 : f32
      %ne3A_199 = arith.cmpf one, %squeeze3A_197, %ne3A_198 : f32
      %slice3A_200 = vector.extract_strided_slice %scan3A_158 {offsets = [10], sizes = [1], strides = [1]} : vector<16xf32> to vector<1xf32>
      %squeeze3A_201 = vector.extract %slice3A_200[0] : f32 from vector<1xf32>
      %ne3A_202 = arith.constant 0.000000e+00 : f32
      %ne3A_203 = arith.cmpf one, %squeeze3A_201, %ne3A_202 : f32
      %slice3A_204 = vector.extract_strided_slice %scan3A_158 {offsets = [11], sizes = [1], strides = [1]} : vector<16xf32> to vector<1xf32>
      %squeeze3A_205 = vector.extract %slice3A_204[0] : f32 from vector<1xf32>
      %ne3A_206 = arith.constant 0.000000e+00 : f32
      %ne3A_207 = arith.cmpf one, %squeeze3A_205, %ne3A_206 : f32
      %slice3A_208 = vector.extract_strided_slice %scan3A_158 {offsets = [12], sizes = [1], strides = [1]} : vector<16xf32> to vector<1xf32>
      %squeeze3A_209 = vector.extract %slice3A_208[0] : f32 from vector<1xf32>
      %ne3A_210 = arith.constant 0.000000e+00 : f32
      %ne3A_211 = arith.cmpf one, %squeeze3A_209, %ne3A_210 : f32
      %slice3A_212 = vector.extract_strided_slice %scan3A_158 {offsets = [13], sizes = [1], strides = [1]} : vector<16xf32> to vector<1xf32>
      %squeeze3A_213 = vector.extract %slice3A_212[0] : f32 from vector<1xf32>
      %ne3A_214 = arith.constant 0.000000e+00 : f32
      %ne3A_215 = arith.cmpf one, %squeeze3A_213, %ne3A_214 : f32
      %slice3A_216 = vector.extract_strided_slice %scan3A_158 {offsets = [14], sizes = [1], strides = [1]} : vector<16xf32> to vector<1xf32>
      %squeeze3A_217 = vector.extract %slice3A_216[0] : f32 from vector<1xf32>
      %ne3A_218 = arith.constant 0.000000e+00 : f32
      %ne3A_219 = arith.cmpf one, %squeeze3A_217, %ne3A_218 : f32
      %slice3A_220 = vector.extract_strided_slice %scan3A_158 {offsets = [15], sizes = [1], strides = [1]} : vector<16xf32> to vector<1xf32>
      %squeeze3A_221 = vector.extract %slice3A_220[0] : f32 from vector<1xf32>
      %ne3A_222 = arith.constant 0.000000e+00 : f32
      %ne3A_223 = arith.cmpf one, %squeeze3A_221, %ne3A_222 : f32
      %and3A_224 = arith.andi %ne3A_163, %ne3A_167 : i1
      %and3A_225 = arith.andi %ne3A_171, %ne3A_175 : i1
      %and3A_226 = arith.andi %ne3A_179, %ne3A_183 : i1
      %and3A_227 = arith.andi %ne3A_187, %ne3A_191 : i1
      %and3A_228 = arith.andi %ne3A_195, %ne3A_199 : i1
      %and3A_229 = arith.andi %ne3A_203, %ne3A_207 : i1
      %and3A_230 = arith.andi %ne3A_211, %ne3A_215 : i1
      %and3A_231 = arith.andi %ne3A_219, %ne3A_223 : i1
      %and3A_232 = arith.andi %and3A_224, %and3A_225 : i1
      %and3A_233 = arith.andi %and3A_226, %and3A_227 : i1
      %and3A_234 = arith.andi %and3A_228, %and3A_229 : i1
      %and3A_235 = arith.andi %and3A_230, %and3A_231 : i1
      %and3A_236 = arith.andi %and3A_232, %and3A_233 : i1
      %and3A_237 = arith.andi %and3A_234, %and3A_235 : i1
      %and3A_238 = arith.andi %and3A_236, %and3A_237 : i1
      %convert_element_type3A_239 = arith.extui %and3A_238 : i1 to i32
      %cond3A_240 = arith.constant 0 : i32
      %cond3A_241 = arith.cmpi ne, %convert_element_type3A_239, %cond3A_240 : i32
      scf.if %cond3A_241 {
        %add3A_247 = arith.constant 0 : i32
        %add3A_248 = arith.addi %mul3A_151, %add3A_247 : i32
        %get3A = arith.index_cast %add3A_248 : i32 to index
        %get3A_249 = tpu.vector_load %arg7[%get3A] {strides = array<i32>} : memref<1024xf32, #tpu.memory_space<vmem>>, vector<16xf32>,
        %get3A_250 = vector.shape_cast %get3A_249 : vector<16xf32> to vector<16xf32>
        %add3A_251 = arith.constant 256 : i32
        %add3A_252 = arith.addi %mul3A_151, %add3A_251 : i32
        %add3A_253 = arith.constant 0 : i32
        %add3A_254 = arith.addi %add3A_252, %add3A_253 : i32
        %get3A_255 = arith.index_cast %add3A_254 : i32 to index
        %get3A_256 = tpu.vector_load %arg7[%get3A_255] {strides = array<i32>} : memref<1024xf32, #tpu.memory_space<vmem>>, vector<16xf32>,
        %get3A_257 = vector.shape_cast %get3A_256 : vector<16xf32> to vector<16xf32>
        %max3A = arith.constant 0.000000e+00 : f32
        %max3A_258 = vector.broadcast %max3A : f32 to vector<16xf32>
        %max3A_259 = arith.maximumf %get3A_250, %max3A_258 : vector<16xf32>
        %min3A = arith.constant 6.300000e+01 : f32
        %min3A_260 = vector.broadcast %min3A : f32 to vector<16xf32>
        %min3A_261 = arith.minimumf %max3A_259, %min3A_260 : vector<16xf32>
        %add3A_262 = arith.constant 5.000000e-01 : f32
        %add3A_263 = vector.broadcast %add3A_262 : f32 to vector<16xf32>
        %add3A_264 = arith.addf %min3A_261, %add3A_263 : vector<16xf32>
        %convert_element_type3A_265 = arith.fptosi %add3A_264 : vector<16xf32> to vector<16xi32>
        %convert_element_type3A_266 = arith.sitofp %convert_element_type3A_265 : vector<16xi32> to vector<16xf32>
        %sub3A_267 = arith.subf %get3A_250, %convert_element_type3A_266 : vector<16xf32>
        %max3A_268 = arith.constant 0.000000e+00 : f32
        %max3A_269 = vector.broadcast %max3A_268 : f32 to vector<16xf32>
        %max3A_270 = arith.maximumf %get3A_257, %max3A_269 : vector<16xf32>
        %min3A_271 = arith.constant 6.300000e+01 : f32
        %min3A_272 = vector.broadcast %min3A_271 : f32 to vector<16xf32>
        %min3A_273 = arith.minimumf %max3A_270, %min3A_272 : vector<16xf32>
        %add3A_274 = arith.constant 5.000000e-01 : f32
        %add3A_275 = vector.broadcast %add3A_274 : f32 to vector<16xf32>
        %add3A_276 = arith.addf %min3A_273, %add3A_275 : vector<16xf32>
        %convert_element_type3A_277 = arith.fptosi %add3A_276 : vector<16xf32> to vector<16xi32>
        %convert_element_type3A_278 = arith.sitofp %convert_element_type3A_277 : vector<16xi32> to vector<16xf32>
        %sub3A_279 = arith.subf %get3A_257, %convert_element_type3A_278 : vector<16xf32>
        %mul3A_280 = arith.mulf %sub3A_267, %sub3A_267 : vector<16xf32>
        %mul3A_281 = arith.mulf %sub3A_279, %sub3A_279 : vector<16xf32>
        %add3A_282 = arith.addf %mul3A_280, %mul3A_281 : vector<16xf32>
        %swap3A = arith.constant 0 : index
        %swap3A_283 = tpu.vector_load %arg8[%swap3A] {strides = array<i32>} : memref<256xf32, #tpu.memory_space<vmem>>, vector<16xf32>,
        %swap3A_284 = vector.shape_cast %swap3A_283 : vector<16xf32> to vector<16xf32>
        %swap3A_285 = vector.shape_cast %add3A_282 : vector<16xf32> to vector<16xf32>
        tpu.vector_store %arg8[%swap3A], %swap3A_285 {strides = array<i32>} : memref<256xf32, #tpu.memory_space<vmem>>, vector<16xf32>,
        %add3A_286 = arith.constant 16 : i32
        %add3A_287 = arith.addi %mul3A_151, %add3A_286 : i32
        %get3A_288 = arith.index_cast %add3A_287 : i32 to index
        %get3A_289 = tpu.vector_load %arg7[%get3A_288] {strides = array<i32>} : memref<1024xf32, #tpu.memory_space<vmem>>, vector<16xf32>,
        %get3A_290 = vector.shape_cast %get3A_289 : vector<16xf32> to vector<16xf32>
        %add3A_291 = arith.constant 256 : i32
        %add3A_292 = arith.addi %mul3A_151, %add3A_291 : i32
        %add3A_293 = arith.constant 16 : i32
        %add3A_294 = arith.addi %add3A_292, %add3A_293 : i32
        %get3A_295 = arith.index_cast %add3A_294 : i32 to index
        %get3A_296 = tpu.vector_load %arg7[%get3A_295] {strides = array<i32>} : memref<1024xf32, #tpu.memory_space<vmem>>, vector<16xf32>,
        %get3A_297 = vector.shape_cast %get3A_296 : vector<16xf32> to vector<16xf32>
        %max3A_298 = arith.constant 0.000000e+00 : f32
        %max3A_299 = vector.broadcast %max3A_298 : f32 to vector<16xf32>
        %max3A_300 = arith.maximumf %get3A_290, %max3A_299 : vector<16xf32>
        %min3A_301 = arith.constant 6.300000e+01 : f32
        %min3A_302 = vector.broadcast %min3A_301 : f32 to vector<16xf32>
        %min3A_303 = arith.minimumf %max3A_300, %min3A_302 : vector<16xf32>
        %add3A_304 = arith.constant 5.000000e-01 : f32
        %add3A_305 = vector.broadcast %add3A_304 : f32 to vector<16xf32>
        %add3A_306 = arith.addf %min3A_303, %add3A_305 : vector<16xf32>
        %convert_element_type3A_307 = arith.fptosi %add3A_306 : vector<16xf32> to vector<16xi32>
        %convert_element_type3A_308 = arith.sitofp %convert_element_type3A_307 : vector<16xi32> to vector<16xf32>
        %sub3A_309 = arith.subf %get3A_290, %convert_element_type3A_308 : vector<16xf32>
        %max3A_310 = arith.constant 0.000000e+00 : f32
        %max3A_311 = vector.broadcast %max3A_310 : f32 to vector<16xf32>
        %max3A_312 = arith.maximumf %get3A_297, %max3A_311 : vector<16xf32>
        %min3A_313 = arith.constant 6.300000e+01 : f32
        %min3A_314 = vector.broadcast %min3A_313 : f32 to vector<16xf32>
        %min3A_315 = arith.minimumf %max3A_312, %min3A_314 : vector<16xf32>
        %add3A_316 = arith.constant 5.000000e-01 : f32
        %add3A_317 = vector.broadcast %add3A_316 : f32 to vector<16xf32>
        %add3A_318 = arith.addf %min3A_315, %add3A_317 : vector<16xf32>
        %convert_element_type3A_319 = arith.fptosi %add3A_318 : vector<16xf32> to vector<16xi32>
        %convert_element_type3A_320 = arith.sitofp %convert_element_type3A_319 : vector<16xi32> to vector<16xf32>
        %sub3A_321 = arith.subf %get3A_297, %convert_element_type3A_320 : vector<16xf32>
        %mul3A_322 = arith.mulf %sub3A_309, %sub3A_309 : vector<16xf32>
        %mul3A_323 = arith.mulf %sub3A_321, %sub3A_321 : vector<16xf32>
        %add3A_324 = arith.addf %mul3A_322, %mul3A_323 : vector<16xf32>
        %swap3A_325 = arith.constant 16 : index
        %swap3A_326 = tpu.vector_load %arg8[%swap3A_325] {strides = array<i32>} : memref<256xf32, #tpu.memory_space<vmem>>, vector<16xf32>,
        %swap3A_327 = vector.shape_cast %swap3A_326 : vector<16xf32> to vector<16xf32>
        %swap3A_328 = vector.shape_cast %add3A_324 : vector<16xf32> to vector<16xf32>
        tpu.vector_store %arg8[%swap3A_325], %swap3A_328 {strides = array<i32>} : memref<256xf32, #tpu.memory_space<vmem>>, vector<16xf32>,
        %add3A_329 = arith.constant 32 : i32
        %add3A_330 = arith.addi %mul3A_151, %add3A_329 : i32
        %get3A_331 = arith.index_cast %add3A_330 : i32 to index
        %get3A_332 = tpu.vector_load %arg7[%get3A_331] {strides = array<i32>} : memref<1024xf32, #tpu.memory_space<vmem>>, vector<16xf32>,
        %get3A_333 = vector.shape_cast %get3A_332 : vector<16xf32> to vector<16xf32>
        %add3A_334 = arith.constant 256 : i32
        %add3A_335 = arith.addi %mul3A_151, %add3A_334 : i32
        %add3A_336 = arith.constant 32 : i32
        %add3A_337 = arith.addi %add3A_335, %add3A_336 : i32
        %get3A_338 = arith.index_cast %add3A_337 : i32 to index
        %get3A_339 = tpu.vector_load %arg7[%get3A_338] {strides = array<i32>} : memref<1024xf32, #tpu.memory_space<vmem>>, vector<16xf32>,
        %get3A_340 = vector.shape_cast %get3A_339 : vector<16xf32> to vector<16xf32>
        %max3A_341 = arith.constant 0.000000e+00 : f32
        %max3A_342 = vector.broadcast %max3A_341 : f32 to vector<16xf32>
        %max3A_343 = arith.maximumf %get3A_333, %max3A_342 : vector<16xf32>
        %min3A_344 = arith.constant 6.300000e+01 : f32
        %min3A_345 = vector.broadcast %min3A_344 : f32 to vector<16xf32>
        %min3A_346 = arith.minimumf %max3A_343, %min3A_345 : vector<16xf32>
        %add3A_347 = arith.constant 5.000000e-01 : f32
        %add3A_348 = vector.broadcast %add3A_347 : f32 to vector<16xf32>
        %add3A_349 = arith.addf %min3A_346, %add3A_348 : vector<16xf32>
        %convert_element_type3A_350 = arith.fptosi %add3A_349 : vector<16xf32> to vector<16xi32>
        %convert_element_type3A_351 = arith.sitofp %convert_element_type3A_350 : vector<16xi32> to vector<16xf32>
        %sub3A_352 = arith.subf %get3A_333, %convert_element_type3A_351 : vector<16xf32>
        %max3A_353 = arith.constant 0.000000e+00 : f32
        %max3A_354 = vector.broadcast %max3A_353 : f32 to vector<16xf32>
        %max3A_355 = arith.maximumf %get3A_340, %max3A_354 : vector<16xf32>
        %min3A_356 = arith.constant 6.300000e+01 : f32
        %min3A_357 = vector.broadcast %min3A_356 : f32 to vector<16xf32>
        %min3A_358 = arith.minimumf %max3A_355, %min3A_357 : vector<16xf32>
        %add3A_359 = arith.constant 5.000000e-01 : f32
        %add3A_360 = vector.broadcast %add3A_359 : f32 to vector<16xf32>
        %add3A_361 = arith.addf %min3A_358, %add3A_360 : vector<16xf32>
        %convert_element_type3A_362 = arith.fptosi %add3A_361 : vector<16xf32> to vector<16xi32>
        %convert_element_type3A_363 = arith.sitofp %convert_element_type3A_362 : vector<16xi32> to vector<16xf32>
        %sub3A_364 = arith.subf %get3A_340, %convert_element_type3A_363 : vector<16xf32>
        %mul3A_365 = arith.mulf %sub3A_352, %sub3A_352 : vector<16xf32>
        %mul3A_366 = arith.mulf %sub3A_364, %sub3A_364 : vector<16xf32>
        %add3A_367 = arith.addf %mul3A_365, %mul3A_366 : vector<16xf32>
        %swap3A_368 = arith.constant 32 : index
        %swap3A_369 = tpu.vector_load %arg8[%swap3A_368] {strides = array<i32>} : memref<256xf32, #tpu.memory_space<vmem>>, vector<16xf32>,
        %swap3A_370 = vector.shape_cast %swap3A_369 : vector<16xf32> to vector<16xf32>
        %swap3A_371 = vector.shape_cast %add3A_367 : vector<16xf32> to vector<16xf32>
        tpu.vector_store %arg8[%swap3A_368], %swap3A_371 {strides = array<i32>} : memref<256xf32, #tpu.memory_space<vmem>>, vector<16xf32>,
        %add3A_372 = arith.constant 48 : i32
        %add3A_373 = arith.addi %mul3A_151, %add3A_372 : i32
        %get3A_374 = arith.index_cast %add3A_373 : i32 to index
        %get3A_375 = tpu.vector_load %arg7[%get3A_374] {strides = array<i32>} : memref<1024xf32, #tpu.memory_space<vmem>>, vector<16xf32>,
        %get3A_376 = vector.shape_cast %get3A_375 : vector<16xf32> to vector<16xf32>
        %add3A_377 = arith.constant 256 : i32
        %add3A_378 = arith.addi %mul3A_151, %add3A_377 : i32
        %add3A_379 = arith.constant 48 : i32
        %add3A_380 = arith.addi %add3A_378, %add3A_379 : i32
        %get3A_381 = arith.index_cast %add3A_380 : i32 to index
        %get3A_382 = tpu.vector_load %arg7[%get3A_381] {strides = array<i32>} : memref<1024xf32, #tpu.memory_space<vmem>>, vector<16xf32>,
        %get3A_383 = vector.shape_cast %get3A_382 : vector<16xf32> to vector<16xf32>
        %max3A_384 = arith.constant 0.000000e+00 : f32
        %max3A_385 = vector.broadcast %max3A_384 : f32 to vector<16xf32>
        %max3A_386 = arith.maximumf %get3A_376, %max3A_385 : vector<16xf32>
        %min3A_387 = arith.constant 6.300000e+01 : f32
        %min3A_388 = vector.broadcast %min3A_387 : f32 to vector<16xf32>
        %min3A_389 = arith.minimumf %max3A_386, %min3A_388 : vector<16xf32>
        %add3A_390 = arith.constant 5.000000e-01 : f32
        %add3A_391 = vector.broadcast %add3A_390 : f32 to vector<16xf32>
        %add3A_392 = arith.addf %min3A_389, %add3A_391 : vector<16xf32>
        %convert_element_type3A_393 = arith.fptosi %add3A_392 : vector<16xf32> to vector<16xi32>
        %convert_element_type3A_394 = arith.sitofp %convert_element_type3A_393 : vector<16xi32> to vector<16xf32>
        %sub3A_395 = arith.subf %get3A_376, %convert_element_type3A_394 : vector<16xf32>
        %max3A_396 = arith.constant 0.000000e+00 : f32
        %max3A_397 = vector.broadcast %max3A_396 : f32 to vector<16xf32>
        %max3A_398 = arith.maximumf %get3A_383, %max3A_397 : vector<16xf32>
        %min3A_399 = arith.constant 6.300000e+01 : f32
        %min3A_400 = vector.broadcast %min3A_399 : f32 to vector<16xf32>
        %min3A_401 = arith.minimumf %max3A_398, %min3A_400 : vector<16xf32>
        %add3A_402 = arith.constant 5.000000e-01 : f32
        %add3A_403 = vector.broadcast %add3A_402 : f32 to vector<16xf32>
        %add3A_404 = arith.addf %min3A_401, %add3A_403 : vector<16xf32>
        %convert_element_type3A_405 = arith.fptosi %add3A_404 : vector<16xf32> to vector<16xi32>
        %convert_element_type3A_406 = arith.sitofp %convert_element_type3A_405 : vector<16xi32> to vector<16xf32>
        %sub3A_407 = arith.subf %get3A_383, %convert_element_type3A_406 : vector<16xf32>
        %mul3A_408 = arith.mulf %sub3A_395, %sub3A_395 : vector<16xf32>
        %mul3A_409 = arith.mulf %sub3A_407, %sub3A_407 : vector<16xf32>
        %add3A_410 = arith.addf %mul3A_408, %mul3A_409 : vector<16xf32>
        %swap3A_411 = arith.constant 48 : index
        %swap3A_412 = tpu.vector_load %arg8[%swap3A_411] {strides = array<i32>} : memref<256xf32, #tpu.memory_space<vmem>>, vector<16xf32>,
        %swap3A_413 = vector.shape_cast %swap3A_412 : vector<16xf32> to vector<16xf32>
        %swap3A_414 = vector.shape_cast %add3A_410 : vector<16xf32> to vector<16xf32>
        tpu.vector_store %arg8[%swap3A_411], %swap3A_414 {strides = array<i32>} : memref<256xf32, #tpu.memory_space<vmem>>, vector<16xf32>,
        %add3A_415 = arith.constant 64 : i32
        %add3A_416 = arith.addi %mul3A_151, %add3A_415 : i32
        %get3A_417 = arith.index_cast %add3A_416 : i32 to index
        %get3A_418 = tpu.vector_load %arg7[%get3A_417] {strides = array<i32>} : memref<1024xf32, #tpu.memory_space<vmem>>, vector<16xf32>,
        %get3A_419 = vector.shape_cast %get3A_418 : vector<16xf32> to vector<16xf32>
        %add3A_420 = arith.constant 256 : i32
        %add3A_421 = arith.addi %mul3A_151, %add3A_420 : i32
        %add3A_422 = arith.constant 64 : i32
        %add3A_423 = arith.addi %add3A_421, %add3A_422 : i32
        %get3A_424 = arith.index_cast %add3A_423 : i32 to index
        %get3A_425 = tpu.vector_load %arg7[%get3A_424] {strides = array<i32>} : memref<1024xf32, #tpu.memory_space<vmem>>, vector<16xf32>,
        %get3A_426 = vector.shape_cast %get3A_425 : vector<16xf32> to vector<16xf32>
        %max3A_427 = arith.constant 0.000000e+00 : f32
        %max3A_428 = vector.broadcast %max3A_427 : f32 to vector<16xf32>
        %max3A_429 = arith.maximumf %get3A_419, %max3A_428 : vector<16xf32>
        %min3A_430 = arith.constant 6.300000e+01 : f32
        %min3A_431 = vector.broadcast %min3A_430 : f32 to vector<16xf32>
        %min3A_432 = arith.minimumf %max3A_429, %min3A_431 : vector<16xf32>
        %add3A_433 = arith.constant 5.000000e-01 : f32
        %add3A_434 = vector.broadcast %add3A_433 : f32 to vector<16xf32>
        %add3A_435 = arith.addf %min3A_432, %add3A_434 : vector<16xf32>
        %convert_element_type3A_436 = arith.fptosi %add3A_435 : vector<16xf32> to vector<16xi32>
        %convert_element_type3A_437 = arith.sitofp %convert_element_type3A_436 : vector<16xi32> to vector<16xf32>
        %sub3A_438 = arith.subf %get3A_419, %convert_element_type3A_437 : vector<16xf32>
        %max3A_439 = arith.constant 0.000000e+00 : f32
        %max3A_440 = vector.broadcast %max3A_439 : f32 to vector<16xf32>
        %max3A_441 = arith.maximumf %get3A_426, %max3A_440 : vector<16xf32>
        %min3A_442 = arith.constant 6.300000e+01 : f32
        %min3A_443 = vector.broadcast %min3A_442 : f32 to vector<16xf32>
        %min3A_444 = arith.minimumf %max3A_441, %min3A_443 : vector<16xf32>
        %add3A_445 = arith.constant 5.000000e-01 : f32
        %add3A_446 = vector.broadcast %add3A_445 : f32 to vector<16xf32>
        %add3A_447 = arith.addf %min3A_444, %add3A_446 : vector<16xf32>
        %convert_element_type3A_448 = arith.fptosi %add3A_447 : vector<16xf32> to vector<16xi32>
        %convert_element_type3A_449 = arith.sitofp %convert_element_type3A_448 : vector<16xi32> to vector<16xf32>
        %sub3A_450 = arith.subf %get3A_426, %convert_element_type3A_449 : vector<16xf32>
        %mul3A_451 = arith.mulf %sub3A_438, %sub3A_438 : vector<16xf32>
        %mul3A_452 = arith.mulf %sub3A_450, %sub3A_450 : vector<16xf32>
        %add3A_453 = arith.addf %mul3A_451, %mul3A_452 : vector<16xf32>
        %swap3A_454 = arith.constant 64 : index
        %swap3A_455 = tpu.vector_load %arg8[%swap3A_454] {strides = array<i32>} : memref<256xf32, #tpu.memory_space<vmem>>, vector<16xf32>,
        %swap3A_456 = vector.shape_cast %swap3A_455 : vector<16xf32> to vector<16xf32>
        %swap3A_457 = vector.shape_cast %add3A_453 : vector<16xf32> to vector<16xf32>
        tpu.vector_store %arg8[%swap3A_454], %swap3A_457 {strides = array<i32>} : memref<256xf32, #tpu.memory_space<vmem>>, vector<16xf32>,
        %add3A_458 = arith.constant 80 : i32
        %add3A_459 = arith.addi %mul3A_151, %add3A_458 : i32
        %get3A_460 = arith.index_cast %add3A_459 : i32 to index
        %get3A_461 = tpu.vector_load %arg7[%get3A_460] {strides = array<i32>} : memref<1024xf32, #tpu.memory_space<vmem>>, vector<16xf32>,
        %get3A_462 = vector.shape_cast %get3A_461 : vector<16xf32> to vector<16xf32>
        %add3A_463 = arith.constant 256 : i32
        %add3A_464 = arith.addi %mul3A_151, %add3A_463 : i32
        %add3A_465 = arith.constant 80 : i32
        %add3A_466 = arith.addi %add3A_464, %add3A_465 : i32
        %get3A_467 = arith.index_cast %add3A_466 : i32 to index
        %get3A_468 = tpu.vector_load %arg7[%get3A_467] {strides = array<i32>} : memref<1024xf32, #tpu.memory_space<vmem>>, vector<16xf32>,
        %get3A_469 = vector.shape_cast %get3A_468 : vector<16xf32> to vector<16xf32>
        %max3A_470 = arith.constant 0.000000e+00 : f32
        %max3A_471 = vector.broadcast %max3A_470 : f32 to vector<16xf32>
        %max3A_472 = arith.maximumf %get3A_462, %max3A_471 : vector<16xf32>
        %min3A_473 = arith.constant 6.300000e+01 : f32
        %min3A_474 = vector.broadcast %min3A_473 : f32 to vector<16xf32>
        %min3A_475 = arith.minimumf %max3A_472, %min3A_474 : vector<16xf32>
        %add3A_476 = arith.constant 5.000000e-01 : f32
        %add3A_477 = vector.broadcast %add3A_476 : f32 to vector<16xf32>
        %add3A_478 = arith.addf %min3A_475, %add3A_477 : vector<16xf32>
        %convert_element_type3A_479 = arith.fptosi %add3A_478 : vector<16xf32> to vector<16xi32>
        %convert_element_type3A_480 = arith.sitofp %convert_element_type3A_479 : vector<16xi32> to vector<16xf32>
        %sub3A_481 = arith.subf %get3A_462, %convert_element_type3A_480 : vector<16xf32>
        %max3A_482 = arith.constant 0.000000e+00 : f32
        %max3A_483 = vector.broadcast %max3A_482 : f32 to vector<16xf32>
        %max3A_484 = arith.maximumf %get3A_469, %max3A_483 : vector<16xf32>
        %min3A_485 = arith.constant 6.300000e+01 : f32
        %min3A_486 = vector.broadcast %min3A_485 : f32 to vector<16xf32>
        %min3A_487 = arith.minimumf %max3A_484, %min3A_486 : vector<16xf32>
        %add3A_488 = arith.constant 5.000000e-01 : f32
        %add3A_489 = vector.broadcast %add3A_488 : f32 to vector<16xf32>
        %add3A_490 = arith.addf %min3A_487, %add3A_489 : vector<16xf32>
        %convert_element_type3A_491 = arith.fptosi %add3A_490 : vector<16xf32> to vector<16xi32>
        %convert_element_type3A_492 = arith.sitofp %convert_element_type3A_491 : vector<16xi32> to vector<16xf32>
        %sub3A_493 = arith.subf %get3A_469, %convert_element_type3A_492 : vector<16xf32>
        %mul3A_494 = arith.mulf %sub3A_481, %sub3A_481 : vector<16xf32>
        %mul3A_495 = arith.mulf %sub3A_493, %sub3A_493 : vector<16xf32>
        %add3A_496 = arith.addf %mul3A_494, %mul3A_495 : vector<16xf32>
        %swap3A_497 = arith.constant 80 : index
        %swap3A_498 = tpu.vector_load %arg8[%swap3A_497] {strides = array<i32>} : memref<256xf32, #tpu.memory_space<vmem>>, vector<16xf32>,
        %swap3A_499 = vector.shape_cast %swap3A_498 : vector<16xf32> to vector<16xf32>
        %swap3A_500 = vector.shape_cast %add3A_496 : vector<16xf32> to vector<16xf32>
        tpu.vector_store %arg8[%swap3A_497], %swap3A_500 {strides = array<i32>} : memref<256xf32, #tpu.memory_space<vmem>>, vector<16xf32>,
        %add3A_501 = arith.constant 96 : i32
        %add3A_502 = arith.addi %mul3A_151, %add3A_501 : i32
        %get3A_503 = arith.index_cast %add3A_502 : i32 to index
        %get3A_504 = tpu.vector_load %arg7[%get3A_503] {strides = array<i32>} : memref<1024xf32, #tpu.memory_space<vmem>>, vector<16xf32>,
        %get3A_505 = vector.shape_cast %get3A_504 : vector<16xf32> to vector<16xf32>
        %add3A_506 = arith.constant 256 : i32
        %add3A_507 = arith.addi %mul3A_151, %add3A_506 : i32
        %add3A_508 = arith.constant 96 : i32
        %add3A_509 = arith.addi %add3A_507, %add3A_508 : i32
        %get3A_510 = arith.index_cast %add3A_509 : i32 to index
        %get3A_511 = tpu.vector_load %arg7[%get3A_510] {strides = array<i32>} : memref<1024xf32, #tpu.memory_space<vmem>>, vector<16xf32>,
        %get3A_512 = vector.shape_cast %get3A_511 : vector<16xf32> to vector<16xf32>
        %max3A_513 = arith.constant 0.000000e+00 : f32
        %max3A_514 = vector.broadcast %max3A_513 : f32 to vector<16xf32>
        %max3A_515 = arith.maximumf %get3A_505, %max3A_514 : vector<16xf32>
        %min3A_516 = arith.constant 6.300000e+01 : f32
        %min3A_517 = vector.broadcast %min3A_516 : f32 to vector<16xf32>
        %min3A_518 = arith.minimumf %max3A_515, %min3A_517 : vector<16xf32>
        %add3A_519 = arith.constant 5.000000e-01 : f32
        %add3A_520 = vector.broadcast %add3A_519 : f32 to vector<16xf32>
        %add3A_521 = arith.addf %min3A_518, %add3A_520 : vector<16xf32>
        %convert_element_type3A_522 = arith.fptosi %add3A_521 : vector<16xf32> to vector<16xi32>
        %convert_element_type3A_523 = arith.sitofp %convert_element_type3A_522 : vector<16xi32> to vector<16xf32>
        %sub3A_524 = arith.subf %get3A_505, %convert_element_type3A_523 : vector<16xf32>
        %max3A_525 = arith.constant 0.000000e+00 : f32
        %max3A_526 = vector.broadcast %max3A_525 : f32 to vector<16xf32>
        %max3A_527 = arith.maximumf %get3A_512, %max3A_526 : vector<16xf32>
        %min3A_528 = arith.constant 6.300000e+01 : f32
        %min3A_529 = vector.broadcast %min3A_528 : f32 to vector<16xf32>
        %min3A_530 = arith.minimumf %max3A_527, %min3A_529 : vector<16xf32>
        %add3A_531 = arith.constant 5.000000e-01 : f32
        %add3A_532 = vector.broadcast %add3A_531 : f32 to vector<16xf32>
        %add3A_533 = arith.addf %min3A_530, %add3A_532 : vector<16xf32>
        %convert_element_type3A_534 = arith.fptosi %add3A_533 : vector<16xf32> to vector<16xi32>
        %convert_element_type3A_535 = arith.sitofp %convert_element_type3A_534 : vector<16xi32> to vector<16xf32>
        %sub3A_536 = arith.subf %get3A_512, %convert_element_type3A_535 : vector<16xf32>
        %mul3A_537 = arith.mulf %sub3A_524, %sub3A_524 : vector<16xf32>
        %mul3A_538 = arith.mulf %sub3A_536, %sub3A_536 : vector<16xf32>
        %add3A_539 = arith.addf %mul3A_537, %mul3A_538 : vector<16xf32>
        %swap3A_540 = arith.constant 96 : index
        %swap3A_541 = tpu.vector_load %arg8[%swap3A_540] {strides = array<i32>} : memref<256xf32, #tpu.memory_space<vmem>>, vector<16xf32>,
        %swap3A_542 = vector.shape_cast %swap3A_541 : vector<16xf32> to vector<16xf32>
        %swap3A_543 = vector.shape_cast %add3A_539 : vector<16xf32> to vector<16xf32>
        tpu.vector_store %arg8[%swap3A_540], %swap3A_543 {strides = array<i32>} : memref<256xf32, #tpu.memory_space<vmem>>, vector<16xf32>,
        %add3A_544 = arith.constant 112 : i32
        %add3A_545 = arith.addi %mul3A_151, %add3A_544 : i32
        %get3A_546 = arith.index_cast %add3A_545 : i32 to index
        %get3A_547 = tpu.vector_load %arg7[%get3A_546] {strides = array<i32>} : memref<1024xf32, #tpu.memory_space<vmem>>, vector<16xf32>,
        %get3A_548 = vector.shape_cast %get3A_547 : vector<16xf32> to vector<16xf32>
        %add3A_549 = arith.constant 256 : i32
        %add3A_550 = arith.addi %mul3A_151, %add3A_549 : i32
        %add3A_551 = arith.constant 112 : i32
        %add3A_552 = arith.addi %add3A_550, %add3A_551 : i32
        %get3A_553 = arith.index_cast %add3A_552 : i32 to index
        %get3A_554 = tpu.vector_load %arg7[%get3A_553] {strides = array<i32>} : memref<1024xf32, #tpu.memory_space<vmem>>, vector<16xf32>,
        %get3A_555 = vector.shape_cast %get3A_554 : vector<16xf32> to vector<16xf32>
        %max3A_556 = arith.constant 0.000000e+00 : f32
        %max3A_557 = vector.broadcast %max3A_556 : f32 to vector<16xf32>
        %max3A_558 = arith.maximumf %get3A_548, %max3A_557 : vector<16xf32>
        %min3A_559 = arith.constant 6.300000e+01 : f32
        %min3A_560 = vector.broadcast %min3A_559 : f32 to vector<16xf32>
        %min3A_561 = arith.minimumf %max3A_558, %min3A_560 : vector<16xf32>
        %add3A_562 = arith.constant 5.000000e-01 : f32
        %add3A_563 = vector.broadcast %add3A_562 : f32 to vector<16xf32>
        %add3A_564 = arith.addf %min3A_561, %add3A_563 : vector<16xf32>
        %convert_element_type3A_565 = arith.fptosi %add3A_564 : vector<16xf32> to vector<16xi32>
        %convert_element_type3A_566 = arith.sitofp %convert_element_type3A_565 : vector<16xi32> to vector<16xf32>
        %sub3A_567 = arith.subf %get3A_548, %convert_element_type3A_566 : vector<16xf32>
        %max3A_568 = arith.constant 0.000000e+00 : f32
        %max3A_569 = vector.broadcast %max3A_568 : f32 to vector<16xf32>
        %max3A_570 = arith.maximumf %get3A_555, %max3A_569 : vector<16xf32>
        %min3A_571 = arith.constant 6.300000e+01 : f32
        %min3A_572 = vector.broadcast %min3A_571 : f32 to vector<16xf32>
        %min3A_573 = arith.minimumf %max3A_570, %min3A_572 : vector<16xf32>
        %add3A_574 = arith.constant 5.000000e-01 : f32
        %add3A_575 = vector.broadcast %add3A_574 : f32 to vector<16xf32>
        %add3A_576 = arith.addf %min3A_573, %add3A_575 : vector<16xf32>
        %convert_element_type3A_577 = arith.fptosi %add3A_576 : vector<16xf32> to vector<16xi32>
        %convert_element_type3A_578 = arith.sitofp %convert_element_type3A_577 : vector<16xi32> to vector<16xf32>
        %sub3A_579 = arith.subf %get3A_555, %convert_element_type3A_578 : vector<16xf32>
        %mul3A_580 = arith.mulf %sub3A_567, %sub3A_567 : vector<16xf32>
        %mul3A_581 = arith.mulf %sub3A_579, %sub3A_579 : vector<16xf32>
        %add3A_582 = arith.addf %mul3A_580, %mul3A_581 : vector<16xf32>
        %swap3A_583 = arith.constant 112 : index
        %swap3A_584 = tpu.vector_load %arg8[%swap3A_583] {strides = array<i32>} : memref<256xf32, #tpu.memory_space<vmem>>, vector<16xf32>,
        %swap3A_585 = vector.shape_cast %swap3A_584 : vector<16xf32> to vector<16xf32>
        %swap3A_586 = vector.shape_cast %add3A_582 : vector<16xf32> to vector<16xf32>
        tpu.vector_store %arg8[%swap3A_583], %swap3A_586 {strides = array<i32>} : memref<256xf32, #tpu.memory_space<vmem>>, vector<16xf32>,
        %add3A_587 = arith.constant 128 : i32
        %add3A_588 = arith.addi %mul3A_151, %add3A_587 : i32
        %get3A_589 = arith.index_cast %add3A_588 : i32 to index
        %get3A_590 = tpu.vector_load %arg7[%get3A_589] {strides = array<i32>} : memref<1024xf32, #tpu.memory_space<vmem>>, vector<16xf32>,
        %get3A_591 = vector.shape_cast %get3A_590 : vector<16xf32> to vector<16xf32>
        %add3A_592 = arith.constant 256 : i32
        %add3A_593 = arith.addi %mul3A_151, %add3A_592 : i32
        %add3A_594 = arith.constant 128 : i32
        %add3A_595 = arith.addi %add3A_593, %add3A_594 : i32
        %get3A_596 = arith.index_cast %add3A_595 : i32 to index
        %get3A_597 = tpu.vector_load %arg7[%get3A_596] {strides = array<i32>} : memref<1024xf32, #tpu.memory_space<vmem>>, vector<16xf32>,
        %get3A_598 = vector.shape_cast %get3A_597 : vector<16xf32> to vector<16xf32>
        %max3A_599 = arith.constant 0.000000e+00 : f32
        %max3A_600 = vector.broadcast %max3A_599 : f32 to vector<16xf32>
        %max3A_601 = arith.maximumf %get3A_591, %max3A_600 : vector<16xf32>
        %min3A_602 = arith.constant 6.300000e+01 : f32
        %min3A_603 = vector.broadcast %min3A_602 : f32 to vector<16xf32>
        %min3A_604 = arith.minimumf %max3A_601, %min3A_603 : vector<16xf32>
        %add3A_605 = arith.constant 5.000000e-01 : f32
        %add3A_606 = vector.broadcast %add3A_605 : f32 to vector<16xf32>
        %add3A_607 = arith.addf %min3A_604, %add3A_606 : vector<16xf32>
        %convert_element_type3A_608 = arith.fptosi %add3A_607 : vector<16xf32> to vector<16xi32>
        %convert_element_type3A_609 = arith.sitofp %convert_element_type3A_608 : vector<16xi32> to vector<16xf32>
        %sub3A_610 = arith.subf %get3A_591, %convert_element_type3A_609 : vector<16xf32>
        %max3A_611 = arith.constant 0.000000e+00 : f32
        %max3A_612 = vector.broadcast %max3A_611 : f32 to vector<16xf32>
        %max3A_613 = arith.maximumf %get3A_598, %max3A_612 : vector<16xf32>
        %min3A_614 = arith.constant 6.300000e+01 : f32
        %min3A_615 = vector.broadcast %min3A_614 : f32 to vector<16xf32>
        %min3A_616 = arith.minimumf %max3A_613, %min3A_615 : vector<16xf32>
        %add3A_617 = arith.constant 5.000000e-01 : f32
        %add3A_618 = vector.broadcast %add3A_617 : f32 to vector<16xf32>
        %add3A_619 = arith.addf %min3A_616, %add3A_618 : vector<16xf32>
        %convert_element_type3A_620 = arith.fptosi %add3A_619 : vector<16xf32> to vector<16xi32>
        %convert_element_type3A_621 = arith.sitofp %convert_element_type3A_620 : vector<16xi32> to vector<16xf32>
        %sub3A_622 = arith.subf %get3A_598, %convert_element_type3A_621 : vector<16xf32>
        %mul3A_623 = arith.mulf %sub3A_610, %sub3A_610 : vector<16xf32>
        %mul3A_624 = arith.mulf %sub3A_622, %sub3A_622 : vector<16xf32>
        %add3A_625 = arith.addf %mul3A_623, %mul3A_624 : vector<16xf32>
        %swap3A_626 = arith.constant 128 : index
        %swap3A_627 = tpu.vector_load %arg8[%swap3A_626] {strides = array<i32>} : memref<256xf32, #tpu.memory_space<vmem>>, vector<16xf32>,
        %swap3A_628 = vector.shape_cast %swap3A_627 : vector<16xf32> to vector<16xf32>
        %swap3A_629 = vector.shape_cast %add3A_625 : vector<16xf32> to vector<16xf32>
        tpu.vector_store %arg8[%swap3A_626], %swap3A_629 {strides = array<i32>} : memref<256xf32, #tpu.memory_space<vmem>>, vector<16xf32>,
        %add3A_630 = arith.constant 144 : i32
        %add3A_631 = arith.addi %mul3A_151, %add3A_630 : i32
        %get3A_632 = arith.index_cast %add3A_631 : i32 to index
        %get3A_633 = tpu.vector_load %arg7[%get3A_632] {strides = array<i32>} : memref<1024xf32, #tpu.memory_space<vmem>>, vector<16xf32>,
        %get3A_634 = vector.shape_cast %get3A_633 : vector<16xf32> to vector<16xf32>
        %add3A_635 = arith.constant 256 : i32
        %add3A_636 = arith.addi %mul3A_151, %add3A_635 : i32
        %add3A_637 = arith.constant 144 : i32
        %add3A_638 = arith.addi %add3A_636, %add3A_637 : i32
        %get3A_639 = arith.index_cast %add3A_638 : i32 to index
        %get3A_640 = tpu.vector_load %arg7[%get3A_639] {strides = array<i32>} : memref<1024xf32, #tpu.memory_space<vmem>>, vector<16xf32>,
        %get3A_641 = vector.shape_cast %get3A_640 : vector<16xf32> to vector<16xf32>
        %max3A_642 = arith.constant 0.000000e+00 : f32
        %max3A_643 = vector.broadcast %max3A_642 : f32 to vector<16xf32>
        %max3A_644 = arith.maximumf %get3A_634, %max3A_643 : vector<16xf32>
        %min3A_645 = arith.constant 6.300000e+01 : f32
        %min3A_646 = vector.broadcast %min3A_645 : f32 to vector<16xf32>
        %min3A_647 = arith.minimumf %max3A_644, %min3A_646 : vector<16xf32>
        %add3A_648 = arith.constant 5.000000e-01 : f32
        %add3A_649 = vector.broadcast %add3A_648 : f32 to vector<16xf32>
        %add3A_650 = arith.addf %min3A_647, %add3A_649 : vector<16xf32>
        %convert_element_type3A_651 = arith.fptosi %add3A_650 : vector<16xf32> to vector<16xi32>
        %convert_element_type3A_652 = arith.sitofp %convert_element_type3A_651 : vector<16xi32> to vector<16xf32>
        %sub3A_653 = arith.subf %get3A_634, %convert_element_type3A_652 : vector<16xf32>
        %max3A_654 = arith.constant 0.000000e+00 : f32
        %max3A_655 = vector.broadcast %max3A_654 : f32 to vector<16xf32>
        %max3A_656 = arith.maximumf %get3A_641, %max3A_655 : vector<16xf32>
        %min3A_657 = arith.constant 6.300000e+01 : f32
        %min3A_658 = vector.broadcast %min3A_657 : f32 to vector<16xf32>
        %min3A_659 = arith.minimumf %max3A_656, %min3A_658 : vector<16xf32>
        %add3A_660 = arith.constant 5.000000e-01 : f32
        %add3A_661 = vector.broadcast %add3A_660 : f32 to vector<16xf32>
        %add3A_662 = arith.addf %min3A_659, %add3A_661 : vector<16xf32>
        %convert_element_type3A_663 = arith.fptosi %add3A_662 : vector<16xf32> to vector<16xi32>
        %convert_element_type3A_664 = arith.sitofp %convert_element_type3A_663 : vector<16xi32> to vector<16xf32>
        %sub3A_665 = arith.subf %get3A_641, %convert_element_type3A_664 : vector<16xf32>
        %mul3A_666 = arith.mulf %sub3A_653, %sub3A_653 : vector<16xf32>
        %mul3A_667 = arith.mulf %sub3A_665, %sub3A_665 : vector<16xf32>
        %add3A_668 = arith.addf %mul3A_666, %mul3A_667 : vector<16xf32>
        %swap3A_669 = arith.constant 144 : index
        %swap3A_670 = tpu.vector_load %arg8[%swap3A_669] {strides = array<i32>} : memref<256xf32, #tpu.memory_space<vmem>>, vector<16xf32>,
        %swap3A_671 = vector.shape_cast %swap3A_670 : vector<16xf32> to vector<16xf32>
        %swap3A_672 = vector.shape_cast %add3A_668 : vector<16xf32> to vector<16xf32>
        tpu.vector_store %arg8[%swap3A_669], %swap3A_672 {strides = array<i32>} : memref<256xf32, #tpu.memory_space<vmem>>, vector<16xf32>,
        %add3A_673 = arith.constant 160 : i32
        %add3A_674 = arith.addi %mul3A_151, %add3A_673 : i32
        %get3A_675 = arith.index_cast %add3A_674 : i32 to index
        %get3A_676 = tpu.vector_load %arg7[%get3A_675] {strides = array<i32>} : memref<1024xf32, #tpu.memory_space<vmem>>, vector<16xf32>,
        %get3A_677 = vector.shape_cast %get3A_676 : vector<16xf32> to vector<16xf32>
        %add3A_678 = arith.constant 256 : i32
        %add3A_679 = arith.addi %mul3A_151, %add3A_678 : i32
        %add3A_680 = arith.constant 160 : i32
        %add3A_681 = arith.addi %add3A_679, %add3A_680 : i32
        %get3A_682 = arith.index_cast %add3A_681 : i32 to index
        %get3A_683 = tpu.vector_load %arg7[%get3A_682] {strides = array<i32>} : memref<1024xf32, #tpu.memory_space<vmem>>, vector<16xf32>,
        %get3A_684 = vector.shape_cast %get3A_683 : vector<16xf32> to vector<16xf32>
        %max3A_685 = arith.constant 0.000000e+00 : f32
        %max3A_686 = vector.broadcast %max3A_685 : f32 to vector<16xf32>
        %max3A_687 = arith.maximumf %get3A_677, %max3A_686 : vector<16xf32>
        %min3A_688 = arith.constant 6.300000e+01 : f32
        %min3A_689 = vector.broadcast %min3A_688 : f32 to vector<16xf32>
        %min3A_690 = arith.minimumf %max3A_687, %min3A_689 : vector<16xf32>
        %add3A_691 = arith.constant 5.000000e-01 : f32
        %add3A_692 = vector.broadcast %add3A_691 : f32 to vector<16xf32>
        %add3A_693 = arith.addf %min3A_690, %add3A_692 : vector<16xf32>
        %convert_element_type3A_694 = arith.fptosi %add3A_693 : vector<16xf32> to vector<16xi32>
        %convert_element_type3A_695 = arith.sitofp %convert_element_type3A_694 : vector<16xi32> to vector<16xf32>
        %sub3A_696 = arith.subf %get3A_677, %convert_element_type3A_695 : vector<16xf32>
        %max3A_697 = arith.constant 0.000000e+00 : f32
        %max3A_698 = vector.broadcast %max3A_697 : f32 to vector<16xf32>
        %max3A_699 = arith.maximumf %get3A_684, %max3A_698 : vector<16xf32>
        %min3A_700 = arith.constant 6.300000e+01 : f32
        %min3A_701 = vector.broadcast %min3A_700 : f32 to vector<16xf32>
        %min3A_702 = arith.minimumf %max3A_699, %min3A_701 : vector<16xf32>
        %add3A_703 = arith.constant 5.000000e-01 : f32
        %add3A_704 = vector.broadcast %add3A_703 : f32 to vector<16xf32>
        %add3A_705 = arith.addf %min3A_702, %add3A_704 : vector<16xf32>
        %convert_element_type3A_706 = arith.fptosi %add3A_705 : vector<16xf32> to vector<16xi32>
        %convert_element_type3A_707 = arith.sitofp %convert_element_type3A_706 : vector<16xi32> to vector<16xf32>
        %sub3A_708 = arith.subf %get3A_684, %convert_element_type3A_707 : vector<16xf32>
        %mul3A_709 = arith.mulf %sub3A_696, %sub3A_696 : vector<16xf32>
        %mul3A_710 = arith.mulf %sub3A_708, %sub3A_708 : vector<16xf32>
        %add3A_711 = arith.addf %mul3A_709, %mul3A_710 : vector<16xf32>
        %swap3A_712 = arith.constant 160 : index
        %swap3A_713 = tpu.vector_load %arg8[%swap3A_712] {strides = array<i32>} : memref<256xf32, #tpu.memory_space<vmem>>, vector<16xf32>,
        %swap3A_714 = vector.shape_cast %swap3A_713 : vector<16xf32> to vector<16xf32>
        %swap3A_715 = vector.shape_cast %add3A_711 : vector<16xf32> to vector<16xf32>
        tpu.vector_store %arg8[%swap3A_712], %swap3A_715 {strides = array<i32>} : memref<256xf32, #tpu.memory_space<vmem>>, vector<16xf32>,
        %add3A_716 = arith.constant 176 : i32
        %add3A_717 = arith.addi %mul3A_151, %add3A_716 : i32
        %get3A_718 = arith.index_cast %add3A_717 : i32 to index
        %get3A_719 = tpu.vector_load %arg7[%get3A_718] {strides = array<i32>} : memref<1024xf32, #tpu.memory_space<vmem>>, vector<16xf32>,
        %get3A_720 = vector.shape_cast %get3A_719 : vector<16xf32> to vector<16xf32>
        %add3A_721 = arith.constant 256 : i32
        %add3A_722 = arith.addi %mul3A_151, %add3A_721 : i32
        %add3A_723 = arith.constant 176 : i32
        %add3A_724 = arith.addi %add3A_722, %add3A_723 : i32
        %get3A_725 = arith.index_cast %add3A_724 : i32 to index
        %get3A_726 = tpu.vector_load %arg7[%get3A_725] {strides = array<i32>} : memref<1024xf32, #tpu.memory_space<vmem>>, vector<16xf32>,
        %get3A_727 = vector.shape_cast %get3A_726 : vector<16xf32> to vector<16xf32>
        %max3A_728 = arith.constant 0.000000e+00 : f32
        %max3A_729 = vector.broadcast %max3A_728 : f32 to vector<16xf32>
        %max3A_730 = arith.maximumf %get3A_720, %max3A_729 : vector<16xf32>
        %min3A_731 = arith.constant 6.300000e+01 : f32
        %min3A_732 = vector.broadcast %min3A_731 : f32 to vector<16xf32>
        %min3A_733 = arith.minimumf %max3A_730, %min3A_732 : vector<16xf32>
        %add3A_734 = arith.constant 5.000000e-01 : f32
        %add3A_735 = vector.broadcast %add3A_734 : f32 to vector<16xf32>
        %add3A_736 = arith.addf %min3A_733, %add3A_735 : vector<16xf32>
        %convert_element_type3A_737 = arith.fptosi %add3A_736 : vector<16xf32> to vector<16xi32>
        %convert_element_type3A_738 = arith.sitofp %convert_element_type3A_737 : vector<16xi32> to vector<16xf32>
        %sub3A_739 = arith.subf %get3A_720, %convert_element_type3A_738 : vector<16xf32>
        %max3A_740 = arith.constant 0.000000e+00 : f32
        %max3A_741 = vector.broadcast %max3A_740 : f32 to vector<16xf32>
        %max3A_742 = arith.maximumf %get3A_727, %max3A_741 : vector<16xf32>
        %min3A_743 = arith.constant 6.300000e+01 : f32
        %min3A_744 = vector.broadcast %min3A_743 : f32 to vector<16xf32>
        %min3A_745 = arith.minimumf %max3A_742, %min3A_744 : vector<16xf32>
        %add3A_746 = arith.constant 5.000000e-01 : f32
        %add3A_747 = vector.broadcast %add3A_746 : f32 to vector<16xf32>
        %add3A_748 = arith.addf %min3A_745, %add3A_747 : vector<16xf32>
        %convert_element_type3A_749 = arith.fptosi %add3A_748 : vector<16xf32> to vector<16xi32>
        %convert_element_type3A_750 = arith.sitofp %convert_element_type3A_749 : vector<16xi32> to vector<16xf32>
        %sub3A_751 = arith.subf %get3A_727, %convert_element_type3A_750 : vector<16xf32>
        %mul3A_752 = arith.mulf %sub3A_739, %sub3A_739 : vector<16xf32>
        %mul3A_753 = arith.mulf %sub3A_751, %sub3A_751 : vector<16xf32>
        %add3A_754 = arith.addf %mul3A_752, %mul3A_753 : vector<16xf32>
        %swap3A_755 = arith.constant 176 : index
        %swap3A_756 = tpu.vector_load %arg8[%swap3A_755] {strides = array<i32>} : memref<256xf32, #tpu.memory_space<vmem>>, vector<16xf32>,
        %swap3A_757 = vector.shape_cast %swap3A_756 : vector<16xf32> to vector<16xf32>
        %swap3A_758 = vector.shape_cast %add3A_754 : vector<16xf32> to vector<16xf32>
        tpu.vector_store %arg8[%swap3A_755], %swap3A_758 {strides = array<i32>} : memref<256xf32, #tpu.memory_space<vmem>>, vector<16xf32>,
        %add3A_759 = arith.constant 192 : i32
        %add3A_760 = arith.addi %mul3A_151, %add3A_759 : i32
        %get3A_761 = arith.index_cast %add3A_760 : i32 to index
        %get3A_762 = tpu.vector_load %arg7[%get3A_761] {strides = array<i32>} : memref<1024xf32, #tpu.memory_space<vmem>>, vector<16xf32>,
        %get3A_763 = vector.shape_cast %get3A_762 : vector<16xf32> to vector<16xf32>
        %add3A_764 = arith.constant 256 : i32
        %add3A_765 = arith.addi %mul3A_151, %add3A_764 : i32
        %add3A_766 = arith.constant 192 : i32
        %add3A_767 = arith.addi %add3A_765, %add3A_766 : i32
        %get3A_768 = arith.index_cast %add3A_767 : i32 to index
        %get3A_769 = tpu.vector_load %arg7[%get3A_768] {strides = array<i32>} : memref<1024xf32, #tpu.memory_space<vmem>>, vector<16xf32>,
        %get3A_770 = vector.shape_cast %get3A_769 : vector<16xf32> to vector<16xf32>
        %max3A_771 = arith.constant 0.000000e+00 : f32
        %max3A_772 = vector.broadcast %max3A_771 : f32 to vector<16xf32>
        %max3A_773 = arith.maximumf %get3A_763, %max3A_772 : vector<16xf32>
        %min3A_774 = arith.constant 6.300000e+01 : f32
        %min3A_775 = vector.broadcast %min3A_774 : f32 to vector<16xf32>
        %min3A_776 = arith.minimumf %max3A_773, %min3A_775 : vector<16xf32>
        %add3A_777 = arith.constant 5.000000e-01 : f32
        %add3A_778 = vector.broadcast %add3A_777 : f32 to vector<16xf32>
        %add3A_779 = arith.addf %min3A_776, %add3A_778 : vector<16xf32>
        %convert_element_type3A_780 = arith.fptosi %add3A_779 : vector<16xf32> to vector<16xi32>
        %convert_element_type3A_781 = arith.sitofp %convert_element_type3A_780 : vector<16xi32> to vector<16xf32>
        %sub3A_782 = arith.subf %get3A_763, %convert_element_type3A_781 : vector<16xf32>
        %max3A_783 = arith.constant 0.000000e+00 : f32
        %max3A_784 = vector.broadcast %max3A_783 : f32 to vector<16xf32>
        %max3A_785 = arith.maximumf %get3A_770, %max3A_784 : vector<16xf32>
        %min3A_786 = arith.constant 6.300000e+01 : f32
        %min3A_787 = vector.broadcast %min3A_786 : f32 to vector<16xf32>
        %min3A_788 = arith.minimumf %max3A_785, %min3A_787 : vector<16xf32>
        %add3A_789 = arith.constant 5.000000e-01 : f32
        %add3A_790 = vector.broadcast %add3A_789 : f32 to vector<16xf32>
        %add3A_791 = arith.addf %min3A_788, %add3A_790 : vector<16xf32>
        %convert_element_type3A_792 = arith.fptosi %add3A_791 : vector<16xf32> to vector<16xi32>
        %convert_element_type3A_793 = arith.sitofp %convert_element_type3A_792 : vector<16xi32> to vector<16xf32>
        %sub3A_794 = arith.subf %get3A_770, %convert_element_type3A_793 : vector<16xf32>
        %mul3A_795 = arith.mulf %sub3A_782, %sub3A_782 : vector<16xf32>
        %mul3A_796 = arith.mulf %sub3A_794, %sub3A_794 : vector<16xf32>
        %add3A_797 = arith.addf %mul3A_795, %mul3A_796 : vector<16xf32>
        %swap3A_798 = arith.constant 192 : index
        %swap3A_799 = tpu.vector_load %arg8[%swap3A_798] {strides = array<i32>} : memref<256xf32, #tpu.memory_space<vmem>>, vector<16xf32>,
        %swap3A_800 = vector.shape_cast %swap3A_799 : vector<16xf32> to vector<16xf32>
        %swap3A_801 = vector.shape_cast %add3A_797 : vector<16xf32> to vector<16xf32>
        tpu.vector_store %arg8[%swap3A_798], %swap3A_801 {strides = array<i32>} : memref<256xf32, #tpu.memory_space<vmem>>, vector<16xf32>,
        %add3A_802 = arith.constant 208 : i32
        %add3A_803 = arith.addi %mul3A_151, %add3A_802 : i32
        %get3A_804 = arith.index_cast %add3A_803 : i32 to index
        %get3A_805 = tpu.vector_load %arg7[%get3A_804] {strides = array<i32>} : memref<1024xf32, #tpu.memory_space<vmem>>, vector<16xf32>,
        %get3A_806 = vector.shape_cast %get3A_805 : vector<16xf32> to vector<16xf32>
        %add3A_807 = arith.constant 256 : i32
        %add3A_808 = arith.addi %mul3A_151, %add3A_807 : i32
        %add3A_809 = arith.constant 208 : i32
        %add3A_810 = arith.addi %add3A_808, %add3A_809 : i32
        %get3A_811 = arith.index_cast %add3A_810 : i32 to index
        %get3A_812 = tpu.vector_load %arg7[%get3A_811] {strides = array<i32>} : memref<1024xf32, #tpu.memory_space<vmem>>, vector<16xf32>,
        %get3A_813 = vector.shape_cast %get3A_812 : vector<16xf32> to vector<16xf32>
        %max3A_814 = arith.constant 0.000000e+00 : f32
        %max3A_815 = vector.broadcast %max3A_814 : f32 to vector<16xf32>
        %max3A_816 = arith.maximumf %get3A_806, %max3A_815 : vector<16xf32>
        %min3A_817 = arith.constant 6.300000e+01 : f32
        %min3A_818 = vector.broadcast %min3A_817 : f32 to vector<16xf32>
        %min3A_819 = arith.minimumf %max3A_816, %min3A_818 : vector<16xf32>
        %add3A_820 = arith.constant 5.000000e-01 : f32
        %add3A_821 = vector.broadcast %add3A_820 : f32 to vector<16xf32>
        %add3A_822 = arith.addf %min3A_819, %add3A_821 : vector<16xf32>
        %convert_element_type3A_823 = arith.fptosi %add3A_822 : vector<16xf32> to vector<16xi32>
        %convert_element_type3A_824 = arith.sitofp %convert_element_type3A_823 : vector<16xi32> to vector<16xf32>
        %sub3A_825 = arith.subf %get3A_806, %convert_element_type3A_824 : vector<16xf32>
        %max3A_826 = arith.constant 0.000000e+00 : f32
        %max3A_827 = vector.broadcast %max3A_826 : f32 to vector<16xf32>
        %max3A_828 = arith.maximumf %get3A_813, %max3A_827 : vector<16xf32>
        %min3A_829 = arith.constant 6.300000e+01 : f32
        %min3A_830 = vector.broadcast %min3A_829 : f32 to vector<16xf32>
        %min3A_831 = arith.minimumf %max3A_828, %min3A_830 : vector<16xf32>
        %add3A_832 = arith.constant 5.000000e-01 : f32
        %add3A_833 = vector.broadcast %add3A_832 : f32 to vector<16xf32>
        %add3A_834 = arith.addf %min3A_831, %add3A_833 : vector<16xf32>
        %convert_element_type3A_835 = arith.fptosi %add3A_834 : vector<16xf32> to vector<16xi32>
        %convert_element_type3A_836 = arith.sitofp %convert_element_type3A_835 : vector<16xi32> to vector<16xf32>
        %sub3A_837 = arith.subf %get3A_813, %convert_element_type3A_836 : vector<16xf32>
        %mul3A_838 = arith.mulf %sub3A_825, %sub3A_825 : vector<16xf32>
        %mul3A_839 = arith.mulf %sub3A_837, %sub3A_837 : vector<16xf32>
        %add3A_840 = arith.addf %mul3A_838, %mul3A_839 : vector<16xf32>
        %swap3A_841 = arith.constant 208 : index
        %swap3A_842 = tpu.vector_load %arg8[%swap3A_841] {strides = array<i32>} : memref<256xf32, #tpu.memory_space<vmem>>, vector<16xf32>,
        %swap3A_843 = vector.shape_cast %swap3A_842 : vector<16xf32> to vector<16xf32>
        %swap3A_844 = vector.shape_cast %add3A_840 : vector<16xf32> to vector<16xf32>
        tpu.vector_store %arg8[%swap3A_841], %swap3A_844 {strides = array<i32>} : memref<256xf32, #tpu.memory_space<vmem>>, vector<16xf32>,
        %add3A_845 = arith.constant 224 : i32
        %add3A_846 = arith.addi %mul3A_151, %add3A_845 : i32
        %get3A_847 = arith.index_cast %add3A_846 : i32 to index
        %get3A_848 = tpu.vector_load %arg7[%get3A_847] {strides = array<i32>} : memref<1024xf32, #tpu.memory_space<vmem>>, vector<16xf32>,
        %get3A_849 = vector.shape_cast %get3A_848 : vector<16xf32> to vector<16xf32>
        %add3A_850 = arith.constant 256 : i32
        %add3A_851 = arith.addi %mul3A_151, %add3A_850 : i32
        %add3A_852 = arith.constant 224 : i32
        %add3A_853 = arith.addi %add3A_851, %add3A_852 : i32
        %get3A_854 = arith.index_cast %add3A_853 : i32 to index
        %get3A_855 = tpu.vector_load %arg7[%get3A_854] {strides = array<i32>} : memref<1024xf32, #tpu.memory_space<vmem>>, vector<16xf32>,
        %get3A_856 = vector.shape_cast %get3A_855 : vector<16xf32> to vector<16xf32>
        %max3A_857 = arith.constant 0.000000e+00 : f32
        %max3A_858 = vector.broadcast %max3A_857 : f32 to vector<16xf32>
        %max3A_859 = arith.maximumf %get3A_849, %max3A_858 : vector<16xf32>
        %min3A_860 = arith.constant 6.300000e+01 : f32
        %min3A_861 = vector.broadcast %min3A_860 : f32 to vector<16xf32>
        %min3A_862 = arith.minimumf %max3A_859, %min3A_861 : vector<16xf32>
        %add3A_863 = arith.constant 5.000000e-01 : f32
        %add3A_864 = vector.broadcast %add3A_863 : f32 to vector<16xf32>
        %add3A_865 = arith.addf %min3A_862, %add3A_864 : vector<16xf32>
        %convert_element_type3A_866 = arith.fptosi %add3A_865 : vector<16xf32> to vector<16xi32>
        %convert_element_type3A_867 = arith.sitofp %convert_element_type3A_866 : vector<16xi32> to vector<16xf32>
        %sub3A_868 = arith.subf %get3A_849, %convert_element_type3A_867 : vector<16xf32>
        %max3A_869 = arith.constant 0.000000e+00 : f32
        %max3A_870 = vector.broadcast %max3A_869 : f32 to vector<16xf32>
        %max3A_871 = arith.maximumf %get3A_856, %max3A_870 : vector<16xf32>
        %min3A_872 = arith.constant 6.300000e+01 : f32
        %min3A_873 = vector.broadcast %min3A_872 : f32 to vector<16xf32>
        %min3A_874 = arith.minimumf %max3A_871, %min3A_873 : vector<16xf32>
        %add3A_875 = arith.constant 5.000000e-01 : f32
        %add3A_876 = vector.broadcast %add3A_875 : f32 to vector<16xf32>
        %add3A_877 = arith.addf %min3A_874, %add3A_876 : vector<16xf32>
        %convert_element_type3A_878 = arith.fptosi %add3A_877 : vector<16xf32> to vector<16xi32>
        %convert_element_type3A_879 = arith.sitofp %convert_element_type3A_878 : vector<16xi32> to vector<16xf32>
        %sub3A_880 = arith.subf %get3A_856, %convert_element_type3A_879 : vector<16xf32>
        %mul3A_881 = arith.mulf %sub3A_868, %sub3A_868 : vector<16xf32>
        %mul3A_882 = arith.mulf %sub3A_880, %sub3A_880 : vector<16xf32>
        %add3A_883 = arith.addf %mul3A_881, %mul3A_882 : vector<16xf32>
        %swap3A_884 = arith.constant 224 : index
        %swap3A_885 = tpu.vector_load %arg8[%swap3A_884] {strides = array<i32>} : memref<256xf32, #tpu.memory_space<vmem>>, vector<16xf32>,
        %swap3A_886 = vector.shape_cast %swap3A_885 : vector<16xf32> to vector<16xf32>
        %swap3A_887 = vector.shape_cast %add3A_883 : vector<16xf32> to vector<16xf32>
        tpu.vector_store %arg8[%swap3A_884], %swap3A_887 {strides = array<i32>} : memref<256xf32, #tpu.memory_space<vmem>>, vector<16xf32>,
        %add3A_888 = arith.constant 240 : i32
        %add3A_889 = arith.addi %mul3A_151, %add3A_888 : i32
        %get3A_890 = arith.index_cast %add3A_889 : i32 to index
        %get3A_891 = tpu.vector_load %arg7[%get3A_890] {strides = array<i32>} : memref<1024xf32, #tpu.memory_space<vmem>>, vector<16xf32>,
        %get3A_892 = vector.shape_cast %get3A_891 : vector<16xf32> to vector<16xf32>
        %add3A_893 = arith.constant 256 : i32
        %add3A_894 = arith.addi %mul3A_151, %add3A_893 : i32
        %add3A_895 = arith.constant 240 : i32
        %add3A_896 = arith.addi %add3A_894, %add3A_895 : i32
        %get3A_897 = arith.index_cast %add3A_896 : i32 to index
        %get3A_898 = tpu.vector_load %arg7[%get3A_897] {strides = array<i32>} : memref<1024xf32, #tpu.memory_space<vmem>>, vector<16xf32>,
        %get3A_899 = vector.shape_cast %get3A_898 : vector<16xf32> to vector<16xf32>
        %max3A_900 = arith.constant 0.000000e+00 : f32
        %max3A_901 = vector.broadcast %max3A_900 : f32 to vector<16xf32>
        %max3A_902 = arith.maximumf %get3A_892, %max3A_901 : vector<16xf32>
        %min3A_903 = arith.constant 6.300000e+01 : f32
        %min3A_904 = vector.broadcast %min3A_903 : f32 to vector<16xf32>
        %min3A_905 = arith.minimumf %max3A_902, %min3A_904 : vector<16xf32>
        %add3A_906 = arith.constant 5.000000e-01 : f32
        %add3A_907 = vector.broadcast %add3A_906 : f32 to vector<16xf32>
        %add3A_908 = arith.addf %min3A_905, %add3A_907 : vector<16xf32>
        %convert_element_type3A_909 = arith.fptosi %add3A_908 : vector<16xf32> to vector<16xi32>
        %convert_element_type3A_910 = arith.sitofp %convert_element_type3A_909 : vector<16xi32> to vector<16xf32>
        %sub3A_911 = arith.subf %get3A_892, %convert_element_type3A_910 : vector<16xf32>
        %max3A_912 = arith.constant 0.000000e+00 : f32
        %max3A_913 = vector.broadcast %max3A_912 : f32 to vector<16xf32>
        %max3A_914 = arith.maximumf %get3A_899, %max3A_913 : vector<16xf32>
        %min3A_915 = arith.constant 6.300000e+01 : f32
        %min3A_916 = vector.broadcast %min3A_915 : f32 to vector<16xf32>
        %min3A_917 = arith.minimumf %max3A_914, %min3A_916 : vector<16xf32>
        %add3A_918 = arith.constant 5.000000e-01 : f32
        %add3A_919 = vector.broadcast %add3A_918 : f32 to vector<16xf32>
        %add3A_920 = arith.addf %min3A_917, %add3A_919 : vector<16xf32>
        %convert_element_type3A_921 = arith.fptosi %add3A_920 : vector<16xf32> to vector<16xi32>
        %convert_element_type3A_922 = arith.sitofp %convert_element_type3A_921 : vector<16xi32> to vector<16xf32>
        %sub3A_923 = arith.subf %get3A_899, %convert_element_type3A_922 : vector<16xf32>
        %mul3A_924 = arith.mulf %sub3A_911, %sub3A_911 : vector<16xf32>
        %mul3A_925 = arith.mulf %sub3A_923, %sub3A_923 : vector<16xf32>
        %add3A_926 = arith.addf %mul3A_924, %mul3A_925 : vector<16xf32>
        %swap3A_927 = arith.constant 240 : index
        %swap3A_928 = tpu.vector_load %arg8[%swap3A_927] {strides = array<i32>} : memref<256xf32, #tpu.memory_space<vmem>>, vector<16xf32>,
        %swap3A_929 = vector.shape_cast %swap3A_928 : vector<16xf32> to vector<16xf32>
        %swap3A_930 = vector.shape_cast %add3A_926 : vector<16xf32> to vector<16xf32>
        tpu.vector_store %arg8[%swap3A_927], %swap3A_930 {strides = array<i32>} : memref<256xf32, #tpu.memory_space<vmem>>, vector<16xf32>,
      } else {
      }
      %not3A_242 = arith.constant true
      %not3A_243 = arith.xori %and3A_238, %not3A_242 : i1
      %convert_element_type3A_244 = arith.extui %not3A_243 : i1 to i32
      %cond3A_245 = arith.constant 0 : i32
      %cond3A_246 = arith.cmpi ne, %convert_element_type3A_244, %cond3A_245 : i32
      scf.if %cond3A_246 {
        %broadcast_in_dim3A_247 = arith.constant 1.000000e+30 : f32
        %broadcast_in_dim3A_248 = vector.broadcast %broadcast_in_dim3A_247 : f32 to vector<16xf32>
        %swap3A = arith.constant 0 : index
        %swap3A_249 = tpu.vector_load %arg8[%swap3A] {strides = array<i32>} : memref<256xf32, #tpu.memory_space<vmem>>, vector<16xf32>,
        %swap3A_250 = vector.shape_cast %swap3A_249 : vector<16xf32> to vector<16xf32>
        %swap3A_251 = vector.shape_cast %broadcast_in_dim3A_248 : vector<16xf32> to vector<16xf32>
        tpu.vector_store %arg8[%swap3A], %swap3A_251 {strides = array<i32>} : memref<256xf32, #tpu.memory_space<vmem>>, vector<16xf32>,
        %broadcast_in_dim3A_252 = arith.constant 1.000000e+30 : f32
        %broadcast_in_dim3A_253 = vector.broadcast %broadcast_in_dim3A_252 : f32 to vector<16xf32>
        %swap3A_254 = arith.constant 16 : index
        %swap3A_255 = tpu.vector_load %arg8[%swap3A_254] {strides = array<i32>} : memref<256xf32, #tpu.memory_space<vmem>>, vector<16xf32>,
        %swap3A_256 = vector.shape_cast %swap3A_255 : vector<16xf32> to vector<16xf32>
        %swap3A_257 = vector.shape_cast %broadcast_in_dim3A_253 : vector<16xf32> to vector<16xf32>
        tpu.vector_store %arg8[%swap3A_254], %swap3A_257 {strides = array<i32>} : memref<256xf32, #tpu.memory_space<vmem>>, vector<16xf32>,
        %broadcast_in_dim3A_258 = arith.constant 1.000000e+30 : f32
        %broadcast_in_dim3A_259 = vector.broadcast %broadcast_in_dim3A_258 : f32 to vector<16xf32>
        %swap3A_260 = arith.constant 32 : index
        %swap3A_261 = tpu.vector_load %arg8[%swap3A_260] {strides = array<i32>} : memref<256xf32, #tpu.memory_space<vmem>>, vector<16xf32>,
        %swap3A_262 = vector.shape_cast %swap3A_261 : vector<16xf32> to vector<16xf32>
        %swap3A_263 = vector.shape_cast %broadcast_in_dim3A_259 : vector<16xf32> to vector<16xf32>
        tpu.vector_store %arg8[%swap3A_260], %swap3A_263 {strides = array<i32>} : memref<256xf32, #tpu.memory_space<vmem>>, vector<16xf32>,
        %broadcast_in_dim3A_264 = arith.constant 1.000000e+30 : f32
        %broadcast_in_dim3A_265 = vector.broadcast %broadcast_in_dim3A_264 : f32 to vector<16xf32>
        %swap3A_266 = arith.constant 48 : index
        %swap3A_267 = tpu.vector_load %arg8[%swap3A_266] {strides = array<i32>} : memref<256xf32, #tpu.memory_space<vmem>>, vector<16xf32>,
        %swap3A_268 = vector.shape_cast %swap3A_267 : vector<16xf32> to vector<16xf32>
        %swap3A_269 = vector.shape_cast %broadcast_in_dim3A_265 : vector<16xf32> to vector<16xf32>
        tpu.vector_store %arg8[%swap3A_266], %swap3A_269 {strides = array<i32>} : memref<256xf32, #tpu.memory_space<vmem>>, vector<16xf32>,
        %broadcast_in_dim3A_270 = arith.constant 1.000000e+30 : f32
        %broadcast_in_dim3A_271 = vector.broadcast %broadcast_in_dim3A_270 : f32 to vector<16xf32>
        %swap3A_272 = arith.constant 64 : index
        %swap3A_273 = tpu.vector_load %arg8[%swap3A_272] {strides = array<i32>} : memref<256xf32, #tpu.memory_space<vmem>>, vector<16xf32>,
        %swap3A_274 = vector.shape_cast %swap3A_273 : vector<16xf32> to vector<16xf32>
        %swap3A_275 = vector.shape_cast %broadcast_in_dim3A_271 : vector<16xf32> to vector<16xf32>
        tpu.vector_store %arg8[%swap3A_272], %swap3A_275 {strides = array<i32>} : memref<256xf32, #tpu.memory_space<vmem>>, vector<16xf32>,
        %broadcast_in_dim3A_276 = arith.constant 1.000000e+30 : f32
        %broadcast_in_dim3A_277 = vector.broadcast %broadcast_in_dim3A_276 : f32 to vector<16xf32>
        %swap3A_278 = arith.constant 80 : index
        %swap3A_279 = tpu.vector_load %arg8[%swap3A_278] {strides = array<i32>} : memref<256xf32, #tpu.memory_space<vmem>>, vector<16xf32>,
        %swap3A_280 = vector.shape_cast %swap3A_279 : vector<16xf32> to vector<16xf32>
        %swap3A_281 = vector.shape_cast %broadcast_in_dim3A_277 : vector<16xf32> to vector<16xf32>
        tpu.vector_store %arg8[%swap3A_278], %swap3A_281 {strides = array<i32>} : memref<256xf32, #tpu.memory_space<vmem>>, vector<16xf32>,
        %broadcast_in_dim3A_282 = arith.constant 1.000000e+30 : f32
        %broadcast_in_dim3A_283 = vector.broadcast %broadcast_in_dim3A_282 : f32 to vector<16xf32>
        %swap3A_284 = arith.constant 96 : index
        %swap3A_285 = tpu.vector_load %arg8[%swap3A_284] {strides = array<i32>} : memref<256xf32, #tpu.memory_space<vmem>>, vector<16xf32>,
        %swap3A_286 = vector.shape_cast %swap3A_285 : vector<16xf32> to vector<16xf32>
        %swap3A_287 = vector.shape_cast %broadcast_in_dim3A_283 : vector<16xf32> to vector<16xf32>
        tpu.vector_store %arg8[%swap3A_284], %swap3A_287 {strides = array<i32>} : memref<256xf32, #tpu.memory_space<vmem>>, vector<16xf32>,
        %broadcast_in_dim3A_288 = arith.constant 1.000000e+30 : f32
        %broadcast_in_dim3A_289 = vector.broadcast %broadcast_in_dim3A_288 : f32 to vector<16xf32>
        %swap3A_290 = arith.constant 112 : index
        %swap3A_291 = tpu.vector_load %arg8[%swap3A_290] {strides = array<i32>} : memref<256xf32, #tpu.memory_space<vmem>>, vector<16xf32>,
        %swap3A_292 = vector.shape_cast %swap3A_291 : vector<16xf32> to vector<16xf32>
        %swap3A_293 = vector.shape_cast %broadcast_in_dim3A_289 : vector<16xf32> to vector<16xf32>
        tpu.vector_store %arg8[%swap3A_290], %swap3A_293 {strides = array<i32>} : memref<256xf32, #tpu.memory_space<vmem>>, vector<16xf32>,
        %broadcast_in_dim3A_294 = arith.constant 1.000000e+30 : f32
        %broadcast_in_dim3A_295 = vector.broadcast %broadcast_in_dim3A_294 : f32 to vector<16xf32>
        %swap3A_296 = arith.constant 128 : index
        %swap3A_297 = tpu.vector_load %arg8[%swap3A_296] {strides = array<i32>} : memref<256xf32, #tpu.memory_space<vmem>>, vector<16xf32>,
        %swap3A_298 = vector.shape_cast %swap3A_297 : vector<16xf32> to vector<16xf32>
        %swap3A_299 = vector.shape_cast %broadcast_in_dim3A_295 : vector<16xf32> to vector<16xf32>
        tpu.vector_store %arg8[%swap3A_296], %swap3A_299 {strides = array<i32>} : memref<256xf32, #tpu.memory_space<vmem>>, vector<16xf32>,
        %broadcast_in_dim3A_300 = arith.constant 1.000000e+30 : f32
        %broadcast_in_dim3A_301 = vector.broadcast %broadcast_in_dim3A_300 : f32 to vector<16xf32>
        %swap3A_302 = arith.constant 144 : index
        %swap3A_303 = tpu.vector_load %arg8[%swap3A_302] {strides = array<i32>} : memref<256xf32, #tpu.memory_space<vmem>>, vector<16xf32>,
        %swap3A_304 = vector.shape_cast %swap3A_303 : vector<16xf32> to vector<16xf32>
        %swap3A_305 = vector.shape_cast %broadcast_in_dim3A_301 : vector<16xf32> to vector<16xf32>
        tpu.vector_store %arg8[%swap3A_302], %swap3A_305 {strides = array<i32>} : memref<256xf32, #tpu.memory_space<vmem>>, vector<16xf32>,
        %broadcast_in_dim3A_306 = arith.constant 1.000000e+30 : f32
        %broadcast_in_dim3A_307 = vector.broadcast %broadcast_in_dim3A_306 : f32 to vector<16xf32>
        %swap3A_308 = arith.constant 160 : index
        %swap3A_309 = tpu.vector_load %arg8[%swap3A_308] {strides = array<i32>} : memref<256xf32, #tpu.memory_space<vmem>>, vector<16xf32>,
        %swap3A_310 = vector.shape_cast %swap3A_309 : vector<16xf32> to vector<16xf32>
        %swap3A_311 = vector.shape_cast %broadcast_in_dim3A_307 : vector<16xf32> to vector<16xf32>
        tpu.vector_store %arg8[%swap3A_308], %swap3A_311 {strides = array<i32>} : memref<256xf32, #tpu.memory_space<vmem>>, vector<16xf32>,
        %broadcast_in_dim3A_312 = arith.constant 1.000000e+30 : f32
        %broadcast_in_dim3A_313 = vector.broadcast %broadcast_in_dim3A_312 : f32 to vector<16xf32>
        %swap3A_314 = arith.constant 176 : index
        %swap3A_315 = tpu.vector_load %arg8[%swap3A_314] {strides = array<i32>} : memref<256xf32, #tpu.memory_space<vmem>>, vector<16xf32>,
        %swap3A_316 = vector.shape_cast %swap3A_315 : vector<16xf32> to vector<16xf32>
        %swap3A_317 = vector.shape_cast %broadcast_in_dim3A_313 : vector<16xf32> to vector<16xf32>
        tpu.vector_store %arg8[%swap3A_314], %swap3A_317 {strides = array<i32>} : memref<256xf32, #tpu.memory_space<vmem>>, vector<16xf32>,
        %broadcast_in_dim3A_318 = arith.constant 1.000000e+30 : f32
        %broadcast_in_dim3A_319 = vector.broadcast %broadcast_in_dim3A_318 : f32 to vector<16xf32>
        %swap3A_320 = arith.constant 192 : index
        %swap3A_321 = tpu.vector_load %arg8[%swap3A_320] {strides = array<i32>} : memref<256xf32, #tpu.memory_space<vmem>>, vector<16xf32>,
        %swap3A_322 = vector.shape_cast %swap3A_321 : vector<16xf32> to vector<16xf32>
        %swap3A_323 = vector.shape_cast %broadcast_in_dim3A_319 : vector<16xf32> to vector<16xf32>
        tpu.vector_store %arg8[%swap3A_320], %swap3A_323 {strides = array<i32>} : memref<256xf32, #tpu.memory_space<vmem>>, vector<16xf32>,
        %broadcast_in_dim3A_324 = arith.constant 1.000000e+30 : f32
        %broadcast_in_dim3A_325 = vector.broadcast %broadcast_in_dim3A_324 : f32 to vector<16xf32>
        %swap3A_326 = arith.constant 208 : index
        %swap3A_327 = tpu.vector_load %arg8[%swap3A_326] {strides = array<i32>} : memref<256xf32, #tpu.memory_space<vmem>>, vector<16xf32>,
        %swap3A_328 = vector.shape_cast %swap3A_327 : vector<16xf32> to vector<16xf32>
        %swap3A_329 = vector.shape_cast %broadcast_in_dim3A_325 : vector<16xf32> to vector<16xf32>
        tpu.vector_store %arg8[%swap3A_326], %swap3A_329 {strides = array<i32>} : memref<256xf32, #tpu.memory_space<vmem>>, vector<16xf32>,
        %broadcast_in_dim3A_330 = arith.constant 1.000000e+30 : f32
        %broadcast_in_dim3A_331 = vector.broadcast %broadcast_in_dim3A_330 : f32 to vector<16xf32>
        %swap3A_332 = arith.constant 224 : index
        %swap3A_333 = tpu.vector_load %arg8[%swap3A_332] {strides = array<i32>} : memref<256xf32, #tpu.memory_space<vmem>>, vector<16xf32>,
        %swap3A_334 = vector.shape_cast %swap3A_333 : vector<16xf32> to vector<16xf32>
        %swap3A_335 = vector.shape_cast %broadcast_in_dim3A_331 : vector<16xf32> to vector<16xf32>
        tpu.vector_store %arg8[%swap3A_332], %swap3A_335 {strides = array<i32>} : memref<256xf32, #tpu.memory_space<vmem>>, vector<16xf32>,
        %broadcast_in_dim3A_336 = arith.constant 1.000000e+30 : f32
        %broadcast_in_dim3A_337 = vector.broadcast %broadcast_in_dim3A_336 : f32 to vector<16xf32>
        %swap3A_338 = arith.constant 240 : index
        %swap3A_339 = tpu.vector_load %arg8[%swap3A_338] {strides = array<i32>} : memref<256xf32, #tpu.memory_space<vmem>>, vector<16xf32>,
        %swap3A_340 = vector.shape_cast %swap3A_339 : vector<16xf32> to vector<16xf32>
        %swap3A_341 = vector.shape_cast %broadcast_in_dim3A_337 : vector<16xf32> to vector<16xf32>
        tpu.vector_store %arg8[%swap3A_338], %swap3A_341 {strides = array<i32>} : memref<256xf32, #tpu.memory_space<vmem>>, vector<16xf32>,
        %scan3A_342 = arith.constant 0 : i32
        %scan3A_343 = arith.constant 0 : i32
        %scan3A_344 = arith.constant 32 : i32
        %scan3A_345 = arith.addi %scan3A_343, %scan3A_344 : i32
        %scan3A_346 = arith.constant 1 : i32
        scf.for %scan3A_348 = %scan3A_343 to %scan3A_345 step %scan3A_346  : i32 {
          %mul3A_349 = arith.constant 256 : i32
          %mul3A_350 = arith.muli %scan3A_348, %mul3A_349 : i32
          %mul3A_351 = arith.constant 2 : i32
          %mul3A_352 = arith.muli %mul3A_351, %scan3A_348 : i32
          %convert_element_type3A_353 = arith.sitofp %mul3A_352 : i32 to f32
          %get3A = arith.index_cast %mul3A_350 : i32 to index
          %get3A_354 = tpu.vector_load %arg6[%get3A] {strides = array<i32>} : memref<8192xf32, #tpu.memory_space<vmem>>, vector<16xf32>,
          %get3A_355 = vector.shape_cast %get3A_354 : vector<16xf32> to vector<16xf32>
          %abs3A = math.absf %get3A_355 : vector<16xf32>
          %add3A_356 = arith.constant 0 : i32
          %add3A_357 = arith.addi %mul3A_350, %add3A_356 : i32
          %add3A_358 = arith.constant 16 : i32
          %add3A_359 = arith.addi %add3A_357, %add3A_358 : i32
          %get3A_360 = arith.index_cast %add3A_359 : i32 to index
          %get3A_361 = tpu.vector_load %arg6[%get3A_360] {strides = array<i32>} : memref<8192xf32, #tpu.memory_space<vmem>>, vector<16xf32>,
          %get3A_362 = vector.shape_cast %get3A_361 : vector<16xf32> to vector<16xf32>
          %abs3A_363 = math.absf %get3A_362 : vector<16xf32>
          %min3A = arith.minimumf %abs3A, %abs3A_363 : vector<16xf32>
          %add3A_364 = arith.constant 0 : i32
          %add3A_365 = arith.addi %mul3A_350, %add3A_364 : i32
          %add3A_366 = arith.constant 32 : i32
          %add3A_367 = arith.addi %add3A_365, %add3A_366 : i32
          %get3A_368 = arith.index_cast %add3A_367 : i32 to index
          %get3A_369 = tpu.vector_load %arg6[%get3A_368] {strides = array<i32>} : memref<8192xf32, #tpu.memory_space<vmem>>, vector<16xf32>,
          %get3A_370 = vector.shape_cast %get3A_369 : vector<16xf32> to vector<16xf32>
          %abs3A_371 = math.absf %get3A_370 : vector<16xf32>
          %min3A_372 = arith.minimumf %min3A, %abs3A_371 : vector<16xf32>
          %add3A_373 = arith.constant 0 : i32
          %add3A_374 = arith.addi %mul3A_350, %add3A_373 : i32
          %add3A_375 = arith.constant 48 : i32
          %add3A_376 = arith.addi %add3A_374, %add3A_375 : i32
          %get3A_377 = arith.index_cast %add3A_376 : i32 to index
          %get3A_378 = tpu.vector_load %arg6[%get3A_377] {strides = array<i32>} : memref<8192xf32, #tpu.memory_space<vmem>>, vector<16xf32>,
          %get3A_379 = vector.shape_cast %get3A_378 : vector<16xf32> to vector<16xf32>
          %abs3A_380 = math.absf %get3A_379 : vector<16xf32>
          %min3A_381 = arith.minimumf %min3A_372, %abs3A_380 : vector<16xf32>
          %add3A_382 = arith.constant 128 : i32
          %add3A_383 = arith.addi %mul3A_350, %add3A_382 : i32
          %add3A_384 = arith.constant 0 : i32
          %add3A_385 = arith.addi %add3A_383, %add3A_384 : i32
          %get3A_386 = arith.index_cast %add3A_385 : i32 to index
          %get3A_387 = tpu.vector_load %arg6[%get3A_386] {strides = array<i32>} : memref<8192xf32, #tpu.memory_space<vmem>>, vector<16xf32>,
          %get3A_388 = vector.shape_cast %get3A_387 : vector<16xf32> to vector<16xf32>
          %abs3A_389 = math.absf %get3A_388 : vector<16xf32>
          %min3A_390 = arith.minimumf %min3A_381, %abs3A_389 : vector<16xf32>
          %add3A_391 = arith.constant 128 : i32
          %add3A_392 = arith.addi %mul3A_350, %add3A_391 : i32
          %add3A_393 = arith.constant 16 : i32
          %add3A_394 = arith.addi %add3A_392, %add3A_393 : i32
          %get3A_395 = arith.index_cast %add3A_394 : i32 to index
          %get3A_396 = tpu.vector_load %arg6[%get3A_395] {strides = array<i32>} : memref<8192xf32, #tpu.memory_space<vmem>>, vector<16xf32>,
          %get3A_397 = vector.shape_cast %get3A_396 : vector<16xf32> to vector<16xf32>
          %abs3A_398 = math.absf %get3A_397 : vector<16xf32>
          %min3A_399 = arith.minimumf %min3A_390, %abs3A_398 : vector<16xf32>
          %add3A_400 = arith.constant 128 : i32
          %add3A_401 = arith.addi %mul3A_350, %add3A_400 : i32
          %add3A_402 = arith.constant 32 : i32
          %add3A_403 = arith.addi %add3A_401, %add3A_402 : i32
          %get3A_404 = arith.index_cast %add3A_403 : i32 to index
          %get3A_405 = tpu.vector_load %arg6[%get3A_404] {strides = array<i32>} : memref<8192xf32, #tpu.memory_space<vmem>>, vector<16xf32>,
          %get3A_406 = vector.shape_cast %get3A_405 : vector<16xf32> to vector<16xf32>
          %abs3A_407 = math.absf %get3A_406 : vector<16xf32>
          %min3A_408 = arith.minimumf %min3A_399, %abs3A_407 : vector<16xf32>
          %add3A_409 = arith.constant 128 : i32
          %add3A_410 = arith.addi %mul3A_350, %add3A_409 : i32
          %add3A_411 = arith.constant 48 : i32
          %add3A_412 = arith.addi %add3A_410, %add3A_411 : i32
          %get3A_413 = arith.index_cast %add3A_412 : i32 to index
          %get3A_414 = tpu.vector_load %arg6[%get3A_413] {strides = array<i32>} : memref<8192xf32, #tpu.memory_space<vmem>>, vector<16xf32>,
          %get3A_415 = vector.shape_cast %get3A_414 : vector<16xf32> to vector<16xf32>
          %abs3A_416 = math.absf %get3A_415 : vector<16xf32>
          %min3A_417 = arith.minimumf %min3A_408, %abs3A_416 : vector<16xf32>
          %slice3A_418 = vector.extract_strided_slice %min3A_417 {offsets = [0], sizes = [1], strides = [1]} : vector<16xf32> to vector<1xf32>
          %squeeze3A_419 = vector.extract %slice3A_418[0] : f32 from vector<1xf32>
          %ne3A_420 = arith.constant 0.000000e+00 : f32
          %ne3A_421 = arith.cmpf one, %squeeze3A_419, %ne3A_420 : f32
          %slice3A_422 = vector.extract_strided_slice %min3A_417 {offsets = [1], sizes = [1], strides = [1]} : vector<16xf32> to vector<1xf32>
          %squeeze3A_423 = vector.extract %slice3A_422[0] : f32 from vector<1xf32>
          %ne3A_424 = arith.constant 0.000000e+00 : f32
          %ne3A_425 = arith.cmpf one, %squeeze3A_423, %ne3A_424 : f32
          %slice3A_426 = vector.extract_strided_slice %min3A_417 {offsets = [2], sizes = [1], strides = [1]} : vector<16xf32> to vector<1xf32>
          %squeeze3A_427 = vector.extract %slice3A_426[0] : f32 from vector<1xf32>
          %ne3A_428 = arith.constant 0.000000e+00 : f32
          %ne3A_429 = arith.cmpf one, %squeeze3A_427, %ne3A_428 : f32
          %slice3A_430 = vector.extract_strided_slice %min3A_417 {offsets = [3], sizes = [1], strides = [1]} : vector<16xf32> to vector<1xf32>
          %squeeze3A_431 = vector.extract %slice3A_430[0] : f32 from vector<1xf32>
          %ne3A_432 = arith.constant 0.000000e+00 : f32
          %ne3A_433 = arith.cmpf one, %squeeze3A_431, %ne3A_432 : f32
          %slice3A_434 = vector.extract_strided_slice %min3A_417 {offsets = [4], sizes = [1], strides = [1]} : vector<16xf32> to vector<1xf32>
          %squeeze3A_435 = vector.extract %slice3A_434[0] : f32 from vector<1xf32>
          %ne3A_436 = arith.constant 0.000000e+00 : f32
          %ne3A_437 = arith.cmpf one, %squeeze3A_435, %ne3A_436 : f32
          %slice3A_438 = vector.extract_strided_slice %min3A_417 {offsets = [5], sizes = [1], strides = [1]} : vector<16xf32> to vector<1xf32>
          %squeeze3A_439 = vector.extract %slice3A_438[0] : f32 from vector<1xf32>
          %ne3A_440 = arith.constant 0.000000e+00 : f32
          %ne3A_441 = arith.cmpf one, %squeeze3A_439, %ne3A_440 : f32
          %slice3A_442 = vector.extract_strided_slice %min3A_417 {offsets = [6], sizes = [1], strides = [1]} : vector<16xf32> to vector<1xf32>
          %squeeze3A_443 = vector.extract %slice3A_442[0] : f32 from vector<1xf32>
          %ne3A_444 = arith.constant 0.000000e+00 : f32
          %ne3A_445 = arith.cmpf one, %squeeze3A_443, %ne3A_444 : f32
          %slice3A_446 = vector.extract_strided_slice %min3A_417 {offsets = [7], sizes = [1], strides = [1]} : vector<16xf32> to vector<1xf32>
          %squeeze3A_447 = vector.extract %slice3A_446[0] : f32 from vector<1xf32>
          %ne3A_448 = arith.constant 0.000000e+00 : f32
          %ne3A_449 = arith.cmpf one, %squeeze3A_447, %ne3A_448 : f32
          %slice3A_450 = vector.extract_strided_slice %min3A_417 {offsets = [8], sizes = [1], strides = [1]} : vector<16xf32> to vector<1xf32>
          %squeeze3A_451 = vector.extract %slice3A_450[0] : f32 from vector<1xf32>
          %ne3A_452 = arith.constant 0.000000e+00 : f32
          %ne3A_453 = arith.cmpf one, %squeeze3A_451, %ne3A_452 : f32
          %slice3A_454 = vector.extract_strided_slice %min3A_417 {offsets = [9], sizes = [1], strides = [1]} : vector<16xf32> to vector<1xf32>
          %squeeze3A_455 = vector.extract %slice3A_454[0] : f32 from vector<1xf32>
          %ne3A_456 = arith.constant 0.000000e+00 : f32
          %ne3A_457 = arith.cmpf one, %squeeze3A_455, %ne3A_456 : f32
          %slice3A_458 = vector.extract_strided_slice %min3A_417 {offsets = [10], sizes = [1], strides = [1]} : vector<16xf32> to vector<1xf32>
          %squeeze3A_459 = vector.extract %slice3A_458[0] : f32 from vector<1xf32>
          %ne3A_460 = arith.constant 0.000000e+00 : f32
          %ne3A_461 = arith.cmpf one, %squeeze3A_459, %ne3A_460 : f32
          %slice3A_462 = vector.extract_strided_slice %min3A_417 {offsets = [11], sizes = [1], strides = [1]} : vector<16xf32> to vector<1xf32>
          %squeeze3A_463 = vector.extract %slice3A_462[0] : f32 from vector<1xf32>
          %ne3A_464 = arith.constant 0.000000e+00 : f32
          %ne3A_465 = arith.cmpf one, %squeeze3A_463, %ne3A_464 : f32
          %slice3A_466 = vector.extract_strided_slice %min3A_417 {offsets = [12], sizes = [1], strides = [1]} : vector<16xf32> to vector<1xf32>
          %squeeze3A_467 = vector.extract %slice3A_466[0] : f32 from vector<1xf32>
          %ne3A_468 = arith.constant 0.000000e+00 : f32
          %ne3A_469 = arith.cmpf one, %squeeze3A_467, %ne3A_468 : f32
          %slice3A_470 = vector.extract_strided_slice %min3A_417 {offsets = [13], sizes = [1], strides = [1]} : vector<16xf32> to vector<1xf32>
          %squeeze3A_471 = vector.extract %slice3A_470[0] : f32 from vector<1xf32>
          %ne3A_472 = arith.constant 0.000000e+00 : f32
          %ne3A_473 = arith.cmpf one, %squeeze3A_471, %ne3A_472 : f32
          %slice3A_474 = vector.extract_strided_slice %min3A_417 {offsets = [14], sizes = [1], strides = [1]} : vector<16xf32> to vector<1xf32>
          %squeeze3A_475 = vector.extract %slice3A_474[0] : f32 from vector<1xf32>
          %ne3A_476 = arith.constant 0.000000e+00 : f32
          %ne3A_477 = arith.cmpf one, %squeeze3A_475, %ne3A_476 : f32
          %slice3A_478 = vector.extract_strided_slice %min3A_417 {offsets = [15], sizes = [1], strides = [1]} : vector<16xf32> to vector<1xf32>
          %squeeze3A_479 = vector.extract %slice3A_478[0] : f32 from vector<1xf32>
          %ne3A_480 = arith.constant 0.000000e+00 : f32
          %ne3A_481 = arith.cmpf one, %squeeze3A_479, %ne3A_480 : f32
          %and3A_482 = arith.andi %ne3A_421, %ne3A_425 : i1
          %and3A_483 = arith.andi %ne3A_429, %ne3A_433 : i1
          %and3A_484 = arith.andi %ne3A_437, %ne3A_441 : i1
          %and3A_485 = arith.andi %ne3A_445, %ne3A_449 : i1
          %and3A_486 = arith.andi %ne3A_453, %ne3A_457 : i1
          %and3A_487 = arith.andi %ne3A_461, %ne3A_465 : i1
          %and3A_488 = arith.andi %ne3A_469, %ne3A_473 : i1
          %and3A_489 = arith.andi %ne3A_477, %ne3A_481 : i1
          %and3A_490 = arith.andi %and3A_482, %and3A_483 : i1
          %and3A_491 = arith.andi %and3A_484, %and3A_485 : i1
          %and3A_492 = arith.andi %and3A_486, %and3A_487 : i1
          %and3A_493 = arith.andi %and3A_488, %and3A_489 : i1
          %and3A_494 = arith.andi %and3A_490, %and3A_491 : i1
          %and3A_495 = arith.andi %and3A_492, %and3A_493 : i1
          %and3A_496 = arith.andi %and3A_494, %and3A_495 : i1
          %convert_element_type3A_497 = arith.extui %and3A_496 : i1 to i32
          %cond3A_498 = arith.constant 0 : i32
          %cond3A_499 = arith.cmpi ne, %convert_element_type3A_497, %cond3A_498 : i32
          scf.if %cond3A_499 {
            %scan3A_505 = arith.constant 0 : i32
            %scan3A_506 = arith.constant 0 : i32
            %scan3A_507 = arith.constant 16 : i32
            %scan3A_508 = arith.addi %scan3A_506, %scan3A_507 : i32
            %scan3A_509 = arith.constant 1 : i32
            scf.for %scan3A_511 = %scan3A_506 to %scan3A_508 step %scan3A_509  : i32 {
              %mul3A_512 = arith.constant 16 : i32
              %mul3A_513 = arith.muli %scan3A_511, %mul3A_512 : i32
              %add3A_514 = arith.addi %mul3A_151, %mul3A_513 : i32
              %get3A_515 = arith.index_cast %add3A_514 : i32 to index
              %get3A_516 = tpu.vector_load %arg7[%get3A_515] {strides = array<i32>} : memref<1024xf32, #tpu.memory_space<vmem>>, vector<16xf32>,
              %get3A_517 = vector.shape_cast %get3A_516 : vector<16xf32> to vector<16xf32>
              %add3A_518 = arith.constant 256 : i32
              %add3A_519 = arith.addi %mul3A_151, %add3A_518 : i32
              %mul3A_520 = arith.constant 16 : i32
              %mul3A_521 = arith.muli %scan3A_511, %mul3A_520 : i32
              %add3A_522 = arith.addi %add3A_519, %mul3A_521 : i32
              %get3A_523 = arith.index_cast %add3A_522 : i32 to index
              %get3A_524 = tpu.vector_load %arg7[%get3A_523] {strides = array<i32>} : memref<1024xf32, #tpu.memory_space<vmem>>, vector<16xf32>,
              %get3A_525 = vector.shape_cast %get3A_524 : vector<16xf32> to vector<16xf32>
              %max3A = vector.broadcast %convert_element_type3A_353 : f32 to vector<16xf32>
              %max3A_526 = arith.maximumf %get3A_517, %max3A : vector<16xf32>
              %add3A_527 = arith.constant 1.000000e+00 : f32
              %add3A_528 = arith.addf %convert_element_type3A_353, %add3A_527 : f32
              %min3A_529 = vector.broadcast %add3A_528 : f32 to vector<16xf32>
              %min3A_530 = arith.minimumf %max3A_526, %min3A_529 : vector<16xf32>
              %add3A_531 = arith.constant 5.000000e-01 : f32
              %add3A_532 = arith.addf %convert_element_type3A_353, %add3A_531 : f32
              %ge3A = vector.broadcast %add3A_532 : f32 to vector<16xf32>
              %ge3A_533 = arith.cmpf oge, %min3A_530, %ge3A : vector<16xf32>
              %add3A_534 = arith.constant 1.000000e+00 : f32
              %add3A_535 = arith.addf %convert_element_type3A_353, %add3A_534 : f32
              %broadcast_in_dim3A_536 = vector.broadcast %add3A_535 : f32 to vector<16xf32>
              %broadcast_in_dim3A_537 = vector.broadcast %convert_element_type3A_353 : f32 to vector<16xf32>
              %select_n3A_538 = arith.select %ge3A_533, %broadcast_in_dim3A_536, %broadcast_in_dim3A_537 : vector<16xi1>, vector<16xf32>
              %sub3A_539 = arith.subf %get3A_517, %select_n3A_538 : vector<16xf32>
              %max3A_540 = arith.constant 0.000000e+00 : f32
              %max3A_541 = vector.broadcast %max3A_540 : f32 to vector<16xf32>
              %max3A_542 = arith.maximumf %get3A_525, %max3A_541 : vector<16xf32>
              %min3A_543 = arith.constant 6.300000e+01 : f32
              %min3A_544 = vector.broadcast %min3A_543 : f32 to vector<16xf32>
              %min3A_545 = arith.minimumf %max3A_542, %min3A_544 : vector<16xf32>
              %add3A_546 = arith.constant 5.000000e-01 : f32
              %add3A_547 = vector.broadcast %add3A_546 : f32 to vector<16xf32>
              %add3A_548 = arith.addf %min3A_545, %add3A_547 : vector<16xf32>
              %convert_element_type3A_549 = arith.fptosi %add3A_548 : vector<16xf32> to vector<16xi32>
              %convert_element_type3A_550 = arith.sitofp %convert_element_type3A_549 : vector<16xi32> to vector<16xf32>
              %sub3A_551 = arith.subf %get3A_525, %convert_element_type3A_550 : vector<16xf32>
              %mul3A_552 = arith.mulf %sub3A_539, %sub3A_539 : vector<16xf32>
              %mul3A_553 = arith.mulf %sub3A_551, %sub3A_551 : vector<16xf32>
              %add3A_554 = arith.addf %mul3A_552, %mul3A_553 : vector<16xf32>
              %mul3A_555 = arith.constant 16 : i32
              %mul3A_556 = arith.muli %scan3A_511, %mul3A_555 : i32
              %get3A_557 = arith.index_cast %mul3A_556 : i32 to index
              %get3A_558 = tpu.vector_load %arg8[%get3A_557] {strides = array<i32>} : memref<256xf32, #tpu.memory_space<vmem>>, vector<16xf32>,
              %get3A_559 = vector.shape_cast %get3A_558 : vector<16xf32> to vector<16xf32>
              %min3A_560 = arith.minimumf %get3A_559, %add3A_554 : vector<16xf32>
              %mul3A_561 = arith.constant 16 : i32
              %mul3A_562 = arith.muli %scan3A_511, %mul3A_561 : i32
              %swap3A_563 = arith.index_cast %mul3A_562 : i32 to index
              %swap3A_564 = tpu.vector_load %arg8[%swap3A_563] {strides = array<i32>} : memref<256xf32, #tpu.memory_space<vmem>>, vector<16xf32>,
              %swap3A_565 = vector.shape_cast %swap3A_564 : vector<16xf32> to vector<16xf32>
              %swap3A_566 = vector.shape_cast %min3A_560 : vector<16xf32> to vector<16xf32>
              tpu.vector_store %arg8[%swap3A_563], %swap3A_566 {strides = array<i32>} : memref<256xf32, #tpu.memory_space<vmem>>, vector<16xf32>,
            }
            %scan3A_510 = arith.constant 16 : i32
          } else {
          }
          %not3A_500 = arith.constant true
          %not3A_501 = arith.xori %and3A_496, %not3A_500 : i1
          %convert_element_type3A_502 = arith.extui %not3A_501 : i1 to i32
          %cond3A_503 = arith.constant 0 : i32
          %cond3A_504 = arith.cmpi ne, %convert_element_type3A_502, %cond3A_503 : i32
          scf.if %cond3A_504 {
            %scan3A_505 = arith.constant 0 : i32
            %scan3A_506 = arith.constant 0 : i32
            %scan3A_507 = arith.constant 16 : i32
            %scan3A_508 = arith.addi %scan3A_506, %scan3A_507 : i32
            %scan3A_509 = arith.constant 1 : i32
            scf.for %scan3A_511 = %scan3A_506 to %scan3A_508 step %scan3A_509  : i32 {
              %mul3A_512 = arith.constant 16 : i32
              %mul3A_513 = arith.muli %scan3A_511, %mul3A_512 : i32
              %add3A_514 = arith.addi %mul3A_151, %mul3A_513 : i32
              %get3A_515 = arith.index_cast %add3A_514 : i32 to index
              %get3A_516 = tpu.vector_load %arg7[%get3A_515] {strides = array<i32>} : memref<1024xf32, #tpu.memory_space<vmem>>, vector<16xf32>,
              %get3A_517 = vector.shape_cast %get3A_516 : vector<16xf32> to vector<16xf32>
              %add3A_518 = arith.constant 256 : i32
              %add3A_519 = arith.addi %mul3A_151, %add3A_518 : i32
              %mul3A_520 = arith.constant 16 : i32
              %mul3A_521 = arith.muli %scan3A_511, %mul3A_520 : i32
              %add3A_522 = arith.addi %add3A_519, %mul3A_521 : i32
              %get3A_523 = arith.index_cast %add3A_522 : i32 to index
              %get3A_524 = tpu.vector_load %arg7[%get3A_523] {strides = array<i32>} : memref<1024xf32, #tpu.memory_space<vmem>>, vector<16xf32>,
              %get3A_525 = vector.shape_cast %get3A_524 : vector<16xf32> to vector<16xf32>
              %broadcast_in_dim3A_526 = arith.constant 1.000000e+30 : f32
              %broadcast_in_dim3A_527 = vector.broadcast %broadcast_in_dim3A_526 : f32 to vector<16xf32>
              %scan3A_528 = arith.constant 0 : i32
              %scan3A_529 = arith.constant 8 : i32
              %scan3A_530 = arith.addi %scan3A_528, %scan3A_529 : i32
              %scan3A_531 = arith.constant 1 : i32
              %scan3A_532 = scf.for %scan3A_546 = %scan3A_528 to %scan3A_530 step %scan3A_531 iter_args(%scan3A_547 = %broadcast_in_dim3A_527) -> (vector<16xf32>)  : i32 {
                %jit3A_548 = arith.constant 4 : i32
                %div3A_549 = arith.divsi %scan3A_546, %jit3A_548 : i32
                %sign3A_550 = arith.constant 0 : i32
                %sign3A_551 = arith.cmpi sgt, %scan3A_546, %sign3A_550 : i32
                %sign3A_552 = arith.extui %sign3A_551 : i1 to i32
                %sign3A_553 = arith.constant 0 : i32
                %sign3A_554 = arith.cmpi slt, %scan3A_546, %sign3A_553 : i32
                %sign3A_555 = arith.extui %sign3A_554 : i1 to i32
                %sign3A_556 = arith.subi %sign3A_552, %sign3A_555 : i32
                %sign3A_557 = arith.constant 0 : i32
                %sign3A_558 = arith.cmpi sgt, %jit3A_548, %sign3A_557 : i32
                %sign3A_559 = arith.extui %sign3A_558 : i1 to i32
                %sign3A_560 = arith.constant 0 : i32
                %sign3A_561 = arith.cmpi slt, %jit3A_548, %sign3A_560 : i32
                %sign3A_562 = arith.extui %sign3A_561 : i1 to i32
                %sign3A_563 = arith.subi %sign3A_559, %sign3A_562 : i32
                %ne3A_564 = arith.cmpi ne, %sign3A_556, %sign3A_563 : i32
                %rem3A_565 = arith.remsi %scan3A_546, %jit3A_548 : i32
                %ne3A_566 = arith.constant 0 : i32
                %ne3A_567 = arith.cmpi ne, %rem3A_565, %ne3A_566 : i32
                %and3A_568 = arith.andi %ne3A_564, %ne3A_567 : i1
                %sub3A_569 = arith.constant 1 : i32
                %sub3A_570 = arith.subi %div3A_549, %sub3A_569 : i32
                %select_n3A_571 = arith.select %and3A_568, %sub3A_570, %div3A_549 : i32
                %mul3A_572 = arith.constant 128 : i32
                %mul3A_573 = arith.muli %select_n3A_571, %mul3A_572 : i32
                %add3A_574 = arith.addi %mul3A_350, %mul3A_573 : i32
                %jit3A_575 = arith.constant 4 : i32
                %eq3A = arith.constant 0 : i32
                %eq3A_576 = arith.cmpi eq, %jit3A_575, %eq3A : i32
                %jit3A_577 = arith.constant 1 : i32
                %select_n3A_578 = arith.select %eq3A_576, %jit3A_577, %jit3A_575 : i32
                %rem3A_579 = arith.remsi %scan3A_546, %select_n3A_578 : i32
                %ne3A_580 = arith.constant 0 : i32
                %ne3A_581 = arith.cmpi ne, %rem3A_579, %ne3A_580 : i32
                %lt3A_582 = arith.constant 0 : i32
                %lt3A_583 = arith.cmpi slt, %rem3A_579, %lt3A_582 : i32
                %lt3A_584 = arith.constant 0 : i32
                %lt3A_585 = arith.cmpi slt, %select_n3A_578, %lt3A_584 : i32
                %ne3A_586 = arith.xori %lt3A_583, %lt3A_585 : i1
                %and3A_587 = arith.andi %ne3A_586, %ne3A_581 : i1
                %add3A_588 = arith.addi %rem3A_579, %select_n3A_578 : i32
                %select_n3A_589 = arith.select %and3A_587, %add3A_588, %rem3A_579 : i32
                %mul3A_590 = arith.constant 16 : i32
                %mul3A_591 = arith.muli %select_n3A_589, %mul3A_590 : i32
                %add3A_592 = arith.addi %add3A_574, %mul3A_591 : i32
                %get3A_593 = arith.index_cast %add3A_592 : i32 to index
                %get3A_594 = tpu.vector_load %arg6[%get3A_593] {strides = array<i32>} : memref<8192xf32, #tpu.memory_space<vmem>>, vector<16xf32>,
                %get3A_595 = vector.shape_cast %get3A_594 : vector<16xf32> to vector<16xf32>
                %ne3A_596 = arith.constant 0.000000e+00 : f32
                %ne3A_597 = vector.broadcast %ne3A_596 : f32 to vector<16xf32>
                %ne3A_598 = arith.cmpf one, %get3A_595, %ne3A_597 : vector<16xf32>
                %jit3A_599 = arith.constant 0.000000e+00 : f32
                %jit3A_600 = arith.constant 1.000000e+30 : f32
                %broadcast_in_dim3A_601 = vector.broadcast %jit3A_599 : f32 to vector<16xf32>
                %broadcast_in_dim3A_602 = vector.broadcast %jit3A_600 : f32 to vector<16xf32>
                %select_n3A_603 = arith.select %ne3A_598, %broadcast_in_dim3A_601, %broadcast_in_dim3A_602 : vector<16xi1>, vector<16xf32>
                %jit3A_604 = arith.constant 4 : i32
                %div3A_605 = arith.divsi %scan3A_546, %jit3A_604 : i32
                %sign3A_606 = arith.constant 0 : i32
                %sign3A_607 = arith.cmpi sgt, %scan3A_546, %sign3A_606 : i32
                %sign3A_608 = arith.extui %sign3A_607 : i1 to i32
                %sign3A_609 = arith.constant 0 : i32
                %sign3A_610 = arith.cmpi slt, %scan3A_546, %sign3A_609 : i32
                %sign3A_611 = arith.extui %sign3A_610 : i1 to i32
                %sign3A_612 = arith.subi %sign3A_608, %sign3A_611 : i32
                %sign3A_613 = arith.constant 0 : i32
                %sign3A_614 = arith.cmpi sgt, %jit3A_604, %sign3A_613 : i32
                %sign3A_615 = arith.extui %sign3A_614 : i1 to i32
                %sign3A_616 = arith.constant 0 : i32
                %sign3A_617 = arith.cmpi slt, %jit3A_604, %sign3A_616 : i32
                %sign3A_618 = arith.extui %sign3A_617 : i1 to i32
                %sign3A_619 = arith.subi %sign3A_615, %sign3A_618 : i32
                %ne3A_620 = arith.cmpi ne, %sign3A_612, %sign3A_619 : i32
                %rem3A_621 = arith.remsi %scan3A_546, %jit3A_604 : i32
                %ne3A_622 = arith.constant 0 : i32
                %ne3A_623 = arith.cmpi ne, %rem3A_621, %ne3A_622 : i32
                %and3A_624 = arith.andi %ne3A_620, %ne3A_623 : i1
                %sub3A_625 = arith.constant 1 : i32
                %sub3A_626 = arith.subi %div3A_605, %sub3A_625 : i32
                %select_n3A_627 = arith.select %and3A_624, %sub3A_626, %div3A_605 : i32
                %convert_element_type3A_628 = arith.sitofp %select_n3A_627 : i32 to f32
                %add3A_629 = arith.addf %convert_element_type3A_353, %convert_element_type3A_628 : f32
                %jit3A_630 = arith.constant 4 : i32
                %eq3A_631 = arith.constant 0 : i32
                %eq3A_632 = arith.cmpi eq, %jit3A_630, %eq3A_631 : i32
                %jit3A_633 = arith.constant 1 : i32
                %select_n3A_634 = arith.select %eq3A_632, %jit3A_633, %jit3A_630 : i32
                %rem3A_635 = arith.remsi %scan3A_546, %select_n3A_634 : i32
                %ne3A_636 = arith.constant 0 : i32
                %ne3A_637 = arith.cmpi ne, %rem3A_635, %ne3A_636 : i32
                %lt3A_638 = arith.constant 0 : i32
                %lt3A_639 = arith.cmpi slt, %rem3A_635, %lt3A_638 : i32
                %lt3A_640 = arith.constant 0 : i32
                %lt3A_641 = arith.cmpi slt, %select_n3A_634, %lt3A_640 : i32
                %ne3A_642 = arith.xori %lt3A_639, %lt3A_641 : i1
                %and3A_643 = arith.andi %ne3A_642, %ne3A_637 : i1
                %add3A_644 = arith.addi %rem3A_635, %select_n3A_634 : i32
                %select_n3A_645 = arith.select %and3A_643, %add3A_644, %rem3A_635 : i32
                %mul3A_646 = arith.constant 16 : i32
                %mul3A_647 = arith.muli %select_n3A_645, %mul3A_646 : i32
                %convert_element_type3A_648 = arith.sitofp %mul3A_647 : i32 to f32
                %sub3A_649 = vector.broadcast %add3A_629 : f32 to vector<16xf32>
                %sub3A_650 = arith.subf %get3A_517, %sub3A_649 : vector<16xf32>
                %add3A_651 = arith.constant 0.000000e+00 : f32
                %add3A_652 = arith.addf %convert_element_type3A_648, %add3A_651 : f32
                %sub3A_653 = vector.broadcast %add3A_652 : f32 to vector<16xf32>
                %sub3A_654 = arith.subf %get3A_525, %sub3A_653 : vector<16xf32>
                %mul3A_655 = arith.mulf %sub3A_650, %sub3A_650 : vector<16xf32>
                %mul3A_656 = arith.mulf %sub3A_654, %sub3A_654 : vector<16xf32>
                %add3A_657 = arith.addf %mul3A_655, %mul3A_656 : vector<16xf32>
                %slice3A_658 = vector.extract_strided_slice %select_n3A_603 {offsets = [0], sizes = [1], strides = [1]} : vector<16xf32> to vector<1xf32>
                %squeeze3A_659 = vector.extract %slice3A_658[0] : f32 from vector<1xf32>
                %add3A_660 = vector.broadcast %squeeze3A_659 : f32 to vector<16xf32>
                %add3A_661 = arith.addf %add3A_657, %add3A_660 : vector<16xf32>
                %min3A_662 = arith.minimumf %scan3A_547, %add3A_661 : vector<16xf32>
                %sub3A_663 = vector.broadcast %add3A_629 : f32 to vector<16xf32>
                %sub3A_664 = arith.subf %get3A_517, %sub3A_663 : vector<16xf32>
                %add3A_665 = arith.constant 1.000000e+00 : f32
                %add3A_666 = arith.addf %convert_element_type3A_648, %add3A_665 : f32
                %sub3A_667 = vector.broadcast %add3A_666 : f32 to vector<16xf32>
                %sub3A_668 = arith.subf %get3A_525, %sub3A_667 : vector<16xf32>
                %mul3A_669 = arith.mulf %sub3A_664, %sub3A_664 : vector<16xf32>
                %mul3A_670 = arith.mulf %sub3A_668, %sub3A_668 : vector<16xf32>
                %add3A_671 = arith.addf %mul3A_669, %mul3A_670 : vector<16xf32>
                %slice3A_672 = vector.extract_strided_slice %select_n3A_603 {offsets = [1], sizes = [1], strides = [1]} : vector<16xf32> to vector<1xf32>
                %squeeze3A_673 = vector.extract %slice3A_672[0] : f32 from vector<1xf32>
                %add3A_674 = vector.broadcast %squeeze3A_673 : f32 to vector<16xf32>
                %add3A_675 = arith.addf %add3A_671, %add3A_674 : vector<16xf32>
                %min3A_676 = arith.minimumf %min3A_662, %add3A_675 : vector<16xf32>
                %sub3A_677 = vector.broadcast %add3A_629 : f32 to vector<16xf32>
                %sub3A_678 = arith.subf %get3A_517, %sub3A_677 : vector<16xf32>
                %add3A_679 = arith.constant 2.000000e+00 : f32
                %add3A_680 = arith.addf %convert_element_type3A_648, %add3A_679 : f32
                %sub3A_681 = vector.broadcast %add3A_680 : f32 to vector<16xf32>
                %sub3A_682 = arith.subf %get3A_525, %sub3A_681 : vector<16xf32>
                %mul3A_683 = arith.mulf %sub3A_678, %sub3A_678 : vector<16xf32>
                %mul3A_684 = arith.mulf %sub3A_682, %sub3A_682 : vector<16xf32>
                %add3A_685 = arith.addf %mul3A_683, %mul3A_684 : vector<16xf32>
                %slice3A_686 = vector.extract_strided_slice %select_n3A_603 {offsets = [2], sizes = [1], strides = [1]} : vector<16xf32> to vector<1xf32>
                %squeeze3A_687 = vector.extract %slice3A_686[0] : f32 from vector<1xf32>
                %add3A_688 = vector.broadcast %squeeze3A_687 : f32 to vector<16xf32>
                %add3A_689 = arith.addf %add3A_685, %add3A_688 : vector<16xf32>
                %min3A_690 = arith.minimumf %min3A_676, %add3A_689 : vector<16xf32>
                %sub3A_691 = vector.broadcast %add3A_629 : f32 to vector<16xf32>
                %sub3A_692 = arith.subf %get3A_517, %sub3A_691 : vector<16xf32>
                %add3A_693 = arith.constant 3.000000e+00 : f32
                %add3A_694 = arith.addf %convert_element_type3A_648, %add3A_693 : f32
                %sub3A_695 = vector.broadcast %add3A_694 : f32 to vector<16xf32>
                %sub3A_696 = arith.subf %get3A_525, %sub3A_695 : vector<16xf32>
                %mul3A_697 = arith.mulf %sub3A_692, %sub3A_692 : vector<16xf32>
                %mul3A_698 = arith.mulf %sub3A_696, %sub3A_696 : vector<16xf32>
                %add3A_699 = arith.addf %mul3A_697, %mul3A_698 : vector<16xf32>
                %slice3A_700 = vector.extract_strided_slice %select_n3A_603 {offsets = [3], sizes = [1], strides = [1]} : vector<16xf32> to vector<1xf32>
                %squeeze3A_701 = vector.extract %slice3A_700[0] : f32 from vector<1xf32>
                %add3A_702 = vector.broadcast %squeeze3A_701 : f32 to vector<16xf32>
                %add3A_703 = arith.addf %add3A_699, %add3A_702 : vector<16xf32>
                %min3A_704 = arith.minimumf %min3A_690, %add3A_703 : vector<16xf32>
                %sub3A_705 = vector.broadcast %add3A_629 : f32 to vector<16xf32>
                %sub3A_706 = arith.subf %get3A_517, %sub3A_705 : vector<16xf32>
                %add3A_707 = arith.constant 4.000000e+00 : f32
                %add3A_708 = arith.addf %convert_element_type3A_648, %add3A_707 : f32
                %sub3A_709 = vector.broadcast %add3A_708 : f32 to vector<16xf32>
                %sub3A_710 = arith.subf %get3A_525, %sub3A_709 : vector<16xf32>
                %mul3A_711 = arith.mulf %sub3A_706, %sub3A_706 : vector<16xf32>
                %mul3A_712 = arith.mulf %sub3A_710, %sub3A_710 : vector<16xf32>
                %add3A_713 = arith.addf %mul3A_711, %mul3A_712 : vector<16xf32>
                %slice3A_714 = vector.extract_strided_slice %select_n3A_603 {offsets = [4], sizes = [1], strides = [1]} : vector<16xf32> to vector<1xf32>
                %squeeze3A_715 = vector.extract %slice3A_714[0] : f32 from vector<1xf32>
                %add3A_716 = vector.broadcast %squeeze3A_715 : f32 to vector<16xf32>
                %add3A_717 = arith.addf %add3A_713, %add3A_716 : vector<16xf32>
                %min3A_718 = arith.minimumf %min3A_704, %add3A_717 : vector<16xf32>
                %sub3A_719 = vector.broadcast %add3A_629 : f32 to vector<16xf32>
                %sub3A_720 = arith.subf %get3A_517, %sub3A_719 : vector<16xf32>
                %add3A_721 = arith.constant 5.000000e+00 : f32
                %add3A_722 = arith.addf %convert_element_type3A_648, %add3A_721 : f32
                %sub3A_723 = vector.broadcast %add3A_722 : f32 to vector<16xf32>
                %sub3A_724 = arith.subf %get3A_525, %sub3A_723 : vector<16xf32>
                %mul3A_725 = arith.mulf %sub3A_720, %sub3A_720 : vector<16xf32>
                %mul3A_726 = arith.mulf %sub3A_724, %sub3A_724 : vector<16xf32>
                %add3A_727 = arith.addf %mul3A_725, %mul3A_726 : vector<16xf32>
                %slice3A_728 = vector.extract_strided_slice %select_n3A_603 {offsets = [5], sizes = [1], strides = [1]} : vector<16xf32> to vector<1xf32>
                %squeeze3A_729 = vector.extract %slice3A_728[0] : f32 from vector<1xf32>
                %add3A_730 = vector.broadcast %squeeze3A_729 : f32 to vector<16xf32>
                %add3A_731 = arith.addf %add3A_727, %add3A_730 : vector<16xf32>
                %min3A_732 = arith.minimumf %min3A_718, %add3A_731 : vector<16xf32>
                %sub3A_733 = vector.broadcast %add3A_629 : f32 to vector<16xf32>
                %sub3A_734 = arith.subf %get3A_517, %sub3A_733 : vector<16xf32>
                %add3A_735 = arith.constant 6.000000e+00 : f32
                %add3A_736 = arith.addf %convert_element_type3A_648, %add3A_735 : f32
                %sub3A_737 = vector.broadcast %add3A_736 : f32 to vector<16xf32>
                %sub3A_738 = arith.subf %get3A_525, %sub3A_737 : vector<16xf32>
                %mul3A_739 = arith.mulf %sub3A_734, %sub3A_734 : vector<16xf32>
                %mul3A_740 = arith.mulf %sub3A_738, %sub3A_738 : vector<16xf32>
                %add3A_741 = arith.addf %mul3A_739, %mul3A_740 : vector<16xf32>
                %slice3A_742 = vector.extract_strided_slice %select_n3A_603 {offsets = [6], sizes = [1], strides = [1]} : vector<16xf32> to vector<1xf32>
                %squeeze3A_743 = vector.extract %slice3A_742[0] : f32 from vector<1xf32>
                %add3A_744 = vector.broadcast %squeeze3A_743 : f32 to vector<16xf32>
                %add3A_745 = arith.addf %add3A_741, %add3A_744 : vector<16xf32>
                %min3A_746 = arith.minimumf %min3A_732, %add3A_745 : vector<16xf32>
                %sub3A_747 = vector.broadcast %add3A_629 : f32 to vector<16xf32>
                %sub3A_748 = arith.subf %get3A_517, %sub3A_747 : vector<16xf32>
                %add3A_749 = arith.constant 7.000000e+00 : f32
                %add3A_750 = arith.addf %convert_element_type3A_648, %add3A_749 : f32
                %sub3A_751 = vector.broadcast %add3A_750 : f32 to vector<16xf32>
                %sub3A_752 = arith.subf %get3A_525, %sub3A_751 : vector<16xf32>
                %mul3A_753 = arith.mulf %sub3A_748, %sub3A_748 : vector<16xf32>
                %mul3A_754 = arith.mulf %sub3A_752, %sub3A_752 : vector<16xf32>
                %add3A_755 = arith.addf %mul3A_753, %mul3A_754 : vector<16xf32>
                %slice3A_756 = vector.extract_strided_slice %select_n3A_603 {offsets = [7], sizes = [1], strides = [1]} : vector<16xf32> to vector<1xf32>
                %squeeze3A_757 = vector.extract %slice3A_756[0] : f32 from vector<1xf32>
                %add3A_758 = vector.broadcast %squeeze3A_757 : f32 to vector<16xf32>
                %add3A_759 = arith.addf %add3A_755, %add3A_758 : vector<16xf32>
                %min3A_760 = arith.minimumf %min3A_746, %add3A_759 : vector<16xf32>
                %sub3A_761 = vector.broadcast %add3A_629 : f32 to vector<16xf32>
                %sub3A_762 = arith.subf %get3A_517, %sub3A_761 : vector<16xf32>
                %add3A_763 = arith.constant 8.000000e+00 : f32
                %add3A_764 = arith.addf %convert_element_type3A_648, %add3A_763 : f32
                %sub3A_765 = vector.broadcast %add3A_764 : f32 to vector<16xf32>
                %sub3A_766 = arith.subf %get3A_525, %sub3A_765 : vector<16xf32>
                %mul3A_767 = arith.mulf %sub3A_762, %sub3A_762 : vector<16xf32>
                %mul3A_768 = arith.mulf %sub3A_766, %sub3A_766 : vector<16xf32>
                %add3A_769 = arith.addf %mul3A_767, %mul3A_768 : vector<16xf32>
                %slice3A_770 = vector.extract_strided_slice %select_n3A_603 {offsets = [8], sizes = [1], strides = [1]} : vector<16xf32> to vector<1xf32>
                %squeeze3A_771 = vector.extract %slice3A_770[0] : f32 from vector<1xf32>
                %add3A_772 = vector.broadcast %squeeze3A_771 : f32 to vector<16xf32>
                %add3A_773 = arith.addf %add3A_769, %add3A_772 : vector<16xf32>
                %min3A_774 = arith.minimumf %min3A_760, %add3A_773 : vector<16xf32>
                %sub3A_775 = vector.broadcast %add3A_629 : f32 to vector<16xf32>
                %sub3A_776 = arith.subf %get3A_517, %sub3A_775 : vector<16xf32>
                %add3A_777 = arith.constant 9.000000e+00 : f32
                %add3A_778 = arith.addf %convert_element_type3A_648, %add3A_777 : f32
                %sub3A_779 = vector.broadcast %add3A_778 : f32 to vector<16xf32>
                %sub3A_780 = arith.subf %get3A_525, %sub3A_779 : vector<16xf32>
                %mul3A_781 = arith.mulf %sub3A_776, %sub3A_776 : vector<16xf32>
                %mul3A_782 = arith.mulf %sub3A_780, %sub3A_780 : vector<16xf32>
                %add3A_783 = arith.addf %mul3A_781, %mul3A_782 : vector<16xf32>
                %slice3A_784 = vector.extract_strided_slice %select_n3A_603 {offsets = [9], sizes = [1], strides = [1]} : vector<16xf32> to vector<1xf32>
                %squeeze3A_785 = vector.extract %slice3A_784[0] : f32 from vector<1xf32>
                %add3A_786 = vector.broadcast %squeeze3A_785 : f32 to vector<16xf32>
                %add3A_787 = arith.addf %add3A_783, %add3A_786 : vector<16xf32>
                %min3A_788 = arith.minimumf %min3A_774, %add3A_787 : vector<16xf32>
                %sub3A_789 = vector.broadcast %add3A_629 : f32 to vector<16xf32>
                %sub3A_790 = arith.subf %get3A_517, %sub3A_789 : vector<16xf32>
                %add3A_791 = arith.constant 1.000000e+01 : f32
                %add3A_792 = arith.addf %convert_element_type3A_648, %add3A_791 : f32
                %sub3A_793 = vector.broadcast %add3A_792 : f32 to vector<16xf32>
                %sub3A_794 = arith.subf %get3A_525, %sub3A_793 : vector<16xf32>
                %mul3A_795 = arith.mulf %sub3A_790, %sub3A_790 : vector<16xf32>
                %mul3A_796 = arith.mulf %sub3A_794, %sub3A_794 : vector<16xf32>
                %add3A_797 = arith.addf %mul3A_795, %mul3A_796 : vector<16xf32>
                %slice3A_798 = vector.extract_strided_slice %select_n3A_603 {offsets = [10], sizes = [1], strides = [1]} : vector<16xf32> to vector<1xf32>
                %squeeze3A_799 = vector.extract %slice3A_798[0] : f32 from vector<1xf32>
                %add3A_800 = vector.broadcast %squeeze3A_799 : f32 to vector<16xf32>
                %add3A_801 = arith.addf %add3A_797, %add3A_800 : vector<16xf32>
                %min3A_802 = arith.minimumf %min3A_788, %add3A_801 : vector<16xf32>
                %sub3A_803 = vector.broadcast %add3A_629 : f32 to vector<16xf32>
                %sub3A_804 = arith.subf %get3A_517, %sub3A_803 : vector<16xf32>
                %add3A_805 = arith.constant 1.100000e+01 : f32
                %add3A_806 = arith.addf %convert_element_type3A_648, %add3A_805 : f32
                %sub3A_807 = vector.broadcast %add3A_806 : f32 to vector<16xf32>
                %sub3A_808 = arith.subf %get3A_525, %sub3A_807 : vector<16xf32>
                %mul3A_809 = arith.mulf %sub3A_804, %sub3A_804 : vector<16xf32>
                %mul3A_810 = arith.mulf %sub3A_808, %sub3A_808 : vector<16xf32>
                %add3A_811 = arith.addf %mul3A_809, %mul3A_810 : vector<16xf32>
                %slice3A_812 = vector.extract_strided_slice %select_n3A_603 {offsets = [11], sizes = [1], strides = [1]} : vector<16xf32> to vector<1xf32>
                %squeeze3A_813 = vector.extract %slice3A_812[0] : f32 from vector<1xf32>
                %add3A_814 = vector.broadcast %squeeze3A_813 : f32 to vector<16xf32>
                %add3A_815 = arith.addf %add3A_811, %add3A_814 : vector<16xf32>
                %min3A_816 = arith.minimumf %min3A_802, %add3A_815 : vector<16xf32>
                %sub3A_817 = vector.broadcast %add3A_629 : f32 to vector<16xf32>
                %sub3A_818 = arith.subf %get3A_517, %sub3A_817 : vector<16xf32>
                %add3A_819 = arith.constant 1.200000e+01 : f32
                %add3A_820 = arith.addf %convert_element_type3A_648, %add3A_819 : f32
                %sub3A_821 = vector.broadcast %add3A_820 : f32 to vector<16xf32>
                %sub3A_822 = arith.subf %get3A_525, %sub3A_821 : vector<16xf32>
                %mul3A_823 = arith.mulf %sub3A_818, %sub3A_818 : vector<16xf32>
                %mul3A_824 = arith.mulf %sub3A_822, %sub3A_822 : vector<16xf32>
                %add3A_825 = arith.addf %mul3A_823, %mul3A_824 : vector<16xf32>
                %slice3A_826 = vector.extract_strided_slice %select_n3A_603 {offsets = [12], sizes = [1], strides = [1]} : vector<16xf32> to vector<1xf32>
                %squeeze3A_827 = vector.extract %slice3A_826[0] : f32 from vector<1xf32>
                %add3A_828 = vector.broadcast %squeeze3A_827 : f32 to vector<16xf32>
                %add3A_829 = arith.addf %add3A_825, %add3A_828 : vector<16xf32>
                %min3A_830 = arith.minimumf %min3A_816, %add3A_829 : vector<16xf32>
                %sub3A_831 = vector.broadcast %add3A_629 : f32 to vector<16xf32>
                %sub3A_832 = arith.subf %get3A_517, %sub3A_831 : vector<16xf32>
                %add3A_833 = arith.constant 1.300000e+01 : f32
                %add3A_834 = arith.addf %convert_element_type3A_648, %add3A_833 : f32
                %sub3A_835 = vector.broadcast %add3A_834 : f32 to vector<16xf32>
                %sub3A_836 = arith.subf %get3A_525, %sub3A_835 : vector<16xf32>
                %mul3A_837 = arith.mulf %sub3A_832, %sub3A_832 : vector<16xf32>
                %mul3A_838 = arith.mulf %sub3A_836, %sub3A_836 : vector<16xf32>
                %add3A_839 = arith.addf %mul3A_837, %mul3A_838 : vector<16xf32>
                %slice3A_840 = vector.extract_strided_slice %select_n3A_603 {offsets = [13], sizes = [1], strides = [1]} : vector<16xf32> to vector<1xf32>
                %squeeze3A_841 = vector.extract %slice3A_840[0] : f32 from vector<1xf32>
                %add3A_842 = vector.broadcast %squeeze3A_841 : f32 to vector<16xf32>
                %add3A_843 = arith.addf %add3A_839, %add3A_842 : vector<16xf32>
                %min3A_844 = arith.minimumf %min3A_830, %add3A_843 : vector<16xf32>
                %sub3A_845 = vector.broadcast %add3A_629 : f32 to vector<16xf32>
                %sub3A_846 = arith.subf %get3A_517, %sub3A_845 : vector<16xf32>
                %add3A_847 = arith.constant 1.400000e+01 : f32
                %add3A_848 = arith.addf %convert_element_type3A_648, %add3A_847 : f32
                %sub3A_849 = vector.broadcast %add3A_848 : f32 to vector<16xf32>
                %sub3A_850 = arith.subf %get3A_525, %sub3A_849 : vector<16xf32>
                %mul3A_851 = arith.mulf %sub3A_846, %sub3A_846 : vector<16xf32>
                %mul3A_852 = arith.mulf %sub3A_850, %sub3A_850 : vector<16xf32>
                %add3A_853 = arith.addf %mul3A_851, %mul3A_852 : vector<16xf32>
                %slice3A_854 = vector.extract_strided_slice %select_n3A_603 {offsets = [14], sizes = [1], strides = [1]} : vector<16xf32> to vector<1xf32>
                %squeeze3A_855 = vector.extract %slice3A_854[0] : f32 from vector<1xf32>
                %add3A_856 = vector.broadcast %squeeze3A_855 : f32 to vector<16xf32>
                %add3A_857 = arith.addf %add3A_853, %add3A_856 : vector<16xf32>
                %min3A_858 = arith.minimumf %min3A_844, %add3A_857 : vector<16xf32>
                %sub3A_859 = vector.broadcast %add3A_629 : f32 to vector<16xf32>
                %sub3A_860 = arith.subf %get3A_517, %sub3A_859 : vector<16xf32>
                %add3A_861 = arith.constant 1.500000e+01 : f32
                %add3A_862 = arith.addf %convert_element_type3A_648, %add3A_861 : f32
                %sub3A_863 = vector.broadcast %add3A_862 : f32 to vector<16xf32>
                %sub3A_864 = arith.subf %get3A_525, %sub3A_863 : vector<16xf32>
                %mul3A_865 = arith.mulf %sub3A_860, %sub3A_860 : vector<16xf32>
                %mul3A_866 = arith.mulf %sub3A_864, %sub3A_864 : vector<16xf32>
                %add3A_867 = arith.addf %mul3A_865, %mul3A_866 : vector<16xf32>
                %slice3A_868 = vector.extract_strided_slice %select_n3A_603 {offsets = [15], sizes = [1], strides = [1]} : vector<16xf32> to vector<1xf32>
                %squeeze3A_869 = vector.extract %slice3A_868[0] : f32 from vector<1xf32>
                %add3A_870 = vector.broadcast %squeeze3A_869 : f32 to vector<16xf32>
                %add3A_871 = arith.addf %add3A_867, %add3A_870 : vector<16xf32>
                %min3A_872 = arith.minimumf %min3A_858, %add3A_871 : vector<16xf32>
                scf.yield %min3A_872 : vector<16xf32>
              }
              %scan3A_533 = arith.constant 8 : i32
              %mul3A_534 = arith.constant 16 : i32
              %mul3A_535 = arith.muli %scan3A_511, %mul3A_534 : i32
              %get3A_536 = arith.index_cast %mul3A_535 : i32 to index
              %get3A_537 = tpu.vector_load %arg8[%get3A_536] {strides = array<i32>} : memref<256xf32, #tpu.memory_space<vmem>>, vector<16xf32>,
              %get3A_538 = vector.shape_cast %get3A_537 : vector<16xf32> to vector<16xf32>
              %min3A_539 = arith.minimumf %get3A_538, %scan3A_532 : vector<16xf32>
              %mul3A_540 = arith.constant 16 : i32
              %mul3A_541 = arith.muli %scan3A_511, %mul3A_540 : i32
              %swap3A_542 = arith.index_cast %mul3A_541 : i32 to index
              %swap3A_543 = tpu.vector_load %arg8[%swap3A_542] {strides = array<i32>} : memref<256xf32, #tpu.memory_space<vmem>>, vector<16xf32>,
              %swap3A_544 = vector.shape_cast %swap3A_543 : vector<16xf32> to vector<16xf32>
              %swap3A_545 = vector.shape_cast %min3A_539 : vector<16xf32> to vector<16xf32>
              tpu.vector_store %arg8[%swap3A_542], %swap3A_545 {strides = array<i32>} : memref<256xf32, #tpu.memory_space<vmem>>, vector<16xf32>,
            }
            %scan3A_510 = arith.constant 16 : i32
          } else {
          }
        }
        %scan3A_347 = arith.constant 32 : i32
      } else {
      }
      "tpu.region"() ({
        %run_scoped3A = tpu.sem_alloc : memref<!tpu.dma_semaphore, #tpu.memory_space<semaphore_mem>>
        %dma_start3A_247 = arith.constant 0 : i32
        %dma_start3A_248 = tpu.memref_slice %arg4[%add3A_125, %dma_start3A_247] : memref<34x256xf32, #tpu.memory_space<hbm>> -> memref<1x256xf32, #tpu.memory_space<hbm>>
        %dma_start3A_249 = tpu.memref_squeeze %dma_start3A_248 : memref<1x256xf32, #tpu.memory_space<hbm>> -> memref<256xf32, #tpu.memory_space<hbm>>
        %dma_start3A_250 = arith.constant 0 : i32
        %dma_start3A_251 = tpu.memref_slice %arg4[%add3A_125, %dma_start3A_250] : memref<34x256xf32, #tpu.memory_space<hbm>> -> memref<1x256xf32, #tpu.memory_space<hbm>>
        %dma_start3A_252 = tpu.memref_squeeze %dma_start3A_251 : memref<1x256xf32, #tpu.memory_space<hbm>> -> memref<256xf32, #tpu.memory_space<hbm>>
        tpu.enqueue_dma source(%arg8 : memref<256xf32, #tpu.memory_space<vmem>>) target(%dma_start3A_252 : memref<256xf32, #tpu.memory_space<hbm>>) target_semaphore(%run_scoped3A : memref<!tpu.dma_semaphore, #tpu.memory_space<semaphore_mem>>)
        %dma_wait3A_253 = arith.constant 0 : i32
        %dma_wait3A_254 = tpu.memref_slice %arg4[%add3A_125, %dma_wait3A_253] : memref<34x256xf32, #tpu.memory_space<hbm>> -> memref<1x256xf32, #tpu.memory_space<hbm>>
        %dma_wait3A_255 = tpu.memref_squeeze %dma_wait3A_254 : memref<1x256xf32, #tpu.memory_space<hbm>> -> memref<256xf32, #tpu.memory_space<hbm>>
        %dma_wait3A_256 = arith.constant 0 : i32
        %dma_wait3A_257 = tpu.memref_slice %arg4[%add3A_125, %dma_wait3A_256] : memref<34x256xf32, #tpu.memory_space<hbm>> -> memref<1x256xf32, #tpu.memory_space<hbm>>
        %dma_wait3A_258 = tpu.memref_squeeze %dma_wait3A_257 : memref<1x256xf32, #tpu.memory_space<hbm>> -> memref<256xf32, #tpu.memory_space<hbm>>
        tpu.wait_dma2 semaphore(%run_scoped3A : memref<!tpu.dma_semaphore, #tpu.memory_space<semaphore_mem>>) src(%arg8 : memref<256xf32, #tpu.memory_space<vmem>>) dst(%dma_wait3A_258 : memref<256xf32, #tpu.memory_space<hbm>>)
        tpu.yield
      }) : () -> ()
    } else {
    }
    return
  }
}

module attributes {stable_mosaic.version = 14 : i64} {
  func.func @_loss_body(%arg0: memref<34x256xf32, #tpu.memory_space<vmem>>, %arg1: memref<34x256xf32, #tpu.memory_space<vmem>>, %arg2: memref<1x1xf32, #tpu.memory_space<smem>>) attributes {dimension_semantics = [], scalar_prefetch = 0 : i64, scratch_operands = 0 : i64, tpu.core_type = #tpu.core_type<tc>} {
    %get3A = arith.constant 0 : index
    %get3A_0 = arith.constant 0 : index
    %get3A_1 = vector.load %arg0[%get3A, %get3A_0] : memref<34x256xf32, #tpu.memory_space<vmem>>, vector<34x256xf32>
    %sqrt3A = math.sqrt %get3A_1 : vector<34x256xf32>
    %get3A_2 = arith.constant 0 : index
    %get3A_3 = arith.constant 0 : index
    %get3A_4 = vector.load %arg1[%get3A_2, %get3A_3] : memref<34x256xf32, #tpu.memory_space<vmem>>, vector<34x256xf32>
    %lt3A = arith.constant 1.000000e+00 : f32
    %lt3A_5 = vector.broadcast %lt3A : f32 to vector<34x256xf32>
    %lt3A_6 = arith.cmpf olt, %sqrt3A, %lt3A_5 : vector<34x256xf32>
    %jit3A = arith.constant 0.000000e+00 : f32
    %broadcast_in_dim3A = vector.broadcast %jit3A : f32 to vector<34x256xf32>
    %select_n3A = arith.select %lt3A_6, %sqrt3A, %broadcast_in_dim3A : vector<34x256xi1>, vector<34x256xf32>
    %jit3A_7 = arith.constant 1.000000e+00 : f32
    %broadcast_in_dim3A_8 = vector.broadcast %jit3A_7 : f32 to vector<34x256xf32>
    %select_n3A_9 = arith.select %lt3A_6, %get3A_4, %broadcast_in_dim3A_8 : vector<34x256xi1>, vector<34x256xf32>
    %exp3A = math.exp %select_n3A : vector<34x256xf32>
    %add3A = arith.constant 1.000000e+00 : f32
    %add3A_10 = vector.broadcast %add3A : f32 to vector<34x256xf32>
    %add3A_11 = arith.addf %add3A_10, %exp3A : vector<34x256xf32>
    %div3A = arith.constant 1.000000e+04 : f32
    %div3A_12 = vector.broadcast %div3A : f32 to vector<34x256xf32>
    %div3A_13 = arith.divf %div3A_12, %add3A_11 : vector<34x256xf32>
    %log3A = math.log %select_n3A_9 : vector<34x256xf32>
    %mul3A = arith.mulf %div3A_13, %log3A : vector<34x256xf32>
    %jit3A_14 = arith.constant 0.000000e+00 : f32
    %broadcast_in_dim3A_15 = vector.broadcast %jit3A_14 : f32 to vector<34x256xf32>
    %select_n3A_16 = arith.select %lt3A_6, %mul3A, %broadcast_in_dim3A_15 : vector<34x256xi1>, vector<34x256xf32>
    %reduce_sum3A = vector.shape_cast %select_n3A_16 : vector<34x256xf32> to vector<1x34x256xf32>
    %reduce_sum3A_17 = arith.constant dense<0.000000e+00> : vector<1xf32>
    %reduce_sum3A_18 = vector.multi_reduction <add>, %reduce_sum3A, %reduce_sum3A_17 [1, 2] : vector<1x34x256xf32> to vector<1xf32>
    %reduce_sum3A_19 = vector.shape_cast %reduce_sum3A_18 : vector<1xf32> to vector<1x1x1xf32>
    %reduce_sum3A_20 = vector.extract %reduce_sum3A_19[0, 0, 0] : f32 from vector<1x1x1xf32>
    %sub3A = arith.constant 1.000000e+00 : f32
    %sub3A_21 = vector.broadcast %sub3A : f32 to vector<34x256xf32>
    %sub3A_22 = arith.subf %sub3A_21, %get3A_4 : vector<34x256xf32>
    %jit3A_23 = arith.constant 5.000000e-01 : f32
    %broadcast_in_dim3A_24 = vector.broadcast %jit3A_23 : f32 to vector<34x256xf32>
    %select_n3A_25 = arith.select %lt3A_6, %broadcast_in_dim3A_24, %sub3A_22 : vector<34x256xi1>, vector<34x256xf32>
    %log3A_26 = math.log %select_n3A_25 : vector<34x256xf32>
    %jit3A_27 = arith.constant 0.000000e+00 : f32
    %broadcast_in_dim3A_28 = vector.broadcast %jit3A_27 : f32 to vector<34x256xf32>
    %select_n3A_29 = arith.select %lt3A_6, %broadcast_in_dim3A_28, %log3A_26 : vector<34x256xi1>, vector<34x256xf32>
    %reduce_sum3A_30 = vector.shape_cast %select_n3A_29 : vector<34x256xf32> to vector<1x34x256xf32>
    %reduce_sum3A_31 = arith.constant dense<0.000000e+00> : vector<1xf32>
    %reduce_sum3A_32 = vector.multi_reduction <add>, %reduce_sum3A_30, %reduce_sum3A_31 [1, 2] : vector<1x34x256xf32> to vector<1xf32>
    %reduce_sum3A_33 = vector.shape_cast %reduce_sum3A_32 : vector<1xf32> to vector<1x1x1xf32>
    %reduce_sum3A_34 = vector.extract %reduce_sum3A_33[0, 0, 0] : f32 from vector<1x1x1xf32>
    %not3A = arith.constant dense<true> : vector<34x256xi1>
    %not3A_35 = arith.xori %lt3A_6, %not3A : vector<34x256xi1>
    %convert_element_type3A = arith.extui %not3A_35 : vector<34x256xi1> to vector<34x256xi32>
    %convert_element_type3A_36 = arith.sitofp %convert_element_type3A : vector<34x256xi32> to vector<34x256xf32>
    %reduce_sum3A_37 = vector.shape_cast %convert_element_type3A_36 : vector<34x256xf32> to vector<1x34x256xf32>
    %reduce_sum3A_38 = arith.constant dense<0.000000e+00> : vector<1xf32>
    %reduce_sum3A_39 = vector.multi_reduction <add>, %reduce_sum3A_37, %reduce_sum3A_38 [1, 2] : vector<1x34x256xf32> to vector<1xf32>
    %reduce_sum3A_40 = vector.shape_cast %reduce_sum3A_39 : vector<1xf32> to vector<1x1x1xf32>
    %reduce_sum3A_41 = vector.extract %reduce_sum3A_40[0, 0, 0] : f32 from vector<1x1x1xf32>
    %neg3A = arith.constant 0.000000e+00 : f32
    %neg3A_42 = arith.subf %neg3A, %reduce_sum3A_20 : f32
    %gt3A = arith.constant 0.000000e+00 : f32
    %gt3A_43 = arith.cmpf ogt, %reduce_sum3A_41, %gt3A : f32
    %div3A_44 = arith.constant 1.000000e+04 : f32
    %div3A_45 = arith.divf %div3A_44, %reduce_sum3A_41 : f32
    %mul3A_46 = arith.mulf %div3A_45, %reduce_sum3A_34 : f32
    %sub3A_47 = arith.subf %neg3A_42, %mul3A_46 : f32
    %select_n3A_48 = arith.select %gt3A_43, %sub3A_47, %neg3A_42 : f32
    %swap3A = arith.constant 0 : index
    %swap3A_49 = arith.constant 0 : index
    %swap3A_50 = memref.load %arg2[%swap3A, %swap3A_49] : memref<1x1xf32, #tpu.memory_space<smem>>
    memref.store %select_n3A_48, %arg2[%swap3A, %swap3A_49] : memref<1x1xf32, #tpu.memory_space<smem>>
    return
  }
}

</mosaic_0001>

<sc_bundles>
// kernel: kernel.4.cloned.1.call-start
scs
__scs_entry_jumppad:
0x0: {  	(pc) =	sbr.rel $0x88, $3  }
0x1: {  	(tag) =	ssettag $0x0;
	lr =	simm.s32 $0x1  }
0x2: {  	[smem:$0x3F9E] =	sst lr;
	_ =	strace $0xD0000000  }
0x3: {  	_ = 	snop  }
0x4: {  	_ = 	snop  }
0x5: {  	_ = 	snop  }
0x6: {  	_ = 	snop  }
0x7: {  	_ = 	snop  }
__scs_overlays_trampoline_lowered:
0x8: {  	[smem:$0x3FAD] =	sst s0  }
0x9: {  	[smem:$0x3FAE] =	sst s1  }
0xa: {  	[smem:$0x3FAF] =	sst s2  }
0xb: {  	[smem:$0x3FB0] =	sst s3  }
0xc: {  	[smem:$0x3FB1] =	sst s4  }
0xd: {  	[smem:$0x3FB2] =	sst s5  }
0xe: {  	[smem:$0x3FB3] =	sst s6  }
0xf: {  	[smem:$0x3FB4] =	sst s7  }
0x10: {  	[smem:$0x3FB5] =	sst s8  }
0x11: {  	[smem:$0x3FB6] =	sst s9;
	s0 =	simm.s32 @!p0 $0x0  }
0x12: {  	s1 =	sld [smem:$0x3F9C];
	s0 =	simm.s32 @p0 $0x1  }
0x13: {  	[smem:$0x3FB7] =	sst s0;
	s0 =	simm.s32 @!p1 $0x0  }
0x14: {  	s2 =	sld [smem:$0x3F9B];
	s0 =	simm.s32 @p1 $0x1  }
0x15: {  	[smem:$0x3FB8] =	sst s0;
	s0 =	simm.s32 @!p2 $0x0  }
0x16: {  	s3 =	sld [smem:$0x3FDB];
	s0 =	simm.s32 @p2 $0x1  }
0x17: {  	s4 =	simm.s32 $0x1BF5;
	[smem:$0x3FBA] =	sst s0  }
0x18: {  	s0 =	sld [smem:$0x3F9D];
	_ =	swait.ge [sflag:s4], $0x0  }
0x19: {  	s7 =	sld [smem:$0x3F9E]  }
0x1a: {  	s8 =	sadd.s32 $0xFFFFE003, lr  }
0x1b: {  	s9 =	sadd.s32 $0xFFFFFEF7, lr;
	s5 =	simm.s32 $0xFFFFFFFF;
	p2 =	slt.u32 s8, $0xFFFFF086  }
0x1c: {  	p1 =	slt.u32 s9, $0xF7A;
	s5 =	simm.s32 @!p2 $0x0  }
0x1d: {  	s5 =	simm.s32 @p1 $0x1;
	p0 =	seq.s32 s7, s2  }
0x1e: {  	s7 =	smul.u32 @!p0 $0xF7A, s2;
	p2 =	seq.s32 @!p0 s5, $0x0  }
0x1f: {  	s9 =	smul.u32 $0xF7A, s1;
	s8 =	simm.s32 @!p0 $0x1BF5;
	p2 =	por !p2, p0  }
0x20: {  	[sflag:s8] =	ssyncset.s32 @!p0 $0xFFFFF086;
	s6 =	sadd.s32 @!p0 s3, s7;
	s7 =	simm.s32 @!p0 $0x108  }
0x21: {  	s3 =	sadd.s32 s3, s9;
	s6 =	sadd.s32 @!p0 $0x88, s6;
	s7 =	simm.s32 @p2 $0x1082  }
0x22: {  	[simem:s7], [sflag:s8] =	dma.local @!p0 [hbm:s6], $0xF7A  }
0x23: {  	s9 =	sor.u32 $0xD0000000, s2;
	s6 =	simm.s32 $0x108;
	_ =	swait.ge @!p0 [sflag:s8], $0x0  }
0x24: {  	s3 =	sadd.s32 $0x88, s3;
	s6 =	simm.s32 @!p1 $0x1082;
	[sflag:s4] =	ssyncset.s32 $0xFFFFF086  }
0x25: {  	[simem:s6], [sflag:s4] =	dma.local [hbm:s3], $0xF7A  }
0x26: {  	[smem:$0x3F9E] =	sst s1;
	(tag) =	ssettag s2;
	_ =	strace s9  }
0x27: {  	s1 =	sld [smem:$0x3FAE]  }
0x28: {  	s2 =	sld [smem:$0x3FAF]  }
0x29: {  	s4 =	sld [smem:$0x3FB1]  }
0x2a: {  	p0 =	seq.s32 s5, $0x0;
	s5 =	sld [smem:$0x3FB2]  }
0x2b: {  	s6 =	sld [smem:$0x3FB3]  }
0x2c: {  	s7 =	sld [smem:$0x3FB4]  }
0x2d: {  	s3 =	simm.s32 $0x108;
	s8 =	sld [smem:$0x3FB5]  }
0x2e: {  	s3 =	simm.s32 @!p0 $0x1082;
	s9 =	sld [smem:$0x3FB6]  }
0x2f: {  	lr =	sadd.s32 s0, s3;
	s0 =	sld [smem:$0x3FAD]  }
0x30: {  	s3 =	sld [smem:$0x3FB0]  }
0x31: {  	[smem:$0x3FB9] =	sst s10  }
0x32: {  	s10 =	sld [smem:$0x3FB7];
	_ =	sdelay $0x3  }
0x33: {  	p0 =	seq.s32 s10, $0x1;
	s10 =	sld [smem:$0x3FB9];
	_ =	sdelay $0x3  }
0x34: {  	[smem:$0x3FB9] =	sst s10  }
0x35: {  	s10 =	sld [smem:$0x3FB8];
	_ =	sdelay $0x3  }
0x36: {  	p1 =	seq.s32 s10, $0x1;
	s10 =	sld [smem:$0x3FB9];
	_ =	sdelay $0x3  }
0x37: {  	[smem:$0x3FB9] =	sst s10  }
0x38: {  	s10 =	sld [smem:$0x3FBA]  }
0x39: {  	_ = 	snop;
	(pc) =	sbr.ind lr, $3  }
0x3a: {  	_ = 	snop  }
0x3b: {  	_ = 	snop  }
0x3c: {  	p2 =	seq.s32 s10, $0x1;
	s10 =	sld [smem:$0x3FB9]  }
0x3d: {  	_ =	shalt  }
0x3e: {  	_ =	shalt  }
0x3f: {  	_ =	shalt  }
0x40: {  	_ =	shalt  }
0x41: {  	_ =	shalt  }
0x42: {  	_ =	shalt  }
0x43: {  	_ =	shalt  }
0x44: {  	_ =	shalt  }
0x45: {  	_ =	shalt  }
0x46: {  	_ =	shalt  }
0x47: {  	_ =	shalt  }
0x48: {  	_ =	shalt  }
0x49: {  	_ =	shalt  }
0x4a: {  	_ =	shalt  }
0x4b: {  	_ =	shalt  }
0x4c: {  	_ =	shalt  }
0x4d: {  	_ =	shalt  }
0x4e: {  	_ =	shalt  }
0x4f: {  	_ =	shalt  }
0x50: {  	_ =	shalt  }
0x51: {  	_ =	shalt  }
0x52: {  	_ =	shalt  }
0x53: {  	_ =	shalt  }
0x54: {  	_ =	shalt  }
0x55: {  	_ =	shalt  }
0x56: {  	_ =	shalt  }
0x57: {  	_ =	shalt  }
0x58: {  	_ =	shalt  }
0x59: {  	_ =	shalt  }
0x5a: {  	_ =	shalt  }
0x5b: {  	_ =	shalt  }
0x5c: {  	_ =	shalt  }
0x5d: {  	_ =	shalt  }
0x5e: {  	_ =	shalt  }
0x5f: {  	_ =	shalt  }
0x60: {  	_ =	shalt  }
0x61: {  	_ =	shalt  }
0x62: {  	_ =	shalt  }
0x63: {  	_ =	shalt  }
0x64: {  	_ =	shalt  }
0x65: {  	_ =	shalt  }
0x66: {  	_ =	shalt  }
0x67: {  	_ =	shalt  }
0x68: {  	_ =	shalt  }
0x69: {  	_ =	shalt  }
0x6a: {  	_ =	shalt  }
0x6b: {  	_ =	shalt  }
0x6c: {  	_ =	shalt  }
0x6d: {  	_ =	shalt  }
0x6e: {  	_ =	shalt  }
0x6f: {  	_ =	shalt  }
0x70: {  	_ =	shalt  }
0x71: {  	_ =	shalt  }
0x72: {  	_ =	shalt  }
0x73: {  	_ =	shalt  }
0x74: {  	_ =	shalt  }
0x75: {  	_ =	shalt  }
0x76: {  	_ =	shalt  }
0x77: {  	_ =	shalt  }
0x78: {  	_ =	shalt  }
0x79: {  	_ =	shalt  }
0x7a: {  	_ =	shalt  }
0x7b: {  	_ =	shalt  }
0x7c: {  	_ =	shalt  }
0x7d: {  	_ =	shalt  }
0x7e: {  	_ =	shalt  }
0x7f: {  	_ =	shalt  }
0x80: {  	_ =	shalt  }
0x81: {  	_ =	shalt  }
0x82: {  	_ =	shalt  }
0x83: {  	_ =	shalt  }
0x84: {  	_ =	shalt  }
0x85: {  	_ =	shalt  }
0x86: {  	_ =	shalt  }
0x87: {  	_ =	shalt  }
.Lfunc_end0:
.L_simem_size_0:
called_computation_lowered:
.L_overlay_start_0:
0x88: {  	s2 =	sld [smem:$0x3FD9]  }
0x89: {  	s3 =	sld [smem:$0x3FFE];
	_ =	sdelay $0x1  }
0x8a: {  	s1 =	srdreg.scid  }
0x8b: {  	s0 =	sand.u32 $0x1, s1  }
0x8c: {  	s16 =	sshll.u32 s0, $0xA;
	s2 =	sadd.s32 s3, s2  }
0x8d: {  	s2 =	sadd.s32 s2, s16  }
0x8e: {  	[smem:$0x3FC5] =	sst s2  }
0x8f: {  	_ = 	snop  }
0x90: {  	(tm) =	ssettm $0x1  }
0x91: {  	s17 =	sld [smem:$0x3FFB];
	_ =	sdelay $0x3  }
0x92: {  	_ =	strace s17  }
0x93: {  	s2 =	sld [smem:$0x3FFC];
	_ =	sdelay $0x3  }
0x94: {  	_ =	strace s2  }
0x95: {  	s2 =	sld [smem:$0x3FFD];
	_ =	sdelay $0x3  }
0x96: {  	_ =	strace s2  }
0x97: {  	_ =	strace $0x8FFFFFFF  }
0x98: {  	s18 =	sld [smem:$0x3FDB];
	_ =	sdelay $0x1  }
0x99: {  	s19 =	simm.s32 $_scs_section_size  }
0x9a: {  	s4 =	simm.s32 $_size__tile_overlayer_lowered;
	s5 =	simm.s32 $_tile_overlayer_lowered  }
0x9b: {  	s22 =	simm.s32 $0x1BFF;
	s21 =	sshll.u32 s5, $0x1;
	s2 =	sadd.s32 s19, s18  }
0x9c: {  	s6 =	simm.s32 $0x0;
	s20 =	sshll.u32 s4, $0x1;
	s4 =	sadd.s32 s21, s2  }
0x9d: {  	[timem:s6], [sflag:s22] =	dma.local [hbm:s4], s20  }
0x9e: {  	_ =	swait.ge [sflag:s22], s20  }
0x9f: {  	s3 =	ssub.s32 $0x0, s20;
	[sflag:s22] =	ssyncset.done $0x0  }
0xa0: {  	[sflag:s22] =	ssyncadd.s32 s3;
	_ =	sdelay $0x1  }
0xa1: {  	s23 =	simm.s32 $0x1B8B  }
0xa2: {  	_ =	swait.ge [sflag:s23], $0x1  }
0xa3: {  	[sflag:s23] =	ssyncset.done $0x0  }
0xa4: {  	s25 =	simm.s32 $0x1B8E;
	s24 =	sld [smem:$0x3FFE];
	[sflag:s23] =	ssyncadd.s32 $0xFFFFFFFF  }
0xa5: {  	s26 =	simm.s32 $execute0_lowered;
	[smem:$0x3FD2] =	sst s25  }
0xa6: {  	s4 =	sshll.u32 s26, $0x1;
	_ =	strace $0x80000046;
	[dreg:$0x1] =	wrdreg $0xFFFFFFFF  }
0xa7: {  	s28 =	simm.s32 $_size_execute0_lowered;
	s2 =	sadd.s32 s2, s4;
	[dreg:$0x0] =	wrdreg $0x0  }
0xa8: {  	s4 =	sshll.u32 s28, $0x1;
	[dreg:$0x2] =	wrdreg s2  }
0xa9: {  	[dreg:$0x3] =	wrdreg s4  }
0xaa: {  	[dreg:$0x4] =	wrdreg $0xC0  }
0xab: {  	_ =	task [dreg:s6], $0x5FFFF  }
0xac: {  	[dreg:$0x1] =	wrdreg $0xFFFFFFFF  }
0xad: {  	[dreg:$0x0] =	wrdreg $0x60  }
0xae: {  	[dreg:$0x2] =	wrdreg s24  }
0xaf: {  	[dreg:$0x3] =	wrdreg $0x9  }
0xb0: {  	_ =	task.clear_ibuf [dreg:s6], $0x4FFFF;
	_ =	strace $0x90000046  }
0xb1: {  	s29 =	simm.s32 $0x9;
	_ =	strace $0x80000048  }
0xb2: {  	_ =	swait.ge [sflag:s29], $0x1  }
0xb3: {  	[sflag:s29] =	ssyncadd.s32 $0xFFFFFFFF  }
0xb4: {  	_ =	strace $0x90000048  }
0xb5: {  	_ =	sfence  }
0xb6: {  	s30 =	sld [smem:$0x0];
	_ =	sdelay $0x2  }
0xb7: {  	s31 =	sshll.u32 s1, $0xD;
	s1 =	sshrl.u32 s1, $0x2  }
0xb8: {  	s3 =	sand.u32 $0x4000, s31;
	s1 =	sadd.s32 s1, s30  }
0xb9: {  	s0 =	sor.u32 s3, s0;
	s1 =	sshll.u32 s1, $0x11  }
0xba: {  	s0 =	sor.u32 s1, s0  }
0xbb: {  	s0 =	sadd.s32 $0x8F2B, s0  }
0xbc: {  	[sflag:s0] =	ssyncadd.remote.s32 $0x1  }
0xbd: {  	_ =	sfence.sel $0xFFFF  }
0xbe: {  	[dreg:$0x0] =	wrdreg $0xFFFFFFFF;
	(pc) =	sbr.abs _section_cstart, $3  }
0xbf: {  	[dreg:$0x1] =	wrdreg $0xFFFFFFFF  }
0xc0: {  	_ =	task.clear_ibuf [dreg:s6], $0x2FFFF;
	_ =	strace $0x9FFFFFFF  }
0xc1: {  	(tm) =	ssettm $0x7FFFFFFF  }
tec
execute0_lowered:
.L_overlay_start_1:
0x0: {  	(tag) =	ssettag $0x1  }
0x1: {  	s3 =	rddreg [dreg:$0x0];
	s1 =	simm.s32 $0x0;
	s5 =	srdreg.scid  }
0x2: {  	s10 =	stileid.u32;
	s15 =	simm.s32 $0x4400;
	s16 =	simm.s32 $0x4  }
0x3: {  	s18 =	simm.s32 $0x0;
	[smem:$0x7FF] =	sst s1;
	s4 =	sadd.s32 $0xA00, s3  }
0x4: {  	s2 =	sadd.s32 $0x800, s3;
	s8 =	sadd.s32 $0x9200, s3;
	s6 =	sand.u32 $0x1, s5  }
0x5: {  	s28 =	sshll.u32 s10, $0x1;
	s30 =	sshll.u32 s10, $0x6;
	_ =	strace $0x80000047  }
0x6: {  	s5 =	ssub.s32 $0x2, s6;
	s7 =	sor.u32 s6, s28;
	s29 =	sshll.u32 s6, $0xA  }
0x7: {  	s31 =	sshll.u32 s6, $0x4;
	s9 =	sshrl.u32 s5, $0x1;
	s11 =	sshll.u32 s7, $0xA  }
0x8: {  	s12 =	sadd.s32 s29, s4;
	p0 =	sgt.u32 s7, $0x10;
	s7 =	sshll.u32 s7, $0x4  }
0x9: {  	s9 =	ssub.s32 s5, s9;
	s3 =	sadd.s32 s4, s11;
	s4 =	sadd.s32 $0x8000, s12  }
0xa: {  	s5 =	simm.s32 $0x200;
	s11 =	sand.u32 $0x300, s30;
	s7 =	sand.u32 $0x70, s7  }
.Ltmp0:
0xb: {  	s11 =	sadd.s32 s8, s11;
	s8 =	sadd.s32 s31, s8;
	(pc) =	sbr.rel .LBB2_1-.Ltmp0, $4  }
0xc: {  	s5 =	simm.s32 @!p0 $0x0;
	p0 =	sne.s32 s10, $0x0;
	s0 =	sadd.s32 $0x400, s8  }
0xd: {  	s12 =	simm.s32 $0x2;
	[dreg:$0x3] =	wrdreg s0;
	s0 =	simm.s32 @!p0 $0x0  }
0xe: {  	s9 =	smax.u32 s9, $0x1;
	s6 =	sor.u32 $0x4000, s5;
	s0 =	simm.s32 @p0 $0x1  }
0xf: {  	v0 =	vimm.f32 $1.000000020e+30;
	s7 =	sadd.s32 s7, s11;
	s11 =	simm.s32 $0x1;
	[smem:$0x7FD] =	sst s0  }
.LBB2_19:
0x10: {  	v1 =	vld [tilespmem:$0x4200]  }
0x11: {  	v2 =	vld [tilespmem:$0x4300]  }
0x12: {  	v4 =	vld [tilespmem:$0x4210]  }
0x13: {  	v5 =	vld [tilespmem:$0x4310]  }
0x14: {  	v9 =	vld [tilespmem:$0x4220]  }
0x15: {  	v10 =	vld [tilespmem:$0x4320]  }
0x16: {  	v58 =	vld [tilespmem:$0x4230]  }
0x17: {  	v11 =	vld [tilespmem:$0x4330]  }
0x18: {  	v63 =	vld [tilespmem:$0x4240]  }
0x19: {  	v13 =	vld [tilespmem:$0x4340]  }
0x1a: {  	v16 =	vld [tilespmem:$0x4250]  }
0x1b: {  	v25 =	vld [tilespmem:$0x4350]  }
0x1c: {  	v27 =	vld [tilespmem:$0x4260]  }
0x1d: {  	v29 =	vld [tilespmem:$0x4360]  }
0x1e: {  	v35 =	vld [tilespmem:$0x4270]  }
0x1f: {  	v39 =	vld [tilespmem:$0x4370]  }
0x20: {  	v18 =	vld [tilespmem:$0x4280]  }
0x21: {  	v46 =	vld [tilespmem:$0x4380];
	v3 =	vmax.f32 v1, $0.0e+00;
	v6 =	vmax.f32 v2, $0.0e+00;
	v7 =	vmax.f32 v4, $0.0e+00  }
0x22: {  	v8 =	vmax.f32 v5, $0.0e+00;
	v59 =	vmax.f32 v9, $0.0e+00;
	v12 =	vmax.f32 v10, $0.0e+00  }
0x23: {  	v62 =	vmax.f32 v58, $0.0e+00;
	v14 =	vmax.f32 v11, $0.0e+00;
	v21 =	vmax.f32 v63, $0.0e+00  }
0x24: {  	v15 =	vmax.f32 v13, $0.0e+00;
	v28 =	vmax.f32 v16, $0.0e+00;
	v33 =	vmax.f32 v25, $0.0e+00  }
0x25: {  	v34 =	vmax.f32 v27, $0.0e+00;
	v17 =	vmax.f32 v29, $0.0e+00;
	v44 =	vmax.f32 v35, $0.0e+00  }
0x26: {  	v45 =	vmax.f32 v39, $0.0e+00;
	v52 =	vmax.f32 v18, $0.0e+00;
	v54 =	vmax.f32 v46, $0.0e+00  }
0x27: {  	v3 =	vmin.f32 v3, $6.300000000e+01;
	v6 =	vmin.f32 v6, $6.300000000e+01;
	v8 =	vmin.f32 v8, $6.300000000e+01  }
0x28: {  	v14 =	vmin.f32 v14, $6.300000000e+01;
	v15 =	vmin.f32 v15, $6.300000000e+01;
	v37 =	vmin.f32 v33, $6.300000000e+01  }
0x29: {  	v42 =	vmin.f32 v17, $6.300000000e+01;
	v3 =	vadd.f32 $5.000000000e-01, v3;
	v6 =	vadd.f32 $5.000000000e-01, v6  }
0x2a: {  	v17 =	vmin.f32 v45, $6.300000000e+01;
	v8 =	vadd.f32 $5.000000000e-01, v8;
	v14 =	vadd.f32 $5.000000000e-01, v14  }
0x2b: {  	v15 =	vadd.f32 $5.000000000e-01, v15;
	v40 =	vadd.f32 $5.000000000e-01, v37;
	v3 =	vtrunc.f32 v3  }
0x2c: {  	v17 =	vadd.f32 $5.000000000e-01, v17;
	v6 =	vtrunc.f32 v6;
	v57 =	vtrunc.f32 v8  }
0x2d: {  	v7 =	vmin.f32 v7, $6.300000000e+01;
	v20 =	vtrunc.f32 v14;
	v23 =	vtrunc.f32 v15  }
0x2e: {  	v14 =	vmin.f32 v21, $6.300000000e+01;
	v43 =	vtrunc.f32 v40;
	v48 =	vtrunc.f32 v17  }
0x2f: {  	v15 =	vmin.f32 v44, $6.300000000e+01;
	v3 =	vcvt.f32.s32 v3;
	v6 =	vcvt.f32.s32 v6  }
0x30: {  	v14 =	vadd.f32 $5.000000000e-01, v14;
	v15 =	vadd.f32 $5.000000000e-01, v15;
	v49 =	vcvt.f32.s32 v48  }
0x31: {  	v61 =	vmin.f32 v12, $6.300000000e+01;
	v3 =	vcvt.s32.f32 v3;
	v6 =	vcvt.s32.f32 v6  }
0x32: {  	v7 =	vadd.f32 $5.000000000e-01, v7;
	v22 =	vtrunc.f32 v14;
	v15 =	vtrunc.f32 v15  }
0x33: {  	v38 =	vmin.f32 v34, $6.300000000e+01;
	v14 =	vcvt.f32.s32 v23;
	v47 =	vcvt.f32.s32 v15  }
0x34: {  	v1 =	vsub.f32 v1, v3;
	v3 =	vtrunc.f32 v7;
	v7 =	vcvt.f32.s32 v57  }
0x35: {  	v2 =	vsub.f32 v2, v6;
	v26 =	vcvt.s32.f32 v14;
	v14 =	vcvt.f32.s32 v43  }
0x36: {  	v6 =	vmin.f32 v59, $6.300000000e+01;
	v3 =	vcvt.f32.s32 v3;
	v50 =	vcvt.s32.f32 v47  }
0x37: {  	v6 =	vadd.f32 $5.000000000e-01, v6;
	v1 =	vmul.f32 v1, v1;
	v7 =	vcvt.s32.f32 v7  }
0x38: {  	v56 =	vmin.f32 v54, $6.300000000e+01;
	v2 =	vmul.f32 v2, v2;
	v14 =	vcvt.s32.f32 v14  }
0x39: {  	v13 =	vsub.f32 v13, v26;
	v3 =	vcvt.s32.f32 v3;
	v6 =	vtrunc.f32 v6  }
0x3a: {  	v60 =	vsub.f32 v5, v7;
	v5 =	vadd.f32 $5.000000000e-01, v61;
	v6 =	vcvt.f32.s32 v6  }
0x3b: {  	v7 =	vmin.f32 v62, $6.300000000e+01;
	v32 =	vmul.f32 v13, v13;
	v13 =	vadd.f32 $5.000000000e-01, v56  }
0x3c: {  	v7 =	vadd.f32 $5.000000000e-01, v7;
	v5 =	vtrunc.f32 v5;
	v6 =	vcvt.s32.f32 v6  }
0x3d: {  	v3 =	vsub.f32 v4, v3;
	v4 =	vmul.f32 v60, v60;
	v13 =	vtrunc.f32 v13  }
0x3e: {  	v53 =	vmin.f32 v52, $6.300000000e+01;
	v5 =	vcvt.f32.s32 v5;
	v7 =	vtrunc.f32 v7  }
0x3f: {  	v6 =	vsub.f32 v9, v6;
	v7 =	vcvt.f32.s32 v7;
	v9 =	vcvt.f32.s32 v20  }
0x40: {  	v51 =	vld [tilespmem:$0x4290];
	v55 =	vadd.f32 $5.000000000e-01, v53;
	v3 =	vmul.f32 v3, v3;
	v5 =	vcvt.s32.f32 v5  }
0x41: {  	v19 =	vld [tilespmem:$0x42A0];
	v1 =	vadd.f32 v2, v1;
	v7 =	vcvt.s32.f32 v7;
	v9 =	vcvt.s32.f32 v9  }
0x42: {  	v59 =	vcvt.f32.s32 v13;
	v2 =	vadd.f32 v4, v3;
	v5 =	vsub.f32 v10, v5  }
0x43: {  	v57 =	vld [tilespmem:$0x4390];
	v10 =	vcvt.f32.s32 v22;
	v7 =	vsub.f32 v58, v7;
	v24 =	vsub.f32 v11, v9  }
0x44: {  	v6 =	vmul.f32 v6, v6;
	v9 =	vsub.f32 v25, v14;
	v11 =	vsub.f32 v35, v50  }
0x45: {  	v58 =	vmax.f32 v51, $0.0e+00;
	v5 =	vmul.f32 v5, v5;
	v3 =	vcvt.s32.f32 v10  }
0x46: {  	v25 =	vmax.f32 v19, $0.0e+00;
	v10 =	vcvt.s32.f32 v49;
	v7 =	vmul.f32 v7, v7  }
0x47: {  	v17 =	vmin.f32 v58, $6.300000000e+01;
	v8 =	vmul.f32 v24, v24;
	v9 =	vmul.f32 v9, v9  }
0x48: {  	v11 =	vmul.f32 v11, v11;
	v60 =	vadd.f32 $5.000000000e-01, v17;
	v24 =	vmax.f32 v57, $0.0e+00  }
0x49: {  	v22 =	vld [tilespmem:$0x42C0];
	v12 =	vsub.f32 v63, v3;
	v3 =	vmin.f32 v28, $6.300000000e+01;
	v4 =	vadd.f32 v5, v6  }
0x4a: {  	v10 =	vsub.f32 v39, v10;
	v13 =	vmin.f32 v24, $6.300000000e+01;
	v30 =	vadd.f32 $5.000000000e-01, v3  }
0x4b: {  	v26 =	vld [tilespmem:$0x42B0];
	v3 =	vadd.f32 v8, v7;
	v8 =	vadd.f32 $5.000000000e-01, v38;
	v23 =	vtrunc.f32 v60  }
0x4c: {  	v7 =	vadd.f32 $5.000000000e-01, v42;
	v31 =	vmul.f32 v12, v12;
	v10 =	vmul.f32 v10, v10  }
0x4d: {  	v13 =	vadd.f32 $5.000000000e-01, v13;
	v12 =	vtrunc.f32 v55;
	v5 =	vtrunc.f32 v30  }
0x4e: {  	v63 =	vld [tilespmem:$0x43A0];
	v40 =	vmax.f32 v22, $0.0e+00;
	v8 =	vtrunc.f32 v8;
	v7 =	vtrunc.f32 v7  }
0x4f: {  	v24 =	vld [tilespmem:$0x43E0];
	v15 =	vmin.f32 v40, $6.300000000e+01;
	v12 =	vcvt.f32.s32 v12;
	v13 =	vtrunc.f32 v13  }
0x50: {  	v30 =	vmax.f32 v26, $0.0e+00;
	v15 =	vadd.f32 $5.000000000e-01, v15;
	v36 =	vcvt.f32.s32 v5  }
0x51: {  	v42 =	vld [tilespmem:$0x43D0];
	v5 =	vadd.f32 v32, v31;
	v8 =	vcvt.f32.s32 v8;
	v7 =	vcvt.f32.s32 v7  }
0x52: {  	v61 =	vadd.f32 v10, v11;
	v13 =	vcvt.f32.s32 v13;
	v62 =	vcvt.s32.f32 v12  }
0x53: {  	v12 =	vcvt.f32.s32 v23;
	v20 =	vmax.f32 v63, $0.0e+00;
	v15 =	vtrunc.f32 v15  }
0x54: {  	v33 =	vld [tilespmem:$0x43C0];
	v48 =	vmax.f32 v24, $0.0e+00;
	v41 =	vcvt.s32.f32 v36;
	v8 =	vcvt.s32.f32 v8  }
0x55: {  	v43 =	vld [tilespmem:$0x42E0];
	v7 =	vcvt.s32.f32 v7;
	v20 =	vmin.f32 v20, $6.300000000e+01;
	v13 =	vcvt.s32.f32 v13  }
0x56: {  	v15 =	vcvt.f32.s32 v15;
	v23 =	vmax.f32 v42, $0.0e+00;
	v10 =	vsub.f32 v18, v62  }
0x57: {  	v12 =	vcvt.s32.f32 v12;
	v23 =	vmin.f32 v23, $6.300000000e+01;
	v6 =	vsub.f32 v16, v41  }
0x58: {  	v8 =	vsub.f32 v27, v8;
	v7 =	vsub.f32 v29, v7;
	v16 =	vmin.f32 v25, $6.300000000e+01  }
0x59: {  	v29 =	vadd.f32 $5.000000000e-01, v20;
	v20 =	vmin.f32 v30, $6.300000000e+01;
	v13 =	vsub.f32 v57, v13  }
0x5a: {  	v41 =	vmax.f32 v33, $0.0e+00;
	v25 =	vmax.f32 v43, $0.0e+00;
	v23 =	vadd.f32 $5.000000000e-01, v23  }
0x5b: {  	v36 =	vld [tilespmem:$0x42D0];
	v15 =	vcvt.s32.f32 v15;
	v10 =	vmul.f32 v10, v10;
	v16 =	vadd.f32 $5.000000000e-01, v16  }
0x5c: {  	v27 =	vld [tilespmem:$0x43B0];
	v12 =	vsub.f32 v51, v12;
	v20 =	vadd.f32 $5.000000000e-01, v20;
	v6 =	vmul.f32 v6, v6  }
0x5d: {  	v25 =	vmin.f32 v25, $6.300000000e+01;
	v8 =	vmul.f32 v8, v8;
	v7 =	vmul.f32 v7, v7  }
0x5e: {  	v13 =	vmul.f32 v13, v13;
	v25 =	vadd.f32 $5.000000000e-01, v25;
	v28 =	vtrunc.f32 v16  }
0x5f: {  	v56 =	vsub.f32 v22, v15;
	v16 =	vtrunc.f32 v29;
	v12 =	vmul.f32 v12, v12  }
0x60: {  	v32 =	vtrunc.f32 v20;
	v44 =	vmax.f32 v36, $0.0e+00;
	v6 =	vadd.f32 v9, v6  }
0x61: {  	v7 =	vadd.f32 v7, v8;
	v9 =	vcvt.s32.f32 v59;
	v21 =	vmax.f32 v27, $0.0e+00  }
0x62: {  	v14 =	vcvt.f32.s32 v28;
	v16 =	vcvt.f32.s32 v16;
	v21 =	vmin.f32 v21, $6.300000000e+01  }
0x63: {  	v47 =	vtrunc.f32 v25;
	v25 =	vmin.f32 v48, $6.300000000e+01;
	v21 =	vadd.f32 $5.000000000e-01, v21  }
0x64: {  	v12 =	vadd.f32 v13, v12;
	v14 =	vcvt.s32.f32 v14;
	v31 =	vcvt.s32.f32 v16  }
0x65: {  	[tilespmem:$0x4400] =	vst v1;
	v1 =	vadd.f32 $5.000000000e-01, v25;
	v16 =	vcvt.f32.s32 v32;
	v34 =	vtrunc.f32 v21  }
0x66: {  	v9 =	vsub.f32 v46, v9;
	v46 =	vtrunc.f32 v23;
	v35 =	vcvt.f32.s32 v34  }
0x67: {  	v23 =	vcvt.f32.s32 v47;
	v14 =	vsub.f32 v19, v14;
	v38 =	vcvt.s32.f32 v16  }
0x68: {  	v1 =	vtrunc.f32 v1;
	v11 =	vsub.f32 v63, v31;
	v39 =	vcvt.s32.f32 v35  }
0x69: {  	v21 =	vmin.f32 v44, $6.300000000e+01;
	v37 =	vmul.f32 v14, v14;
	v14 =	vsub.f32 v26, v38;
	v26 =	vld [tilespmem:$0x42F0]  }
0x6a: {  	v9 =	vmul.f32 v9, v9;
	v21 =	vadd.f32 $5.000000000e-01, v21;
	v13 =	vsub.f32 v27, v39;
	v27 =	vld [tilespmem:$0x43F0]  }
0x6b: {  	v16 =	vmin.f32 v41, $6.300000000e+01;
	v53 =	vcvt.s32.f32 v23;
	v1 =	vcvt.f32.s32 v1  }
0x6c: {  	v16 =	vadd.f32 $5.000000000e-01, v16;
	v11 =	vmul.f32 v11, v11;
	v21 =	vtrunc.f32 v21  }
0x6d: {  	v9 =	vadd.f32 v9, v10;
	v1 =	vcvt.s32.f32 v1;
	v21 =	vcvt.f32.s32 v21  }
0x6e: {  	[tilespmem:$0x4420] =	vst v4;
	v4 =	vsub.f32 v43, v53;
	v16 =	vtrunc.f32 v16;
	v14 =	vmul.f32 v14, v14  }
0x6f: {  	v45 =	vcvt.s32.f32 v21;
	v28 =	vmax.f32 v26, $0.0e+00;
	v50 =	vmax.f32 v27, $0.0e+00  }
0x70: {  	v21 =	vcvt.f32.s32 v46;
	v49 =	vmin.f32 v28, $6.300000000e+01;
	v52 =	vmin.f32 v50, $6.300000000e+01  }
0x71: {  	[tilespmem:$0x4410] =	vst v2;
	v16 =	vcvt.f32.s32 v16;
	v51 =	vadd.f32 $5.000000000e-01, v49;
	v54 =	vadd.f32 $5.000000000e-01, v52  }
0x72: {  	[tilespmem:$0x4430] =	vst v3;
	v10 =	vadd.f32 v11, v37;
	v13 =	vmul.f32 v13, v13;
	v2 =	vcvt.s32.f32 v21  }
0x73: {  	[tilespmem:$0x4440] =	vst v5;
	v1 =	vsub.f32 v24, v1;
	v55 =	vtrunc.f32 v51;
	v57 =	vtrunc.f32 v54  }
0x74: {  	[tilespmem:$0x4470] =	vst v61;
	v3 =	vadd.f32 v13, v14;
	v13 =	vcvt.f32.s32 v55;
	v14 =	vcvt.f32.s32 v57  }
0x75: {  	[tilespmem:$0x4450] =	vst v6;
	v4 =	vmul.f32 v4, v4;
	v16 =	vcvt.s32.f32 v16;
	v59 =	vsub.f32 v36, v45  }
0x76: {  	[tilespmem:$0x4460] =	vst v7;
	v2 =	vsub.f32 v42, v2;
	v60 =	vcvt.s32.f32 v13;
	v61 =	vcvt.s32.f32 v14  }
0x77: {  	[tilespmem:$0x4490] =	vst v12;
	v1 =	vmul.f32 v1, v1;
	v58 =	vsub.f32 v33, v16;
	v7 =	vmul.f32 v59, v59  }
0x78: {  	[tilespmem:$0x4480] =	vst v9;
	v2 =	vmul.f32 v2, v2;
	v62 =	vsub.f32 v26, v60;
	v8 =	vsub.f32 v27, v61  }
0x79: {  	v5 =	vmul.f32 v56, v56;
	[tilespmem:$0x44A0] =	vst v10;
	v1 =	vadd.f32 v1, v4;
	v6 =	vmul.f32 v58, v58  }
0x7a: {  	[tilespmem:$0x44B0] =	vst v3;
	v2 =	vadd.f32 v2, v7;
	v3 =	vmul.f32 v62, v62;
	v63 =	vmul.f32 v8, v8  }
0x7b: {  	[tilespmem:$0x44E0] =	vst v1;
	v5 =	vadd.f32 v6, v5  }
0x7c: {  	[tilespmem:$0x44D0] =	vst v2;
	v2 =	vadd.f32 v63, v3  }
0x7d: {  	[tilespmem:$0x44C0] =	vst v5  }
0x7e: {  	[tilespmem:$0x44F0] =	vst v2  }
.LBB2_30:
0x7f: {  	s0 =	rddreg [dreg:$0x3];
	s8 =	simm.s32 $0x80;
	s10 =	simm.s32 $0x400  }
0x80: {  	[hbm4b:s0+s8] =	stream.strided.scatter [tilespmem:s15], [sflag:$0x4], $0x100, s10, s8, $0x38;
	[tilespmem:$0x4500] =	vst v63  }
0x81: {  	_ =	swait.ge [sflag:s16], $0x100  }
0x82: {  	[sflag:s16] =	ssyncset.done $0x0  }
0x83: {  	[sflag:s16] =	ssyncadd.s32 $0xFFFFFF00  }
.LBB2_31:
0x84: {  	s18 =	sadd.s32 $0x1, s18  }
0x85: {  	p0 =	sne.s32 s18, s9  }
.Ltmp1:
0x86: {  	_ = 	snop;
	(pc) =	sbr.rel @!p0 .LBB2_32-.Ltmp1, $1  }
0x87: {  	_ =	sdelay $0x3  }
.LBB2_1:
0x88: {  	s0 =	simm.s32 $0x4000;
	s31 =	sld [smem:$0x7FD]  }
0x89: {  	[tilespmem:s0], [sflag:$0x1] =	stream.linear.gather [hbm4b:s2+s1], $0x400, $0x38;
	[tilespmem:$0x4500] =	vst v63  }
0x8a: {  	_ = 	snop  }
0x8b: {  	[tilespmem:s1], [sflag:$0x2] =	stream.linear.gather [hbm4b:s3+s1], $0x2000, $0x38;
	[tilespmem:$0x4500] =	vst v63  }
0x8c: {  	p0 =	seq.s32 s31, $0x1  }
0x8d: {  	s19 =	simm.s32 @!p0 $0x0;
	s20 =	simm.s32 @!p0 $0x2000  }
0x8e: {  	[tilespmem:s20], [sflag:$0x3] =	stream.linear.gather @!p0 [hbm4b:s4+s19], $0x2000, $0x38;
	[tilespmem:$0x4500] =	vst v63  }
0x8f: {  	_ =	swait.ge [sflag:s11], $0x400  }
0x90: {  	[sflag:s11] =	ssyncset.done $0x0  }
0x91: {  	[sflag:s11] =	ssyncadd.s32 $0xFFFFFC00  }
0x92: {  	_ =	swait.ge [sflag:s12], $0x2000  }
0x93: {  	[sflag:s12] =	ssyncset.done $0x0  }
0x94: {  	s21 =	simm.s32 $0x0;
	[sflag:s12] =	ssyncadd.s32 $0xFFFFE000  }
0x95: {  	v1 =	vld [tilespmem:s21+$0x0]  }
0x96: {  	v2 =	vld [tilespmem:s21+$0x10]  }
0x97: {  	v3 =	vld [tilespmem:s21+$0x20]  }
0x98: {  	v4 =	vld [tilespmem:s21+$0x30]  }
0x99: {  	v5 =	vld [tilespmem:s21+$0x80]  }
0x9a: {  	v6 =	vld [tilespmem:s21+$0x90];
	v1 =	vand.u32 $0x7FFFFFFF, v1  }
0x9b: {  	v7 =	vld [tilespmem:s21+$0xA0];
	v2 =	vand.u32 $0x7FFFFFFF, v2;
	v1 =	vmin.f32 v0, v1  }
0x9c: {  	v1 =	vmin.f32 v1, v2;
	v2 =	vand.u32 $0x7FFFFFFF, v3;
	v3 =	vld [tilespmem:s21+$0xB0]  }
0x9d: {  	v1 =	vmin.f32 v1, v2;
	v2 =	vand.u32 $0x7FFFFFFF, v4;
	v4 =	vld [tilespmem:s21+$0x100]  }
0x9e: {  	v1 =	vmin.f32 v1, v2;
	v2 =	vand.u32 $0x7FFFFFFF, v5;
	v5 =	vld [tilespmem:s21+$0x110]  }
0x9f: {  	v8 =	vld [tilespmem:s21+$0x120];
	v1 =	vmin.f32 v1, v2;
	v2 =	vand.u32 $0x7FFFFFFF, v6  }
0xa0: {  	v6 =	vand.u32 $0x7FFFFFFF, v7;
	v2 =	vmin.f32 v1, v2;
	v1 =	vld [tilespmem:s21+$0x130]  }
0xa1: {  	v6 =	vmin.f32 v2, v6;
	v3 =	vand.u32 $0x7FFFFFFF, v3;
	v2 =	vld [tilespmem:s21+$0x180]  }
0xa2: {  	v6 =	vmin.f32 v6, v3;
	v4 =	vand.u32 $0x7FFFFFFF, v4;
	v3 =	vld [tilespmem:s21+$0x190]  }
0xa3: {  	v6 =	vmin.f32 v6, v4;
	v5 =	vand.u32 $0x7FFFFFFF, v5;
	v4 =	vld [tilespmem:s21+$0x1A0]  }
0xa4: {  	s19 =	simm.s32 $0x200;
	s20 =	simm.s32 $0x1000;
	v7 =	vand.u32 $0x7FFFFFFF, v8;
	v6 =	vmin.f32 v6, v5;
	v5 =	vld [tilespmem:s21+$0x1B0]  }
.LBB2_2:
0xa5: {  	p0 =	sne.s32 s20, $0x7800;
	v8 =	vld [tilespmem:s19+$0x0];
	v6 =	vmin.f32 v6, v7;
	v1 =	vand.u32 $0x7FFFFFFF, v1  }
0xa6: {  	v7 =	vld [tilespmem:s19+$0x10];
	v1 =	vmin.f32 v6, v1;
	v2 =	vand.u32 $0x7FFFFFFF, v2  }
0xa7: {  	v6 =	vld [tilespmem:s19+$0x20];
	v1 =	vmin.f32 v1, v2;
	v2 =	vand.u32 $0x7FFFFFFF, v3  }
0xa8: {  	v3 =	vld [tilespmem:s19+$0x30];
	v1 =	vmin.f32 v1, v2;
	v2 =	vand.u32 $0x7FFFFFFF, v4  }
0xa9: {  	v4 =	vld [tilespmem:s19+$0x80];
	v1 =	vmin.f32 v1, v2;
	v2 =	vand.u32 $0x7FFFFFFF, v5  }
0xaa: {  	v5 =	vand.u32 $0x7FFFFFFF, v8;
	v8 =	vld [tilespmem:s19+$0x90];
	v1 =	vmin.f32 v1, v2  }
0xab: {  	v1 =	vmin.f32 v1, v5;
	v2 =	vand.u32 $0x7FFFFFFF, v7;
	v5 =	vld [tilespmem:s19+$0xA0]  }
0xac: {  	v1 =	vmin.f32 v1, v2;
	v2 =	vand.u32 $0x7FFFFFFF, v6;
	v6 =	vld [tilespmem:s19+$0xB0]  }
0xad: {  	v1 =	vmin.f32 v1, v2;
	v2 =	vand.u32 $0x7FFFFFFF, v3;
	v3 =	vld [tilespmem:s19+$0x100]  }
0xae: {  	v1 =	vmin.f32 v1, v2;
	v2 =	vand.u32 $0x7FFFFFFF, v4;
	v4 =	vld [tilespmem:s19+$0x110]  }
0xaf: {  	v1 =	vmin.f32 v1, v2;
	v2 =	vand.u32 $0x7FFFFFFF, v8;
	v7 =	vld [tilespmem:s19+$0x120]  }
.Ltmp2:
0xb0: {  	v2 =	vmin.f32 v1, v2;
	v5 =	vand.u32 $0x7FFFFFFF, v5;
	v1 =	vld [tilespmem:s19+$0x130];
	(pc) =	sbr.rel @p0 .LBB2_2-.Ltmp2, $4  }
0xb1: {  	v5 =	vmin.f32 v2, v5;
	v6 =	vand.u32 $0x7FFFFFFF, v6;
	v2 =	vld [tilespmem:s19+$0x180]  }
0xb2: {  	v5 =	vmin.f32 v5, v6;
	v6 =	vand.u32 $0x7FFFFFFF, v3;
	v3 =	vld [tilespmem:s19+$0x190]  }
0xb3: {  	v5 =	vmin.f32 v5, v6;
	v6 =	vand.u32 $0x7FFFFFFF, v4;
	v4 =	vld [tilespmem:s19+$0x1A0]  }
0xb4: {  	v6 =	vmin.f32 v5, v6;
	v7 =	vand.u32 $0x7FFFFFFF, v7;
	v5 =	vld [tilespmem:s19+$0x1B0];
	s19 =	sshra.s32 s20, $0x2;
	s20 =	sadd.s32 $0x800, s20  }
0xb5: {  	v8 =	vld [tilespmem:s19+$0x0];
	v6 =	vmin.f32 v6, v7;
	v1 =	vand.u32 $0x7FFFFFFF, v1  }
0xb6: {  	v51 =	vld [tilespmem:s19+$0x10];
	v1 =	vmin.f32 v6, v1;
	v2 =	vand.u32 $0x7FFFFFFF, v2  }
0xb7: {  	v52 =	vld [tilespmem:s19+$0x20];
	v1 =	vmin.f32 v1, v2;
	v2 =	vand.u32 $0x7FFFFFFF, v3  }
0xb8: {  	v3 =	vld [tilespmem:s19+$0x30];
	v1 =	vmin.f32 v1, v2;
	v2 =	vand.u32 $0x7FFFFFFF, v4  }
0xb9: {  	v53 =	vld [tilespmem:s19+$0x80];
	v1 =	vmin.f32 v1, v2;
	v2 =	vand.u32 $0x7FFFFFFF, v5  }
0xba: {  	v55 =	vld [tilespmem:s19+$0x90];
	v54 =	vand.u32 $0x7FFFFFFF, v8;
	v1 =	vmin.f32 v1, v2  }
0xbb: {  	v56 =	vld [tilespmem:s19+$0xA0];
	v2 =	vand.u32 $0x7FFFFFFF, v51;
	v1 =	vmin.f32 v1, v54  }
0xbc: {  	v57 =	vld [tilespmem:s19+$0xB0];
	v1 =	vmin.f32 v1, v2;
	v2 =	vand.u32 $0x7FFFFFFF, v52  }
0xbd: {  	v1 =	vmin.f32 v1, v2;
	v2 =	vand.u32 $0x7FFFFFFF, v3;
	v3 =	vld [tilespmem:s19+$0x100]  }
0xbe: {  	v58 =	vld [tilespmem:s19+$0x110];
	v1 =	vmin.f32 v1, v2;
	v2 =	vand.u32 $0x7FFFFFFF, v53  }
0xbf: {  	v59 =	vld [tilespmem:s19+$0x120];
	v1 =	vmin.f32 v1, v2;
	v2 =	vand.u32 $0x7FFFFFFF, v55  }
0xc0: {  	v60 =	vld [tilespmem:s19+$0x130];
	v1 =	vmin.f32 v1, v2;
	v2 =	vand.u32 $0x7FFFFFFF, v56  }
0xc1: {  	v61 =	vld [tilespmem:s19+$0x180];
	v1 =	vmin.f32 v1, v2;
	v2 =	vand.u32 $0x7FFFFFFF, v57  }
0xc2: {  	v1 =	vmin.f32 v1, v2;
	v2 =	vand.u32 $0x7FFFFFFF, v3;
	v3 =	vld [tilespmem:s19+$0x190]  }
0xc3: {  	v62 =	vld [tilespmem:s19+$0x1A0];
	v1 =	vmin.f32 v1, v2;
	v2 =	vand.u32 $0x7FFFFFFF, v58  }
0xc4: {  	v63 =	vld [tilespmem:s19+$0x1B0];
	v1 =	vmin.f32 v1, v2;
	v2 =	vand.u32 $0x7FFFFFFF, v59  }
0xc5: {  	v1 =	vmin.f32 v1, v2;
	v2 =	vand.u32 $0x7FFFFFFF, v60  }
0xc6: {  	v1 =	vmin.f32 v1, v2;
	v2 =	vand.u32 $0x7FFFFFFF, v61  }
0xc7: {  	v1 =	vmin.f32 v1, v2;
	v2 =	vand.u32 $0x7FFFFFFF, v3  }
0xc8: {  	v1 =	vmin.f32 v1, v2;
	v2 =	vand.u32 $0x7FFFFFFF, v62  }
0xc9: {  	v1 =	vmin.f32 v1, v2;
	v2 =	vand.u32 $0x7FFFFFFF, v63  }
0xca: {  	v1 =	vmin.f32 v1, v2  }
0xcb: {  	(v2sf) =	vpush v1, $0x0;
	_ =	sdelay $0x3  }
0xcc: {  	(v2sf) =	vpush v1, $0x1;
	_ =	sdelay $0x4  }
0xcd: {  	(v2sf) =	vpush v1, $0x2;
	_ =	sdelay $0x4  }
0xce: {  	(v2sf) =	vpush v1, $0x3  }
0xcf: {  	s31 =	spop (v2sf)  }
0xd0: {  	p0 =	slt.f32 s31, $0.0e+00;
	p1 =	sgt.f32 s31, $0.0e+00  }
0xd1: {  	_ = 	snop  }
0xd2: {  	p0 =	por p1, p0  }
0xd3: {  	(v2sf) =	vpush v1, $0x4;
	s19 =	spop (v2sf);
	p0 =	por !p0, !p0  }
0xd4: {  	p1 =	slt.f32 @!p0 s19, $0.0e+00;
	p2 =	sgt.f32 @!p0 s19, $0.0e+00  }
0xd5: {  	_ = 	snop  }
0xd6: {  	p1 =	por @!p0 p2, p1  }
0xd7: {  	p1 =	por @!p0 !p1, !p1  }
0xd8: {  	(v2sf) =	vpush v1, $0x5;
	s19 =	spop (v2sf);
	p0 =	por p0, p1  }
0xd9: {  	p1 =	slt.f32 @!p0 s19, $0.0e+00;
	p2 =	sgt.f32 @!p0 s19, $0.0e+00  }
0xda: {  	_ = 	snop  }
0xdb: {  	p1 =	por @!p0 p2, p1  }
0xdc: {  	p1 =	por @!p0 !p1, !p1  }
0xdd: {  	(v2sf) =	vpush v1, $0x6;
	s19 =	spop (v2sf);
	p0 =	por p0, p1  }
0xde: {  	p1 =	slt.f32 @!p0 s19, $0.0e+00;
	p2 =	sgt.f32 @!p0 s19, $0.0e+00  }
0xdf: {  	_ = 	snop  }
0xe0: {  	p1 =	por @!p0 p2, p1  }
0xe1: {  	p1 =	por @!p0 !p1, !p1  }
0xe2: {  	s19 =	spop (v2sf);
	(v2sf) =	vpush v1, $0x7;
	p0 =	por p0, p1  }
0xe3: {  	p1 =	slt.f32 @!p0 s19, $0.0e+00;
	p2 =	sgt.f32 @!p0 s19, $0.0e+00  }
0xe4: {  	_ = 	snop  }
0xe5: {  	p1 =	por @!p0 p2, p1  }
0xe6: {  	p1 =	por @!p0 !p1, !p1  }
0xe7: {  	s19 =	spop (v2sf);
	(v2sf) =	vpush v1, $0x8;
	p0 =	por p0, p1  }
0xe8: {  	p1 =	slt.f32 @!p0 s19, $0.0e+00;
	p2 =	sgt.f32 @!p0 s19, $0.0e+00  }
0xe9: {  	_ = 	snop  }
0xea: {  	p1 =	por @!p0 p2, p1  }
0xeb: {  	p1 =	por @!p0 !p1, !p1  }
0xec: {  	s19 =	spop (v2sf);
	(v2sf) =	vpush v1, $0x9;
	p0 =	por p0, p1  }
0xed: {  	p1 =	slt.f32 @!p0 s19, $0.0e+00;
	p2 =	sgt.f32 @!p0 s19, $0.0e+00  }
0xee: {  	_ = 	snop  }
0xef: {  	p1 =	por @!p0 p2, p1  }
0xf0: {  	p1 =	por @!p0 !p1, !p1  }
0xf1: {  	s19 =	spop (v2sf);
	(v2sf) =	vpush v1, $0xA;
	p0 =	por p0, p1  }
0xf2: {  	p1 =	slt.f32 @!p0 s19, $0.0e+00;
	p2 =	sgt.f32 @!p0 s19, $0.0e+00  }
0xf3: {  	_ = 	snop  }
0xf4: {  	p1 =	por @!p0 p2, p1  }
0xf5: {  	p1 =	por @!p0 !p1, !p1  }
0xf6: {  	s19 =	spop (v2sf);
	(v2sf) =	vpush v1, $0xB;
	p0 =	por p0, p1  }
0xf7: {  	p1 =	slt.f32 @!p0 s19, $0.0e+00;
	p2 =	sgt.f32 @!p0 s19, $0.0e+00  }
0xf8: {  	_ = 	snop  }
0xf9: {  	p1 =	por @!p0 p2, p1  }
0xfa: {  	p1 =	por @!p0 !p1, !p1  }
0xfb: {  	s19 =	spop (v2sf);
	(v2sf) =	vpush v1, $0xC;
	p0 =	por p0, p1  }
0xfc: {  	p1 =	slt.f32 @!p0 s19, $0.0e+00;
	p2 =	sgt.f32 @!p0 s19, $0.0e+00  }
0xfd: {  	_ = 	snop  }
0xfe: {  	p1 =	por @!p0 p2, p1  }
0xff: {  	p1 =	por @!p0 !p1, !p1  }
0x100: {  	s19 =	spop (v2sf);
	(v2sf) =	vpush v1, $0xD;
	p0 =	por p0, p1  }
0x101: {  	p1 =	slt.f32 @!p0 s19, $0.0e+00;
	p2 =	sgt.f32 @!p0 s19, $0.0e+00  }
0x102: {  	_ = 	snop  }
0x103: {  	p1 =	por @!p0 p2, p1  }
0x104: {  	p1 =	por @!p0 !p1, !p1  }
0x105: {  	s19 =	spop (v2sf);
	(v2sf) =	vpush v1, $0xE;
	p0 =	por p0, p1  }
0x106: {  	p1 =	slt.f32 @!p0 s19, $0.0e+00;
	p2 =	sgt.f32 @!p0 s19, $0.0e+00  }
0x107: {  	_ = 	snop  }
0x108: {  	p1 =	por @!p0 p2, p1  }
0x109: {  	p1 =	por @!p0 !p1, !p1  }
0x10a: {  	s19 =	spop (v2sf);
	(v2sf) =	vpush v1, $0xF;
	p0 =	por p0, p1  }
0x10b: {  	p1 =	slt.f32 @!p0 s19, $0.0e+00;
	p2 =	sgt.f32 @!p0 s19, $0.0e+00  }
0x10c: {  	_ = 	snop  }
0x10d: {  	p1 =	por @!p0 p2, p1  }
0x10e: {  	p1 =	por @!p0 !p1, !p1  }
0x10f: {  	s19 =	spop (v2sf);
	p0 =	por p0, p1  }
0x110: {  	p1 =	slt.f32 @!p0 s19, $0.0e+00;
	p2 =	sgt.f32 @!p0 s19, $0.0e+00  }
0x111: {  	_ = 	snop  }
0x112: {  	p1 =	por @!p0 p2, p1  }
0x113: {  	p1 =	por @!p0 !p1, !p1  }
0x114: {  	s19 =	spop (v2sf);
	p0 =	por p0, p1  }
0x115: {  	p1 =	slt.f32 @!p0 s19, $0.0e+00;
	p2 =	sgt.f32 @!p0 s19, $0.0e+00  }
0x116: {  	_ = 	snop  }
0x117: {  	p1 =	por @!p0 p2, p1  }
0x118: {  	p1 =	por @!p0 !p1, !p1  }
0x119: {  	s19 =	spop (v2sf);
	p0 =	por p0, p1  }
0x11a: {  	p1 =	slt.f32 @!p0 s19, $0.0e+00;
	p2 =	sgt.f32 @!p0 s19, $0.0e+00  }
0x11b: {  	_ = 	snop  }
0x11c: {  	p1 =	por @!p0 p2, p1  }
0x11d: {  	p1 =	por @!p0 !p1, !p1  }
0x11e: {  	p0 =	por p0, p1  }
.Ltmp3:
0x11f: {  	_ = 	snop;
	(pc) =	sbr.rel @p0 .LBB2_5-.Ltmp3, $1  }
0x120: {  	_ =	sdelay $0x3  }
0x121: {  	v1 =	vld [tilespmem:s5+$0x4000]  }
0x122: {  	v2 =	vld [tilespmem:s5+$0x4100];
	_ =	sdelay $0x4  }
0x123: {  	v3 =	vmax.f32 v1, $0.0e+00;
	v4 =	vmax.f32 v2, $0.0e+00  }
0x124: {  	v3 =	vmin.f32 v3, $6.300000000e+01;
	v4 =	vmin.f32 v4, $6.300000000e+01  }
0x125: {  	v3 =	vadd.f32 $5.000000000e-01, v3;
	v4 =	vadd.f32 $5.000000000e-01, v4;
	_ =	sdelay $0x1  }
0x126: {  	v3 =	vtrunc.f32 v3;
	v4 =	vtrunc.f32 v4  }
0x127: {  	v3 =	vcvt.f32.s32 v3;
	v4 =	vcvt.f32.s32 v4;
	_ =	sdelay $0x1  }
0x128: {  	v3 =	vcvt.s32.f32 v3;
	v4 =	vcvt.s32.f32 v4;
	_ =	sdelay $0x1  }
0x129: {  	v1 =	vsub.f32 v1, v3;
	v2 =	vsub.f32 v2, v4;
	_ =	sdelay $0x1  }
0x12a: {  	v1 =	vmul.f32 v1, v1;
	v2 =	vmul.f32 v2, v2;
	_ =	sdelay $0x1  }
0x12b: {  	v1 =	vadd.f32 v2, v1;
	_ =	sdelay $0x1  }
0x12c: {  	[tilespmem:$0x4400] =	vst v1  }
0x12d: {  	v1 =	vld [tilespmem:s5+$0x4010]  }
0x12e: {  	v2 =	vld [tilespmem:s5+$0x4110];
	_ =	sdelay $0x4  }
0x12f: {  	v3 =	vmax.f32 v1, $0.0e+00;
	v49 =	vmax.f32 v2, $0.0e+00  }
0x130: {  	v3 =	vmin.f32 v3, $6.300000000e+01;
	v4 =	vmin.f32 v49, $6.300000000e+01  }
0x131: {  	v3 =	vadd.f32 $5.000000000e-01, v3;
	v4 =	vadd.f32 $5.000000000e-01, v4;
	_ =	sdelay $0x1  }
0x132: {  	v3 =	vtrunc.f32 v3;
	v4 =	vtrunc.f32 v4  }
0x133: {  	v3 =	vcvt.f32.s32 v3;
	v4 =	vcvt.f32.s32 v4;
	_ =	sdelay $0x1  }
0x134: {  	v3 =	vcvt.s32.f32 v3;
	v4 =	vcvt.s32.f32 v4;
	_ =	sdelay $0x1  }
0x135: {  	v1 =	vsub.f32 v1, v3;
	v2 =	vsub.f32 v2, v4;
	_ =	sdelay $0x1  }
0x136: {  	v1 =	vmul.f32 v1, v1;
	v2 =	vmul.f32 v2, v2;
	_ =	sdelay $0x1  }
0x137: {  	v1 =	vadd.f32 v2, v1;
	_ =	sdelay $0x1  }
0x138: {  	[tilespmem:$0x4410] =	vst v1  }
0x139: {  	v1 =	vld [tilespmem:s5+$0x4020]  }
0x13a: {  	v2 =	vld [tilespmem:s5+$0x4120];
	_ =	sdelay $0x4  }
0x13b: {  	v3 =	vmax.f32 v1, $0.0e+00;
	v50 =	vmax.f32 v2, $0.0e+00  }
0x13c: {  	v3 =	vmin.f32 v3, $6.300000000e+01;
	v4 =	vmin.f32 v50, $6.300000000e+01  }
0x13d: {  	v3 =	vadd.f32 $5.000000000e-01, v3;
	v4 =	vadd.f32 $5.000000000e-01, v4;
	_ =	sdelay $0x1  }
0x13e: {  	v3 =	vtrunc.f32 v3;
	v4 =	vtrunc.f32 v4  }
0x13f: {  	v3 =	vcvt.f32.s32 v3;
	v4 =	vcvt.f32.s32 v4;
	_ =	sdelay $0x1  }
0x140: {  	v3 =	vcvt.s32.f32 v3;
	v4 =	vcvt.s32.f32 v4;
	_ =	sdelay $0x1  }
0x141: {  	v1 =	vsub.f32 v1, v3;
	v2 =	vsub.f32 v2, v4;
	_ =	sdelay $0x1  }
0x142: {  	v1 =	vmul.f32 v1, v1;
	v2 =	vmul.f32 v2, v2;
	_ =	sdelay $0x1  }
0x143: {  	v1 =	vadd.f32 v2, v1;
	_ =	sdelay $0x1  }
0x144: {  	[tilespmem:$0x4420] =	vst v1  }
0x145: {  	v1 =	vld [tilespmem:s5+$0x4030]  }
0x146: {  	v2 =	vld [tilespmem:s5+$0x4130];
	_ =	sdelay $0x4  }
0x147: {  	v3 =	vmax.f32 v1, $0.0e+00;
	v51 =	vmax.f32 v2, $0.0e+00  }
0x148: {  	v3 =	vmin.f32 v3, $6.300000000e+01;
	v4 =	vmin.f32 v51, $6.300000000e+01  }
0x149: {  	v3 =	vadd.f32 $5.000000000e-01, v3;
	v4 =	vadd.f32 $5.000000000e-01, v4;
	_ =	sdelay $0x1  }
0x14a: {  	v3 =	vtrunc.f32 v3;
	v4 =	vtrunc.f32 v4  }
0x14b: {  	v3 =	vcvt.f32.s32 v3;
	v4 =	vcvt.f32.s32 v4;
	_ =	sdelay $0x1  }
0x14c: {  	v3 =	vcvt.s32.f32 v3;
	v4 =	vcvt.s32.f32 v4;
	_ =	sdelay $0x1  }
0x14d: {  	v1 =	vsub.f32 v1, v3;
	v2 =	vsub.f32 v2, v4;
	_ =	sdelay $0x1  }
0x14e: {  	v1 =	vmul.f32 v1, v1;
	v2 =	vmul.f32 v2, v2;
	_ =	sdelay $0x1  }
0x14f: {  	v1 =	vadd.f32 v2, v1;
	_ =	sdelay $0x1  }
0x150: {  	[tilespmem:$0x4430] =	vst v1  }
0x151: {  	v1 =	vld [tilespmem:s5+$0x4040]  }
0x152: {  	v2 =	vld [tilespmem:s5+$0x4140];
	_ =	sdelay $0x4  }
0x153: {  	v3 =	vmax.f32 v1, $0.0e+00;
	v52 =	vmax.f32 v2, $0.0e+00  }
0x154: {  	v3 =	vmin.f32 v3, $6.300000000e+01;
	v4 =	vmin.f32 v52, $6.300000000e+01  }
0x155: {  	v3 =	vadd.f32 $5.000000000e-01, v3;
	v4 =	vadd.f32 $5.000000000e-01, v4;
	_ =	sdelay $0x1  }
0x156: {  	v3 =	vtrunc.f32 v3;
	v4 =	vtrunc.f32 v4  }
0x157: {  	v3 =	vcvt.f32.s32 v3;
	v4 =	vcvt.f32.s32 v4;
	_ =	sdelay $0x1  }
0x158: {  	v3 =	vcvt.s32.f32 v3;
	v4 =	vcvt.s32.f32 v4;
	_ =	sdelay $0x1  }
0x159: {  	v1 =	vsub.f32 v1, v3;
	v2 =	vsub.f32 v2, v4;
	_ =	sdelay $0x1  }
0x15a: {  	v1 =	vmul.f32 v1, v1;
	v2 =	vmul.f32 v2, v2;
	_ =	sdelay $0x1  }
0x15b: {  	v1 =	vadd.f32 v2, v1;
	_ =	sdelay $0x1  }
0x15c: {  	[tilespmem:$0x4440] =	vst v1  }
0x15d: {  	v1 =	vld [tilespmem:s5+$0x4050]  }
0x15e: {  	v2 =	vld [tilespmem:s5+$0x4150];
	_ =	sdelay $0x4  }
0x15f: {  	v3 =	vmax.f32 v1, $0.0e+00;
	v53 =	vmax.f32 v2, $0.0e+00  }
0x160: {  	v3 =	vmin.f32 v3, $6.300000000e+01;
	v4 =	vmin.f32 v53, $6.300000000e+01  }
0x161: {  	v3 =	vadd.f32 $5.000000000e-01, v3;
	v4 =	vadd.f32 $5.000000000e-01, v4;
	_ =	sdelay $0x1  }
0x162: {  	v3 =	vtrunc.f32 v3;
	v4 =	vtrunc.f32 v4  }
0x163: {  	v3 =	vcvt.f32.s32 v3;
	v4 =	vcvt.f32.s32 v4;
	_ =	sdelay $0x1  }
0x164: {  	v3 =	vcvt.s32.f32 v3;
	v4 =	vcvt.s32.f32 v4;
	_ =	sdelay $0x1  }
0x165: {  	v1 =	vsub.f32 v1, v3;
	v2 =	vsub.f32 v2, v4;
	_ =	sdelay $0x1  }
0x166: {  	v1 =	vmul.f32 v1, v1;
	v2 =	vmul.f32 v2, v2;
	_ =	sdelay $0x1  }
0x167: {  	v1 =	vadd.f32 v2, v1;
	_ =	sdelay $0x1  }
0x168: {  	[tilespmem:$0x4450] =	vst v1  }
0x169: {  	v1 =	vld [tilespmem:s5+$0x4060]  }
0x16a: {  	v2 =	vld [tilespmem:s5+$0x4160];
	_ =	sdelay $0x4  }
0x16b: {  	v3 =	vmax.f32 v1, $0.0e+00;
	v54 =	vmax.f32 v2, $0.0e+00  }
0x16c: {  	v3 =	vmin.f32 v3, $6.300000000e+01;
	v4 =	vmin.f32 v54, $6.300000000e+01  }
0x16d: {  	v3 =	vadd.f32 $5.000000000e-01, v3;
	v4 =	vadd.f32 $5.000000000e-01, v4;
	_ =	sdelay $0x1  }
0x16e: {  	v3 =	vtrunc.f32 v3;
	v4 =	vtrunc.f32 v4  }
0x16f: {  	v3 =	vcvt.f32.s32 v3;
	v4 =	vcvt.f32.s32 v4;
	_ =	sdelay $0x1  }
0x170: {  	v3 =	vcvt.s32.f32 v3;
	v4 =	vcvt.s32.f32 v4;
	_ =	sdelay $0x1  }
0x171: {  	v1 =	vsub.f32 v1, v3;
	v2 =	vsub.f32 v2, v4;
	_ =	sdelay $0x1  }
0x172: {  	v1 =	vmul.f32 v1, v1;
	v2 =	vmul.f32 v2, v2;
	_ =	sdelay $0x1  }
0x173: {  	v1 =	vadd.f32 v2, v1;
	_ =	sdelay $0x1  }
0x174: {  	[tilespmem:$0x4460] =	vst v1  }
0x175: {  	v1 =	vld [tilespmem:s5+$0x4070]  }
0x176: {  	v2 =	vld [tilespmem:s5+$0x4170];
	_ =	sdelay $0x4  }
0x177: {  	v3 =	vmax.f32 v1, $0.0e+00;
	v55 =	vmax.f32 v2, $0.0e+00  }
0x178: {  	v3 =	vmin.f32 v3, $6.300000000e+01;
	v4 =	vmin.f32 v55, $6.300000000e+01  }
0x179: {  	v3 =	vadd.f32 $5.000000000e-01, v3;
	v4 =	vadd.f32 $5.000000000e-01, v4;
	_ =	sdelay $0x1  }
0x17a: {  	v3 =	vtrunc.f32 v3;
	v4 =	vtrunc.f32 v4  }
0x17b: {  	v3 =	vcvt.f32.s32 v3;
	v4 =	vcvt.f32.s32 v4;
	_ =	sdelay $0x1  }
0x17c: {  	v3 =	vcvt.s32.f32 v3;
	v4 =	vcvt.s32.f32 v4;
	_ =	sdelay $0x1  }
0x17d: {  	v1 =	vsub.f32 v1, v3;
	v2 =	vsub.f32 v2, v4;
	_ =	sdelay $0x1  }
0x17e: {  	v1 =	vmul.f32 v1, v1;
	v2 =	vmul.f32 v2, v2;
	_ =	sdelay $0x1  }
0x17f: {  	v1 =	vadd.f32 v2, v1;
	_ =	sdelay $0x1  }
0x180: {  	[tilespmem:$0x4470] =	vst v1  }
0x181: {  	v1 =	vld [tilespmem:s5+$0x4080]  }
0x182: {  	v2 =	vld [tilespmem:s5+$0x4180];
	_ =	sdelay $0x4  }
0x183: {  	v3 =	vmax.f32 v1, $0.0e+00;
	v56 =	vmax.f32 v2, $0.0e+00  }
0x184: {  	v3 =	vmin.f32 v3, $6.300000000e+01;
	v4 =	vmin.f32 v56, $6.300000000e+01  }
0x185: {  	v3 =	vadd.f32 $5.000000000e-01, v3;
	v4 =	vadd.f32 $5.000000000e-01, v4;
	_ =	sdelay $0x1  }
0x186: {  	v3 =	vtrunc.f32 v3;
	v4 =	vtrunc.f32 v4  }
0x187: {  	v3 =	vcvt.f32.s32 v3;
	v4 =	vcvt.f32.s32 v4;
	_ =	sdelay $0x1  }
0x188: {  	v3 =	vcvt.s32.f32 v3;
	v4 =	vcvt.s32.f32 v4;
	_ =	sdelay $0x1  }
0x189: {  	v1 =	vsub.f32 v1, v3;
	v2 =	vsub.f32 v2, v4;
	_ =	sdelay $0x1  }
0x18a: {  	v1 =	vmul.f32 v1, v1;
	v2 =	vmul.f32 v2, v2;
	_ =	sdelay $0x1  }
0x18b: {  	v1 =	vadd.f32 v2, v1;
	_ =	sdelay $0x1  }
0x18c: {  	[tilespmem:$0x4480] =	vst v1  }
0x18d: {  	v1 =	vld [tilespmem:s5+$0x4090]  }
0x18e: {  	v2 =	vld [tilespmem:s5+$0x4190];
	_ =	sdelay $0x4  }
0x18f: {  	v3 =	vmax.f32 v1, $0.0e+00;
	v57 =	vmax.f32 v2, $0.0e+00  }
0x190: {  	v3 =	vmin.f32 v3, $6.300000000e+01;
	v4 =	vmin.f32 v57, $6.300000000e+01  }
0x191: {  	v3 =	vadd.f32 $5.000000000e-01, v3;
	v4 =	vadd.f32 $5.000000000e-01, v4;
	_ =	sdelay $0x1  }
0x192: {  	v3 =	vtrunc.f32 v3;
	v4 =	vtrunc.f32 v4  }
0x193: {  	v3 =	vcvt.f32.s32 v3;
	v4 =	vcvt.f32.s32 v4;
	_ =	sdelay $0x1  }
0x194: {  	v3 =	vcvt.s32.f32 v3;
	v4 =	vcvt.s32.f32 v4;
	_ =	sdelay $0x1  }
0x195: {  	v1 =	vsub.f32 v1, v3;
	v2 =	vsub.f32 v2, v4;
	_ =	sdelay $0x1  }
0x196: {  	v1 =	vmul.f32 v1, v1;
	v2 =	vmul.f32 v2, v2;
	_ =	sdelay $0x1  }
0x197: {  	v1 =	vadd.f32 v2, v1;
	_ =	sdelay $0x1  }
0x198: {  	[tilespmem:$0x4490] =	vst v1  }
0x199: {  	v1 =	vld [tilespmem:s5+$0x40A0]  }
0x19a: {  	v2 =	vld [tilespmem:s5+$0x41A0];
	_ =	sdelay $0x4  }
0x19b: {  	v3 =	vmax.f32 v1, $0.0e+00;
	v58 =	vmax.f32 v2, $0.0e+00  }
0x19c: {  	v3 =	vmin.f32 v3, $6.300000000e+01;
	v4 =	vmin.f32 v58, $6.300000000e+01  }
0x19d: {  	v3 =	vadd.f32 $5.000000000e-01, v3;
	v4 =	vadd.f32 $5.000000000e-01, v4;
	_ =	sdelay $0x1  }
0x19e: {  	v3 =	vtrunc.f32 v3;
	v4 =	vtrunc.f32 v4  }
0x19f: {  	v3 =	vcvt.f32.s32 v3;
	v4 =	vcvt.f32.s32 v4;
	_ =	sdelay $0x1  }
0x1a0: {  	v3 =	vcvt.s32.f32 v3;
	v4 =	vcvt.s32.f32 v4;
	_ =	sdelay $0x1  }
0x1a1: {  	v1 =	vsub.f32 v1, v3;
	v2 =	vsub.f32 v2, v4;
	_ =	sdelay $0x1  }
0x1a2: {  	v1 =	vmul.f32 v1, v1;
	v2 =	vmul.f32 v2, v2;
	_ =	sdelay $0x1  }
0x1a3: {  	v1 =	vadd.f32 v2, v1;
	_ =	sdelay $0x1  }
0x1a4: {  	[tilespmem:$0x44A0] =	vst v1  }
0x1a5: {  	v1 =	vld [tilespmem:s5+$0x40B0]  }
0x1a6: {  	v2 =	vld [tilespmem:s5+$0x41B0];
	_ =	sdelay $0x4  }
0x1a7: {  	v3 =	vmax.f32 v1, $0.0e+00;
	v59 =	vmax.f32 v2, $0.0e+00  }
0x1a8: {  	v3 =	vmin.f32 v3, $6.300000000e+01;
	v4 =	vmin.f32 v59, $6.300000000e+01  }
0x1a9: {  	v3 =	vadd.f32 $5.000000000e-01, v3;
	v4 =	vadd.f32 $5.000000000e-01, v4;
	_ =	sdelay $0x1  }
0x1aa: {  	v3 =	vtrunc.f32 v3;
	v4 =	vtrunc.f32 v4  }
0x1ab: {  	v3 =	vcvt.f32.s32 v3;
	v4 =	vcvt.f32.s32 v4;
	_ =	sdelay $0x1  }
0x1ac: {  	v3 =	vcvt.s32.f32 v3;
	v4 =	vcvt.s32.f32 v4;
	_ =	sdelay $0x1  }
0x1ad: {  	v1 =	vsub.f32 v1, v3;
	v2 =	vsub.f32 v2, v4;
	_ =	sdelay $0x1  }
0x1ae: {  	v1 =	vmul.f32 v1, v1;
	v2 =	vmul.f32 v2, v2;
	_ =	sdelay $0x1  }
0x1af: {  	v1 =	vadd.f32 v2, v1;
	_ =	sdelay $0x1  }
0x1b0: {  	[tilespmem:$0x44B0] =	vst v1  }
0x1b1: {  	v1 =	vld [tilespmem:s5+$0x40C0]  }
0x1b2: {  	v2 =	vld [tilespmem:s5+$0x41C0];
	_ =	sdelay $0x4  }
0x1b3: {  	v3 =	vmax.f32 v1, $0.0e+00;
	v60 =	vmax.f32 v2, $0.0e+00  }
0x1b4: {  	v3 =	vmin.f32 v3, $6.300000000e+01;
	v4 =	vmin.f32 v60, $6.300000000e+01  }
0x1b5: {  	v3 =	vadd.f32 $5.000000000e-01, v3;
	v4 =	vadd.f32 $5.000000000e-01, v4;
	_ =	sdelay $0x1  }
0x1b6: {  	v3 =	vtrunc.f32 v3;
	v4 =	vtrunc.f32 v4  }
0x1b7: {  	v3 =	vcvt.f32.s32 v3;
	v4 =	vcvt.f32.s32 v4;
	_ =	sdelay $0x1  }
0x1b8: {  	v3 =	vcvt.s32.f32 v3;
	v4 =	vcvt.s32.f32 v4;
	_ =	sdelay $0x1  }
0x1b9: {  	v1 =	vsub.f32 v1, v3;
	v2 =	vsub.f32 v2, v4;
	_ =	sdelay $0x1  }
0x1ba: {  	v1 =	vmul.f32 v1, v1;
	v2 =	vmul.f32 v2, v2;
	_ =	sdelay $0x1  }
0x1bb: {  	v1 =	vadd.f32 v2, v1;
	_ =	sdelay $0x1  }
0x1bc: {  	[tilespmem:$0x44C0] =	vst v1  }
0x1bd: {  	v1 =	vld [tilespmem:s5+$0x40D0]  }
0x1be: {  	v2 =	vld [tilespmem:s5+$0x41D0];
	_ =	sdelay $0x4  }
0x1bf: {  	v3 =	vmax.f32 v1, $0.0e+00;
	v61 =	vmax.f32 v2, $0.0e+00  }
0x1c0: {  	v3 =	vmin.f32 v3, $6.300000000e+01;
	v4 =	vmin.f32 v61, $6.300000000e+01  }
0x1c1: {  	v3 =	vadd.f32 $5.000000000e-01, v3;
	v4 =	vadd.f32 $5.000000000e-01, v4;
	_ =	sdelay $0x1  }
0x1c2: {  	v3 =	vtrunc.f32 v3;
	v4 =	vtrunc.f32 v4  }
0x1c3: {  	v3 =	vcvt.f32.s32 v3;
	v4 =	vcvt.f32.s32 v4;
	_ =	sdelay $0x1  }
0x1c4: {  	v3 =	vcvt.s32.f32 v3;
	v4 =	vcvt.s32.f32 v4;
	_ =	sdelay $0x1  }
0x1c5: {  	v1 =	vsub.f32 v1, v3;
	v2 =	vsub.f32 v2, v4;
	_ =	sdelay $0x1  }
0x1c6: {  	v1 =	vmul.f32 v1, v1;
	v2 =	vmul.f32 v2, v2;
	_ =	sdelay $0x1  }
0x1c7: {  	v1 =	vadd.f32 v2, v1;
	_ =	sdelay $0x1  }
0x1c8: {  	[tilespmem:$0x44D0] =	vst v1  }
0x1c9: {  	v1 =	vld [tilespmem:s5+$0x40E0]  }
0x1ca: {  	v2 =	vld [tilespmem:s5+$0x41E0];
	_ =	sdelay $0x4  }
0x1cb: {  	v3 =	vmax.f32 v1, $0.0e+00;
	v62 =	vmax.f32 v2, $0.0e+00  }
0x1cc: {  	v3 =	vmin.f32 v3, $6.300000000e+01;
	v4 =	vmin.f32 v62, $6.300000000e+01  }
0x1cd: {  	v3 =	vadd.f32 $5.000000000e-01, v3;
	v4 =	vadd.f32 $5.000000000e-01, v4;
	_ =	sdelay $0x1  }
0x1ce: {  	v3 =	vtrunc.f32 v3;
	v4 =	vtrunc.f32 v4  }
0x1cf: {  	v3 =	vcvt.f32.s32 v3;
	v4 =	vcvt.f32.s32 v4;
	_ =	sdelay $0x1  }
0x1d0: {  	v3 =	vcvt.s32.f32 v3;
	v4 =	vcvt.s32.f32 v4;
	_ =	sdelay $0x1  }
0x1d1: {  	v1 =	vsub.f32 v1, v3;
	v2 =	vsub.f32 v2, v4;
	_ =	sdelay $0x1  }
0x1d2: {  	v1 =	vmul.f32 v1, v1;
	v2 =	vmul.f32 v2, v2;
	_ =	sdelay $0x1  }
0x1d3: {  	v1 =	vadd.f32 v2, v1;
	_ =	sdelay $0x1  }
0x1d4: {  	[tilespmem:$0x44E0] =	vst v1  }
0x1d5: {  	v1 =	vld [tilespmem:s5+$0x40F0]  }
0x1d6: {  	v2 =	vld [tilespmem:s5+$0x41F0];
	_ =	sdelay $0x4  }
0x1d7: {  	v3 =	vmax.f32 v1, $0.0e+00;
	v63 =	vmax.f32 v2, $0.0e+00  }
0x1d8: {  	v3 =	vmin.f32 v3, $6.300000000e+01;
	v4 =	vmin.f32 v63, $6.300000000e+01  }
0x1d9: {  	v3 =	vadd.f32 $5.000000000e-01, v3;
	v4 =	vadd.f32 $5.000000000e-01, v4;
	_ =	sdelay $0x1  }
0x1da: {  	v3 =	vtrunc.f32 v3;
	v4 =	vtrunc.f32 v4  }
0x1db: {  	v3 =	vcvt.f32.s32 v3;
	v4 =	vcvt.f32.s32 v4;
	_ =	sdelay $0x1  }
0x1dc: {  	v3 =	vcvt.s32.f32 v3;
	v4 =	vcvt.s32.f32 v4;
	_ =	sdelay $0x1  }
0x1dd: {  	v1 =	vsub.f32 v1, v3;
	v2 =	vsub.f32 v2, v4;
	_ =	sdelay $0x1  }
0x1de: {  	v1 =	vmul.f32 v1, v1;
	v2 =	vmul.f32 v2, v2;
	_ =	sdelay $0x1  }
0x1df: {  	v1 =	vadd.f32 v2, v1;
	_ =	sdelay $0x1  }
0x1e0: {  	[tilespmem:$0x44F0] =	vst v1  }
.LBB2_15:
0x1e1: {  	s0 =	simm.s32 $0x80;
	s8 =	simm.s32 $0x400  }
0x1e2: {  	[hbm4b:s7+s0] =	stream.strided.scatter [tilespmem:s15], [sflag:$0x4], $0x100, s8, s0, $0x38;
	[tilespmem:$0x4500] =	vst v63  }
0x1e3: {  	_ =	swait.ge [sflag:s16], $0x100  }
0x1e4: {  	s31 =	sld [smem:$0x7FD];
	_ =	sdelay $0x2  }
0x1e5: {  	p0 =	seq.s32 s31, $0x1  }
.Ltmp4:
0x1e6: {  	_ = 	snop;
	(pc) =	sbr.rel @p0 .LBB2_31-.Ltmp4, $3  }
0x1e7: {  	_ =	sdelay $0x1  }
0x1e8: {  	[sflag:s16] =	ssyncset.done $0x0  }
0x1e9: {  	[sflag:s16] =	ssyncadd.s32 $0xFFFFFF00  }
0x1ea: {  	s0 =	simm.s32 $0x3  }
0x1eb: {  	_ =	swait.ge [sflag:s0], $0x2000  }
0x1ec: {  	[sflag:s0] =	ssyncset.done $0x0  }
0x1ed: {  	s31 =	simm.s32 $0x0;
	[sflag:s0] =	ssyncadd.s32 $0xFFFFE000  }
0x1ee: {  	v1 =	vld [tilespmem:s31+$0x2000]  }
0x1ef: {  	v2 =	vld [tilespmem:s31+$0x2010]  }
0x1f0: {  	v3 =	vld [tilespmem:s31+$0x2020]  }
0x1f1: {  	v4 =	vld [tilespmem:s31+$0x2030]  }
0x1f2: {  	v5 =	vld [tilespmem:s31+$0x2080]  }
0x1f3: {  	v6 =	vimm.f32 $1.000000020e+30;
	v7 =	vld [tilespmem:s31+$0x2090];
	v1 =	vand.u32 $0x7FFFFFFF, v1  }
0x1f4: {  	v2 =	vand.u32 $0x7FFFFFFF, v2;
	v1 =	vmin.f32 v6, v1;
	v6 =	vld [tilespmem:s31+$0x20A0]  }
0x1f5: {  	v1 =	vmin.f32 v1, v2;
	v2 =	vand.u32 $0x7FFFFFFF, v3;
	v3 =	vld [tilespmem:s31+$0x20B0]  }
0x1f6: {  	v1 =	vmin.f32 v1, v2;
	v2 =	vand.u32 $0x7FFFFFFF, v4;
	v4 =	vld [tilespmem:s31+$0x2100]  }
0x1f7: {  	v1 =	vmin.f32 v1, v2;
	v2 =	vand.u32 $0x7FFFFFFF, v5;
	v5 =	vld [tilespmem:s31+$0x2110]  }
0x1f8: {  	v1 =	vmin.f32 v1, v2;
	v2 =	vand.u32 $0x7FFFFFFF, v7;
	v7 =	vld [tilespmem:s31+$0x2120]  }
0x1f9: {  	v2 =	vmin.f32 v1, v2;
	v6 =	vand.u32 $0x7FFFFFFF, v6;
	v1 =	vld [tilespmem:s31+$0x2130]  }
0x1fa: {  	v6 =	vmin.f32 v2, v6;
	v3 =	vand.u32 $0x7FFFFFFF, v3;
	v2 =	vld [tilespmem:s31+$0x2180]  }
0x1fb: {  	v6 =	vmin.f32 v6, v3;
	v4 =	vand.u32 $0x7FFFFFFF, v4;
	v3 =	vld [tilespmem:s31+$0x2190]  }
0x1fc: {  	v6 =	vmin.f32 v6, v4;
	v5 =	vand.u32 $0x7FFFFFFF, v5;
	v4 =	vld [tilespmem:s31+$0x21A0]  }
0x1fd: {  	s19 =	simm.s32 $0x200;
	s20 =	simm.s32 $0x1000;
	v6 =	vmin.f32 v6, v5;
	v7 =	vand.u32 $0x7FFFFFFF, v7;
	v5 =	vld [tilespmem:s31+$0x21B0]  }
.LBB2_17:
0x1fe: {  	p0 =	sne.s32 s20, $0x7800;
	v8 =	vld [tilespmem:s19+$0x2000];
	v6 =	vmin.f32 v6, v7;
	v1 =	vand.u32 $0x7FFFFFFF, v1  }
0x1ff: {  	v7 =	vld [tilespmem:s19+$0x2010];
	v1 =	vmin.f32 v6, v1;
	v2 =	vand.u32 $0x7FFFFFFF, v2  }
0x200: {  	v6 =	vld [tilespmem:s19+$0x2020];
	v1 =	vmin.f32 v1, v2;
	v2 =	vand.u32 $0x7FFFFFFF, v3  }
0x201: {  	v3 =	vld [tilespmem:s19+$0x2030];
	v1 =	vmin.f32 v1, v2;
	v2 =	vand.u32 $0x7FFFFFFF, v4  }
0x202: {  	v4 =	vld [tilespmem:s19+$0x2080];
	v1 =	vmin.f32 v1, v2;
	v2 =	vand.u32 $0x7FFFFFFF, v5  }
0x203: {  	v5 =	vand.u32 $0x7FFFFFFF, v8;
	v8 =	vld [tilespmem:s19+$0x2090];
	v1 =	vmin.f32 v1, v2  }
0x204: {  	v1 =	vmin.f32 v1, v5;
	v2 =	vand.u32 $0x7FFFFFFF, v7;
	v5 =	vld [tilespmem:s19+$0x20A0]  }
0x205: {  	v1 =	vmin.f32 v1, v2;
	v2 =	vand.u32 $0x7FFFFFFF, v6;
	v6 =	vld [tilespmem:s19+$0x20B0]  }
0x206: {  	v1 =	vmin.f32 v1, v2;
	v2 =	vand.u32 $0x7FFFFFFF, v3;
	v3 =	vld [tilespmem:s19+$0x2100]  }
0x207: {  	v1 =	vmin.f32 v1, v2;
	v2 =	vand.u32 $0x7FFFFFFF, v4;
	v4 =	vld [tilespmem:s19+$0x2110]  }
0x208: {  	v1 =	vmin.f32 v1, v2;
	v2 =	vand.u32 $0x7FFFFFFF, v8;
	v7 =	vld [tilespmem:s19+$0x2120]  }
.Ltmp5:
0x209: {  	v2 =	vmin.f32 v1, v2;
	v5 =	vand.u32 $0x7FFFFFFF, v5;
	v1 =	vld [tilespmem:s19+$0x2130];
	(pc) =	sbr.rel @p0 .LBB2_17-.Ltmp5, $4  }
0x20a: {  	v5 =	vmin.f32 v2, v5;
	v6 =	vand.u32 $0x7FFFFFFF, v6;
	v2 =	vld [tilespmem:s19+$0x2180]  }
0x20b: {  	v5 =	vmin.f32 v5, v6;
	v6 =	vand.u32 $0x7FFFFFFF, v3;
	v3 =	vld [tilespmem:s19+$0x2190]  }
0x20c: {  	v5 =	vmin.f32 v5, v6;
	v6 =	vand.u32 $0x7FFFFFFF, v4;
	v4 =	vld [tilespmem:s19+$0x21A0]  }
0x20d: {  	v6 =	vmin.f32 v5, v6;
	v7 =	vand.u32 $0x7FFFFFFF, v7;
	v5 =	vld [tilespmem:s19+$0x21B0];
	s19 =	sshra.s32 s20, $0x2;
	s20 =	sadd.s32 $0x800, s20  }
0x20e: {  	v8 =	vld [tilespmem:s19+$0x2000];
	v6 =	vmin.f32 v6, v7;
	v1 =	vand.u32 $0x7FFFFFFF, v1  }
0x20f: {  	v51 =	vld [tilespmem:s19+$0x2010];
	v1 =	vmin.f32 v6, v1;
	v2 =	vand.u32 $0x7FFFFFFF, v2  }
0x210: {  	v52 =	vld [tilespmem:s19+$0x2020];
	v1 =	vmin.f32 v1, v2;
	v2 =	vand.u32 $0x7FFFFFFF, v3  }
0x211: {  	v3 =	vld [tilespmem:s19+$0x2030];
	v1 =	vmin.f32 v1, v2;
	v2 =	vand.u32 $0x7FFFFFFF, v4  }
0x212: {  	v53 =	vld [tilespmem:s19+$0x2080];
	v1 =	vmin.f32 v1, v2;
	v2 =	vand.u32 $0x7FFFFFFF, v5  }
0x213: {  	v55 =	vld [tilespmem:s19+$0x2090];
	v54 =	vand.u32 $0x7FFFFFFF, v8;
	v1 =	vmin.f32 v1, v2  }
0x214: {  	v56 =	vld [tilespmem:s19+$0x20A0];
	v2 =	vand.u32 $0x7FFFFFFF, v51;
	v1 =	vmin.f32 v1, v54  }
0x215: {  	v57 =	vld [tilespmem:s19+$0x20B0];
	v1 =	vmin.f32 v1, v2;
	v2 =	vand.u32 $0x7FFFFFFF, v52  }
0x216: {  	v1 =	vmin.f32 v1, v2;
	v2 =	vand.u32 $0x7FFFFFFF, v3;
	v3 =	vld [tilespmem:s19+$0x2100]  }
0x217: {  	v58 =	vld [tilespmem:s19+$0x2110];
	v1 =	vmin.f32 v1, v2;
	v2 =	vand.u32 $0x7FFFFFFF, v53  }
0x218: {  	v59 =	vld [tilespmem:s19+$0x2120];
	v1 =	vmin.f32 v1, v2;
	v2 =	vand.u32 $0x7FFFFFFF, v55  }
0x219: {  	v60 =	vld [tilespmem:s19+$0x2130];
	v1 =	vmin.f32 v1, v2;
	v2 =	vand.u32 $0x7FFFFFFF, v56  }
0x21a: {  	v61 =	vld [tilespmem:s19+$0x2180];
	v1 =	vmin.f32 v1, v2;
	v2 =	vand.u32 $0x7FFFFFFF, v57  }
0x21b: {  	v1 =	vmin.f32 v1, v2;
	v2 =	vand.u32 $0x7FFFFFFF, v3;
	v3 =	vld [tilespmem:s19+$0x2190]  }
0x21c: {  	v62 =	vld [tilespmem:s19+$0x21A0];
	v1 =	vmin.f32 v1, v2;
	v2 =	vand.u32 $0x7FFFFFFF, v58  }
0x21d: {  	v63 =	vld [tilespmem:s19+$0x21B0];
	v1 =	vmin.f32 v1, v2;
	v2 =	vand.u32 $0x7FFFFFFF, v59  }
0x21e: {  	v1 =	vmin.f32 v1, v2;
	v2 =	vand.u32 $0x7FFFFFFF, v60  }
0x21f: {  	v1 =	vmin.f32 v1, v2;
	v2 =	vand.u32 $0x7FFFFFFF, v61  }
0x220: {  	v1 =	vmin.f32 v1, v2;
	v2 =	vand.u32 $0x7FFFFFFF, v3  }
0x221: {  	v1 =	vmin.f32 v1, v2;
	v2 =	vand.u32 $0x7FFFFFFF, v62  }
0x222: {  	v1 =	vmin.f32 v1, v2;
	v2 =	vand.u32 $0x7FFFFFFF, v63  }
0x223: {  	v1 =	vmin.f32 v1, v2  }
0x224: {  	(v2sf) =	vpush v1, $0x0;
	_ =	sdelay $0x3  }
0x225: {  	(v2sf) =	vpush v1, $0x1;
	_ =	sdelay $0x4  }
0x226: {  	(v2sf) =	vpush v1, $0x2;
	_ =	sdelay $0x4  }
0x227: {  	(v2sf) =	vpush v1, $0x3  }
0x228: {  	s0 =	spop (v2sf)  }
0x229: {  	p0 =	slt.f32 s0, $0.0e+00;
	p1 =	sgt.f32 s0, $0.0e+00  }
0x22a: {  	_ = 	snop  }
0x22b: {  	p0 =	por p1, p0  }
0x22c: {  	(v2sf) =	vpush v1, $0x4;
	s0 =	spop (v2sf);
	p0 =	por !p0, !p0  }
0x22d: {  	p1 =	slt.f32 @!p0 s0, $0.0e+00;
	p2 =	sgt.f32 @!p0 s0, $0.0e+00  }
0x22e: {  	_ = 	snop  }
0x22f: {  	p1 =	por @!p0 p2, p1  }
0x230: {  	p1 =	por @!p0 !p1, !p1  }
0x231: {  	(v2sf) =	vpush v1, $0x5;
	s0 =	spop (v2sf);
	p0 =	por p0, p1  }
0x232: {  	p1 =	slt.f32 @!p0 s0, $0.0e+00;
	p2 =	sgt.f32 @!p0 s0, $0.0e+00  }
0x233: {  	_ = 	snop  }
0x234: {  	p1 =	por @!p0 p2, p1  }
0x235: {  	p1 =	por @!p0 !p1, !p1  }
0x236: {  	(v2sf) =	vpush v1, $0x6;
	s0 =	spop (v2sf);
	p0 =	por p0, p1  }
0x237: {  	p1 =	slt.f32 @!p0 s0, $0.0e+00;
	p2 =	sgt.f32 @!p0 s0, $0.0e+00  }
0x238: {  	_ = 	snop  }
0x239: {  	p1 =	por @!p0 p2, p1  }
0x23a: {  	p1 =	por @!p0 !p1, !p1  }
0x23b: {  	s0 =	spop (v2sf);
	(v2sf) =	vpush v1, $0x7;
	p0 =	por p0, p1  }
0x23c: {  	p1 =	slt.f32 @!p0 s0, $0.0e+00;
	p2 =	sgt.f32 @!p0 s0, $0.0e+00  }
0x23d: {  	_ = 	snop  }
0x23e: {  	p1 =	por @!p0 p2, p1  }
0x23f: {  	p1 =	por @!p0 !p1, !p1  }
0x240: {  	s0 =	spop (v2sf);
	(v2sf) =	vpush v1, $0x8;
	p0 =	por p0, p1  }
0x241: {  	p1 =	slt.f32 @!p0 s0, $0.0e+00;
	p2 =	sgt.f32 @!p0 s0, $0.0e+00  }
0x242: {  	_ = 	snop  }
0x243: {  	p1 =	por @!p0 p2, p1  }
0x244: {  	p1 =	por @!p0 !p1, !p1  }
0x245: {  	s0 =	spop (v2sf);
	(v2sf) =	vpush v1, $0x9;
	p0 =	por p0, p1  }
0x246: {  	p1 =	slt.f32 @!p0 s0, $0.0e+00;
	p2 =	sgt.f32 @!p0 s0, $0.0e+00  }
0x247: {  	_ = 	snop  }
0x248: {  	p1 =	por @!p0 p2, p1  }
0x249: {  	p1 =	por @!p0 !p1, !p1  }
0x24a: {  	s0 =	spop (v2sf);
	(v2sf) =	vpush v1, $0xA;
	p0 =	por p0, p1  }
0x24b: {  	p1 =	slt.f32 @!p0 s0, $0.0e+00;
	p2 =	sgt.f32 @!p0 s0, $0.0e+00  }
0x24c: {  	_ = 	snop  }
0x24d: {  	p1 =	por @!p0 p2, p1  }
0x24e: {  	p1 =	por @!p0 !p1, !p1  }
0x24f: {  	s0 =	spop (v2sf);
	(v2sf) =	vpush v1, $0xB;
	p0 =	por p0, p1  }
0x250: {  	p1 =	slt.f32 @!p0 s0, $0.0e+00;
	p2 =	sgt.f32 @!p0 s0, $0.0e+00  }
0x251: {  	_ = 	snop  }
0x252: {  	p1 =	por @!p0 p2, p1  }
0x253: {  	p1 =	por @!p0 !p1, !p1  }
0x254: {  	s0 =	spop (v2sf);
	(v2sf) =	vpush v1, $0xC;
	p0 =	por p0, p1  }
0x255: {  	p1 =	slt.f32 @!p0 s0, $0.0e+00;
	p2 =	sgt.f32 @!p0 s0, $0.0e+00  }
0x256: {  	_ = 	snop  }
0x257: {  	p1 =	por @!p0 p2, p1  }
0x258: {  	p1 =	por @!p0 !p1, !p1  }
0x259: {  	s0 =	spop (v2sf);
	(v2sf) =	vpush v1, $0xD;
	p0 =	por p0, p1  }
0x25a: {  	p1 =	slt.f32 @!p0 s0, $0.0e+00;
	p2 =	sgt.f32 @!p0 s0, $0.0e+00  }
0x25b: {  	_ = 	snop  }
0x25c: {  	p1 =	por @!p0 p2, p1  }
0x25d: {  	p1 =	por @!p0 !p1, !p1  }
0x25e: {  	s0 =	spop (v2sf);
	(v2sf) =	vpush v1, $0xE;
	p0 =	por p0, p1  }
0x25f: {  	p1 =	slt.f32 @!p0 s0, $0.0e+00;
	p2 =	sgt.f32 @!p0 s0, $0.0e+00  }
0x260: {  	_ = 	snop  }
0x261: {  	p1 =	por @!p0 p2, p1  }
0x262: {  	p1 =	por @!p0 !p1, !p1  }
0x263: {  	s0 =	spop (v2sf);
	(v2sf) =	vpush v1, $0xF;
	p0 =	por p0, p1  }
0x264: {  	p1 =	slt.f32 @!p0 s0, $0.0e+00;
	p2 =	sgt.f32 @!p0 s0, $0.0e+00  }
0x265: {  	_ = 	snop  }
0x266: {  	p1 =	por @!p0 p2, p1  }
0x267: {  	p1 =	por @!p0 !p1, !p1  }
0x268: {  	s0 =	spop (v2sf);
	p0 =	por p0, p1  }
0x269: {  	p1 =	slt.f32 @!p0 s0, $0.0e+00;
	p2 =	sgt.f32 @!p0 s0, $0.0e+00  }
0x26a: {  	_ = 	snop  }
0x26b: {  	p1 =	por @!p0 p2, p1  }
0x26c: {  	p1 =	por @!p0 !p1, !p1  }
0x26d: {  	s0 =	spop (v2sf);
	p0 =	por p0, p1  }
0x26e: {  	p1 =	slt.f32 @!p0 s0, $0.0e+00;
	p2 =	sgt.f32 @!p0 s0, $0.0e+00  }
0x26f: {  	_ = 	snop  }
0x270: {  	p1 =	por @!p0 p2, p1  }
0x271: {  	p1 =	por @!p0 !p1, !p1  }
0x272: {  	s0 =	spop (v2sf);
	p0 =	por p0, p1  }
0x273: {  	p1 =	slt.f32 @!p0 s0, $0.0e+00;
	p2 =	sgt.f32 @!p0 s0, $0.0e+00  }
0x274: {  	_ = 	snop  }
0x275: {  	p1 =	por @!p0 p2, p1  }
0x276: {  	p1 =	por @!p0 !p1, !p1  }
0x277: {  	p0 =	por p0, p1  }
.Ltmp6:
0x278: {  	_ = 	snop;
	(pc) =	sbr.rel @!p0 .LBB2_19-.Ltmp6, $1  }
0x279: {  	_ =	sdelay $0x3  }
0x27a: {  	[tilespmem:$0x4400] =	vst v0  }
0x27b: {  	[tilespmem:$0x4410] =	vst v0  }
0x27c: {  	[tilespmem:$0x4420] =	vst v0  }
0x27d: {  	[tilespmem:$0x4430] =	vst v0  }
0x27e: {  	[tilespmem:$0x4440] =	vst v0  }
0x27f: {  	[tilespmem:$0x4450] =	vst v0  }
0x280: {  	[tilespmem:$0x4460] =	vst v0  }
0x281: {  	[tilespmem:$0x4470] =	vst v0  }
0x282: {  	[tilespmem:$0x4480] =	vst v0  }
0x283: {  	[tilespmem:$0x4490] =	vst v0  }
0x284: {  	[tilespmem:$0x44A0] =	vst v0  }
0x285: {  	[tilespmem:$0x44B0] =	vst v0  }
0x286: {  	[tilespmem:$0x44C0] =	vst v0  }
0x287: {  	[tilespmem:$0x44D0] =	vst v0  }
0x288: {  	[tilespmem:$0x44E0] =	vst v0  }
0x289: {  	[tilespmem:$0x44F0] =	vst v0;
	s19 =	simm.s32 $0x0  }
.LBB2_21:
0x28a: {  	s0 =	sshll.u32 s19, $0x8  }
0x28b: {  	s22 =	sand.u32 $0x3FFFFF00, s0  }
0x28c: {  	v1 =	vld [tilespmem:s22+$0x2000]  }
0x28d: {  	v2 =	vld [tilespmem:s22+$0x2010]  }
0x28e: {  	v3 =	vld [tilespmem:s22+$0x2020]  }
0x28f: {  	v4 =	vld [tilespmem:s22+$0x2030]  }
0x290: {  	v5 =	vld [tilespmem:s22+$0x2080]  }
0x291: {  	v6 =	vld [tilespmem:s22+$0x2090]  }
0x292: {  	v7 =	vld [tilespmem:s22+$0x20A0];
	v1 =	vand.u32 $0x7FFFFFFF, v1;
	v2 =	vand.u32 $0x7FFFFFFF, v2  }
0x293: {  	v1 =	vmin.f32 v1, v2;
	v2 =	vand.u32 $0x7FFFFFFF, v3;
	v3 =	vld [tilespmem:s22+$0x20B0]  }
0x294: {  	v1 =	vmin.f32 v1, v2;
	v2 =	vand.u32 $0x7FFFFFFF, v4  }
0x295: {  	v1 =	vmin.f32 v1, v2;
	v2 =	vand.u32 $0x7FFFFFFF, v5  }
0x296: {  	v1 =	vmin.f32 v1, v2;
	v2 =	vand.u32 $0x7FFFFFFF, v6  }
0x297: {  	v1 =	vmin.f32 v1, v2;
	v2 =	vand.u32 $0x7FFFFFFF, v7  }
0x298: {  	v1 =	vmin.f32 v1, v2;
	v2 =	vand.u32 $0x7FFFFFFF, v3  }
0x299: {  	v1 =	vmin.f32 v1, v2  }
0x29a: {  	(v2sf) =	vpush v1, $0x0;
	_ =	sdelay $0x3  }
0x29b: {  	(v2sf) =	vpush v1, $0x1;
	_ =	sdelay $0x4  }
0x29c: {  	(v2sf) =	vpush v1, $0x2;
	_ =	sdelay $0x4  }
0x29d: {  	(v2sf) =	vpush v1, $0x3  }
0x29e: {  	s30 =	spop (v2sf)  }
0x29f: {  	p0 =	slt.f32 s30, $0.0e+00;
	p1 =	sgt.f32 s30, $0.0e+00  }
0x2a0: {  	_ = 	snop  }
0x2a1: {  	p0 =	por p1, p0  }
0x2a2: {  	(v2sf) =	vpush v1, $0x4;
	s0 =	spop (v2sf);
	p2 =	por !p0, !p0  }
0x2a3: {  	p0 =	slt.f32 @!p2 s0, $0.0e+00;
	p1 =	sgt.f32 @!p2 s0, $0.0e+00  }
0x2a4: {  	_ = 	snop  }
0x2a5: {  	p0 =	por @!p2 p1, p0  }
0x2a6: {  	s8 =	simm.s32 @!p2 $0x0;
	p0 =	por @!p2 !p0, !p0  }
0x2a7: {  	(v2sf) =	vpush v1, $0x5;
	s0 =	spop (v2sf);
	s8 =	simm.s32 @p2 $0x1;
	p2 =	por p2, p0  }
0x2a8: {  	p0 =	slt.f32 @!p2 s0, $0.0e+00;
	p1 =	sgt.f32 @!p2 s0, $0.0e+00  }
0x2a9: {  	_ = 	snop  }
0x2aa: {  	p0 =	por @!p2 p1, p0  }
0x2ab: {  	[smem:$0x7E7] =	sst s8;
	s8 =	simm.s32 @!p2 $0x0;
	p0 =	por @!p2 !p0, !p0  }
0x2ac: {  	(v2sf) =	vpush v1, $0x6;
	s0 =	spop (v2sf);
	s8 =	simm.s32 @p2 $0x1;
	p2 =	por p2, p0  }
0x2ad: {  	p0 =	slt.f32 @!p2 s0, $0.0e+00;
	p1 =	sgt.f32 @!p2 s0, $0.0e+00  }
0x2ae: {  	_ = 	snop  }
0x2af: {  	p0 =	por @!p2 p1, p0  }
0x2b0: {  	[smem:$0x7E8] =	sst s8;
	s8 =	simm.s32 @!p2 $0x0;
	p0 =	por @!p2 !p0, !p0  }
0x2b1: {  	s0 =	spop (v2sf);
	(v2sf) =	vpush v1, $0x7;
	s8 =	simm.s32 @p2 $0x1;
	p2 =	por p2, p0  }
0x2b2: {  	p0 =	slt.f32 @!p2 s0, $0.0e+00;
	p1 =	sgt.f32 @!p2 s0, $0.0e+00  }
0x2b3: {  	_ = 	snop  }
0x2b4: {  	p0 =	por @!p2 p1, p0  }
0x2b5: {  	[smem:$0x7E9] =	sst s8;
	s8 =	simm.s32 @!p2 $0x0;
	p0 =	por @!p2 !p0, !p0  }
0x2b6: {  	s0 =	spop (v2sf);
	(v2sf) =	vpush v1, $0x8;
	s8 =	simm.s32 @p2 $0x1;
	p2 =	por p2, p0  }
0x2b7: {  	p0 =	slt.f32 @!p2 s0, $0.0e+00;
	p1 =	sgt.f32 @!p2 s0, $0.0e+00  }
0x2b8: {  	_ = 	snop  }
0x2b9: {  	p0 =	por @!p2 p1, p0  }
0x2ba: {  	[smem:$0x7EA] =	sst s8;
	s8 =	simm.s32 @!p2 $0x0;
	p0 =	por @!p2 !p0, !p0  }
0x2bb: {  	s0 =	spop (v2sf);
	(v2sf) =	vpush v1, $0x9;
	s8 =	simm.s32 @p2 $0x1;
	p2 =	por p2, p0  }
0x2bc: {  	p0 =	slt.f32 @!p2 s0, $0.0e+00;
	p1 =	sgt.f32 @!p2 s0, $0.0e+00  }
0x2bd: {  	_ = 	snop  }
0x2be: {  	p0 =	por @!p2 p1, p0  }
0x2bf: {  	[smem:$0x7EB] =	sst s8;
	s8 =	simm.s32 @!p2 $0x0;
	p0 =	por @!p2 !p0, !p0  }
0x2c0: {  	s0 =	spop (v2sf);
	(v2sf) =	vpush v1, $0xA;
	s8 =	simm.s32 @p2 $0x1;
	p2 =	por p2, p0  }
0x2c1: {  	p0 =	slt.f32 @!p2 s0, $0.0e+00;
	p1 =	sgt.f32 @!p2 s0, $0.0e+00  }
0x2c2: {  	_ = 	snop  }
0x2c3: {  	p0 =	por @!p2 p1, p0  }
0x2c4: {  	[smem:$0x7EC] =	sst s8;
	s8 =	simm.s32 @!p2 $0x0;
	p0 =	por @!p2 !p0, !p0  }
0x2c5: {  	s0 =	spop (v2sf);
	(v2sf) =	vpush v1, $0xB;
	s8 =	simm.s32 @p2 $0x1;
	p2 =	por p2, p0  }
0x2c6: {  	p0 =	slt.f32 @!p2 s0, $0.0e+00;
	p1 =	sgt.f32 @!p2 s0, $0.0e+00  }
0x2c7: {  	_ = 	snop  }
0x2c8: {  	p0 =	por @!p2 p1, p0  }
0x2c9: {  	[smem:$0x7ED] =	sst s8;
	s8 =	simm.s32 @!p2 $0x0;
	p0 =	por @!p2 !p0, !p0  }
0x2ca: {  	s0 =	spop (v2sf);
	(v2sf) =	vpush v1, $0xC;
	s8 =	simm.s32 @p2 $0x1;
	p2 =	por p2, p0  }
0x2cb: {  	p0 =	slt.f32 @!p2 s0, $0.0e+00;
	p1 =	sgt.f32 @!p2 s0, $0.0e+00  }
0x2cc: {  	_ = 	snop  }
0x2cd: {  	p0 =	por @!p2 p1, p0  }
0x2ce: {  	[smem:$0x7EE] =	sst s8;
	s8 =	simm.s32 @!p2 $0x0;
	p0 =	por @!p2 !p0, !p0  }
0x2cf: {  	s0 =	spop (v2sf);
	(v2sf) =	vpush v1, $0xD;
	s8 =	simm.s32 @p2 $0x1;
	p2 =	por p2, p0  }
0x2d0: {  	p0 =	slt.f32 @!p2 s0, $0.0e+00;
	p1 =	sgt.f32 @!p2 s0, $0.0e+00  }
0x2d1: {  	_ = 	snop  }
0x2d2: {  	p0 =	por @!p2 p1, p0  }
0x2d3: {  	p0 =	por @!p2 !p0, !p0  }
0x2d4: {  	s0 =	spop (v2sf);
	(v2sf) =	vpush v1, $0xE;
	p4 =	por p2, p0  }
0x2d5: {  	p0 =	slt.f32 @!p4 s0, $0.0e+00;
	p1 =	sgt.f32 @!p4 s0, $0.0e+00  }
0x2d6: {  	_ = 	snop  }
0x2d7: {  	p0 =	por @!p4 p1, p0  }
0x2d8: {  	p0 =	por @!p4 !p0, !p0  }
0x2d9: {  	s0 =	spop (v2sf);
	(v2sf) =	vpush v1, $0xF;
	p5 =	por p4, p0  }
0x2da: {  	p0 =	slt.f32 @!p5 s0, $0.0e+00;
	p1 =	sgt.f32 @!p5 s0, $0.0e+00  }
0x2db: {  	_ = 	snop  }
0x2dc: {  	p0 =	por @!p5 p1, p0  }
0x2dd: {  	p0 =	por @!p5 !p0, !p0  }
0x2de: {  	s0 =	spop (v2sf);
	p6 =	por p5, p0  }
0x2df: {  	p0 =	slt.f32 @!p6 s0, $0.0e+00;
	p1 =	sgt.f32 @!p6 s0, $0.0e+00  }
0x2e0: {  	_ = 	snop  }
0x2e1: {  	p0 =	por @!p6 p1, p0  }
0x2e2: {  	[smem:$0x7EF] =	sst s8;
	p0 =	por @!p6 !p0, !p0  }
0x2e3: {  	s8 =	simm.s32 @!p2 $0x0;
	s0 =	spop (v2sf);
	p0 =	por p6, p0  }
0x2e4: {  	s8 =	simm.s32 @p2 $0x1;
	p1 =	slt.f32 @!p0 s0, $0.0e+00;
	p2 =	sgt.f32 @!p0 s0, $0.0e+00  }
0x2e5: {  	_ = 	snop  }
0x2e6: {  	p1 =	por @!p0 p2, p1  }
0x2e7: {  	p1 =	por @!p0 !p1, !p1  }
0x2e8: {  	s0 =	spop (v2sf);
	p1 =	por p0, p1  }
0x2e9: {  	p2 =	slt.f32 @!p1 s0, $0.0e+00;
	_ =	sdelay $0x1  }
0x2ea: {  	[smem:$0x7F0] =	sst s8;
	s8 =	simm.s32 @!p2 $0x0  }
0x2eb: {  	s8 =	simm.s32 @p2 $0x1  }
0x2ec: {  	[smem:$0x7F1] =	sst s8  }
0x2ed: {  	s31 =	sld [smem:$0x7F1];
	_ =	sdelay $0x1  }
0x2ee: {  	p2 =	sgt.f32 @!p1 s0, $0.0e+00  }
0x2ef: {  	p3 =	seq.s32 s31, $0x1  }
0x2f0: {  	p2 =	por @!p1 p2, p3  }
0x2f1: {  	p2 =	por @!p1 !p2, !p2  }
0x2f2: {  	p2 =	por p1, p2  }
.Ltmp7:
0x2f3: {  	_ = 	snop;
	(pc) =	sbr.rel @p2 .LBB2_22-.Ltmp7, $2  }
0x2f4: {  	_ =	sdelay $0x2  }
0x2f5: {  	s20 =	sshll.u32 s19, $0x1  }
0x2f6: {  	s0 =	simm.s32 $0x0  }
0x2f7: {  	s0 =	sand.u32 $0xF0, s0  }
0x2f8: {  	v4 =	vld [tilespmem:s0+$0x4300];
	_ =	sdelay $0x4  }
0x2f9: {  	v5 =	vld [tilespmem:s0+$0x4200];
	v1 =	vmax.f32 v4, $0.0e+00  }
0x2fa: {  	v1 =	vmin.f32 v1, $6.300000000e+01  }
0x2fb: {  	s30 =	scvt.s32.f32 s20;
	s8 =	sor.u32 $0x1, s20;
	v2 =	vadd.f32 $5.000000000e-01, v1  }
0x2fc: {  	s8 =	scvt.s32.f32 s8  }
0x2fd: {  	s0 =	sadd.f32 $5.000000000e-01, s30;
	v1 =	vmov s30;
	v3 =	vtrunc.f32 v2  }
0x2fe: {  	v6 =	vmax.f32 v5, v1;
	v2 =	vmov s8;
	v7 =	vcvt.f32.s32 v3  }
0x2ff: {  	v3 =	vmov s0;
	v6 =	vmin.f32 v6, v2  }
0x300: {  	vm0 =	vge.f32 v6, v3;
	v61 =	vcvt.s32.f32 v7  }
0x301: {  	v62 =	vsel vm0, v2, v1  }
0x302: {  	s20 =	simm.s32 $0x4400;
	v5 =	vsub.f32 v5, v62;
	v4 =	vsub.f32 v4, v61  }
0x303: {  	v63 =	vld [tilespmem:s20+$0x0]  }
0x304: {  	v5 =	vmul.f32 v5, v5;
	v4 =	vmul.f32 v4, v4;
	_ =	sdelay $0x1  }
0x305: {  	v4 =	vadd.f32 v4, v5;
	_ =	sdelay $0x1  }
0x306: {  	s31 =	simm.s32 $0x10;
	v4 =	vmin.f32 v63, v4  }
0x307: {  	s21 =	simm.s32 $0x20;
	s22 =	sand.u32 $0xF0, s31;
	[tilespmem:s20+$0x0] =	vst v4  }
.LBB2_27:
0x308: {  	p0 =	seq.s32 s21, $0xF0;
	v4 =	vld [tilespmem:s22+$0x4300];
	_ =	sdelay $0x4  }
0x309: {  	v5 =	vld [tilespmem:s22+$0x4200];
	v6 =	vmax.f32 v4, $0.0e+00  }
0x30a: {  	v6 =	vmin.f32 v6, $6.300000000e+01  }
0x30b: {  	v6 =	vadd.f32 $5.000000000e-01, v6;
	_ =	sdelay $0x1  }
0x30c: {  	v6 =	vtrunc.f32 v6  }
0x30d: {  	v7 =	vmax.f32 v5, v1;
	v6 =	vcvt.f32.s32 v6  }
0x30e: {  	v7 =	vmin.f32 v7, v2  }
0x30f: {  	vm0 =	vge.f32 v7, v3;
	v6 =	vcvt.s32.f32 v6  }
0x310: {  	v7 =	vsel vm0, v2, v1  }
0x311: {  	s20 =	sadd.s32 $0x10, s20;
	v5 =	vsub.f32 v5, v7;
	v4 =	vsub.f32 v4, v6  }
0x312: {  	v6 =	vld [tilespmem:s20+$0x0]  }
0x313: {  	v5 =	vmul.f32 v5, v5;
	v4 =	vmul.f32 v4, v4  }
.Ltmp8:
0x314: {  	(pc) =	sbr.rel @!p0 .LBB2_27-.Ltmp8, $3  }
0x315: {  	v4 =	vadd.f32 v4, v5;
	_ =	sdelay $0x1  }
0x316: {  	v4 =	vmin.f32 v6, v4  }
0x317: {  	s22 =	sand.u32 $0xF0, s21;
	s21 =	sadd.s32 $0x10, s21;
	[tilespmem:s20+$0x0] =	vst v4  }
0x318: {  	v4 =	vld [tilespmem:s22+$0x4300];
	_ =	sdelay $0x4  }
0x319: {  	v5 =	vld [tilespmem:s22+$0x4200];
	v6 =	vmax.f32 v4, $0.0e+00  }
0x31a: {  	v6 =	vmin.f32 v6, $6.300000000e+01  }
0x31b: {  	v6 =	vadd.f32 $5.000000000e-01, v6;
	_ =	sdelay $0x1  }
0x31c: {  	v6 =	vtrunc.f32 v6  }
0x31d: {  	v7 =	vmax.f32 v5, v1;
	v6 =	vcvt.f32.s32 v6  }
0x31e: {  	v7 =	vmin.f32 v7, v2  }
0x31f: {  	vm0 =	vge.f32 v7, v3;
	v3 =	vcvt.s32.f32 v6  }
0x320: {  	v1 =	vsel vm0, v2, v1  }
0x321: {  	s0 =	sadd.s32 $0x10, s20;
	v1 =	vsub.f32 v5, v1;
	v2 =	vsub.f32 v4, v3  }
0x322: {  	v3 =	vld [tilespmem:s0+$0x0]  }
0x323: {  	v1 =	vmul.f32 v1, v1;
	v2 =	vmul.f32 v2, v2;
	_ =	sdelay $0x1  }
0x324: {  	v1 =	vadd.f32 v2, v1;
	_ =	sdelay $0x1  }
0x325: {  	v1 =	vmin.f32 v3, v1  }
0x326: {  	[tilespmem:s0+$0x0] =	vst v1  }
.LBB2_29:
0x327: {  	s19 =	sadd.s32 $0x1, s19  }
0x328: {  	p0 =	sne.s32 s19, $0x20  }
.Ltmp9:
0x329: {  	_ = 	snop;
	(pc) =	sbr.rel @p0 .LBB2_21-.Ltmp9, $4  }
.Ltmp10:
0x32a: {  	_ = 	snop;
	(pc) =	sbr.rel @!p0 .LBB2_30-.Ltmp10, $4  }
0x32b: {  	_ = 	snop  }
0x32c: {  	_ = 	snop  }
0x32d: {  	_ = 	snop  }
0x32e: {  	_ = 	snop  }
.LBB2_22:
0x32f: {  	s0 =	sld [smem:$0x7E7]  }
0x330: {  	s14 =	sld [smem:$0x7E8]  }
0x331: {  	s17 =	sld [smem:$0x7E9]  }
0x332: {  	s21 =	simm.s32 $0x0;
	s23 =	sld [smem:$0x7EA];
	p2 =	seq.s32 s0, $0x1  }
0x333: {  	s24 =	sld [smem:$0x7EB];
	s21 =	simm.s32 @p2 $0x0;
	p2 =	seq.s32 s14, $0x1  }
0x334: {  	s25 =	sld [smem:$0x7EC];
	s21 =	simm.s32 @!p2 $0x0;
	p2 =	seq.s32 s17, $0x1  }
0x335: {  	s26 =	sld [smem:$0x7ED];
	s21 =	simm.s32 @!p2 $0x0;
	p2 =	seq.s32 s23, $0x1  }
0x336: {  	s28 =	sld [smem:$0x7EE];
	s21 =	simm.s32 @!p2 $0x0;
	p2 =	seq.s32 s24, $0x1  }
0x337: {  	s29 =	sld [smem:$0x7EF];
	s21 =	simm.s32 @!p2 $0x0;
	p2 =	seq.s32 s25, $0x1  }
0x338: {  	s30 =	sld [smem:$0x7F0];
	s21 =	simm.s32 @!p2 $0x0;
	p2 =	seq.s32 s26, $0x1  }
0x339: {  	s21 =	simm.s32 @!p2 $0x0;
	p2 =	seq.s32 s28, $0x1  }
0x33a: {  	s21 =	simm.s32 @!p2 $0x0;
	p2 =	seq.s32 s29, $0x1  }
0x33b: {  	s21 =	simm.s32 @!p2 $0x0;
	p2 =	seq.s32 s30, $0x1  }
0x33c: {  	s21 =	simm.s32 @!p2 $0x0  }
0x33d: {  	s21 =	simm.s32 @!p4 $0x0  }
0x33e: {  	s21 =	simm.s32 @!p5 $0x0  }
0x33f: {  	s21 =	simm.s32 @!p6 $0x0  }
0x340: {  	s31 =	sadd.s32 $0x2000, s22;
	s21 =	simm.s32 @!p0 $0x0  }
0x341: {  	[dreg:$0x2] =	wrdreg s31;
	s21 =	simm.s32 @!p1 $0x0  }
.LBB2_23:
0x342: {  	s23 =	simm.s32 $0x0;
	s22 =	sshll.u32 s21, $0x4  }
0x343: {  	s8 =	sadd.s32 $0x0, s20;
	s26 =	sand.u32 $0x30, s23;
	s0 =	sand.u32 $0xF0, s22  }
0x344: {  	s8 =	scvt.s32.f32 s8;
	s10 =	sor.u32 $0xF, s26;
	s13 =	sor.u32 $0xC, s26  }
0x345: {  	s14 =	sor.u32 $0xD, s26;
	s17 =	sor.u32 $0xE, s26;
	s24 =	scvt.s32.f32 s26;
	v1 =	vld [tilespmem:s0+$0x4300]  }
0x346: {  	s28 =	sor.u32 $0xB, s26;
	v2 =	vld [tilespmem:s0+$0x4200];
	s10 =	scvt.s32.f32 s10;
	s14 =	scvt.s32.f32 s14  }
0x347: {  	s29 =	sor.u32 $0x9, s26;
	s17 =	scvt.s32.f32 s17;
	s28 =	scvt.s32.f32 s28  }
0x348: {  	v3 =	vimm.f32 $1.000000020e+30;
	s0 =	sor.u32 $0x6, s26;
	s13 =	scvt.s32.f32 s13;
	v5 =	vmov s8;
	s8 =	scvt.s32.f32 s29;
	v4 =	vmov s24  }
0x349: {  	s25 =	sor.u32 $0xA, s26;
	s0 =	scvt.s32.f32 s0;
	v7 =	vmov s10;
	v8 =	vmov s14;
	v11 =	vmov s17  }
0x34a: {  	s31 =	sor.u32 $0x7, s26;
	s24 =	scvt.s32.f32 s25;
	v13 =	vmov s28;
	v14 =	vmov s13;
	v23 =	vmov s8  }
0x34b: {  	s30 =	sor.u32 $0x8, s26;
	s25 =	scvt.s32.f32 s31;
	v10 =	vmov s0;
	v24 =	vsub.f32 v1, v4;
	v15 =	vsub.f32 v2, v5  }
0x34c: {  	s31 =	scvt.s32.f32 s30;
	s30 =	sor.u32 $0x2, s26;
	s10 =	sor.u32 $0x5, s26;
	v12 =	vmov s24;
	v20 =	vsub.f32 v1, v7;
	v18 =	vsub.f32 v1, v8  }
0x34d: {  	s17 =	sor.u32 $0x4, s26;
	s8 =	scvt.s32.f32 s30;
	s10 =	scvt.s32.f32 s10;
	v21 =	vmov s25;
	v19 =	vsub.f32 v1, v11;
	v16 =	vsub.f32 v1, v13  }
0x34e: {  	s24 =	sor.u32 $0x3, s26;
	s14 =	scvt.s32.f32 s17;
	v22 =	vmov s31;
	s31 =	sor.u32 $0x1, s26;
	v17 =	vsub.f32 v1, v14;
	v11 =	vsub.f32 v1, v23  }
0x34f: {  	s13 =	scvt.s32.f32 s24;
	s0 =	scvt.s32.f32 s31;
	v4 =	vmov s8;
	v12 =	vsub.f32 v1, v12;
	v13 =	vsub.f32 v1, v21  }
0x350: {  	v14 =	vsub.f32 v1, v22;
	v6 =	vmov s10;
	v9 =	vmov s14  }
0x351: {  	s28 =	rddreg [dreg:$0x2];
	s25 =	simm.s32 $0x0;
	s24 =	simm.s32 $0x1;
	v7 =	vmov s13;
	v5 =	vmov s0;
	v8 =	vmul.f32 v24, v24  }
.LBB2_24:
0x352: {  	s0 =	sshll.u32 s23, $0x5;
	v10 =	vsub.f32 v1, v10;
	v15 =	vmul.f32 v15, v15  }
0x353: {  	v6 =	vsub.f32 v1, v6;
	v20 =	vmul.f32 v20, v20;
	s0 =	sand.u32 $0x3FFFFF80, s0;
	v18 =	vmul.f32 v18, v18  }
0x354: {  	v9 =	vsub.f32 v1, v9;
	v19 =	vmul.f32 v19, v19;
	v16 =	vmul.f32 v16, v16;
	s0 =	sadd.s32 s0, s28  }
0x355: {  	v7 =	vsub.f32 v1, v7;
	v17 =	vmul.f32 v17, v17;
	v11 =	vmul.f32 v11, v11;
	s0 =	sadd.s32 s26, s0  }
0x356: {  	v4 =	vsub.f32 v1, v4;
	v12 =	vmul.f32 v12, v12;
	v13 =	vmul.f32 v13, v13;
	v21 =	vld [tilespmem:s0+$0x0]  }
0x357: {  	v5 =	vsub.f32 v1, v5;
	v14 =	vmul.f32 v14, v14;
	v6 =	vmul.f32 v6, v6  }
0x358: {  	v10 =	vmul.f32 v10, v10;
	v9 =	vmul.f32 v9, v9;
	v8 =	vadd.f32 v8, v15  }
0x359: {  	v4 =	vmul.f32 v4, v4;
	v19 =	vadd.f32 v19, v15;
	v20 =	vadd.f32 v20, v15  }
0x35a: {  	v5 =	vmul.f32 v5, v5;
	v17 =	vadd.f32 v17, v15;
	v18 =	vadd.f32 v18, v15  }
0x35b: {  	v16 =	vadd.f32 v16, v15;
	vm0 =	vlt.f32 v21, $0.0e+00;
	vm1 =	vgt.f32 v21, $0.0e+00  }
0x35c: {  	v11 =	vadd.f32 v11, v15;
	v12 =	vadd.f32 v12, v15;
	vm0 =	vmor vm1, vm0  }
0x35d: {  	s25 =	sadd.s32 $0x10, s25;
	v13 =	vadd.f32 v13, v15;
	v14 =	vadd.f32 v14, v15;
	v21 =	vsel vm0, $0x0, v0  }
0x35e: {  	s26 =	sand.u32 $0x30, s25;
	v6 =	vadd.f32 v6, v15;
	v10 =	vadd.f32 v10, v15;
	v22 =	vbroadcast v21, $0x0  }
0x35f: {  	v7 =	vmul.f32 v7, v7;
	v5 =	vadd.f32 v5, v15;
	v9 =	vadd.f32 v9, v15;
	s30 =	sor.u32 $0x9, s26  }
0x360: {  	v4 =	vadd.f32 v4, v15;
	s31 =	sor.u32 $0x8, s26;
	s30 =	scvt.s32.f32 s30;
	v23 =	vbroadcast v21, $0x1;
	v8 =	vadd.f32 v22, v8  }
0x361: {  	v7 =	vadd.f32 v7, v15;
	s31 =	scvt.s32.f32 s31;
	v15 =	vbroadcast v21, $0x3;
	v22 =	vbroadcast v21, $0x2  }
0x362: {  	v5 =	vadd.f32 v23, v5;
	v23 =	vmov s30;
	v3 =	vmin.f32 v3, v8  }
0x363: {  	v4 =	vadd.f32 v22, v4;
	v8 =	vbroadcast v21, $0x4;
	v22 =	vmov s31  }
0x364: {  	s13 =	sshrl.u32 s24, $0x2;
	v3 =	vmin.f32 v3, v5;
	v5 =	vadd.f32 v15, v7;
	v7 =	vbroadcast v21, $0x5  }
0x365: {  	s0 =	sadd.s32 s13, s20;
	v3 =	vmin.f32 v3, v4;
	v4 =	vadd.f32 v8, v9;
	v8 =	vbroadcast v21, $0x6  }
0x366: {  	s28 =	sor.u32 $0xA, s26;
	s0 =	scvt.s32.f32 s0;
	v3 =	vmin.f32 v3, v5;
	v5 =	vadd.f32 v7, v6;
	v6 =	vbroadcast v21, $0x7  }
0x367: {  	s28 =	scvt.s32.f32 s28;
	v7 =	vbroadcast v21, $0x8;
	v3 =	vmin.f32 v3, v4;
	v4 =	vadd.f32 v8, v10  }
0x368: {  	s10 =	sor.u32 $0xC, s26;
	v8 =	vmov s0;
	v3 =	vmin.f32 v3, v5;
	v5 =	vadd.f32 v6, v13  }
0x369: {  	s8 =	sor.u32 $0xF, s26;
	s10 =	scvt.s32.f32 s10;
	s0 =	sor.u32 $0x6, s26;
	v6 =	vbroadcast v21, $0x9;
	v13 =	vmov s28;
	v15 =	vsub.f32 v2, v8  }
0x36a: {  	s8 =	scvt.s32.f32 s8;
	s0 =	scvt.s32.f32 s0;
	v3 =	vmin.f32 v3, v4;
	v4 =	vadd.f32 v7, v14;
	v7 =	vbroadcast v21, $0xA  }
0x36b: {  	s14 =	sor.u32 $0xE, s26;
	v14 =	vmov s10;
	v3 =	vmin.f32 v3, v5;
	v5 =	vadd.f32 v6, v11  }
0x36c: {  	s14 =	scvt.s32.f32 s14;
	v6 =	vbroadcast v21, $0xB;
	v11 =	vmov s8;
	v10 =	vmov s0  }
0x36d: {  	v3 =	vmin.f32 v3, v4;
	v4 =	vadd.f32 v7, v12;
	v7 =	vbroadcast v21, $0xC  }
0x36e: {  	v12 =	vmov s14;
	v3 =	vmin.f32 v3, v5;
	v5 =	vadd.f32 v6, v16  }
0x36f: {  	v6 =	vbroadcast v21, $0xD;
	v3 =	vmin.f32 v3, v4;
	v4 =	vadd.f32 v7, v17  }
0x370: {  	s17 =	scvt.s32.f32 s26;
	v7 =	vbroadcast v21, $0xE;
	v17 =	vsub.f32 v1, v14;
	v14 =	vsub.f32 v1, v22  }
0x371: {  	s8 =	sor.u32 $0x5, s26;
	v3 =	vmin.f32 v3, v5;
	v5 =	vadd.f32 v6, v18;
	v6 =	vbroadcast v21, $0xF  }
0x372: {  	p1 =	sne.s32 s24, $0x7;
	s8 =	scvt.s32.f32 s8;
	s14 =	sor.u32 $0x3, s26;
	v3 =	vmin.f32 v3, v4;
	v4 =	vadd.f32 v7, v19;
	v7 =	vmov s17  }
0x373: {  	s13 =	sor.u32 $0xD, s26;
	s29 =	sor.u32 $0xB, s26;
	s10 =	scvt.s32.f32 s14;
	v19 =	vsub.f32 v1, v12;
	v12 =	vsub.f32 v1, v13;
	v3 =	vmin.f32 v3, v5  }
0x374: {  	s13 =	scvt.s32.f32 s13;
	s29 =	scvt.s32.f32 s29;
	s17 =	sor.u32 $0x7, s26;
	v5 =	vadd.f32 v6, v20;
	v24 =	vsub.f32 v1, v7;
	v6 =	vmov s8  }
.Ltmp11:
0x375: {  	s30 =	sor.u32 $0x1, s26;
	s17 =	scvt.s32.f32 s17;
	v20 =	vsub.f32 v1, v11;
	v7 =	vmov s10;
	v3 =	vmin.f32 v3, v4;
	(pc) =	sbr.rel @p1 .LBB2_24-.Ltmp11, $4  }
0x376: {  	s0 =	scvt.s32.f32 s30;
	v4 =	vmov s13;
	s13 =	sor.u32 $0x4, s26;
	v3 =	vmin.f32 v3, v5;
	v5 =	vmov s29;
	s29 =	sor.u32 $0x2, s26  }
0x377: {  	v11 =	vsub.f32 v1, v23;
	s13 =	scvt.s32.f32 s13;
	v21 =	vmov s17;
	v18 =	vsub.f32 v1, v4;
	s31 =	scvt.s32.f32 s29  }
0x378: {  	v8 =	vmul.f32 v24, v24;
	v16 =	vsub.f32 v1, v5;
	v5 =	vmov s0  }
0x379: {  	s23 =	smov.u32 s24;
	s24 =	sadd.s32 $0x1, s24;
	s28 =	rddreg [dreg:$0x2];
	v13 =	vsub.f32 v1, v21;
	v9 =	vmov s13;
	v4 =	vmov s31  }
0x37a: {  	s0 =	sshll.u32 s23, $0x5;
	v2 =	vmul.f32 v15, v15;
	v10 =	vsub.f32 v1, v10;
	v42 =	vmul.f32 v20, v20  }
0x37b: {  	v6 =	vsub.f32 v1, v6;
	v18 =	vmul.f32 v18, v18;
	v19 =	vmul.f32 v19, v19;
	s0 =	sand.u32 $0x3FFFFF80, s0  }
0x37c: {  	v9 =	vsub.f32 v1, v9;
	v16 =	vmul.f32 v16, v16;
	v17 =	vmul.f32 v17, v17;
	s0 =	sadd.s32 s0, s28  }
0x37d: {  	v7 =	vsub.f32 v1, v7;
	v11 =	vmul.f32 v11, v11;
	v12 =	vmul.f32 v12, v12;
	s0 =	sadd.s32 s26, s0  }
0x37e: {  	v4 =	vsub.f32 v1, v4;
	v14 =	vmul.f32 v14, v14;
	v13 =	vmul.f32 v13, v13;
	v43 =	vld [tilespmem:s0+$0x0]  }
0x37f: {  	v1 =	vsub.f32 v1, v5;
	v44 =	vmul.f32 v6, v6;
	v45 =	vmul.f32 v10, v10  }
0x380: {  	v8 =	vadd.f32 v8, v2;
	v7 =	vmul.f32 v7, v7;
	v9 =	vmul.f32 v9, v9  }
0x381: {  	v4 =	vmul.f32 v4, v4;
	v46 =	vadd.f32 v19, v2;
	v15 =	vadd.f32 v42, v2  }
0x382: {  	v1 =	vmul.f32 v1, v1;
	v17 =	vadd.f32 v17, v2;
	v18 =	vadd.f32 v18, v2  }
0x383: {  	v16 =	vadd.f32 v16, v2;
	vm0 =	vlt.f32 v43, $0.0e+00;
	vm1 =	vgt.f32 v43, $0.0e+00  }
0x384: {  	v11 =	vadd.f32 v11, v2;
	v12 =	vadd.f32 v12, v2;
	vm0 =	vmor vm1, vm0  }
0x385: {  	v14 =	vadd.f32 v14, v2;
	v13 =	vadd.f32 v13, v2;
	v47 =	vsel vm0, $0x0, v0  }
0x386: {  	v5 =	vadd.f32 v44, v2;
	v6 =	vadd.f32 v45, v2;
	v48 =	vbroadcast v47, $0x0  }
0x387: {  	v1 =	vadd.f32 v1, v2;
	v9 =	vadd.f32 v9, v2;
	v21 =	vbroadcast v47, $0x1  }
0x388: {  	v4 =	vadd.f32 v4, v2;
	v49 =	vbroadcast v47, $0x2;
	v8 =	vadd.f32 v48, v8  }
0x389: {  	v2 =	vadd.f32 v7, v2;
	v50 =	vbroadcast v47, $0x3;
	v1 =	vadd.f32 v21, v1  }
0x38a: {  	v51 =	vbroadcast v47, $0x4;
	v4 =	vadd.f32 v49, v4;
	v3 =	vmin.f32 v3, v8  }
0x38b: {  	v2 =	vadd.f32 v50, v2;
	v1 =	vmin.f32 v3, v1;
	v3 =	vbroadcast v47, $0x5  }
0x38c: {  	v53 =	vbroadcast v47, $0x6;
	v52 =	vadd.f32 v51, v9;
	v1 =	vmin.f32 v1, v4  }
0x38d: {  	v1 =	vmin.f32 v1, v2;
	v2 =	vadd.f32 v3, v5;
	v3 =	vbroadcast v47, $0x7  }
0x38e: {  	v55 =	vbroadcast v47, $0x8;
	v54 =	vadd.f32 v53, v6;
	v1 =	vmin.f32 v1, v52  }
0x38f: {  	v1 =	vmin.f32 v1, v2;
	v2 =	vadd.f32 v3, v13;
	v3 =	vbroadcast v47, $0x9  }
0x390: {  	v57 =	vbroadcast v47, $0xA;
	v56 =	vadd.f32 v55, v14;
	v1 =	vmin.f32 v1, v54  }
0x391: {  	v1 =	vmin.f32 v1, v2;
	v2 =	vadd.f32 v3, v11;
	v3 =	vbroadcast v47, $0xB  }
0x392: {  	v59 =	vbroadcast v47, $0xC;
	v58 =	vadd.f32 v57, v12;
	v1 =	vmin.f32 v1, v56  }
0x393: {  	v1 =	vmin.f32 v1, v2;
	v2 =	vadd.f32 v3, v16;
	v3 =	vbroadcast v47, $0xD  }
0x394: {  	v61 =	vbroadcast v47, $0xE;
	v60 =	vadd.f32 v59, v17;
	v1 =	vmin.f32 v1, v58  }
0x395: {  	v62 =	vld [tilespmem:s22+$0x4400];
	s21 =	sadd.s32 $0x1, s21;
	v1 =	vmin.f32 v1, v2;
	v2 =	vadd.f32 v3, v18;
	v3 =	vbroadcast v47, $0xF  }
0x396: {  	p0 =	sne.s32 s21, $0x10;
	v63 =	vadd.f32 v61, v46;
	v1 =	vmin.f32 v1, v60  }
.Ltmp12:
0x397: {  	v1 =	vmin.f32 v1, v2;
	v2 =	vadd.f32 v3, v15;
	(pc) =	sbr.rel @p0 .LBB2_23-.Ltmp12, $4  }
.Ltmp13:
0x398: {  	v1 =	vmin.f32 v1, v63;
	(pc) =	sbr.rel @!p0 .LBB2_29-.Ltmp13, $4  }
0x399: {  	v1 =	vmin.f32 v1, v2  }
0x39a: {  	v1 =	vmin.f32 v62, v1  }
0x39b: {  	[tilespmem:s22+$0x4400] =	vst v1  }
0x39c: {  	_ = 	snop  }
.LBB2_5:
0x39d: {  	[tilespmem:$0x4400] =	vst v0  }
0x39e: {  	[tilespmem:$0x4410] =	vst v0  }
0x39f: {  	[tilespmem:$0x4420] =	vst v0  }
0x3a0: {  	[tilespmem:$0x4430] =	vst v0  }
0x3a1: {  	[tilespmem:$0x4440] =	vst v0  }
0x3a2: {  	[tilespmem:$0x4450] =	vst v0  }
0x3a3: {  	[tilespmem:$0x4460] =	vst v0  }
0x3a4: {  	[tilespmem:$0x4470] =	vst v0  }
0x3a5: {  	[tilespmem:$0x4480] =	vst v0  }
0x3a6: {  	[tilespmem:$0x4490] =	vst v0  }
0x3a7: {  	[tilespmem:$0x44A0] =	vst v0  }
0x3a8: {  	[tilespmem:$0x44B0] =	vst v0  }
0x3a9: {  	[tilespmem:$0x44C0] =	vst v0  }
0x3aa: {  	[tilespmem:$0x44D0] =	vst v0  }
0x3ab: {  	[tilespmem:$0x44E0] =	vst v0  }
0x3ac: {  	[tilespmem:$0x44F0] =	vst v0;
	s19 =	simm.s32 $0x0  }
.LBB2_6:
0x3ad: {  	s20 =	sshll.u32 s19, $0x8  }
0x3ae: {  	s20 =	sand.u32 $0x3FFFFF00, s20  }
0x3af: {  	v1 =	vld [tilespmem:s20+$0x0]  }
0x3b0: {  	v2 =	vld [tilespmem:s20+$0x10]  }
0x3b1: {  	v3 =	vld [tilespmem:s20+$0x20]  }
0x3b2: {  	v4 =	vld [tilespmem:s20+$0x30]  }
0x3b3: {  	v5 =	vld [tilespmem:s20+$0x80]  }
0x3b4: {  	v6 =	vld [tilespmem:s20+$0x90]  }
0x3b5: {  	v7 =	vld [tilespmem:s20+$0xA0];
	v1 =	vand.u32 $0x7FFFFFFF, v1;
	v2 =	vand.u32 $0x7FFFFFFF, v2  }
0x3b6: {  	v1 =	vmin.f32 v1, v2;
	v2 =	vand.u32 $0x7FFFFFFF, v3;
	v3 =	vld [tilespmem:s20+$0xB0]  }
0x3b7: {  	v1 =	vmin.f32 v1, v2;
	v2 =	vand.u32 $0x7FFFFFFF, v4  }
0x3b8: {  	v1 =	vmin.f32 v1, v2;
	v2 =	vand.u32 $0x7FFFFFFF, v5  }
0x3b9: {  	v1 =	vmin.f32 v1, v2;
	v2 =	vand.u32 $0x7FFFFFFF, v6  }
0x3ba: {  	v1 =	vmin.f32 v1, v2;
	v2 =	vand.u32 $0x7FFFFFFF, v7  }
0x3bb: {  	v1 =	vmin.f32 v1, v2;
	v2 =	vand.u32 $0x7FFFFFFF, v3  }
0x3bc: {  	v1 =	vmin.f32 v1, v2  }
0x3bd: {  	(v2sf) =	vpush v1, $0x0;
	_ =	sdelay $0x3  }
0x3be: {  	(v2sf) =	vpush v1, $0x1;
	_ =	sdelay $0x4  }
0x3bf: {  	(v2sf) =	vpush v1, $0x2;
	_ =	sdelay $0x4  }
0x3c0: {  	(v2sf) =	vpush v1, $0x3  }
0x3c1: {  	s21 =	spop (v2sf)  }
0x3c2: {  	p0 =	slt.f32 s21, $0.0e+00;
	p1 =	sgt.f32 s21, $0.0e+00  }
0x3c3: {  	_ = 	snop  }
0x3c4: {  	p0 =	por p1, p0  }
0x3c5: {  	(v2sf) =	vpush v1, $0x4;
	s21 =	spop (v2sf);
	p2 =	por !p0, !p0  }
0x3c6: {  	p0 =	slt.f32 @!p2 s21, $0.0e+00;
	p1 =	sgt.f32 @!p2 s21, $0.0e+00  }
0x3c7: {  	_ = 	snop  }
0x3c8: {  	p0 =	por @!p2 p1, p0  }
0x3c9: {  	s0 =	simm.s32 @!p2 $0x0;
	p0 =	por @!p2 !p0, !p0  }
0x3ca: {  	(v2sf) =	vpush v1, $0x5;
	s21 =	spop (v2sf);
	s0 =	simm.s32 @p2 $0x1;
	p2 =	por p2, p0  }
0x3cb: {  	p0 =	slt.f32 @!p2 s21, $0.0e+00;
	p1 =	sgt.f32 @!p2 s21, $0.0e+00  }
0x3cc: {  	_ = 	snop  }
0x3cd: {  	p0 =	por @!p2 p1, p0  }
0x3ce: {  	[smem:$0x7F2] =	sst s0;
	s0 =	simm.s32 @!p2 $0x0;
	p0 =	por @!p2 !p0, !p0  }
0x3cf: {  	(v2sf) =	vpush v1, $0x6;
	s21 =	spop (v2sf);
	s0 =	simm.s32 @p2 $0x1;
	p2 =	por p2, p0  }
0x3d0: {  	p0 =	slt.f32 @!p2 s21, $0.0e+00;
	p1 =	sgt.f32 @!p2 s21, $0.0e+00  }
0x3d1: {  	_ = 	snop  }
0x3d2: {  	p0 =	por @!p2 p1, p0  }
0x3d3: {  	[smem:$0x7F3] =	sst s0;
	s0 =	simm.s32 @!p2 $0x0;
	p0 =	por @!p2 !p0, !p0  }
0x3d4: {  	s21 =	spop (v2sf);
	(v2sf) =	vpush v1, $0x7;
	s0 =	simm.s32 @p2 $0x1;
	p2 =	por p2, p0  }
0x3d5: {  	p0 =	slt.f32 @!p2 s21, $0.0e+00;
	p1 =	sgt.f32 @!p2 s21, $0.0e+00  }
0x3d6: {  	_ = 	snop  }
0x3d7: {  	p0 =	por @!p2 p1, p0  }
0x3d8: {  	[smem:$0x7F4] =	sst s0;
	s0 =	simm.s32 @!p2 $0x0;
	p0 =	por @!p2 !p0, !p0  }
0x3d9: {  	s21 =	spop (v2sf);
	(v2sf) =	vpush v1, $0x8;
	s0 =	simm.s32 @p2 $0x1;
	p2 =	por p2, p0  }
0x3da: {  	p0 =	slt.f32 @!p2 s21, $0.0e+00;
	p1 =	sgt.f32 @!p2 s21, $0.0e+00  }
0x3db: {  	_ = 	snop  }
0x3dc: {  	p0 =	por @!p2 p1, p0  }
0x3dd: {  	[smem:$0x7F5] =	sst s0;
	s0 =	simm.s32 @!p2 $0x0;
	p0 =	por @!p2 !p0, !p0  }
0x3de: {  	s21 =	spop (v2sf);
	(v2sf) =	vpush v1, $0x9;
	s0 =	simm.s32 @p2 $0x1;
	p2 =	por p2, p0  }
0x3df: {  	p0 =	slt.f32 @!p2 s21, $0.0e+00;
	p1 =	sgt.f32 @!p2 s21, $0.0e+00  }
0x3e0: {  	_ = 	snop  }
0x3e1: {  	p0 =	por @!p2 p1, p0  }
0x3e2: {  	[smem:$0x7F6] =	sst s0;
	s0 =	simm.s32 @!p2 $0x0;
	p0 =	por @!p2 !p0, !p0  }
0x3e3: {  	s21 =	spop (v2sf);
	(v2sf) =	vpush v1, $0xA;
	s0 =	simm.s32 @p2 $0x1;
	p2 =	por p2, p0  }
0x3e4: {  	p0 =	slt.f32 @!p2 s21, $0.0e+00;
	p1 =	sgt.f32 @!p2 s21, $0.0e+00  }
0x3e5: {  	_ = 	snop  }
0x3e6: {  	p0 =	por @!p2 p1, p0  }
0x3e7: {  	[smem:$0x7F7] =	sst s0;
	s0 =	simm.s32 @!p2 $0x0;
	p0 =	por @!p2 !p0, !p0  }
0x3e8: {  	s21 =	spop (v2sf);
	(v2sf) =	vpush v1, $0xB;
	s0 =	simm.s32 @p2 $0x1;
	p2 =	por p2, p0  }
0x3e9: {  	p0 =	slt.f32 @!p2 s21, $0.0e+00;
	p1 =	sgt.f32 @!p2 s21, $0.0e+00  }
0x3ea: {  	_ = 	snop  }
0x3eb: {  	p0 =	por @!p2 p1, p0  }
0x3ec: {  	[smem:$0x7F8] =	sst s0;
	s0 =	simm.s32 @!p2 $0x0;
	p0 =	por @!p2 !p0, !p0  }
0x3ed: {  	s21 =	spop (v2sf);
	(v2sf) =	vpush v1, $0xC;
	s0 =	simm.s32 @p2 $0x1;
	p2 =	por p2, p0  }
0x3ee: {  	p0 =	slt.f32 @!p2 s21, $0.0e+00;
	p1 =	sgt.f32 @!p2 s21, $0.0e+00  }
0x3ef: {  	_ = 	snop  }
0x3f0: {  	p0 =	por @!p2 p1, p0  }
0x3f1: {  	[smem:$0x7F9] =	sst s0;
	s0 =	simm.s32 @!p2 $0x0;
	p0 =	por @!p2 !p0, !p0  }
0x3f2: {  	s21 =	spop (v2sf);
	(v2sf) =	vpush v1, $0xD;
	s0 =	simm.s32 @p2 $0x1;
	p2 =	por p2, p0  }
0x3f3: {  	p0 =	slt.f32 @!p2 s21, $0.0e+00;
	p1 =	sgt.f32 @!p2 s21, $0.0e+00  }
0x3f4: {  	_ = 	snop  }
0x3f5: {  	p0 =	por @!p2 p1, p0  }
0x3f6: {  	p0 =	por @!p2 !p0, !p0  }
0x3f7: {  	s21 =	spop (v2sf);
	(v2sf) =	vpush v1, $0xE;
	p4 =	por p2, p0  }
0x3f8: {  	p0 =	slt.f32 @!p4 s21, $0.0e+00;
	p1 =	sgt.f32 @!p4 s21, $0.0e+00  }
0x3f9: {  	_ = 	snop  }
0x3fa: {  	p0 =	por @!p4 p1, p0  }
0x3fb: {  	p0 =	por @!p4 !p0, !p0  }
0x3fc: {  	s21 =	spop (v2sf);
	(v2sf) =	vpush v1, $0xF;
	p5 =	por p4, p0  }
0x3fd: {  	p0 =	slt.f32 @!p5 s21, $0.0e+00;
	p1 =	sgt.f32 @!p5 s21, $0.0e+00  }
0x3fe: {  	_ = 	snop  }
0x3ff: {  	p0 =	por @!p5 p1, p0  }
0x400: {  	p0 =	por @!p5 !p0, !p0  }
0x401: {  	s21 =	spop (v2sf);
	p6 =	por p5, p0  }
0x402: {  	p0 =	slt.f32 @!p6 s21, $0.0e+00;
	p1 =	sgt.f32 @!p6 s21, $0.0e+00  }
0x403: {  	_ = 	snop  }
0x404: {  	p0 =	por @!p6 p1, p0  }
0x405: {  	[smem:$0x7FA] =	sst s0;
	p0 =	por @!p6 !p0, !p0  }
0x406: {  	s0 =	simm.s32 @!p2 $0x0;
	s21 =	spop (v2sf);
	p0 =	por p6, p0  }
0x407: {  	s0 =	simm.s32 @p2 $0x1;
	p1 =	slt.f32 @!p0 s21, $0.0e+00;
	p2 =	sgt.f32 @!p0 s21, $0.0e+00  }
0x408: {  	_ = 	snop  }
0x409: {  	p1 =	por @!p0 p2, p1  }
0x40a: {  	p1 =	por @!p0 !p1, !p1  }
0x40b: {  	s21 =	spop (v2sf);
	p1 =	por p0, p1  }
0x40c: {  	p2 =	slt.f32 @!p1 s21, $0.0e+00;
	_ =	sdelay $0x1  }
0x40d: {  	[smem:$0x7FB] =	sst s0;
	s0 =	simm.s32 @!p2 $0x0  }
0x40e: {  	s0 =	simm.s32 @p2 $0x1  }
0x40f: {  	[smem:$0x7FC] =	sst s0  }
0x410: {  	s0 =	sld [smem:$0x7FC];
	_ =	sdelay $0x1  }
0x411: {  	p2 =	sgt.f32 @!p1 s21, $0.0e+00  }
0x412: {  	p3 =	seq.s32 s0, $0x1  }
0x413: {  	p2 =	por @!p1 p2, p3  }
0x414: {  	p2 =	por @!p1 !p2, !p2  }
0x415: {  	p2 =	por p1, p2  }
.Ltmp14:
0x416: {  	_ = 	snop;
	(pc) =	sbr.rel @p2 .LBB2_7-.Ltmp14, $2  }
0x417: {  	_ =	sdelay $0x2  }
0x418: {  	s21 =	sshll.u32 s19, $0x1  }
0x419: {  	s20 =	simm.s32 $0x0  }
0x41a: {  	s22 =	sand.u32 $0x80, s20  }
0x41b: {  	s20 =	sand.u32 $0x70, s20;
	s22 =	sadd.s32 s22, s6  }
0x41c: {  	s20 =	sadd.s32 s20, s22  }
0x41d: {  	v4 =	vld [tilespmem:s20+$0x100];
	_ =	sdelay $0x4  }
0x41e: {  	v5 =	vld [tilespmem:s20+$0x0];
	v1 =	vmax.f32 v4, $0.0e+00  }
0x41f: {  	v1 =	vmin.f32 v1, $6.300000000e+01  }
0x420: {  	s30 =	scvt.s32.f32 s21;
	s31 =	sor.u32 $0x1, s21;
	v2 =	vadd.f32 $5.000000000e-01, v1  }
0x421: {  	s21 =	scvt.s32.f32 s31  }
0x422: {  	s20 =	sadd.f32 $5.000000000e-01, s30;
	v1 =	vmov s30;
	v3 =	vtrunc.f32 v2  }
0x423: {  	v6 =	vmax.f32 v5, v1;
	v2 =	vmov s21;
	v7 =	vcvt.f32.s32 v3  }
0x424: {  	v3 =	vmov s20;
	v6 =	vmin.f32 v6, v2  }
0x425: {  	vm0 =	vge.f32 v6, v3;
	v6 =	vcvt.s32.f32 v7;
	_ =	sdelay $0x1  }
0x426: {  	v7 =	vsel vm0, v2, v1;
	v4 =	vsub.f32 v4, v6  }
0x427: {  	s20 =	simm.s32 $0x4400;
	v5 =	vsub.f32 v5, v7  }
0x428: {  	v6 =	vmul.f32 v4, v4;
	v4 =	vld [tilespmem:s20+$0x0]  }
0x429: {  	v5 =	vmul.f32 v5, v5;
	_ =	sdelay $0x1  }
0x42a: {  	s22 =	simm.s32 $0x10;
	v5 =	vadd.f32 v6, v5  }
0x42b: {  	s23 =	sand.u32 $0x80, s22;
	s21 =	simm.s32 $0x20  }
.LBB2_12:
0x42c: {  	p0 =	seq.s32 s21, $0xF0;
	s22 =	sand.u32 $0x70, s22;
	s23 =	sadd.s32 s23, s6;
	v4 =	vmin.f32 v4, v5  }
0x42d: {  	s23 =	sadd.s32 s22, s23;
	[tilespmem:s20+$0x0] =	vst v4;
	s22 =	smov.u32 s21  }
0x42e: {  	v4 =	vld [tilespmem:s23+$0x100];
	_ =	sdelay $0x4  }
0x42f: {  	v5 =	vld [tilespmem:s23+$0x0];
	v6 =	vmax.f32 v4, $0.0e+00  }
0x430: {  	v6 =	vmin.f32 v6, $6.300000000e+01  }
0x431: {  	v6 =	vadd.f32 $5.000000000e-01, v6;
	_ =	sdelay $0x1  }
0x432: {  	v6 =	vtrunc.f32 v6  }
0x433: {  	v7 =	vmax.f32 v5, v1;
	v6 =	vcvt.f32.s32 v6  }
0x434: {  	v7 =	vmin.f32 v7, v2  }
0x435: {  	vm0 =	vge.f32 v7, v3;
	v6 =	vcvt.s32.f32 v6  }
0x436: {  	v7 =	vsel vm0, v2, v1  }
0x437: {  	s20 =	sadd.s32 $0x10, s20;
	v5 =	vsub.f32 v5, v7;
	v6 =	vsub.f32 v4, v6  }
.Ltmp15:
0x438: {  	v4 =	vld [tilespmem:s20+$0x0];
	(pc) =	sbr.rel @!p0 .LBB2_12-.Ltmp15, $3  }
0x439: {  	v5 =	vmul.f32 v5, v5;
	v6 =	vmul.f32 v6, v6;
	_ =	sdelay $0x1  }
0x43a: {  	v5 =	vadd.f32 v6, v5  }
0x43b: {  	s21 =	sadd.s32 $0x10, s21;
	s23 =	sand.u32 $0x80, s22  }
0x43c: {  	s21 =	sand.u32 $0x70, s22;
	s30 =	sadd.s32 s23, s6;
	v4 =	vmin.f32 v4, v5  }
0x43d: {  	s21 =	sadd.s32 s21, s30;
	[tilespmem:s20+$0x0] =	vst v4  }
0x43e: {  	v4 =	vld [tilespmem:s21+$0x100];
	_ =	sdelay $0x4  }
0x43f: {  	v63 =	vld [tilespmem:s21+$0x0];
	v6 =	vmax.f32 v4, $0.0e+00  }
0x440: {  	v6 =	vmin.f32 v6, $6.300000000e+01  }
0x441: {  	v6 =	vadd.f32 $5.000000000e-01, v6;
	_ =	sdelay $0x1  }
0x442: {  	v6 =	vtrunc.f32 v6  }
0x443: {  	v7 =	vmax.f32 v63, v1;
	v6 =	vcvt.f32.s32 v6  }
0x444: {  	v7 =	vmin.f32 v7, v2  }
0x445: {  	vm0 =	vge.f32 v7, v3;
	v3 =	vcvt.s32.f32 v6  }
0x446: {  	v1 =	vsel vm0, v2, v1  }
0x447: {  	s31 =	sadd.s32 $0x10, s20;
	v1 =	vsub.f32 v63, v1;
	v2 =	vsub.f32 v4, v3  }
0x448: {  	v3 =	vld [tilespmem:s31+$0x0]  }
0x449: {  	v1 =	vmul.f32 v1, v1;
	v2 =	vmul.f32 v2, v2;
	_ =	sdelay $0x1  }
0x44a: {  	v1 =	vadd.f32 v2, v1;
	_ =	sdelay $0x1  }
0x44b: {  	v1 =	vmin.f32 v3, v1  }
0x44c: {  	[tilespmem:s31+$0x0] =	vst v1  }
.LBB2_14:
0x44d: {  	s19 =	sadd.s32 $0x1, s19  }
0x44e: {  	p0 =	sne.s32 s19, $0x20  }
.Ltmp16:
0x44f: {  	_ = 	snop;
	(pc) =	sbr.rel @p0 .LBB2_6-.Ltmp16, $4  }
.Ltmp17:
0x450: {  	_ = 	snop;
	(pc) =	sbr.rel @!p0 .LBB2_15-.Ltmp17, $4  }
0x451: {  	_ = 	snop  }
0x452: {  	_ = 	snop  }
0x453: {  	_ = 	snop  }
0x454: {  	_ = 	snop  }
.LBB2_7:
0x455: {  	s0 =	sld [smem:$0x7F2]  }
0x456: {  	s17 =	sld [smem:$0x7F3]  }
0x457: {  	s23 =	sld [smem:$0x7F4]  }
0x458: {  	s22 =	simm.s32 $0x0;
	s24 =	sld [smem:$0x7F5];
	p2 =	seq.s32 s0, $0x1  }
0x459: {  	s25 =	sld [smem:$0x7F6];
	s22 =	simm.s32 @p2 $0x0;
	p2 =	seq.s32 s17, $0x1  }
0x45a: {  	s26 =	sld [smem:$0x7F7];
	s22 =	simm.s32 @!p2 $0x0;
	p2 =	seq.s32 s23, $0x1  }
0x45b: {  	s28 =	sld [smem:$0x7F8];
	s22 =	simm.s32 @!p2 $0x0;
	p2 =	seq.s32 s24, $0x1  }
0x45c: {  	s29 =	sld [smem:$0x7F9];
	s22 =	simm.s32 @!p2 $0x0;
	p2 =	seq.s32 s25, $0x1  }
0x45d: {  	s30 =	sld [smem:$0x7FA];
	s22 =	simm.s32 @!p2 $0x0;
	p2 =	seq.s32 s26, $0x1  }
0x45e: {  	s31 =	sld [smem:$0x7FB];
	s22 =	simm.s32 @!p2 $0x0;
	p2 =	seq.s32 s28, $0x1  }
0x45f: {  	s22 =	simm.s32 @!p2 $0x0;
	p2 =	seq.s32 s29, $0x1  }
0x460: {  	s22 =	simm.s32 @!p2 $0x0;
	p2 =	seq.s32 s30, $0x1  }
0x461: {  	s22 =	simm.s32 @!p2 $0x0;
	p2 =	seq.s32 s31, $0x1  }
0x462: {  	s22 =	simm.s32 @!p2 $0x0  }
0x463: {  	s22 =	simm.s32 @!p4 $0x0  }
0x464: {  	s22 =	simm.s32 @!p5 $0x0  }
0x465: {  	s22 =	simm.s32 @!p6 $0x0  }
0x466: {  	s22 =	simm.s32 @!p0 $0x0  }
0x467: {  	s22 =	simm.s32 @!p1 $0x0  }
.LBB2_8:
0x468: {  	s23 =	sshll.u32 s22, $0x4  }
0x469: {  	s24 =	sand.u32 $0x80, s23  }
0x46a: {  	s25 =	sand.u32 $0x70, s23;
	s26 =	sadd.s32 s24, s6;
	s24 =	simm.s32 $0x0  }
0x46b: {  	s28 =	sadd.s32 $0x0, s21;
	s25 =	sadd.s32 s25, s26;
	s26 =	sand.u32 $0x30, s24  }
0x46c: {  	s28 =	scvt.s32.f32 s28;
	s29 =	sor.u32 $0xE, s26;
	s30 =	sor.u32 $0xF, s26  }
0x46d: {  	s0 =	sor.u32 $0xC, s26;
	s8 =	sor.u32 $0xD, s26;
	s10 =	scvt.s32.f32 s26;
	v2 =	vld [tilespmem:s25+$0x0]  }
0x46e: {  	s17 =	sor.u32 $0xA, s26;
	v1 =	vld [tilespmem:s25+$0x100];
	s29 =	scvt.s32.f32 s29;
	s30 =	scvt.s32.f32 s30  }
0x46f: {  	v3 =	vimm.f32 $1.000000020e+30;
	s13 =	sor.u32 $0x9, s26;
	s0 =	scvt.s32.f32 s0;
	s8 =	scvt.s32.f32 s8  }
0x470: {  	v5 =	vmov s28;
	s31 =	sor.u32 $0xB, s26;
	s17 =	scvt.s32.f32 s17;
	s13 =	scvt.s32.f32 s13;
	v4 =	vmov s10;
	v6 =	vmov s29  }
0x471: {  	s28 =	sor.u32 $0x6, s26;
	s25 =	scvt.s32.f32 s31;
	v8 =	vmov s30;
	v9 =	vmov s0;
	v10 =	vmov s8  }
0x472: {  	s14 =	sor.u32 $0x8, s26;
	s28 =	scvt.s32.f32 s28;
	v12 =	vmov s13;
	v13 =	vmov s17;
	v5 =	vsub.f32 v2, v5  }
0x473: {  	s14 =	scvt.s32.f32 s14;
	s31 =	sor.u32 $0x5, s26;
	s10 =	sor.u32 $0x7, s26;
	v14 =	vmov s25;
	v22 =	vsub.f32 v1, v4;
	v23 =	vsub.f32 v1, v6  }
0x474: {  	s31 =	scvt.s32.f32 s31;
	s10 =	scvt.s32.f32 s10;
	s30 =	sor.u32 $0x4, s26;
	v20 =	vmov s28;
	v24 =	vsub.f32 v1, v8;
	v18 =	vsub.f32 v1, v9  }
0x475: {  	s17 =	sor.u32 $0x3, s26;
	v21 =	vmov s14;
	s29 =	sor.u32 $0x1, s26;
	s0 =	scvt.s32.f32 s30;
	v19 =	vsub.f32 v1, v10;
	v15 =	vsub.f32 v1, v13  }
0x476: {  	s13 =	scvt.s32.f32 s17;
	v11 =	vmov s31;
	s30 =	scvt.s32.f32 s29;
	v16 =	vsub.f32 v1, v14;
	v13 =	vsub.f32 v1, v21  }
0x477: {  	s25 =	sor.u32 $0x2, s26;
	v17 =	vmov s10;
	v14 =	vsub.f32 v1, v12;
	v20 =	vsub.f32 v1, v20  }
0x478: {  	s10 =	scvt.s32.f32 s25;
	v7 =	vmov s0;
	v8 =	vmov s13;
	v10 =	vmov s30  }
0x479: {  	s31 =	simm.s32 $0x0;
	v17 =	vsub.f32 v1, v17;
	v4 =	vmul.f32 v5, v5;
	v6 =	vmul.f32 v22, v22  }
0x47a: {  	s28 =	sand.u32 $0x3FFFFF80, s31;
	s25 =	simm.s32 $0x1;
	v9 =	vmov s10;
	v5 =	vmul.f32 v23, v23;
	v12 =	vmul.f32 v24, v24  }
.LBB2_9:
0x47b: {  	p1 =	sne.s32 s25, $0x7;
	s0 =	sadd.s32 s28, s20;
	v11 =	vsub.f32 v1, v11;
	v18 =	vmul.f32 v18, v18;
	v19 =	vmul.f32 v19, v19  }
0x47c: {  	v7 =	vsub.f32 v1, v7;
	v15 =	vmul.f32 v15, v15;
	v16 =	vmul.f32 v16, v16;
	s0 =	sadd.s32 s26, s0  }
0x47d: {  	v8 =	vsub.f32 v1, v8;
	v13 =	vmul.f32 v13, v13;
	v14 =	vmul.f32 v14, v14;
	v21 =	vld [tilespmem:s0+$0x0]  }
0x47e: {  	v9 =	vsub.f32 v1, v9;
	v17 =	vmul.f32 v17, v17;
	v20 =	vmul.f32 v20, v20  }
0x47f: {  	v10 =	vsub.f32 v1, v10;
	v7 =	vmul.f32 v7, v7;
	v11 =	vmul.f32 v11, v11  }
0x480: {  	v9 =	vmul.f32 v9, v9;
	v8 =	vmul.f32 v8, v8  }
0x481: {  	v6 =	vadd.f32 v6, v4;
	v12 =	vadd.f32 v12, v4;
	v10 =	vmul.f32 v10, v10  }
0x482: {  	v5 =	vadd.f32 v5, v4;
	v19 =	vadd.f32 v19, v4;
	vm0 =	vlt.f32 v21, $0.0e+00  }
0x483: {  	v16 =	vadd.f32 v16, v4;
	v18 =	vadd.f32 v18, v4;
	vm1 =	vgt.f32 v21, $0.0e+00  }
0x484: {  	v14 =	vadd.f32 v14, v4;
	v15 =	vadd.f32 v15, v4;
	vm0 =	vmor vm1, vm0  }
0x485: {  	v17 =	vadd.f32 v17, v4;
	v13 =	vadd.f32 v13, v4;
	v21 =	vsel vm0, $0x0, v0  }
0x486: {  	v20 =	vadd.f32 v20, v4;
	v11 =	vadd.f32 v11, v4;
	v22 =	vbroadcast v21, $0x0  }
0x487: {  	v10 =	vadd.f32 v10, v4;
	v7 =	vadd.f32 v7, v4;
	v23 =	vbroadcast v21, $0x1  }
0x488: {  	v9 =	vadd.f32 v9, v4;
	v6 =	vadd.f32 v22, v6;
	v22 =	vbroadcast v21, $0x2  }
0x489: {  	v4 =	vadd.f32 v8, v4;
	v8 =	vbroadcast v21, $0x3;
	v10 =	vadd.f32 v23, v10  }
0x48a: {  	v3 =	vmin.f32 v3, v6;
	v6 =	vadd.f32 v22, v9;
	v9 =	vbroadcast v21, $0x4  }
0x48b: {  	v4 =	vadd.f32 v8, v4;
	v8 =	vbroadcast v21, $0x5;
	v3 =	vmin.f32 v3, v10  }
0x48c: {  	v3 =	vmin.f32 v3, v6;
	v6 =	vadd.f32 v9, v7;
	v7 =	vbroadcast v21, $0x6  }
0x48d: {  	v3 =	vmin.f32 v3, v4;
	v4 =	vadd.f32 v8, v11;
	v8 =	vbroadcast v21, $0x7  }
0x48e: {  	v3 =	vmin.f32 v3, v6;
	v6 =	vadd.f32 v7, v20;
	v7 =	vbroadcast v21, $0x8  }
0x48f: {  	v3 =	vmin.f32 v3, v4;
	v4 =	vadd.f32 v8, v17;
	v8 =	vbroadcast v21, $0x9  }
0x490: {  	s24 =	sadd.s32 $0x10, s24;
	v3 =	vmin.f32 v3, v6;
	v6 =	vadd.f32 v7, v13;
	v7 =	vbroadcast v21, $0xA  }
0x491: {  	s26 =	sand.u32 $0x30, s24;
	s0 =	sshrl.u32 s25, $0x2;
	v3 =	vmin.f32 v3, v4;
	v4 =	vadd.f32 v8, v14;
	v8 =	vbroadcast v21, $0xB  }
0x492: {  	s8 =	sor.u32 $0xE, s26;
	s10 =	sor.u32 $0xF, s26;
	s0 =	sadd.s32 s0, s21;
	v3 =	vmin.f32 v3, v6;
	v6 =	vadd.f32 v7, v15;
	v7 =	vbroadcast v21, $0xC  }
0x493: {  	s13 =	sor.u32 $0xB, s26;
	s14 =	sor.u32 $0xC, s26;
	s17 =	sor.u32 $0xD, s26;
	v3 =	vmin.f32 v3, v4;
	v4 =	vadd.f32 v8, v16;
	v8 =	vbroadcast v21, $0xD  }
0x494: {  	s28 =	scvt.s32.f32 s26;
	s29 =	sor.u32 $0xA, s26;
	s0 =	scvt.s32.f32 s0;
	v3 =	vmin.f32 v3, v6;
	v6 =	vadd.f32 v7, v18;
	v7 =	vbroadcast v21, $0xE  }
0x495: {  	s30 =	sor.u32 $0x9, s26;
	s8 =	scvt.s32.f32 s8;
	s10 =	scvt.s32.f32 s10;
	v3 =	vmin.f32 v3, v4;
	v4 =	vadd.f32 v8, v19;
	v8 =	vbroadcast v21, $0xF  }
0x496: {  	s14 =	scvt.s32.f32 s14;
	s17 =	scvt.s32.f32 s17;
	v9 =	vmov s28;
	s28 =	sor.u32 $0x8, s26;
	v3 =	vmin.f32 v3, v6;
	v5 =	vadd.f32 v7, v5  }
0x497: {  	s29 =	scvt.s32.f32 s29;
	s13 =	scvt.s32.f32 s13;
	v6 =	vmov s0;
	s0 =	sor.u32 $0x7, s26;
	v3 =	vmin.f32 v3, v4;
	v4 =	vadd.f32 v8, v12  }
0x498: {  	s31 =	sor.u32 $0x6, s26;
	s30 =	scvt.s32.f32 s30;
	v10 =	vmov s10;
	s28 =	scvt.s32.f32 s28;
	v8 =	vmov s8;
	v3 =	vmin.f32 v3, v5  }
0x499: {  	s10 =	scvt.s32.f32 s31;
	s8 =	sor.u32 $0x5, s26;
	s0 =	scvt.s32.f32 s0;
	v12 =	vmov s17;
	v5 =	vmov s14;
	v3 =	vmin.f32 v3, v4  }
0x49a: {  	v13 =	vmov s29;
	v14 =	vmov s13;
	s14 =	sor.u32 $0x4, s26;
	s8 =	scvt.s32.f32 s8;
	v4 =	vmov s30  }
0x49b: {  	v20 =	vmov s10;
	s13 =	sor.u32 $0x3, s26;
	v21 =	vmov s28;
	s14 =	scvt.s32.f32 s14;
	v17 =	vmov s0  }
0x49c: {  	v22 =	vsub.f32 v1, v9;
	s10 =	scvt.s32.f32 s13;
	v6 =	vsub.f32 v2, v6;
	s0 =	sor.u32 $0x2, s26;
	v11 =	vmov s8  }
0x49d: {  	v24 =	vsub.f32 v1, v10;
	v23 =	vsub.f32 v1, v8;
	s8 =	sor.u32 $0x1, s26;
	s0 =	scvt.s32.f32 s0;
	v7 =	vmov s14  }
.Ltmp18:
0x49e: {  	v8 =	vmov s10;
	v19 =	vsub.f32 v1, v12;
	v18 =	vsub.f32 v1, v5;
	s8 =	scvt.s32.f32 s8;
	(pc) =	sbr.rel @p1 .LBB2_9-.Ltmp18, $4  }
0x49f: {  	v15 =	vsub.f32 v1, v13;
	v16 =	vsub.f32 v1, v14;
	v9 =	vmov s0  }
0x4a0: {  	v13 =	vsub.f32 v1, v21;
	v14 =	vsub.f32 v1, v4;
	v10 =	vmov s8  }
0x4a1: {  	v4 =	vmul.f32 v6, v6;
	v6 =	vmul.f32 v22, v22;
	v17 =	vsub.f32 v1, v17;
	s0 =	sshll.u32 s25, $0x5  }
0x4a2: {  	v20 =	vsub.f32 v1, v20;
	v12 =	vmul.f32 v24, v24;
	v5 =	vmul.f32 v23, v23;
	s25 =	sadd.s32 $0x1, s25;
	s28 =	sand.u32 $0x3FFFFF80, s0  }
0x4a3: {  	v2 =	vsub.f32 v1, v11;
	v39 =	vmul.f32 v18, v18  }
0x4a4: {  	s0 =	sadd.s32 s28, s20;
	v40 =	vmul.f32 v19, v19;
	v7 =	vsub.f32 v1, v7;
	v15 =	vmul.f32 v15, v15  }
0x4a5: {  	v16 =	vmul.f32 v16, v16;
	v8 =	vsub.f32 v1, v8;
	v13 =	vmul.f32 v13, v13;
	s0 =	sadd.s32 s26, s0  }
0x4a6: {  	v14 =	vmul.f32 v14, v14;
	v9 =	vsub.f32 v1, v9;
	v17 =	vmul.f32 v17, v17;
	v41 =	vld [tilespmem:s0+$0x0]  }
0x4a7: {  	v1 =	vsub.f32 v1, v10;
	v6 =	vadd.f32 v6, v4;
	v20 =	vmul.f32 v20, v20  }
0x4a8: {  	v42 =	vadd.f32 v12, v4;
	v7 =	vmul.f32 v7, v7;
	v2 =	vmul.f32 v2, v2  }
0x4a9: {  	v5 =	vadd.f32 v5, v4;
	v9 =	vmul.f32 v9, v9;
	v8 =	vmul.f32 v8, v8  }
0x4aa: {  	v1 =	vmul.f32 v1, v1;
	v43 =	vadd.f32 v40, v4;
	v16 =	vadd.f32 v16, v4  }
0x4ab: {  	v11 =	vadd.f32 v39, v4;
	vm0 =	vlt.f32 v41, $0.0e+00;
	vm1 =	vgt.f32 v41, $0.0e+00  }
0x4ac: {  	v14 =	vadd.f32 v14, v4;
	v15 =	vadd.f32 v15, v4;
	vm0 =	vmor vm1, vm0  }
0x4ad: {  	v17 =	vadd.f32 v17, v4;
	v13 =	vadd.f32 v13, v4;
	v44 =	vsel vm0, $0x0, v0  }
0x4ae: {  	v20 =	vadd.f32 v20, v4;
	v2 =	vadd.f32 v2, v4;
	v45 =	vbroadcast v44, $0x0  }
0x4af: {  	v1 =	vadd.f32 v1, v4;
	v7 =	vadd.f32 v7, v4;
	v21 =	vbroadcast v44, $0x1  }
0x4b0: {  	v9 =	vadd.f32 v9, v4;
	v46 =	vbroadcast v44, $0x2;
	v6 =	vadd.f32 v45, v6  }
0x4b1: {  	v47 =	vadd.f32 v8, v4;
	v48 =	vbroadcast v44, $0x3;
	v1 =	vadd.f32 v21, v1  }
0x4b2: {  	v50 =	vbroadcast v44, $0x4;
	v49 =	vadd.f32 v46, v9;
	v3 =	vmin.f32 v3, v6  }
0x4b3: {  	v51 =	vbroadcast v44, $0x5;
	v1 =	vmin.f32 v3, v1;
	v3 =	vadd.f32 v48, v47  }
0x4b4: {  	v53 =	vbroadcast v44, $0x6;
	v52 =	vadd.f32 v50, v7;
	v1 =	vmin.f32 v1, v49  }
0x4b5: {  	v2 =	vadd.f32 v51, v2;
	v1 =	vmin.f32 v1, v3;
	v3 =	vbroadcast v44, $0x7  }
0x4b6: {  	v55 =	vbroadcast v44, $0x8;
	v54 =	vadd.f32 v53, v20;
	v1 =	vmin.f32 v1, v52  }
0x4b7: {  	v1 =	vmin.f32 v1, v2;
	v2 =	vadd.f32 v3, v17;
	v3 =	vbroadcast v44, $0x9  }
0x4b8: {  	v57 =	vbroadcast v44, $0xA;
	v56 =	vadd.f32 v55, v13;
	v1 =	vmin.f32 v1, v54  }
0x4b9: {  	v1 =	vmin.f32 v1, v2;
	v2 =	vadd.f32 v3, v14;
	v3 =	vbroadcast v44, $0xB  }
0x4ba: {  	v59 =	vbroadcast v44, $0xC;
	v58 =	vadd.f32 v57, v15;
	v1 =	vmin.f32 v1, v56  }
0x4bb: {  	v1 =	vmin.f32 v1, v2;
	v2 =	vadd.f32 v3, v16;
	v3 =	vbroadcast v44, $0xD  }
0x4bc: {  	v61 =	vbroadcast v44, $0xE;
	v60 =	vadd.f32 v59, v11;
	v1 =	vmin.f32 v1, v58  }
0x4bd: {  	v62 =	vld [tilespmem:s23+$0x4400];
	s22 =	sadd.s32 $0x1, s22;
	v1 =	vmin.f32 v1, v2;
	v2 =	vadd.f32 v3, v43;
	v3 =	vbroadcast v44, $0xF  }
0x4be: {  	p0 =	sne.s32 s22, $0x10;
	v63 =	vadd.f32 v61, v5;
	v1 =	vmin.f32 v1, v60  }
.Ltmp19:
0x4bf: {  	v1 =	vmin.f32 v1, v2;
	v2 =	vadd.f32 v3, v42;
	(pc) =	sbr.rel @p0 .LBB2_8-.Ltmp19, $4  }
.Ltmp20:
0x4c0: {  	v1 =	vmin.f32 v1, v63;
	(pc) =	sbr.rel @!p0 .LBB2_14-.Ltmp20, $4  }
0x4c1: {  	v1 =	vmin.f32 v1, v2  }
0x4c2: {  	v1 =	vmin.f32 v62, v1  }
0x4c3: {  	[tilespmem:s23+$0x4400] =	vst v1  }
0x4c4: {  	_ = 	snop  }
.LBB2_32:
0x4c5: {  	_ =	sfence.sel $0x180000  }
0x4c6: {  	[bflag:$0x0] =	sbarrier.arrive $0xFFFF  }
0x4c7: {  	_ =	strace $0x90000047  }
0x4c8: {  	[bflag:$0x2] =	sbarrier.arrive $0xFFFF  }
0x4c9: {  	s1 =	sld [smem:$0x7FD];
	_ =	sdelay $0x2  }
0x4ca: {  	s0 =	rddreg [dreg:$0x1];
	p0 =	seq.s32 s1, $0x1  }
0x4cb: {  	s0 =	sadd.s32 @!p0 $0x100000, s0  }
0x4cc: {  	[sflag:s0] =	ssyncadd.tile.s32 @!p0 $0x1;
	_ =	shalt  }
.Lfunc_end2:
_tile_overlayer_lowered:
.L_overlay_start_2:
0x4cd: {  	(tag) =	ssettag $0x2  }
0x4ce: {  	s0 =	rddreg [dreg:$0x0];
	s2 =	stileid.u32  }
0x4cf: {  	s1 =	rddreg [dreg:$0x1];
	p0 =	sne.s32 s2, $0x0  }
0x4d0: {  	s3 =	rddreg [dreg:$0x2];
	[bflag:$0x3] =	sbarrier.arrive $0xFFFF;
	s2 =	simm.s32 @!p0 $0x1C04  }
0x4d1: {  	[timem:s3], [sflag:s2] =	dma.local @!p0 [hbm:s0], s1  }
0x4d2: {  	s0 =	simm.s32 @!p0 $0x4  }
0x4d3: {  	_ =	swait.ge @!p0 [sflag:s0], s1  }
0x4d4: {  	s1 =	ssub.s32 @!p0 $0x0, s1;
	[sflag:s0] =	ssyncset.done @!p0 $0x0  }
0x4d5: {  	[sflag:s0] =	ssyncadd.s32 @!p0 s1  }
0x4d6: {  	[bflag:$0x3] =	sbarrier.arrive $0xFFFF  }
0x4d7: {  	_ =	shalt  }

</sc_bundles>
